<compile_context>
chip_gen: v7x
topology: tpu7x:2x2x1
jax: 0.10.2.dev20260603
libtpu: 0.0.44.dev20260713+nightly
codegen_flags: <defaults>
</compile_context>

<pallas_src>
import functools

import numpy as np
import jax
import jax.numpy as jnp
from jax import lax
from jax.experimental import pallas as pl
from jax.experimental.pallas import tpu as pltpu
from jax.experimental.pallas import tpu_sc as plsc

SEQ = 200
D = 32
BATCH = 4096
NC = 2
NS = 16
NW = NC * NS
ROWS = BATCH * SEQ
ROWS_PER_W = ROWS // NW
CHUNK = SEQ
NCH = ROWS_PER_W // CHUNK
G = 5
GROUP = CHUNK // G
NBLK = -(-CHUNK // 16)


def _positional_embedding():
    pos = np.arange(SEQ, dtype=np.float32)[:, None]
    exp_sin = np.arange(0, D, 2, dtype=np.float32) / D * 2.0
    exp_cos = np.arange(1, D + 1, 2, dtype=np.float32) / D * 2.0
    sins = np.sin(pos / np.power(10000.0, exp_sin))
    coss = np.cos(pos / np.power(10000.0, exp_cos))
    return np.stack([sins, coss], axis=2).reshape(SEQ, D)


_PE = _positional_embedding()


@functools.partial(
    pl.kernel,
    mesh=plsc.VectorSubcoreMesh(core_axis_name="c", subcore_axis_name="s"),
    out_type=jax.ShapeDtypeStruct((ROWS, D), jnp.float32),
    scratch_types=[
        pltpu.VMEM((CHUNK,), jnp.int32),
        pltpu.VMEM((CHUNK,), jnp.int32),
        pltpu.VMEM((CHUNK,), jnp.int32),
        pltpu.VMEM((CHUNK, 4 * D), jnp.float32),
        pltpu.VMEM((CHUNK, D), jnp.float32),
        pltpu.VMEM((SEQ, D), jnp.float32),
    ] + [pltpu.SemaphoreType.DMA] * G,
)
def _embed(tok_hbm, table2_hbm, pe_hbm, out_hbm, tok_v, gidx_v, off_v,
           groups_v, out_v, pe_v, *sems):
    wid = lax.axis_index("s") * NC + lax.axis_index("c")
    pltpu.sync_copy(pe_hbm, pe_v)

    def chunk_body(c, carry):
        base = (wid * NCH + c) * CHUNK
        pltpu.sync_copy(tok_hbm.at[pl.ds(base, CHUNK)], tok_v)

        def idx_body(k, carry2):
            o = lax.min(k * 16, CHUNK - 16)
            t = tok_v[pl.ds(o, 16)]
            gidx_v[pl.ds(o, 16)] = lax.shift_right_logical(t, 2)
            off_v[pl.ds(o, 16)] = (t & 3) * D
            return carry2

        lax.fori_loop(0, NBLK, idx_body, 0)

        handles = [
            pltpu.async_copy(
                table2_hbm.at[gidx_v.at[pl.ds(g * GROUP, GROUP)]],
                groups_v.at[pl.ds(g * GROUP, GROUP)],
                sems[g],
            )
            for g in range(G)
        ]

        for g in range(G):
            handles[g].wait()

            def blk_body(b, carry2):
                r0 = g * GROUP + lax.min(b * 16, GROUP - 16)
                offv = off_v[pl.ds(r0, 16)]
                for j in range(16):
                    r = r0 + j
                    off = offv[j]
                    for h2 in range(D // 16):
                        out_v[r, pl.ds(h2 * 16, 16)] = (
                            groups_v[r, pl.ds(off + h2 * 16, 16)]
                            + pe_v[r, pl.ds(h2 * 16, 16)]
                        )
                return carry2

            lax.fori_loop(0, -(-GROUP // 16), blk_body, 0)

        pltpu.sync_copy(out_v, out_hbm.at[pl.ds(base, CHUNK)])
        return carry

    lax.fori_loop(0, NCH, chunk_body, 0)


def kernel(sequence, token_table):
    tok = sequence.reshape(ROWS)
    table2 = token_table.reshape(1000000 * D // 128, 128)
    out = _embed(tok, table2, jnp.asarray(_PE))
    return out.reshape(BATCH, SEQ, D)

# --- scband reference (transcript-rebuilt; emitter-appended) ---
"""Pipeline reference for scband-bertembedding-tf-11905649345074 (READ-ONLY COPY).

The authoritative reference and input builder live on the scoring server;
editing this copy changes nothing except your own understanding.
"""

import jax, jax.numpy as jnp
import numpy as np

SEQ_LEN = 200
VOCAB_SIZE = 1000000
EMBED_SIZE = 32
BATCH = 4096


def make_positional_embedding(d_model, max_len):
    pos = np.arange(max_len, dtype=np.float32)[:, None]
    exp_sin = np.arange(0, d_model, 2, dtype=np.float32) / d_model * 2.0
    exp_cos = np.arange(1, d_model + 1, 2, dtype=np.float32) / d_model * 2.0
    sins = np.sin(pos / np.power(10000.0, exp_sin))  # (max_len, d_model/2)
    coss = np.cos(pos / np.power(10000.0, exp_cos))  # (max_len, d_model/2)
    pe = np.stack([sins, coss], axis=2).reshape(max_len, d_model)  # interleave sin/cos
    return jnp.asarray(pe[None], dtype=jnp.float32)  # (1, max_len, d_model)


def setup_inputs(seed: int = 0) -> dict:
    key = jax.random.key(seed)
    k1, k2 = jax.random.split(key)
    sequence = jax.random.randint(k1, (BATCH, SEQ_LEN), 0, VOCAB_SIZE, dtype=jnp.int32)
    token_table = jax.random.normal(k2, (VOCAB_SIZE, EMBED_SIZE), dtype=jnp.float32) * 0.02
    return {"sequence": sequence, "token_table": token_table}


def reference(sequence, token_table):
    # token embedding lookup (gather)
    token_embedding = jnp.take(token_table, sequence, axis=0)  # (B, S, D)
    # fixed sinusoidal positional embedding (constant, matches PositionalEmbeddingTF)
    pe = make_positional_embedding(EMBED_SIZE, SEQ_LEN)  # (1, S, D)
    x = token_embedding + pe
    # dropout is identity at inference time (Keras default training=False)
    return x

if __name__ == "__main__":
    import jax
    _d = setup_inputs()
    print(jax.jit(kernel)(*tuple(_d.values())))

</pallas_src>

<mosaic_0001>
#map = affine_map<(d0, d1) -> (0)>
#map1 = affine_map<(d0, d1) -> (0, 0)>
module attributes {stable_mosaic.version = 14 : i64} {
  func.func @_embed(%arg0: i32, %arg1: i32, %arg2: memref<819200xi32, #tpu.memory_space<hbm>>, %arg3: memref<250000x128xf32, #tpu.memory_space<hbm>>, %arg4: memref<200x32xf32, #tpu.memory_space<hbm>>, %arg5: memref<819200x32xf32, #tpu.memory_space<hbm>>, %arg6: memref<200xi32, #tpu.memory_space<vmem>>, %arg7: memref<200xi32, #tpu.memory_space<vmem>>, %arg8: memref<200xi32, #tpu.memory_space<vmem>>, %arg9: memref<200x128xf32, #tpu.memory_space<vmem>>, %arg10: memref<200x32xf32, #tpu.memory_space<vmem>>, %arg11: memref<200x32xf32, #tpu.memory_space<vmem>>, %arg12: memref<!tpu.dma_semaphore, #tpu.memory_space<semaphore_mem>>, %arg13: memref<!tpu.dma_semaphore, #tpu.memory_space<semaphore_mem>>, %arg14: memref<!tpu.dma_semaphore, #tpu.memory_space<semaphore_mem>>, %arg15: memref<!tpu.dma_semaphore, #tpu.memory_space<semaphore_mem>>, %arg16: memref<!tpu.dma_semaphore, #tpu.memory_space<semaphore_mem>>) attributes {dimension_semantics = [#tpu.dimension_semantics<core_parallel>, #tpu.dimension_semantics<subcore_parallel>], iteration_bounds = array<i64: 2, 16>, scalar_prefetch = 0 : i64, scratch_operands = 11 : i64, tpu.core_type = #tpu.core_type<sc_vector_subcore>, window_params = [{transform_indices = #map}, {transform_indices = #map1}, {transform_indices = #map1}, {transform_indices = #map1}]} {
    %mul3A = arith.constant 2 : i32
    %mul3A_0 = arith.muli %arg1, %mul3A : i32
    %add3A = arith.addi %mul3A_0, %arg0 : i32
    "tpu.region"() ({
      %run_scoped3A = tpu.sem_alloc : memref<!tpu.dma_semaphore, #tpu.memory_space<semaphore_mem>>
      tpu.enqueue_dma source(%arg4 : memref<200x32xf32, #tpu.memory_space<hbm>>) target(%arg11 : memref<200x32xf32, #tpu.memory_space<vmem>>) target_semaphore(%run_scoped3A : memref<!tpu.dma_semaphore, #tpu.memory_space<semaphore_mem>>)
      tpu.wait_dma2 semaphore(%run_scoped3A : memref<!tpu.dma_semaphore, #tpu.memory_space<semaphore_mem>>) src(%arg4 : memref<200x32xf32, #tpu.memory_space<hbm>>) dst(%arg11 : memref<200x32xf32, #tpu.memory_space<vmem>>)
      tpu.yield
    }) : () -> ()
    %scan3A = arith.constant 0 : i32
    %scan3A_1 = arith.constant 0 : i32
    %scan3A_2 = arith.constant 128 : i32
    %scan3A_3 = arith.addi %scan3A_1, %scan3A_2 : i32
    %scan3A_4 = arith.constant 1 : i32
    scf.for %scan3A_6 = %scan3A_1 to %scan3A_3 step %scan3A_4  : i32 {
      %mul3A_7 = arith.constant 128 : i32
      %mul3A_8 = arith.muli %add3A, %mul3A_7 : i32
      %add3A_9 = arith.addi %mul3A_8, %scan3A_6 : i32
      %mul3A_10 = arith.constant 200 : i32
      %mul3A_11 = arith.muli %add3A_9, %mul3A_10 : i32
      "tpu.region"() ({
        %run_scoped3A = tpu.sem_alloc : memref<!tpu.dma_semaphore, #tpu.memory_space<semaphore_mem>>
        %dma_start3A_126 = tpu.memref_slice %arg2[%mul3A_11] : memref<819200xi32, #tpu.memory_space<hbm>> -> memref<200xi32, #tpu.memory_space<hbm>>
        %dma_start3A_127 = tpu.memref_slice %arg2[%mul3A_11] : memref<819200xi32, #tpu.memory_space<hbm>> -> memref<200xi32, #tpu.memory_space<hbm>>
        tpu.enqueue_dma source(%dma_start3A_127 : memref<200xi32, #tpu.memory_space<hbm>>) target(%arg6 : memref<200xi32, #tpu.memory_space<vmem>>) target_semaphore(%run_scoped3A : memref<!tpu.dma_semaphore, #tpu.memory_space<semaphore_mem>>)
        %dma_wait3A_128 = tpu.memref_slice %arg2[%mul3A_11] : memref<819200xi32, #tpu.memory_space<hbm>> -> memref<200xi32, #tpu.memory_space<hbm>>
        %dma_wait3A_129 = tpu.memref_slice %arg2[%mul3A_11] : memref<819200xi32, #tpu.memory_space<hbm>> -> memref<200xi32, #tpu.memory_space<hbm>>
        tpu.wait_dma2 semaphore(%run_scoped3A : memref<!tpu.dma_semaphore, #tpu.memory_space<semaphore_mem>>) src(%dma_wait3A_129 : memref<200xi32, #tpu.memory_space<hbm>>) dst(%arg6 : memref<200xi32, #tpu.memory_space<vmem>>)
        tpu.yield
      }) : () -> ()
      %scan3A_12 = arith.constant 0 : i32
      %scan3A_13 = arith.constant 0 : i32
      %scan3A_14 = arith.constant 13 : i32
      %scan3A_15 = arith.addi %scan3A_13, %scan3A_14 : i32
      %scan3A_16 = arith.constant 1 : i32
      scf.for %scan3A_126 = %scan3A_13 to %scan3A_15 step %scan3A_16  : i32 {
        %mul3A_127 = arith.constant 16 : i32
        %mul3A_128 = arith.muli %scan3A_126, %mul3A_127 : i32
        %min3A = arith.constant 184 : i32
        %min3A_129 = arith.minsi %mul3A_128, %min3A : i32
        %get3A = arith.index_cast %min3A_129 : i32 to index
        %get3A_130 = tpu.vector_load %arg6[%get3A] {strides = array<i32>} : memref<200xi32, #tpu.memory_space<vmem>>, vector<16xi32>,
        %get3A_131 = vector.shape_cast %get3A_130 : vector<16xi32> to vector<16xi32>
        %shift_right_logical3A = arith.constant 2 : i32
        %shift_right_logical3A_132 = vector.broadcast %shift_right_logical3A : i32 to vector<16xi32>
        %shift_right_logical3A_133 = arith.shrui %get3A_131, %shift_right_logical3A_132 : vector<16xi32>
        %swap3A = arith.index_cast %min3A_129 : i32 to index
        %swap3A_134 = tpu.vector_load %arg7[%swap3A] {strides = array<i32>} : memref<200xi32, #tpu.memory_space<vmem>>, vector<16xi32>,
        %swap3A_135 = vector.shape_cast %swap3A_134 : vector<16xi32> to vector<16xi32>
        %swap3A_136 = vector.shape_cast %shift_right_logical3A_133 : vector<16xi32> to vector<16xi32>
        tpu.vector_store %arg7[%swap3A], %swap3A_136 {strides = array<i32>} : memref<200xi32, #tpu.memory_space<vmem>>, vector<16xi32>,
        %and3A = arith.constant 3 : i32
        %and3A_137 = vector.broadcast %and3A : i32 to vector<16xi32>
        %and3A_138 = arith.andi %get3A_131, %and3A_137 : vector<16xi32>
        %mul3A_139 = arith.constant 32 : i32
        %mul3A_140 = vector.broadcast %mul3A_139 : i32 to vector<16xi32>
        %mul3A_141 = arith.muli %and3A_138, %mul3A_140 : vector<16xi32>
        %swap3A_142 = arith.index_cast %min3A_129 : i32 to index
        %swap3A_143 = tpu.vector_load %arg8[%swap3A_142] {strides = array<i32>} : memref<200xi32, #tpu.memory_space<vmem>>, vector<16xi32>,
        %swap3A_144 = vector.shape_cast %swap3A_143 : vector<16xi32> to vector<16xi32>
        %swap3A_145 = vector.shape_cast %mul3A_141 : vector<16xi32> to vector<16xi32>
        tpu.vector_store %arg8[%swap3A_142], %swap3A_145 {strides = array<i32>} : memref<200xi32, #tpu.memory_space<vmem>>, vector<16xi32>,
      }
      %scan3A_17 = arith.constant 13 : i32
      %dma_start3A = arith.constant 0 : i32
      %dma_start3A_18 = arith.constant 0 : i32
      %dma_start3A_19 = tpu.memref_slice %arg9[%dma_start3A, %dma_start3A_18] : memref<200x128xf32, #tpu.memory_space<vmem>> -> memref<40x128xf32, #tpu.memory_space<vmem>>
      %dma_start3A_20 = arith.constant 0 : i32
      %dma_start3A_21 = tpu.memref_slice %arg7[%dma_start3A_20] : memref<200xi32, #tpu.memory_space<vmem>> -> memref<40xi32, #tpu.memory_space<vmem>>
      %dma_start3A_22 = arith.constant 0 : i32
      %dma_start3A_23 = arith.constant 0 : i32
      %dma_start3A_24 = tpu.memref_slice %arg3[%dma_start3A_22, %dma_start3A_23] : memref<250000x128xf32, #tpu.memory_space<hbm>> -> memref<250000x128xf32, #tpu.memory_space<hbm>>
      tpu.enqueue_indirect_dma source(%dma_start3A_24 : memref<250000x128xf32, #tpu.memory_space<hbm>>) target(%dma_start3A_19 : memref<40x128xf32, #tpu.memory_space<vmem>>) offsets(%dma_start3A_21 : memref<40xi32, #tpu.memory_space<vmem>>) semaphore(%arg12 : memref<!tpu.dma_semaphore, #tpu.memory_space<semaphore_mem>>)
      %dma_start3A_25 = arith.constant 40 : i32
      %dma_start3A_26 = arith.constant 0 : i32
      %dma_start3A_27 = tpu.memref_slice %arg9[%dma_start3A_25, %dma_start3A_26] : memref<200x128xf32, #tpu.memory_space<vmem>> -> memref<40x128xf32, #tpu.memory_space<vmem>>
      %dma_start3A_28 = arith.constant 40 : i32
      %dma_start3A_29 = tpu.memref_slice %arg7[%dma_start3A_28] : memref<200xi32, #tpu.memory_space<vmem>> -> memref<40xi32, #tpu.memory_space<vmem>>
      %dma_start3A_30 = arith.constant 0 : i32
      %dma_start3A_31 = arith.constant 0 : i32
      %dma_start3A_32 = tpu.memref_slice %arg3[%dma_start3A_30, %dma_start3A_31] : memref<250000x128xf32, #tpu.memory_space<hbm>> -> memref<250000x128xf32, #tpu.memory_space<hbm>>
      tpu.enqueue_indirect_dma source(%dma_start3A_32 : memref<250000x128xf32, #tpu.memory_space<hbm>>) target(%dma_start3A_27 : memref<40x128xf32, #tpu.memory_space<vmem>>) offsets(%dma_start3A_29 : memref<40xi32, #tpu.memory_space<vmem>>) semaphore(%arg13 : memref<!tpu.dma_semaphore, #tpu.memory_space<semaphore_mem>>)
      %dma_start3A_33 = arith.constant 80 : i32
      %dma_start3A_34 = arith.constant 0 : i32
      %dma_start3A_35 = tpu.memref_slice %arg9[%dma_start3A_33, %dma_start3A_34] : memref<200x128xf32, #tpu.memory_space<vmem>> -> memref<40x128xf32, #tpu.memory_space<vmem>>
      %dma_start3A_36 = arith.constant 80 : i32
      %dma_start3A_37 = tpu.memref_slice %arg7[%dma_start3A_36] : memref<200xi32, #tpu.memory_space<vmem>> -> memref<40xi32, #tpu.memory_space<vmem>>
      %dma_start3A_38 = arith.constant 0 : i32
      %dma_start3A_39 = arith.constant 0 : i32
      %dma_start3A_40 = tpu.memref_slice %arg3[%dma_start3A_38, %dma_start3A_39] : memref<250000x128xf32, #tpu.memory_space<hbm>> -> memref<250000x128xf32, #tpu.memory_space<hbm>>
      tpu.enqueue_indirect_dma source(%dma_start3A_40 : memref<250000x128xf32, #tpu.memory_space<hbm>>) target(%dma_start3A_35 : memref<40x128xf32, #tpu.memory_space<vmem>>) offsets(%dma_start3A_37 : memref<40xi32, #tpu.memory_space<vmem>>) semaphore(%arg14 : memref<!tpu.dma_semaphore, #tpu.memory_space<semaphore_mem>>)
      %dma_start3A_41 = arith.constant 120 : i32
      %dma_start3A_42 = arith.constant 0 : i32
      %dma_start3A_43 = tpu.memref_slice %arg9[%dma_start3A_41, %dma_start3A_42] : memref<200x128xf32, #tpu.memory_space<vmem>> -> memref<40x128xf32, #tpu.memory_space<vmem>>
      %dma_start3A_44 = arith.constant 120 : i32
      %dma_start3A_45 = tpu.memref_slice %arg7[%dma_start3A_44] : memref<200xi32, #tpu.memory_space<vmem>> -> memref<40xi32, #tpu.memory_space<vmem>>
      %dma_start3A_46 = arith.constant 0 : i32
      %dma_start3A_47 = arith.constant 0 : i32
      %dma_start3A_48 = tpu.memref_slice %arg3[%dma_start3A_46, %dma_start3A_47] : memref<250000x128xf32, #tpu.memory_space<hbm>> -> memref<250000x128xf32, #tpu.memory_space<hbm>>
      tpu.enqueue_indirect_dma source(%dma_start3A_48 : memref<250000x128xf32, #tpu.memory_space<hbm>>) target(%dma_start3A_43 : memref<40x128xf32, #tpu.memory_space<vmem>>) offsets(%dma_start3A_45 : memref<40xi32, #tpu.memory_space<vmem>>) semaphore(%arg15 : memref<!tpu.dma_semaphore, #tpu.memory_space<semaphore_mem>>)
      %dma_start3A_49 = arith.constant 160 : i32
      %dma_start3A_50 = arith.constant 0 : i32
      %dma_start3A_51 = tpu.memref_slice %arg9[%dma_start3A_49, %dma_start3A_50] : memref<200x128xf32, #tpu.memory_space<vmem>> -> memref<40x128xf32, #tpu.memory_space<vmem>>
      %dma_start3A_52 = arith.constant 160 : i32
      %dma_start3A_53 = tpu.memref_slice %arg7[%dma_start3A_52] : memref<200xi32, #tpu.memory_space<vmem>> -> memref<40xi32, #tpu.memory_space<vmem>>
      %dma_start3A_54 = arith.constant 0 : i32
      %dma_start3A_55 = arith.constant 0 : i32
      %dma_start3A_56 = tpu.memref_slice %arg3[%dma_start3A_54, %dma_start3A_55] : memref<250000x128xf32, #tpu.memory_space<hbm>> -> memref<250000x128xf32, #tpu.memory_space<hbm>>
      tpu.enqueue_indirect_dma source(%dma_start3A_56 : memref<250000x128xf32, #tpu.memory_space<hbm>>) target(%dma_start3A_51 : memref<40x128xf32, #tpu.memory_space<vmem>>) offsets(%dma_start3A_53 : memref<40xi32, #tpu.memory_space<vmem>>) semaphore(%arg16 : memref<!tpu.dma_semaphore, #tpu.memory_space<semaphore_mem>>)
      %dma_wait3A = arith.constant 0 : i32
      %dma_wait3A_57 = arith.constant 0 : i32
      %dma_wait3A_58 = tpu.memref_slice %arg9[%dma_wait3A, %dma_wait3A_57] : memref<200x128xf32, #tpu.memory_space<vmem>> -> memref<40x128xf32, #tpu.memory_space<vmem>>
      %dma_wait3A_59 = arith.constant 0 : i32
      %dma_wait3A_60 = tpu.memref_slice %arg7[%dma_wait3A_59] : memref<200xi32, #tpu.memory_space<vmem>> -> memref<40xi32, #tpu.memory_space<vmem>>
      %dma_wait3A_61 = arith.constant 0 : i32
      %dma_wait3A_62 = arith.constant 0 : i32
      %dma_wait3A_63 = tpu.memref_slice %arg3[%dma_wait3A_61, %dma_wait3A_62] : memref<250000x128xf32, #tpu.memory_space<hbm>> -> memref<250000x128xf32, #tpu.memory_space<hbm>>
      tpu.wait_indirect_dma semaphore(%arg12 : memref<!tpu.dma_semaphore, #tpu.memory_space<semaphore_mem>>) src(%dma_wait3A_63 : memref<250000x128xf32, #tpu.memory_space<hbm>>) dst(%dma_wait3A_58 : memref<40x128xf32, #tpu.memory_space<vmem>>)
      %scan3A_64 = arith.constant 0 : i32
      %scan3A_65 = arith.constant 0 : i32
      %scan3A_66 = arith.constant 3 : i32
      %scan3A_67 = arith.addi %scan3A_65, %scan3A_66 : i32
      %scan3A_68 = arith.constant 1 : i32
      scf.for %scan3A_126 = %scan3A_65 to %scan3A_67 step %scan3A_68  : i32 {
        %mul3A_127 = arith.constant 16 : i32
        %mul3A_128 = arith.muli %scan3A_126, %mul3A_127 : i32
        %min3A = arith.constant 24 : i32
        %min3A_129 = arith.minsi %mul3A_128, %min3A : i32
        %add3A_130 = arith.constant 0 : i32
        %add3A_131 = arith.addi %add3A_130, %min3A_129 : i32
        %get3A = arith.index_cast %add3A_131 : i32 to index
        %get3A_132 = tpu.vector_load %arg8[%get3A] {strides = array<i32>} : memref<200xi32, #tpu.memory_space<vmem>>, vector<16xi32>,
        %get3A_133 = vector.shape_cast %get3A_132 : vector<16xi32> to vector<16xi32>
        %add3A_134 = arith.constant 0 : i32
        %add3A_135 = arith.addi %add3A_131, %add3A_134 : i32
        %slice3A = vector.extract_strided_slice %get3A_133 {offsets = [0], sizes = [1], strides = [1]} : vector<16xi32> to vector<1xi32>
        %squeeze3A = vector.extract %slice3A[0] : i32 from vector<1xi32>
        %add3A_136 = arith.constant 0 : i32
        %add3A_137 = arith.addi %squeeze3A, %add3A_136 : i32
        %get3A_138 = arith.index_cast %add3A_135 : i32 to index
        %get3A_139 = arith.index_cast %add3A_137 : i32 to index
        %get3A_140 = tpu.vector_load %arg9[%get3A_138, %get3A_139] {strides = array<i32>} : memref<200x128xf32, #tpu.memory_space<vmem>>, vector<1x16xf32>,
        %get3A_141 = vector.shape_cast %get3A_140 : vector<1x16xf32> to vector<16xf32>
        %get3A_142 = arith.index_cast %add3A_135 : i32 to index
        %get3A_143 = arith.constant 0 : index
        %get3A_144 = tpu.vector_load %arg11[%get3A_142, %get3A_143] {strides = array<i32>} : memref<200x32xf32, #tpu.memory_space<vmem>>, vector<1x16xf32>,
        %get3A_145 = vector.shape_cast %get3A_144 : vector<1x16xf32> to vector<16xf32>
        %add3A_146 = arith.addf %get3A_141, %get3A_145 : vector<16xf32>
        %swap3A = arith.index_cast %add3A_135 : i32 to index
        %swap3A_147 = arith.constant 0 : index
        %swap3A_148 = tpu.vector_load %arg10[%swap3A, %swap3A_147] {strides = array<i32>} : memref<200x32xf32, #tpu.memory_space<vmem>>, vector<1x16xf32>,
        %swap3A_149 = vector.shape_cast %swap3A_148 : vector<1x16xf32> to vector<16xf32>
        %swap3A_150 = vector.shape_cast %add3A_146 : vector<16xf32> to vector<1x16xf32>
        tpu.vector_store %arg10[%swap3A, %swap3A_147], %swap3A_150 {strides = array<i32>} : memref<200x32xf32, #tpu.memory_space<vmem>>, vector<1x16xf32>,
        %add3A_151 = arith.constant 16 : i32
        %add3A_152 = arith.addi %squeeze3A, %add3A_151 : i32
        %get3A_153 = arith.index_cast %add3A_135 : i32 to index
        %get3A_154 = arith.index_cast %add3A_152 : i32 to index
        %get3A_155 = tpu.vector_load %arg9[%get3A_153, %get3A_154] {strides = array<i32>} : memref<200x128xf32, #tpu.memory_space<vmem>>, vector<1x16xf32>,
        %get3A_156 = vector.shape_cast %get3A_155 : vector<1x16xf32> to vector<16xf32>
        %get3A_157 = arith.index_cast %add3A_135 : i32 to index
        %get3A_158 = arith.constant 16 : index
        %get3A_159 = tpu.vector_load %arg11[%get3A_157, %get3A_158] {strides = array<i32>} : memref<200x32xf32, #tpu.memory_space<vmem>>, vector<1x16xf32>,
        %get3A_160 = vector.shape_cast %get3A_159 : vector<1x16xf32> to vector<16xf32>
        %add3A_161 = arith.addf %get3A_156, %get3A_160 : vector<16xf32>
        %swap3A_162 = arith.index_cast %add3A_135 : i32 to index
        %swap3A_163 = arith.constant 16 : index
        %swap3A_164 = tpu.vector_load %arg10[%swap3A_162, %swap3A_163] {strides = array<i32>} : memref<200x32xf32, #tpu.memory_space<vmem>>, vector<1x16xf32>,
        %swap3A_165 = vector.shape_cast %swap3A_164 : vector<1x16xf32> to vector<16xf32>
        %swap3A_166 = vector.shape_cast %add3A_161 : vector<16xf32> to vector<1x16xf32>
        tpu.vector_store %arg10[%swap3A_162, %swap3A_163], %swap3A_166 {strides = array<i32>} : memref<200x32xf32, #tpu.memory_space<vmem>>, vector<1x16xf32>,
        %add3A_167 = arith.constant 1 : i32
        %add3A_168 = arith.addi %add3A_131, %add3A_167 : i32
        %slice3A_169 = vector.extract_strided_slice %get3A_133 {offsets = [1], sizes = [1], strides = [1]} : vector<16xi32> to vector<1xi32>
        %squeeze3A_170 = vector.extract %slice3A_169[0] : i32 from vector<1xi32>
        %add3A_171 = arith.constant 0 : i32
        %add3A_172 = arith.addi %squeeze3A_170, %add3A_171 : i32
        %get3A_173 = arith.index_cast %add3A_168 : i32 to index
        %get3A_174 = arith.index_cast %add3A_172 : i32 to index
        %get3A_175 = tpu.vector_load %arg9[%get3A_173, %get3A_174] {strides = array<i32>} : memref<200x128xf32, #tpu.memory_space<vmem>>, vector<1x16xf32>,
        %get3A_176 = vector.shape_cast %get3A_175 : vector<1x16xf32> to vector<16xf32>
        %get3A_177 = arith.index_cast %add3A_168 : i32 to index
        %get3A_178 = arith.constant 0 : index
        %get3A_179 = tpu.vector_load %arg11[%get3A_177, %get3A_178] {strides = array<i32>} : memref<200x32xf32, #tpu.memory_space<vmem>>, vector<1x16xf32>,
        %get3A_180 = vector.shape_cast %get3A_179 : vector<1x16xf32> to vector<16xf32>
        %add3A_181 = arith.addf %get3A_176, %get3A_180 : vector<16xf32>
        %swap3A_182 = arith.index_cast %add3A_168 : i32 to index
        %swap3A_183 = arith.constant 0 : index
        %swap3A_184 = tpu.vector_load %arg10[%swap3A_182, %swap3A_183] {strides = array<i32>} : memref<200x32xf32, #tpu.memory_space<vmem>>, vector<1x16xf32>,
        %swap3A_185 = vector.shape_cast %swap3A_184 : vector<1x16xf32> to vector<16xf32>
        %swap3A_186 = vector.shape_cast %add3A_181 : vector<16xf32> to vector<1x16xf32>
        tpu.vector_store %arg10[%swap3A_182, %swap3A_183], %swap3A_186 {strides = array<i32>} : memref<200x32xf32, #tpu.memory_space<vmem>>, vector<1x16xf32>,
        %add3A_187 = arith.constant 16 : i32
        %add3A_188 = arith.addi %squeeze3A_170, %add3A_187 : i32
        %get3A_189 = arith.index_cast %add3A_168 : i32 to index
        %get3A_190 = arith.index_cast %add3A_188 : i32 to index
        %get3A_191 = tpu.vector_load %arg9[%get3A_189, %get3A_190] {strides = array<i32>} : memref<200x128xf32, #tpu.memory_space<vmem>>, vector<1x16xf32>,
        %get3A_192 = vector.shape_cast %get3A_191 : vector<1x16xf32> to vector<16xf32>
        %get3A_193 = arith.index_cast %add3A_168 : i32 to index
        %get3A_194 = arith.constant 16 : index
        %get3A_195 = tpu.vector_load %arg11[%get3A_193, %get3A_194] {strides = array<i32>} : memref<200x32xf32, #tpu.memory_space<vmem>>, vector<1x16xf32>,
        %get3A_196 = vector.shape_cast %get3A_195 : vector<1x16xf32> to vector<16xf32>
        %add3A_197 = arith.addf %get3A_192, %get3A_196 : vector<16xf32>
        %swap3A_198 = arith.index_cast %add3A_168 : i32 to index
        %swap3A_199 = arith.constant 16 : index
        %swap3A_200 = tpu.vector_load %arg10[%swap3A_198, %swap3A_199] {strides = array<i32>} : memref<200x32xf32, #tpu.memory_space<vmem>>, vector<1x16xf32>,
        %swap3A_201 = vector.shape_cast %swap3A_200 : vector<1x16xf32> to vector<16xf32>
        %swap3A_202 = vector.shape_cast %add3A_197 : vector<16xf32> to vector<1x16xf32>
        tpu.vector_store %arg10[%swap3A_198, %swap3A_199], %swap3A_202 {strides = array<i32>} : memref<200x32xf32, #tpu.memory_space<vmem>>, vector<1x16xf32>,
        %add3A_203 = arith.constant 2 : i32
        %add3A_204 = arith.addi %add3A_131, %add3A_203 : i32
        %slice3A_205 = vector.extract_strided_slice %get3A_133 {offsets = [2], sizes = [1], strides = [1]} : vector<16xi32> to vector<1xi32>
        %squeeze3A_206 = vector.extract %slice3A_205[0] : i32 from vector<1xi32>
        %add3A_207 = arith.constant 0 : i32
        %add3A_208 = arith.addi %squeeze3A_206, %add3A_207 : i32
        %get3A_209 = arith.index_cast %add3A_204 : i32 to index
        %get3A_210 = arith.index_cast %add3A_208 : i32 to index
        %get3A_211 = tpu.vector_load %arg9[%get3A_209, %get3A_210] {strides = array<i32>} : memref<200x128xf32, #tpu.memory_space<vmem>>, vector<1x16xf32>,
        %get3A_212 = vector.shape_cast %get3A_211 : vector<1x16xf32> to vector<16xf32>
        %get3A_213 = arith.index_cast %add3A_204 : i32 to index
        %get3A_214 = arith.constant 0 : index
        %get3A_215 = tpu.vector_load %arg11[%get3A_213, %get3A_214] {strides = array<i32>} : memref<200x32xf32, #tpu.memory_space<vmem>>, vector<1x16xf32>,
        %get3A_216 = vector.shape_cast %get3A_215 : vector<1x16xf32> to vector<16xf32>
        %add3A_217 = arith.addf %get3A_212, %get3A_216 : vector<16xf32>
        %swap3A_218 = arith.index_cast %add3A_204 : i32 to index
        %swap3A_219 = arith.constant 0 : index
        %swap3A_220 = tpu.vector_load %arg10[%swap3A_218, %swap3A_219] {strides = array<i32>} : memref<200x32xf32, #tpu.memory_space<vmem>>, vector<1x16xf32>,
        %swap3A_221 = vector.shape_cast %swap3A_220 : vector<1x16xf32> to vector<16xf32>
        %swap3A_222 = vector.shape_cast %add3A_217 : vector<16xf32> to vector<1x16xf32>
        tpu.vector_store %arg10[%swap3A_218, %swap3A_219], %swap3A_222 {strides = array<i32>} : memref<200x32xf32, #tpu.memory_space<vmem>>, vector<1x16xf32>,
        %add3A_223 = arith.constant 16 : i32
        %add3A_224 = arith.addi %squeeze3A_206, %add3A_223 : i32
        %get3A_225 = arith.index_cast %add3A_204 : i32 to index
        %get3A_226 = arith.index_cast %add3A_224 : i32 to index
        %get3A_227 = tpu.vector_load %arg9[%get3A_225, %get3A_226] {strides = array<i32>} : memref<200x128xf32, #tpu.memory_space<vmem>>, vector<1x16xf32>,
        %get3A_228 = vector.shape_cast %get3A_227 : vector<1x16xf32> to vector<16xf32>
        %get3A_229 = arith.index_cast %add3A_204 : i32 to index
        %get3A_230 = arith.constant 16 : index
        %get3A_231 = tpu.vector_load %arg11[%get3A_229, %get3A_230] {strides = array<i32>} : memref<200x32xf32, #tpu.memory_space<vmem>>, vector<1x16xf32>,
        %get3A_232 = vector.shape_cast %get3A_231 : vector<1x16xf32> to vector<16xf32>
        %add3A_233 = arith.addf %get3A_228, %get3A_232 : vector<16xf32>
        %swap3A_234 = arith.index_cast %add3A_204 : i32 to index
        %swap3A_235 = arith.constant 16 : index
        %swap3A_236 = tpu.vector_load %arg10[%swap3A_234, %swap3A_235] {strides = array<i32>} : memref<200x32xf32, #tpu.memory_space<vmem>>, vector<1x16xf32>,
        %swap3A_237 = vector.shape_cast %swap3A_236 : vector<1x16xf32> to vector<16xf32>
        %swap3A_238 = vector.shape_cast %add3A_233 : vector<16xf32> to vector<1x16xf32>
        tpu.vector_store %arg10[%swap3A_234, %swap3A_235], %swap3A_238 {strides = array<i32>} : memref<200x32xf32, #tpu.memory_space<vmem>>, vector<1x16xf32>,
        %add3A_239 = arith.constant 3 : i32
        %add3A_240 = arith.addi %add3A_131, %add3A_239 : i32
        %slice3A_241 = vector.extract_strided_slice %get3A_133 {offsets = [3], sizes = [1], strides = [1]} : vector<16xi32> to vector<1xi32>
        %squeeze3A_242 = vector.extract %slice3A_241[0] : i32 from vector<1xi32>
        %add3A_243 = arith.constant 0 : i32
        %add3A_244 = arith.addi %squeeze3A_242, %add3A_243 : i32
        %get3A_245 = arith.index_cast %add3A_240 : i32 to index
        %get3A_246 = arith.index_cast %add3A_244 : i32 to index
        %get3A_247 = tpu.vector_load %arg9[%get3A_245, %get3A_246] {strides = array<i32>} : memref<200x128xf32, #tpu.memory_space<vmem>>, vector<1x16xf32>,
        %get3A_248 = vector.shape_cast %get3A_247 : vector<1x16xf32> to vector<16xf32>
        %get3A_249 = arith.index_cast %add3A_240 : i32 to index
        %get3A_250 = arith.constant 0 : index
        %get3A_251 = tpu.vector_load %arg11[%get3A_249, %get3A_250] {strides = array<i32>} : memref<200x32xf32, #tpu.memory_space<vmem>>, vector<1x16xf32>,
        %get3A_252 = vector.shape_cast %get3A_251 : vector<1x16xf32> to vector<16xf32>
        %add3A_253 = arith.addf %get3A_248, %get3A_252 : vector<16xf32>
        %swap3A_254 = arith.index_cast %add3A_240 : i32 to index
        %swap3A_255 = arith.constant 0 : index
        %swap3A_256 = tpu.vector_load %arg10[%swap3A_254, %swap3A_255] {strides = array<i32>} : memref<200x32xf32, #tpu.memory_space<vmem>>, vector<1x16xf32>,
        %swap3A_257 = vector.shape_cast %swap3A_256 : vector<1x16xf32> to vector<16xf32>
        %swap3A_258 = vector.shape_cast %add3A_253 : vector<16xf32> to vector<1x16xf32>
        tpu.vector_store %arg10[%swap3A_254, %swap3A_255], %swap3A_258 {strides = array<i32>} : memref<200x32xf32, #tpu.memory_space<vmem>>, vector<1x16xf32>,
        %add3A_259 = arith.constant 16 : i32
        %add3A_260 = arith.addi %squeeze3A_242, %add3A_259 : i32
        %get3A_261 = arith.index_cast %add3A_240 : i32 to index
        %get3A_262 = arith.index_cast %add3A_260 : i32 to index
        %get3A_263 = tpu.vector_load %arg9[%get3A_261, %get3A_262] {strides = array<i32>} : memref<200x128xf32, #tpu.memory_space<vmem>>, vector<1x16xf32>,
        %get3A_264 = vector.shape_cast %get3A_263 : vector<1x16xf32> to vector<16xf32>
        %get3A_265 = arith.index_cast %add3A_240 : i32 to index
        %get3A_266 = arith.constant 16 : index
        %get3A_267 = tpu.vector_load %arg11[%get3A_265, %get3A_266] {strides = array<i32>} : memref<200x32xf32, #tpu.memory_space<vmem>>, vector<1x16xf32>,
        %get3A_268 = vector.shape_cast %get3A_267 : vector<1x16xf32> to vector<16xf32>
        %add3A_269 = arith.addf %get3A_264, %get3A_268 : vector<16xf32>
        %swap3A_270 = arith.index_cast %add3A_240 : i32 to index
        %swap3A_271 = arith.constant 16 : index
        %swap3A_272 = tpu.vector_load %arg10[%swap3A_270, %swap3A_271] {strides = array<i32>} : memref<200x32xf32, #tpu.memory_space<vmem>>, vector<1x16xf32>,
        %swap3A_273 = vector.shape_cast %swap3A_272 : vector<1x16xf32> to vector<16xf32>
        %swap3A_274 = vector.shape_cast %add3A_269 : vector<16xf32> to vector<1x16xf32>
        tpu.vector_store %arg10[%swap3A_270, %swap3A_271], %swap3A_274 {strides = array<i32>} : memref<200x32xf32, #tpu.memory_space<vmem>>, vector<1x16xf32>,
        %add3A_275 = arith.constant 4 : i32
        %add3A_276 = arith.addi %add3A_131, %add3A_275 : i32
        %slice3A_277 = vector.extract_strided_slice %get3A_133 {offsets = [4], sizes = [1], strides = [1]} : vector<16xi32> to vector<1xi32>
        %squeeze3A_278 = vector.extract %slice3A_277[0] : i32 from vector<1xi32>
        %add3A_279 = arith.constant 0 : i32
        %add3A_280 = arith.addi %squeeze3A_278, %add3A_279 : i32
        %get3A_281 = arith.index_cast %add3A_276 : i32 to index
        %get3A_282 = arith.index_cast %add3A_280 : i32 to index
        %get3A_283 = tpu.vector_load %arg9[%get3A_281, %get3A_282] {strides = array<i32>} : memref<200x128xf32, #tpu.memory_space<vmem>>, vector<1x16xf32>,
        %get3A_284 = vector.shape_cast %get3A_283 : vector<1x16xf32> to vector<16xf32>
        %get3A_285 = arith.index_cast %add3A_276 : i32 to index
        %get3A_286 = arith.constant 0 : index
        %get3A_287 = tpu.vector_load %arg11[%get3A_285, %get3A_286] {strides = array<i32>} : memref<200x32xf32, #tpu.memory_space<vmem>>, vector<1x16xf32>,
        %get3A_288 = vector.shape_cast %get3A_287 : vector<1x16xf32> to vector<16xf32>
        %add3A_289 = arith.addf %get3A_284, %get3A_288 : vector<16xf32>
        %swap3A_290 = arith.index_cast %add3A_276 : i32 to index
        %swap3A_291 = arith.constant 0 : index
        %swap3A_292 = tpu.vector_load %arg10[%swap3A_290, %swap3A_291] {strides = array<i32>} : memref<200x32xf32, #tpu.memory_space<vmem>>, vector<1x16xf32>,
        %swap3A_293 = vector.shape_cast %swap3A_292 : vector<1x16xf32> to vector<16xf32>
        %swap3A_294 = vector.shape_cast %add3A_289 : vector<16xf32> to vector<1x16xf32>
        tpu.vector_store %arg10[%swap3A_290, %swap3A_291], %swap3A_294 {strides = array<i32>} : memref<200x32xf32, #tpu.memory_space<vmem>>, vector<1x16xf32>,
        %add3A_295 = arith.constant 16 : i32
        %add3A_296 = arith.addi %squeeze3A_278, %add3A_295 : i32
        %get3A_297 = arith.index_cast %add3A_276 : i32 to index
        %get3A_298 = arith.index_cast %add3A_296 : i32 to index
        %get3A_299 = tpu.vector_load %arg9[%get3A_297, %get3A_298] {strides = array<i32>} : memref<200x128xf32, #tpu.memory_space<vmem>>, vector<1x16xf32>,
        %get3A_300 = vector.shape_cast %get3A_299 : vector<1x16xf32> to vector<16xf32>
        %get3A_301 = arith.index_cast %add3A_276 : i32 to index
        %get3A_302 = arith.constant 16 : index
        %get3A_303 = tpu.vector_load %arg11[%get3A_301, %get3A_302] {strides = array<i32>} : memref<200x32xf32, #tpu.memory_space<vmem>>, vector<1x16xf32>,
        %get3A_304 = vector.shape_cast %get3A_303 : vector<1x16xf32> to vector<16xf32>
        %add3A_305 = arith.addf %get3A_300, %get3A_304 : vector<16xf32>
        %swap3A_306 = arith.index_cast %add3A_276 : i32 to index
        %swap3A_307 = arith.constant 16 : index
        %swap3A_308 = tpu.vector_load %arg10[%swap3A_306, %swap3A_307] {strides = array<i32>} : memref<200x32xf32, #tpu.memory_space<vmem>>, vector<1x16xf32>,
        %swap3A_309 = vector.shape_cast %swap3A_308 : vector<1x16xf32> to vector<16xf32>
        %swap3A_310 = vector.shape_cast %add3A_305 : vector<16xf32> to vector<1x16xf32>
        tpu.vector_store %arg10[%swap3A_306, %swap3A_307], %swap3A_310 {strides = array<i32>} : memref<200x32xf32, #tpu.memory_space<vmem>>, vector<1x16xf32>,
        %add3A_311 = arith.constant 5 : i32
        %add3A_312 = arith.addi %add3A_131, %add3A_311 : i32
        %slice3A_313 = vector.extract_strided_slice %get3A_133 {offsets = [5], sizes = [1], strides = [1]} : vector<16xi32> to vector<1xi32>
        %squeeze3A_314 = vector.extract %slice3A_313[0] : i32 from vector<1xi32>
        %add3A_315 = arith.constant 0 : i32
        %add3A_316 = arith.addi %squeeze3A_314, %add3A_315 : i32
        %get3A_317 = arith.index_cast %add3A_312 : i32 to index
        %get3A_318 = arith.index_cast %add3A_316 : i32 to index
        %get3A_319 = tpu.vector_load %arg9[%get3A_317, %get3A_318] {strides = array<i32>} : memref<200x128xf32, #tpu.memory_space<vmem>>, vector<1x16xf32>,
        %get3A_320 = vector.shape_cast %get3A_319 : vector<1x16xf32> to vector<16xf32>
        %get3A_321 = arith.index_cast %add3A_312 : i32 to index
        %get3A_322 = arith.constant 0 : index
        %get3A_323 = tpu.vector_load %arg11[%get3A_321, %get3A_322] {strides = array<i32>} : memref<200x32xf32, #tpu.memory_space<vmem>>, vector<1x16xf32>,
        %get3A_324 = vector.shape_cast %get3A_323 : vector<1x16xf32> to vector<16xf32>
        %add3A_325 = arith.addf %get3A_320, %get3A_324 : vector<16xf32>
        %swap3A_326 = arith.index_cast %add3A_312 : i32 to index
        %swap3A_327 = arith.constant 0 : index
        %swap3A_328 = tpu.vector_load %arg10[%swap3A_326, %swap3A_327] {strides = array<i32>} : memref<200x32xf32, #tpu.memory_space<vmem>>, vector<1x16xf32>,
        %swap3A_329 = vector.shape_cast %swap3A_328 : vector<1x16xf32> to vector<16xf32>
        %swap3A_330 = vector.shape_cast %add3A_325 : vector<16xf32> to vector<1x16xf32>
        tpu.vector_store %arg10[%swap3A_326, %swap3A_327], %swap3A_330 {strides = array<i32>} : memref<200x32xf32, #tpu.memory_space<vmem>>, vector<1x16xf32>,
        %add3A_331 = arith.constant 16 : i32
        %add3A_332 = arith.addi %squeeze3A_314, %add3A_331 : i32
        %get3A_333 = arith.index_cast %add3A_312 : i32 to index
        %get3A_334 = arith.index_cast %add3A_332 : i32 to index
        %get3A_335 = tpu.vector_load %arg9[%get3A_333, %get3A_334] {strides = array<i32>} : memref<200x128xf32, #tpu.memory_space<vmem>>, vector<1x16xf32>,
        %get3A_336 = vector.shape_cast %get3A_335 : vector<1x16xf32> to vector<16xf32>
        %get3A_337 = arith.index_cast %add3A_312 : i32 to index
        %get3A_338 = arith.constant 16 : index
        %get3A_339 = tpu.vector_load %arg11[%get3A_337, %get3A_338] {strides = array<i32>} : memref<200x32xf32, #tpu.memory_space<vmem>>, vector<1x16xf32>,
        %get3A_340 = vector.shape_cast %get3A_339 : vector<1x16xf32> to vector<16xf32>
        %add3A_341 = arith.addf %get3A_336, %get3A_340 : vector<16xf32>
        %swap3A_342 = arith.index_cast %add3A_312 : i32 to index
        %swap3A_343 = arith.constant 16 : index
        %swap3A_344 = tpu.vector_load %arg10[%swap3A_342, %swap3A_343] {strides = array<i32>} : memref<200x32xf32, #tpu.memory_space<vmem>>, vector<1x16xf32>,
        %swap3A_345 = vector.shape_cast %swap3A_344 : vector<1x16xf32> to vector<16xf32>
        %swap3A_346 = vector.shape_cast %add3A_341 : vector<16xf32> to vector<1x16xf32>
        tpu.vector_store %arg10[%swap3A_342, %swap3A_343], %swap3A_346 {strides = array<i32>} : memref<200x32xf32, #tpu.memory_space<vmem>>, vector<1x16xf32>,
        %add3A_347 = arith.constant 6 : i32
        %add3A_348 = arith.addi %add3A_131, %add3A_347 : i32
        %slice3A_349 = vector.extract_strided_slice %get3A_133 {offsets = [6], sizes = [1], strides = [1]} : vector<16xi32> to vector<1xi32>
        %squeeze3A_350 = vector.extract %slice3A_349[0] : i32 from vector<1xi32>
        %add3A_351 = arith.constant 0 : i32
        %add3A_352 = arith.addi %squeeze3A_350, %add3A_351 : i32
        %get3A_353 = arith.index_cast %add3A_348 : i32 to index
        %get3A_354 = arith.index_cast %add3A_352 : i32 to index
        %get3A_355 = tpu.vector_load %arg9[%get3A_353, %get3A_354] {strides = array<i32>} : memref<200x128xf32, #tpu.memory_space<vmem>>, vector<1x16xf32>,
        %get3A_356 = vector.shape_cast %get3A_355 : vector<1x16xf32> to vector<16xf32>
        %get3A_357 = arith.index_cast %add3A_348 : i32 to index
        %get3A_358 = arith.constant 0 : index
        %get3A_359 = tpu.vector_load %arg11[%get3A_357, %get3A_358] {strides = array<i32>} : memref<200x32xf32, #tpu.memory_space<vmem>>, vector<1x16xf32>,
        %get3A_360 = vector.shape_cast %get3A_359 : vector<1x16xf32> to vector<16xf32>
        %add3A_361 = arith.addf %get3A_356, %get3A_360 : vector<16xf32>
        %swap3A_362 = arith.index_cast %add3A_348 : i32 to index
        %swap3A_363 = arith.constant 0 : index
        %swap3A_364 = tpu.vector_load %arg10[%swap3A_362, %swap3A_363] {strides = array<i32>} : memref<200x32xf32, #tpu.memory_space<vmem>>, vector<1x16xf32>,
        %swap3A_365 = vector.shape_cast %swap3A_364 : vector<1x16xf32> to vector<16xf32>
        %swap3A_366 = vector.shape_cast %add3A_361 : vector<16xf32> to vector<1x16xf32>
        tpu.vector_store %arg10[%swap3A_362, %swap3A_363], %swap3A_366 {strides = array<i32>} : memref<200x32xf32, #tpu.memory_space<vmem>>, vector<1x16xf32>,
        %add3A_367 = arith.constant 16 : i32
        %add3A_368 = arith.addi %squeeze3A_350, %add3A_367 : i32
        %get3A_369 = arith.index_cast %add3A_348 : i32 to index
        %get3A_370 = arith.index_cast %add3A_368 : i32 to index
        %get3A_371 = tpu.vector_load %arg9[%get3A_369, %get3A_370] {strides = array<i32>} : memref<200x128xf32, #tpu.memory_space<vmem>>, vector<1x16xf32>,
        %get3A_372 = vector.shape_cast %get3A_371 : vector<1x16xf32> to vector<16xf32>
        %get3A_373 = arith.index_cast %add3A_348 : i32 to index
        %get3A_374 = arith.constant 16 : index
        %get3A_375 = tpu.vector_load %arg11[%get3A_373, %get3A_374] {strides = array<i32>} : memref<200x32xf32, #tpu.memory_space<vmem>>, vector<1x16xf32>,
        %get3A_376 = vector.shape_cast %get3A_375 : vector<1x16xf32> to vector<16xf32>
        %add3A_377 = arith.addf %get3A_372, %get3A_376 : vector<16xf32>
        %swap3A_378 = arith.index_cast %add3A_348 : i32 to index
        %swap3A_379 = arith.constant 16 : index
        %swap3A_380 = tpu.vector_load %arg10[%swap3A_378, %swap3A_379] {strides = array<i32>} : memref<200x32xf32, #tpu.memory_space<vmem>>, vector<1x16xf32>,
        %swap3A_381 = vector.shape_cast %swap3A_380 : vector<1x16xf32> to vector<16xf32>
        %swap3A_382 = vector.shape_cast %add3A_377 : vector<16xf32> to vector<1x16xf32>
        tpu.vector_store %arg10[%swap3A_378, %swap3A_379], %swap3A_382 {strides = array<i32>} : memref<200x32xf32, #tpu.memory_space<vmem>>, vector<1x16xf32>,
        %add3A_383 = arith.constant 7 : i32
        %add3A_384 = arith.addi %add3A_131, %add3A_383 : i32
        %slice3A_385 = vector.extract_strided_slice %get3A_133 {offsets = [7], sizes = [1], strides = [1]} : vector<16xi32> to vector<1xi32>
        %squeeze3A_386 = vector.extract %slice3A_385[0] : i32 from vector<1xi32>
        %add3A_387 = arith.constant 0 : i32
        %add3A_388 = arith.addi %squeeze3A_386, %add3A_387 : i32
        %get3A_389 = arith.index_cast %add3A_384 : i32 to index
        %get3A_390 = arith.index_cast %add3A_388 : i32 to index
        %get3A_391 = tpu.vector_load %arg9[%get3A_389, %get3A_390] {strides = array<i32>} : memref<200x128xf32, #tpu.memory_space<vmem>>, vector<1x16xf32>,
        %get3A_392 = vector.shape_cast %get3A_391 : vector<1x16xf32> to vector<16xf32>
        %get3A_393 = arith.index_cast %add3A_384 : i32 to index
        %get3A_394 = arith.constant 0 : index
        %get3A_395 = tpu.vector_load %arg11[%get3A_393, %get3A_394] {strides = array<i32>} : memref<200x32xf32, #tpu.memory_space<vmem>>, vector<1x16xf32>,
        %get3A_396 = vector.shape_cast %get3A_395 : vector<1x16xf32> to vector<16xf32>
        %add3A_397 = arith.addf %get3A_392, %get3A_396 : vector<16xf32>
        %swap3A_398 = arith.index_cast %add3A_384 : i32 to index
        %swap3A_399 = arith.constant 0 : index
        %swap3A_400 = tpu.vector_load %arg10[%swap3A_398, %swap3A_399] {strides = array<i32>} : memref<200x32xf32, #tpu.memory_space<vmem>>, vector<1x16xf32>,
        %swap3A_401 = vector.shape_cast %swap3A_400 : vector<1x16xf32> to vector<16xf32>
        %swap3A_402 = vector.shape_cast %add3A_397 : vector<16xf32> to vector<1x16xf32>
        tpu.vector_store %arg10[%swap3A_398, %swap3A_399], %swap3A_402 {strides = array<i32>} : memref<200x32xf32, #tpu.memory_space<vmem>>, vector<1x16xf32>,
        %add3A_403 = arith.constant 16 : i32
        %add3A_404 = arith.addi %squeeze3A_386, %add3A_403 : i32
        %get3A_405 = arith.index_cast %add3A_384 : i32 to index
        %get3A_406 = arith.index_cast %add3A_404 : i32 to index
        %get3A_407 = tpu.vector_load %arg9[%get3A_405, %get3A_406] {strides = array<i32>} : memref<200x128xf32, #tpu.memory_space<vmem>>, vector<1x16xf32>,
        %get3A_408 = vector.shape_cast %get3A_407 : vector<1x16xf32> to vector<16xf32>
        %get3A_409 = arith.index_cast %add3A_384 : i32 to index
        %get3A_410 = arith.constant 16 : index
        %get3A_411 = tpu.vector_load %arg11[%get3A_409, %get3A_410] {strides = array<i32>} : memref<200x32xf32, #tpu.memory_space<vmem>>, vector<1x16xf32>,
        %get3A_412 = vector.shape_cast %get3A_411 : vector<1x16xf32> to vector<16xf32>
        %add3A_413 = arith.addf %get3A_408, %get3A_412 : vector<16xf32>
        %swap3A_414 = arith.index_cast %add3A_384 : i32 to index
        %swap3A_415 = arith.constant 16 : index
        %swap3A_416 = tpu.vector_load %arg10[%swap3A_414, %swap3A_415] {strides = array<i32>} : memref<200x32xf32, #tpu.memory_space<vmem>>, vector<1x16xf32>,
        %swap3A_417 = vector.shape_cast %swap3A_416 : vector<1x16xf32> to vector<16xf32>
        %swap3A_418 = vector.shape_cast %add3A_413 : vector<16xf32> to vector<1x16xf32>
        tpu.vector_store %arg10[%swap3A_414, %swap3A_415], %swap3A_418 {strides = array<i32>} : memref<200x32xf32, #tpu.memory_space<vmem>>, vector<1x16xf32>,
        %add3A_419 = arith.constant 8 : i32
        %add3A_420 = arith.addi %add3A_131, %add3A_419 : i32
        %slice3A_421 = vector.extract_strided_slice %get3A_133 {offsets = [8], sizes = [1], strides = [1]} : vector<16xi32> to vector<1xi32>
        %squeeze3A_422 = vector.extract %slice3A_421[0] : i32 from vector<1xi32>
        %add3A_423 = arith.constant 0 : i32
        %add3A_424 = arith.addi %squeeze3A_422, %add3A_423 : i32
        %get3A_425 = arith.index_cast %add3A_420 : i32 to index
        %get3A_426 = arith.index_cast %add3A_424 : i32 to index
        %get3A_427 = tpu.vector_load %arg9[%get3A_425, %get3A_426] {strides = array<i32>} : memref<200x128xf32, #tpu.memory_space<vmem>>, vector<1x16xf32>,
        %get3A_428 = vector.shape_cast %get3A_427 : vector<1x16xf32> to vector<16xf32>
        %get3A_429 = arith.index_cast %add3A_420 : i32 to index
        %get3A_430 = arith.constant 0 : index
        %get3A_431 = tpu.vector_load %arg11[%get3A_429, %get3A_430] {strides = array<i32>} : memref<200x32xf32, #tpu.memory_space<vmem>>, vector<1x16xf32>,
        %get3A_432 = vector.shape_cast %get3A_431 : vector<1x16xf32> to vector<16xf32>
        %add3A_433 = arith.addf %get3A_428, %get3A_432 : vector<16xf32>
        %swap3A_434 = arith.index_cast %add3A_420 : i32 to index
        %swap3A_435 = arith.constant 0 : index
        %swap3A_436 = tpu.vector_load %arg10[%swap3A_434, %swap3A_435] {strides = array<i32>} : memref<200x32xf32, #tpu.memory_space<vmem>>, vector<1x16xf32>,
        %swap3A_437 = vector.shape_cast %swap3A_436 : vector<1x16xf32> to vector<16xf32>
        %swap3A_438 = vector.shape_cast %add3A_433 : vector<16xf32> to vector<1x16xf32>
        tpu.vector_store %arg10[%swap3A_434, %swap3A_435], %swap3A_438 {strides = array<i32>} : memref<200x32xf32, #tpu.memory_space<vmem>>, vector<1x16xf32>,
        %add3A_439 = arith.constant 16 : i32
        %add3A_440 = arith.addi %squeeze3A_422, %add3A_439 : i32
        %get3A_441 = arith.index_cast %add3A_420 : i32 to index
        %get3A_442 = arith.index_cast %add3A_440 : i32 to index
        %get3A_443 = tpu.vector_load %arg9[%get3A_441, %get3A_442] {strides = array<i32>} : memref<200x128xf32, #tpu.memory_space<vmem>>, vector<1x16xf32>,
        %get3A_444 = vector.shape_cast %get3A_443 : vector<1x16xf32> to vector<16xf32>
        %get3A_445 = arith.index_cast %add3A_420 : i32 to index
        %get3A_446 = arith.constant 16 : index
        %get3A_447 = tpu.vector_load %arg11[%get3A_445, %get3A_446] {strides = array<i32>} : memref<200x32xf32, #tpu.memory_space<vmem>>, vector<1x16xf32>,
        %get3A_448 = vector.shape_cast %get3A_447 : vector<1x16xf32> to vector<16xf32>
        %add3A_449 = arith.addf %get3A_444, %get3A_448 : vector<16xf32>
        %swap3A_450 = arith.index_cast %add3A_420 : i32 to index
        %swap3A_451 = arith.constant 16 : index
        %swap3A_452 = tpu.vector_load %arg10[%swap3A_450, %swap3A_451] {strides = array<i32>} : memref<200x32xf32, #tpu.memory_space<vmem>>, vector<1x16xf32>,
        %swap3A_453 = vector.shape_cast %swap3A_452 : vector<1x16xf32> to vector<16xf32>
        %swap3A_454 = vector.shape_cast %add3A_449 : vector<16xf32> to vector<1x16xf32>
        tpu.vector_store %arg10[%swap3A_450, %swap3A_451], %swap3A_454 {strides = array<i32>} : memref<200x32xf32, #tpu.memory_space<vmem>>, vector<1x16xf32>,
        %add3A_455 = arith.constant 9 : i32
        %add3A_456 = arith.addi %add3A_131, %add3A_455 : i32
        %slice3A_457 = vector.extract_strided_slice %get3A_133 {offsets = [9], sizes = [1], strides = [1]} : vector<16xi32> to vector<1xi32>
        %squeeze3A_458 = vector.extract %slice3A_457[0] : i32 from vector<1xi32>
        %add3A_459 = arith.constant 0 : i32
        %add3A_460 = arith.addi %squeeze3A_458, %add3A_459 : i32
        %get3A_461 = arith.index_cast %add3A_456 : i32 to index
        %get3A_462 = arith.index_cast %add3A_460 : i32 to index
        %get3A_463 = tpu.vector_load %arg9[%get3A_461, %get3A_462] {strides = array<i32>} : memref<200x128xf32, #tpu.memory_space<vmem>>, vector<1x16xf32>,
        %get3A_464 = vector.shape_cast %get3A_463 : vector<1x16xf32> to vector<16xf32>
        %get3A_465 = arith.index_cast %add3A_456 : i32 to index
        %get3A_466 = arith.constant 0 : index
        %get3A_467 = tpu.vector_load %arg11[%get3A_465, %get3A_466] {strides = array<i32>} : memref<200x32xf32, #tpu.memory_space<vmem>>, vector<1x16xf32>,
        %get3A_468 = vector.shape_cast %get3A_467 : vector<1x16xf32> to vector<16xf32>
        %add3A_469 = arith.addf %get3A_464, %get3A_468 : vector<16xf32>
        %swap3A_470 = arith.index_cast %add3A_456 : i32 to index
        %swap3A_471 = arith.constant 0 : index
        %swap3A_472 = tpu.vector_load %arg10[%swap3A_470, %swap3A_471] {strides = array<i32>} : memref<200x32xf32, #tpu.memory_space<vmem>>, vector<1x16xf32>,
        %swap3A_473 = vector.shape_cast %swap3A_472 : vector<1x16xf32> to vector<16xf32>
        %swap3A_474 = vector.shape_cast %add3A_469 : vector<16xf32> to vector<1x16xf32>
        tpu.vector_store %arg10[%swap3A_470, %swap3A_471], %swap3A_474 {strides = array<i32>} : memref<200x32xf32, #tpu.memory_space<vmem>>, vector<1x16xf32>,
        %add3A_475 = arith.constant 16 : i32
        %add3A_476 = arith.addi %squeeze3A_458, %add3A_475 : i32
        %get3A_477 = arith.index_cast %add3A_456 : i32 to index
        %get3A_478 = arith.index_cast %add3A_476 : i32 to index
        %get3A_479 = tpu.vector_load %arg9[%get3A_477, %get3A_478] {strides = array<i32>} : memref<200x128xf32, #tpu.memory_space<vmem>>, vector<1x16xf32>,
        %get3A_480 = vector.shape_cast %get3A_479 : vector<1x16xf32> to vector<16xf32>
        %get3A_481 = arith.index_cast %add3A_456 : i32 to index
        %get3A_482 = arith.constant 16 : index
        %get3A_483 = tpu.vector_load %arg11[%get3A_481, %get3A_482] {strides = array<i32>} : memref<200x32xf32, #tpu.memory_space<vmem>>, vector<1x16xf32>,
        %get3A_484 = vector.shape_cast %get3A_483 : vector<1x16xf32> to vector<16xf32>
        %add3A_485 = arith.addf %get3A_480, %get3A_484 : vector<16xf32>
        %swap3A_486 = arith.index_cast %add3A_456 : i32 to index
        %swap3A_487 = arith.constant 16 : index
        %swap3A_488 = tpu.vector_load %arg10[%swap3A_486, %swap3A_487] {strides = array<i32>} : memref<200x32xf32, #tpu.memory_space<vmem>>, vector<1x16xf32>,
        %swap3A_489 = vector.shape_cast %swap3A_488 : vector<1x16xf32> to vector<16xf32>
        %swap3A_490 = vector.shape_cast %add3A_485 : vector<16xf32> to vector<1x16xf32>
        tpu.vector_store %arg10[%swap3A_486, %swap3A_487], %swap3A_490 {strides = array<i32>} : memref<200x32xf32, #tpu.memory_space<vmem>>, vector<1x16xf32>,
        %add3A_491 = arith.constant 10 : i32
        %add3A_492 = arith.addi %add3A_131, %add3A_491 : i32
        %slice3A_493 = vector.extract_strided_slice %get3A_133 {offsets = [10], sizes = [1], strides = [1]} : vector<16xi32> to vector<1xi32>
        %squeeze3A_494 = vector.extract %slice3A_493[0] : i32 from vector<1xi32>
        %add3A_495 = arith.constant 0 : i32
        %add3A_496 = arith.addi %squeeze3A_494, %add3A_495 : i32
        %get3A_497 = arith.index_cast %add3A_492 : i32 to index
        %get3A_498 = arith.index_cast %add3A_496 : i32 to index
        %get3A_499 = tpu.vector_load %arg9[%get3A_497, %get3A_498] {strides = array<i32>} : memref<200x128xf32, #tpu.memory_space<vmem>>, vector<1x16xf32>,
        %get3A_500 = vector.shape_cast %get3A_499 : vector<1x16xf32> to vector<16xf32>
        %get3A_501 = arith.index_cast %add3A_492 : i32 to index
        %get3A_502 = arith.constant 0 : index
        %get3A_503 = tpu.vector_load %arg11[%get3A_501, %get3A_502] {strides = array<i32>} : memref<200x32xf32, #tpu.memory_space<vmem>>, vector<1x16xf32>,
        %get3A_504 = vector.shape_cast %get3A_503 : vector<1x16xf32> to vector<16xf32>
        %add3A_505 = arith.addf %get3A_500, %get3A_504 : vector<16xf32>
        %swap3A_506 = arith.index_cast %add3A_492 : i32 to index
        %swap3A_507 = arith.constant 0 : index
        %swap3A_508 = tpu.vector_load %arg10[%swap3A_506, %swap3A_507] {strides = array<i32>} : memref<200x32xf32, #tpu.memory_space<vmem>>, vector<1x16xf32>,
        %swap3A_509 = vector.shape_cast %swap3A_508 : vector<1x16xf32> to vector<16xf32>
        %swap3A_510 = vector.shape_cast %add3A_505 : vector<16xf32> to vector<1x16xf32>
        tpu.vector_store %arg10[%swap3A_506, %swap3A_507], %swap3A_510 {strides = array<i32>} : memref<200x32xf32, #tpu.memory_space<vmem>>, vector<1x16xf32>,
        %add3A_511 = arith.constant 16 : i32
        %add3A_512 = arith.addi %squeeze3A_494, %add3A_511 : i32
        %get3A_513 = arith.index_cast %add3A_492 : i32 to index
        %get3A_514 = arith.index_cast %add3A_512 : i32 to index
        %get3A_515 = tpu.vector_load %arg9[%get3A_513, %get3A_514] {strides = array<i32>} : memref<200x128xf32, #tpu.memory_space<vmem>>, vector<1x16xf32>,
        %get3A_516 = vector.shape_cast %get3A_515 : vector<1x16xf32> to vector<16xf32>
        %get3A_517 = arith.index_cast %add3A_492 : i32 to index
        %get3A_518 = arith.constant 16 : index
        %get3A_519 = tpu.vector_load %arg11[%get3A_517, %get3A_518] {strides = array<i32>} : memref<200x32xf32, #tpu.memory_space<vmem>>, vector<1x16xf32>,
        %get3A_520 = vector.shape_cast %get3A_519 : vector<1x16xf32> to vector<16xf32>
        %add3A_521 = arith.addf %get3A_516, %get3A_520 : vector<16xf32>
        %swap3A_522 = arith.index_cast %add3A_492 : i32 to index
        %swap3A_523 = arith.constant 16 : index
        %swap3A_524 = tpu.vector_load %arg10[%swap3A_522, %swap3A_523] {strides = array<i32>} : memref<200x32xf32, #tpu.memory_space<vmem>>, vector<1x16xf32>,
        %swap3A_525 = vector.shape_cast %swap3A_524 : vector<1x16xf32> to vector<16xf32>
        %swap3A_526 = vector.shape_cast %add3A_521 : vector<16xf32> to vector<1x16xf32>
        tpu.vector_store %arg10[%swap3A_522, %swap3A_523], %swap3A_526 {strides = array<i32>} : memref<200x32xf32, #tpu.memory_space<vmem>>, vector<1x16xf32>,
        %add3A_527 = arith.constant 11 : i32
        %add3A_528 = arith.addi %add3A_131, %add3A_527 : i32
        %slice3A_529 = vector.extract_strided_slice %get3A_133 {offsets = [11], sizes = [1], strides = [1]} : vector<16xi32> to vector<1xi32>
        %squeeze3A_530 = vector.extract %slice3A_529[0] : i32 from vector<1xi32>
        %add3A_531 = arith.constant 0 : i32
        %add3A_532 = arith.addi %squeeze3A_530, %add3A_531 : i32
        %get3A_533 = arith.index_cast %add3A_528 : i32 to index
        %get3A_534 = arith.index_cast %add3A_532 : i32 to index
        %get3A_535 = tpu.vector_load %arg9[%get3A_533, %get3A_534] {strides = array<i32>} : memref<200x128xf32, #tpu.memory_space<vmem>>, vector<1x16xf32>,
        %get3A_536 = vector.shape_cast %get3A_535 : vector<1x16xf32> to vector<16xf32>
        %get3A_537 = arith.index_cast %add3A_528 : i32 to index
        %get3A_538 = arith.constant 0 : index
        %get3A_539 = tpu.vector_load %arg11[%get3A_537, %get3A_538] {strides = array<i32>} : memref<200x32xf32, #tpu.memory_space<vmem>>, vector<1x16xf32>,
        %get3A_540 = vector.shape_cast %get3A_539 : vector<1x16xf32> to vector<16xf32>
        %add3A_541 = arith.addf %get3A_536, %get3A_540 : vector<16xf32>
        %swap3A_542 = arith.index_cast %add3A_528 : i32 to index
        %swap3A_543 = arith.constant 0 : index
        %swap3A_544 = tpu.vector_load %arg10[%swap3A_542, %swap3A_543] {strides = array<i32>} : memref<200x32xf32, #tpu.memory_space<vmem>>, vector<1x16xf32>,
        %swap3A_545 = vector.shape_cast %swap3A_544 : vector<1x16xf32> to vector<16xf32>
        %swap3A_546 = vector.shape_cast %add3A_541 : vector<16xf32> to vector<1x16xf32>
        tpu.vector_store %arg10[%swap3A_542, %swap3A_543], %swap3A_546 {strides = array<i32>} : memref<200x32xf32, #tpu.memory_space<vmem>>, vector<1x16xf32>,
        %add3A_547 = arith.constant 16 : i32
        %add3A_548 = arith.addi %squeeze3A_530, %add3A_547 : i32
        %get3A_549 = arith.index_cast %add3A_528 : i32 to index
        %get3A_550 = arith.index_cast %add3A_548 : i32 to index
        %get3A_551 = tpu.vector_load %arg9[%get3A_549, %get3A_550] {strides = array<i32>} : memref<200x128xf32, #tpu.memory_space<vmem>>, vector<1x16xf32>,
        %get3A_552 = vector.shape_cast %get3A_551 : vector<1x16xf32> to vector<16xf32>
        %get3A_553 = arith.index_cast %add3A_528 : i32 to index
        %get3A_554 = arith.constant 16 : index
        %get3A_555 = tpu.vector_load %arg11[%get3A_553, %get3A_554] {strides = array<i32>} : memref<200x32xf32, #tpu.memory_space<vmem>>, vector<1x16xf32>,
        %get3A_556 = vector.shape_cast %get3A_555 : vector<1x16xf32> to vector<16xf32>
        %add3A_557 = arith.addf %get3A_552, %get3A_556 : vector<16xf32>
        %swap3A_558 = arith.index_cast %add3A_528 : i32 to index
        %swap3A_559 = arith.constant 16 : index
        %swap3A_560 = tpu.vector_load %arg10[%swap3A_558, %swap3A_559] {strides = array<i32>} : memref<200x32xf32, #tpu.memory_space<vmem>>, vector<1x16xf32>,
        %swap3A_561 = vector.shape_cast %swap3A_560 : vector<1x16xf32> to vector<16xf32>
        %swap3A_562 = vector.shape_cast %add3A_557 : vector<16xf32> to vector<1x16xf32>
        tpu.vector_store %arg10[%swap3A_558, %swap3A_559], %swap3A_562 {strides = array<i32>} : memref<200x32xf32, #tpu.memory_space<vmem>>, vector<1x16xf32>,
        %add3A_563 = arith.constant 12 : i32
        %add3A_564 = arith.addi %add3A_131, %add3A_563 : i32
        %slice3A_565 = vector.extract_strided_slice %get3A_133 {offsets = [12], sizes = [1], strides = [1]} : vector<16xi32> to vector<1xi32>
        %squeeze3A_566 = vector.extract %slice3A_565[0] : i32 from vector<1xi32>
        %add3A_567 = arith.constant 0 : i32
        %add3A_568 = arith.addi %squeeze3A_566, %add3A_567 : i32
        %get3A_569 = arith.index_cast %add3A_564 : i32 to index
        %get3A_570 = arith.index_cast %add3A_568 : i32 to index
        %get3A_571 = tpu.vector_load %arg9[%get3A_569, %get3A_570] {strides = array<i32>} : memref<200x128xf32, #tpu.memory_space<vmem>>, vector<1x16xf32>,
        %get3A_572 = vector.shape_cast %get3A_571 : vector<1x16xf32> to vector<16xf32>
        %get3A_573 = arith.index_cast %add3A_564 : i32 to index
        %get3A_574 = arith.constant 0 : index
        %get3A_575 = tpu.vector_load %arg11[%get3A_573, %get3A_574] {strides = array<i32>} : memref<200x32xf32, #tpu.memory_space<vmem>>, vector<1x16xf32>,
        %get3A_576 = vector.shape_cast %get3A_575 : vector<1x16xf32> to vector<16xf32>
        %add3A_577 = arith.addf %get3A_572, %get3A_576 : vector<16xf32>
        %swap3A_578 = arith.index_cast %add3A_564 : i32 to index
        %swap3A_579 = arith.constant 0 : index
        %swap3A_580 = tpu.vector_load %arg10[%swap3A_578, %swap3A_579] {strides = array<i32>} : memref<200x32xf32, #tpu.memory_space<vmem>>, vector<1x16xf32>,
        %swap3A_581 = vector.shape_cast %swap3A_580 : vector<1x16xf32> to vector<16xf32>
        %swap3A_582 = vector.shape_cast %add3A_577 : vector<16xf32> to vector<1x16xf32>
        tpu.vector_store %arg10[%swap3A_578, %swap3A_579], %swap3A_582 {strides = array<i32>} : memref<200x32xf32, #tpu.memory_space<vmem>>, vector<1x16xf32>,
        %add3A_583 = arith.constant 16 : i32
        %add3A_584 = arith.addi %squeeze3A_566, %add3A_583 : i32
        %get3A_585 = arith.index_cast %add3A_564 : i32 to index
        %get3A_586 = arith.index_cast %add3A_584 : i32 to index
        %get3A_587 = tpu.vector_load %arg9[%get3A_585, %get3A_586] {strides = array<i32>} : memref<200x128xf32, #tpu.memory_space<vmem>>, vector<1x16xf32>,
        %get3A_588 = vector.shape_cast %get3A_587 : vector<1x16xf32> to vector<16xf32>
        %get3A_589 = arith.index_cast %add3A_564 : i32 to index
        %get3A_590 = arith.constant 16 : index
        %get3A_591 = tpu.vector_load %arg11[%get3A_589, %get3A_590] {strides = array<i32>} : memref<200x32xf32, #tpu.memory_space<vmem>>, vector<1x16xf32>,
        %get3A_592 = vector.shape_cast %get3A_591 : vector<1x16xf32> to vector<16xf32>
        %add3A_593 = arith.addf %get3A_588, %get3A_592 : vector<16xf32>
        %swap3A_594 = arith.index_cast %add3A_564 : i32 to index
        %swap3A_595 = arith.constant 16 : index
        %swap3A_596 = tpu.vector_load %arg10[%swap3A_594, %swap3A_595] {strides = array<i32>} : memref<200x32xf32, #tpu.memory_space<vmem>>, vector<1x16xf32>,
        %swap3A_597 = vector.shape_cast %swap3A_596 : vector<1x16xf32> to vector<16xf32>
        %swap3A_598 = vector.shape_cast %add3A_593 : vector<16xf32> to vector<1x16xf32>
        tpu.vector_store %arg10[%swap3A_594, %swap3A_595], %swap3A_598 {strides = array<i32>} : memref<200x32xf32, #tpu.memory_space<vmem>>, vector<1x16xf32>,
        %add3A_599 = arith.constant 13 : i32
        %add3A_600 = arith.addi %add3A_131, %add3A_599 : i32
        %slice3A_601 = vector.extract_strided_slice %get3A_133 {offsets = [13], sizes = [1], strides = [1]} : vector<16xi32> to vector<1xi32>
        %squeeze3A_602 = vector.extract %slice3A_601[0] : i32 from vector<1xi32>
        %add3A_603 = arith.constant 0 : i32
        %add3A_604 = arith.addi %squeeze3A_602, %add3A_603 : i32
        %get3A_605 = arith.index_cast %add3A_600 : i32 to index
        %get3A_606 = arith.index_cast %add3A_604 : i32 to index
        %get3A_607 = tpu.vector_load %arg9[%get3A_605, %get3A_606] {strides = array<i32>} : memref<200x128xf32, #tpu.memory_space<vmem>>, vector<1x16xf32>,
        %get3A_608 = vector.shape_cast %get3A_607 : vector<1x16xf32> to vector<16xf32>
        %get3A_609 = arith.index_cast %add3A_600 : i32 to index
        %get3A_610 = arith.constant 0 : index
        %get3A_611 = tpu.vector_load %arg11[%get3A_609, %get3A_610] {strides = array<i32>} : memref<200x32xf32, #tpu.memory_space<vmem>>, vector<1x16xf32>,
        %get3A_612 = vector.shape_cast %get3A_611 : vector<1x16xf32> to vector<16xf32>
        %add3A_613 = arith.addf %get3A_608, %get3A_612 : vector<16xf32>
        %swap3A_614 = arith.index_cast %add3A_600 : i32 to index
        %swap3A_615 = arith.constant 0 : index
        %swap3A_616 = tpu.vector_load %arg10[%swap3A_614, %swap3A_615] {strides = array<i32>} : memref<200x32xf32, #tpu.memory_space<vmem>>, vector<1x16xf32>,
        %swap3A_617 = vector.shape_cast %swap3A_616 : vector<1x16xf32> to vector<16xf32>
        %swap3A_618 = vector.shape_cast %add3A_613 : vector<16xf32> to vector<1x16xf32>
        tpu.vector_store %arg10[%swap3A_614, %swap3A_615], %swap3A_618 {strides = array<i32>} : memref<200x32xf32, #tpu.memory_space<vmem>>, vector<1x16xf32>,
        %add3A_619 = arith.constant 16 : i32
        %add3A_620 = arith.addi %squeeze3A_602, %add3A_619 : i32
        %get3A_621 = arith.index_cast %add3A_600 : i32 to index
        %get3A_622 = arith.index_cast %add3A_620 : i32 to index
        %get3A_623 = tpu.vector_load %arg9[%get3A_621, %get3A_622] {strides = array<i32>} : memref<200x128xf32, #tpu.memory_space<vmem>>, vector<1x16xf32>,
        %get3A_624 = vector.shape_cast %get3A_623 : vector<1x16xf32> to vector<16xf32>
        %get3A_625 = arith.index_cast %add3A_600 : i32 to index
        %get3A_626 = arith.constant 16 : index
        %get3A_627 = tpu.vector_load %arg11[%get3A_625, %get3A_626] {strides = array<i32>} : memref<200x32xf32, #tpu.memory_space<vmem>>, vector<1x16xf32>,
        %get3A_628 = vector.shape_cast %get3A_627 : vector<1x16xf32> to vector<16xf32>
        %add3A_629 = arith.addf %get3A_624, %get3A_628 : vector<16xf32>
        %swap3A_630 = arith.index_cast %add3A_600 : i32 to index
        %swap3A_631 = arith.constant 16 : index
        %swap3A_632 = tpu.vector_load %arg10[%swap3A_630, %swap3A_631] {strides = array<i32>} : memref<200x32xf32, #tpu.memory_space<vmem>>, vector<1x16xf32>,
        %swap3A_633 = vector.shape_cast %swap3A_632 : vector<1x16xf32> to vector<16xf32>
        %swap3A_634 = vector.shape_cast %add3A_629 : vector<16xf32> to vector<1x16xf32>
        tpu.vector_store %arg10[%swap3A_630, %swap3A_631], %swap3A_634 {strides = array<i32>} : memref<200x32xf32, #tpu.memory_space<vmem>>, vector<1x16xf32>,
        %add3A_635 = arith.constant 14 : i32
        %add3A_636 = arith.addi %add3A_131, %add3A_635 : i32
        %slice3A_637 = vector.extract_strided_slice %get3A_133 {offsets = [14], sizes = [1], strides = [1]} : vector<16xi32> to vector<1xi32>
        %squeeze3A_638 = vector.extract %slice3A_637[0] : i32 from vector<1xi32>
        %add3A_639 = arith.constant 0 : i32
        %add3A_640 = arith.addi %squeeze3A_638, %add3A_639 : i32
        %get3A_641 = arith.index_cast %add3A_636 : i32 to index
        %get3A_642 = arith.index_cast %add3A_640 : i32 to index
        %get3A_643 = tpu.vector_load %arg9[%get3A_641, %get3A_642] {strides = array<i32>} : memref<200x128xf32, #tpu.memory_space<vmem>>, vector<1x16xf32>,
        %get3A_644 = vector.shape_cast %get3A_643 : vector<1x16xf32> to vector<16xf32>
        %get3A_645 = arith.index_cast %add3A_636 : i32 to index
        %get3A_646 = arith.constant 0 : index
        %get3A_647 = tpu.vector_load %arg11[%get3A_645, %get3A_646] {strides = array<i32>} : memref<200x32xf32, #tpu.memory_space<vmem>>, vector<1x16xf32>,
        %get3A_648 = vector.shape_cast %get3A_647 : vector<1x16xf32> to vector<16xf32>
        %add3A_649 = arith.addf %get3A_644, %get3A_648 : vector<16xf32>
        %swap3A_650 = arith.index_cast %add3A_636 : i32 to index
        %swap3A_651 = arith.constant 0 : index
        %swap3A_652 = tpu.vector_load %arg10[%swap3A_650, %swap3A_651] {strides = array<i32>} : memref<200x32xf32, #tpu.memory_space<vmem>>, vector<1x16xf32>,
        %swap3A_653 = vector.shape_cast %swap3A_652 : vector<1x16xf32> to vector<16xf32>
        %swap3A_654 = vector.shape_cast %add3A_649 : vector<16xf32> to vector<1x16xf32>
        tpu.vector_store %arg10[%swap3A_650, %swap3A_651], %swap3A_654 {strides = array<i32>} : memref<200x32xf32, #tpu.memory_space<vmem>>, vector<1x16xf32>,
        %add3A_655 = arith.constant 16 : i32
        %add3A_656 = arith.addi %squeeze3A_638, %add3A_655 : i32
        %get3A_657 = arith.index_cast %add3A_636 : i32 to index
        %get3A_658 = arith.index_cast %add3A_656 : i32 to index
        %get3A_659 = tpu.vector_load %arg9[%get3A_657, %get3A_658] {strides = array<i32>} : memref<200x128xf32, #tpu.memory_space<vmem>>, vector<1x16xf32>,
        %get3A_660 = vector.shape_cast %get3A_659 : vector<1x16xf32> to vector<16xf32>
        %get3A_661 = arith.index_cast %add3A_636 : i32 to index
        %get3A_662 = arith.constant 16 : index
        %get3A_663 = tpu.vector_load %arg11[%get3A_661, %get3A_662] {strides = array<i32>} : memref<200x32xf32, #tpu.memory_space<vmem>>, vector<1x16xf32>,
        %get3A_664 = vector.shape_cast %get3A_663 : vector<1x16xf32> to vector<16xf32>
        %add3A_665 = arith.addf %get3A_660, %get3A_664 : vector<16xf32>
        %swap3A_666 = arith.index_cast %add3A_636 : i32 to index
        %swap3A_667 = arith.constant 16 : index
        %swap3A_668 = tpu.vector_load %arg10[%swap3A_666, %swap3A_667] {strides = array<i32>} : memref<200x32xf32, #tpu.memory_space<vmem>>, vector<1x16xf32>,
        %swap3A_669 = vector.shape_cast %swap3A_668 : vector<1x16xf32> to vector<16xf32>
        %swap3A_670 = vector.shape_cast %add3A_665 : vector<16xf32> to vector<1x16xf32>
        tpu.vector_store %arg10[%swap3A_666, %swap3A_667], %swap3A_670 {strides = array<i32>} : memref<200x32xf32, #tpu.memory_space<vmem>>, vector<1x16xf32>,
        %add3A_671 = arith.constant 15 : i32
        %add3A_672 = arith.addi %add3A_131, %add3A_671 : i32
        %slice3A_673 = vector.extract_strided_slice %get3A_133 {offsets = [15], sizes = [1], strides = [1]} : vector<16xi32> to vector<1xi32>
        %squeeze3A_674 = vector.extract %slice3A_673[0] : i32 from vector<1xi32>
        %add3A_675 = arith.constant 0 : i32
        %add3A_676 = arith.addi %squeeze3A_674, %add3A_675 : i32
        %get3A_677 = arith.index_cast %add3A_672 : i32 to index
        %get3A_678 = arith.index_cast %add3A_676 : i32 to index
        %get3A_679 = tpu.vector_load %arg9[%get3A_677, %get3A_678] {strides = array<i32>} : memref<200x128xf32, #tpu.memory_space<vmem>>, vector<1x16xf32>,
        %get3A_680 = vector.shape_cast %get3A_679 : vector<1x16xf32> to vector<16xf32>
        %get3A_681 = arith.index_cast %add3A_672 : i32 to index
        %get3A_682 = arith.constant 0 : index
        %get3A_683 = tpu.vector_load %arg11[%get3A_681, %get3A_682] {strides = array<i32>} : memref<200x32xf32, #tpu.memory_space<vmem>>, vector<1x16xf32>,
        %get3A_684 = vector.shape_cast %get3A_683 : vector<1x16xf32> to vector<16xf32>
        %add3A_685 = arith.addf %get3A_680, %get3A_684 : vector<16xf32>
        %swap3A_686 = arith.index_cast %add3A_672 : i32 to index
        %swap3A_687 = arith.constant 0 : index
        %swap3A_688 = tpu.vector_load %arg10[%swap3A_686, %swap3A_687] {strides = array<i32>} : memref<200x32xf32, #tpu.memory_space<vmem>>, vector<1x16xf32>,
        %swap3A_689 = vector.shape_cast %swap3A_688 : vector<1x16xf32> to vector<16xf32>
        %swap3A_690 = vector.shape_cast %add3A_685 : vector<16xf32> to vector<1x16xf32>
        tpu.vector_store %arg10[%swap3A_686, %swap3A_687], %swap3A_690 {strides = array<i32>} : memref<200x32xf32, #tpu.memory_space<vmem>>, vector<1x16xf32>,
        %add3A_691 = arith.constant 16 : i32
        %add3A_692 = arith.addi %squeeze3A_674, %add3A_691 : i32
        %get3A_693 = arith.index_cast %add3A_672 : i32 to index
        %get3A_694 = arith.index_cast %add3A_692 : i32 to index
        %get3A_695 = tpu.vector_load %arg9[%get3A_693, %get3A_694] {strides = array<i32>} : memref<200x128xf32, #tpu.memory_space<vmem>>, vector<1x16xf32>,
        %get3A_696 = vector.shape_cast %get3A_695 : vector<1x16xf32> to vector<16xf32>
        %get3A_697 = arith.index_cast %add3A_672 : i32 to index
        %get3A_698 = arith.constant 16 : index
        %get3A_699 = tpu.vector_load %arg11[%get3A_697, %get3A_698] {strides = array<i32>} : memref<200x32xf32, #tpu.memory_space<vmem>>, vector<1x16xf32>,
        %get3A_700 = vector.shape_cast %get3A_699 : vector<1x16xf32> to vector<16xf32>
        %add3A_701 = arith.addf %get3A_696, %get3A_700 : vector<16xf32>
        %swap3A_702 = arith.index_cast %add3A_672 : i32 to index
        %swap3A_703 = arith.constant 16 : index
        %swap3A_704 = tpu.vector_load %arg10[%swap3A_702, %swap3A_703] {strides = array<i32>} : memref<200x32xf32, #tpu.memory_space<vmem>>, vector<1x16xf32>,
        %swap3A_705 = vector.shape_cast %swap3A_704 : vector<1x16xf32> to vector<16xf32>
        %swap3A_706 = vector.shape_cast %add3A_701 : vector<16xf32> to vector<1x16xf32>
        tpu.vector_store %arg10[%swap3A_702, %swap3A_703], %swap3A_706 {strides = array<i32>} : memref<200x32xf32, #tpu.memory_space<vmem>>, vector<1x16xf32>,
      }
      %scan3A_69 = arith.constant 3 : i32
      %dma_wait3A_70 = arith.constant 40 : i32
      %dma_wait3A_71 = arith.constant 0 : i32
      %dma_wait3A_72 = tpu.memref_slice %arg9[%dma_wait3A_70, %dma_wait3A_71] : memref<200x128xf32, #tpu.memory_space<vmem>> -> memref<40x128xf32, #tpu.memory_space<vmem>>
      %dma_wait3A_73 = arith.constant 40 : i32
      %dma_wait3A_74 = tpu.memref_slice %arg7[%dma_wait3A_73] : memref<200xi32, #tpu.memory_space<vmem>> -> memref<40xi32, #tpu.memory_space<vmem>>
      %dma_wait3A_75 = arith.constant 0 : i32
      %dma_wait3A_76 = arith.constant 0 : i32
      %dma_wait3A_77 = tpu.memref_slice %arg3[%dma_wait3A_75, %dma_wait3A_76] : memref<250000x128xf32, #tpu.memory_space<hbm>> -> memref<250000x128xf32, #tpu.memory_space<hbm>>
      tpu.wait_indirect_dma semaphore(%arg13 : memref<!tpu.dma_semaphore, #tpu.memory_space<semaphore_mem>>) src(%dma_wait3A_77 : memref<250000x128xf32, #tpu.memory_space<hbm>>) dst(%dma_wait3A_72 : memref<40x128xf32, #tpu.memory_space<vmem>>)
      %scan3A_78 = arith.constant 0 : i32
      %scan3A_79 = arith.constant 0 : i32
      %scan3A_80 = arith.constant 3 : i32
      %scan3A_81 = arith.addi %scan3A_79, %scan3A_80 : i32
      %scan3A_82 = arith.constant 1 : i32
      scf.for %scan3A_126 = %scan3A_79 to %scan3A_81 step %scan3A_82  : i32 {
        %mul3A_127 = arith.constant 16 : i32
        %mul3A_128 = arith.muli %scan3A_126, %mul3A_127 : i32
        %min3A = arith.constant 24 : i32
        %min3A_129 = arith.minsi %mul3A_128, %min3A : i32
        %add3A_130 = arith.constant 40 : i32
        %add3A_131 = arith.addi %add3A_130, %min3A_129 : i32
        %get3A = arith.index_cast %add3A_131 : i32 to index
        %get3A_132 = tpu.vector_load %arg8[%get3A] {strides = array<i32>} : memref<200xi32, #tpu.memory_space<vmem>>, vector<16xi32>,
        %get3A_133 = vector.shape_cast %get3A_132 : vector<16xi32> to vector<16xi32>
        %add3A_134 = arith.constant 0 : i32
        %add3A_135 = arith.addi %add3A_131, %add3A_134 : i32
        %slice3A = vector.extract_strided_slice %get3A_133 {offsets = [0], sizes = [1], strides = [1]} : vector<16xi32> to vector<1xi32>
        %squeeze3A = vector.extract %slice3A[0] : i32 from vector<1xi32>
        %add3A_136 = arith.constant 0 : i32
        %add3A_137 = arith.addi %squeeze3A, %add3A_136 : i32
        %get3A_138 = arith.index_cast %add3A_135 : i32 to index
        %get3A_139 = arith.index_cast %add3A_137 : i32 to index
        %get3A_140 = tpu.vector_load %arg9[%get3A_138, %get3A_139] {strides = array<i32>} : memref<200x128xf32, #tpu.memory_space<vmem>>, vector<1x16xf32>,
        %get3A_141 = vector.shape_cast %get3A_140 : vector<1x16xf32> to vector<16xf32>
        %get3A_142 = arith.index_cast %add3A_135 : i32 to index
        %get3A_143 = arith.constant 0 : index
        %get3A_144 = tpu.vector_load %arg11[%get3A_142, %get3A_143] {strides = array<i32>} : memref<200x32xf32, #tpu.memory_space<vmem>>, vector<1x16xf32>,
        %get3A_145 = vector.shape_cast %get3A_144 : vector<1x16xf32> to vector<16xf32>
        %add3A_146 = arith.addf %get3A_141, %get3A_145 : vector<16xf32>
        %swap3A = arith.index_cast %add3A_135 : i32 to index
        %swap3A_147 = arith.constant 0 : index
        %swap3A_148 = tpu.vector_load %arg10[%swap3A, %swap3A_147] {strides = array<i32>} : memref<200x32xf32, #tpu.memory_space<vmem>>, vector<1x16xf32>,
        %swap3A_149 = vector.shape_cast %swap3A_148 : vector<1x16xf32> to vector<16xf32>
        %swap3A_150 = vector.shape_cast %add3A_146 : vector<16xf32> to vector<1x16xf32>
        tpu.vector_store %arg10[%swap3A, %swap3A_147], %swap3A_150 {strides = array<i32>} : memref<200x32xf32, #tpu.memory_space<vmem>>, vector<1x16xf32>,
        %add3A_151 = arith.constant 16 : i32
        %add3A_152 = arith.addi %squeeze3A, %add3A_151 : i32
        %get3A_153 = arith.index_cast %add3A_135 : i32 to index
        %get3A_154 = arith.index_cast %add3A_152 : i32 to index
        %get3A_155 = tpu.vector_load %arg9[%get3A_153, %get3A_154] {strides = array<i32>} : memref<200x128xf32, #tpu.memory_space<vmem>>, vector<1x16xf32>,
        %get3A_156 = vector.shape_cast %get3A_155 : vector<1x16xf32> to vector<16xf32>
        %get3A_157 = arith.index_cast %add3A_135 : i32 to index
        %get3A_158 = arith.constant 16 : index
        %get3A_159 = tpu.vector_load %arg11[%get3A_157, %get3A_158] {strides = array<i32>} : memref<200x32xf32, #tpu.memory_space<vmem>>, vector<1x16xf32>,
        %get3A_160 = vector.shape_cast %get3A_159 : vector<1x16xf32> to vector<16xf32>
        %add3A_161 = arith.addf %get3A_156, %get3A_160 : vector<16xf32>
        %swap3A_162 = arith.index_cast %add3A_135 : i32 to index
        %swap3A_163 = arith.constant 16 : index
        %swap3A_164 = tpu.vector_load %arg10[%swap3A_162, %swap3A_163] {strides = array<i32>} : memref<200x32xf32, #tpu.memory_space<vmem>>, vector<1x16xf32>,
        %swap3A_165 = vector.shape_cast %swap3A_164 : vector<1x16xf32> to vector<16xf32>
        %swap3A_166 = vector.shape_cast %add3A_161 : vector<16xf32> to vector<1x16xf32>
        tpu.vector_store %arg10[%swap3A_162, %swap3A_163], %swap3A_166 {strides = array<i32>} : memref<200x32xf32, #tpu.memory_space<vmem>>, vector<1x16xf32>,
        %add3A_167 = arith.constant 1 : i32
        %add3A_168 = arith.addi %add3A_131, %add3A_167 : i32
        %slice3A_169 = vector.extract_strided_slice %get3A_133 {offsets = [1], sizes = [1], strides = [1]} : vector<16xi32> to vector<1xi32>
        %squeeze3A_170 = vector.extract %slice3A_169[0] : i32 from vector<1xi32>
        %add3A_171 = arith.constant 0 : i32
        %add3A_172 = arith.addi %squeeze3A_170, %add3A_171 : i32
        %get3A_173 = arith.index_cast %add3A_168 : i32 to index
        %get3A_174 = arith.index_cast %add3A_172 : i32 to index
        %get3A_175 = tpu.vector_load %arg9[%get3A_173, %get3A_174] {strides = array<i32>} : memref<200x128xf32, #tpu.memory_space<vmem>>, vector<1x16xf32>,
        %get3A_176 = vector.shape_cast %get3A_175 : vector<1x16xf32> to vector<16xf32>
        %get3A_177 = arith.index_cast %add3A_168 : i32 to index
        %get3A_178 = arith.constant 0 : index
        %get3A_179 = tpu.vector_load %arg11[%get3A_177, %get3A_178] {strides = array<i32>} : memref<200x32xf32, #tpu.memory_space<vmem>>, vector<1x16xf32>,
        %get3A_180 = vector.shape_cast %get3A_179 : vector<1x16xf32> to vector<16xf32>
        %add3A_181 = arith.addf %get3A_176, %get3A_180 : vector<16xf32>
        %swap3A_182 = arith.index_cast %add3A_168 : i32 to index
        %swap3A_183 = arith.constant 0 : index
        %swap3A_184 = tpu.vector_load %arg10[%swap3A_182, %swap3A_183] {strides = array<i32>} : memref<200x32xf32, #tpu.memory_space<vmem>>, vector<1x16xf32>,
        %swap3A_185 = vector.shape_cast %swap3A_184 : vector<1x16xf32> to vector<16xf32>
        %swap3A_186 = vector.shape_cast %add3A_181 : vector<16xf32> to vector<1x16xf32>
        tpu.vector_store %arg10[%swap3A_182, %swap3A_183], %swap3A_186 {strides = array<i32>} : memref<200x32xf32, #tpu.memory_space<vmem>>, vector<1x16xf32>,
        %add3A_187 = arith.constant 16 : i32
        %add3A_188 = arith.addi %squeeze3A_170, %add3A_187 : i32
        %get3A_189 = arith.index_cast %add3A_168 : i32 to index
        %get3A_190 = arith.index_cast %add3A_188 : i32 to index
        %get3A_191 = tpu.vector_load %arg9[%get3A_189, %get3A_190] {strides = array<i32>} : memref<200x128xf32, #tpu.memory_space<vmem>>, vector<1x16xf32>,
        %get3A_192 = vector.shape_cast %get3A_191 : vector<1x16xf32> to vector<16xf32>
        %get3A_193 = arith.index_cast %add3A_168 : i32 to index
        %get3A_194 = arith.constant 16 : index
        %get3A_195 = tpu.vector_load %arg11[%get3A_193, %get3A_194] {strides = array<i32>} : memref<200x32xf32, #tpu.memory_space<vmem>>, vector<1x16xf32>,
        %get3A_196 = vector.shape_cast %get3A_195 : vector<1x16xf32> to vector<16xf32>
        %add3A_197 = arith.addf %get3A_192, %get3A_196 : vector<16xf32>
        %swap3A_198 = arith.index_cast %add3A_168 : i32 to index
        %swap3A_199 = arith.constant 16 : index
        %swap3A_200 = tpu.vector_load %arg10[%swap3A_198, %swap3A_199] {strides = array<i32>} : memref<200x32xf32, #tpu.memory_space<vmem>>, vector<1x16xf32>,
        %swap3A_201 = vector.shape_cast %swap3A_200 : vector<1x16xf32> to vector<16xf32>
        %swap3A_202 = vector.shape_cast %add3A_197 : vector<16xf32> to vector<1x16xf32>
        tpu.vector_store %arg10[%swap3A_198, %swap3A_199], %swap3A_202 {strides = array<i32>} : memref<200x32xf32, #tpu.memory_space<vmem>>, vector<1x16xf32>,
        %add3A_203 = arith.constant 2 : i32
        %add3A_204 = arith.addi %add3A_131, %add3A_203 : i32
        %slice3A_205 = vector.extract_strided_slice %get3A_133 {offsets = [2], sizes = [1], strides = [1]} : vector<16xi32> to vector<1xi32>
        %squeeze3A_206 = vector.extract %slice3A_205[0] : i32 from vector<1xi32>
        %add3A_207 = arith.constant 0 : i32
        %add3A_208 = arith.addi %squeeze3A_206, %add3A_207 : i32
        %get3A_209 = arith.index_cast %add3A_204 : i32 to index
        %get3A_210 = arith.index_cast %add3A_208 : i32 to index
        %get3A_211 = tpu.vector_load %arg9[%get3A_209, %get3A_210] {strides = array<i32>} : memref<200x128xf32, #tpu.memory_space<vmem>>, vector<1x16xf32>,
        %get3A_212 = vector.shape_cast %get3A_211 : vector<1x16xf32> to vector<16xf32>
        %get3A_213 = arith.index_cast %add3A_204 : i32 to index
        %get3A_214 = arith.constant 0 : index
        %get3A_215 = tpu.vector_load %arg11[%get3A_213, %get3A_214] {strides = array<i32>} : memref<200x32xf32, #tpu.memory_space<vmem>>, vector<1x16xf32>,
        %get3A_216 = vector.shape_cast %get3A_215 : vector<1x16xf32> to vector<16xf32>
        %add3A_217 = arith.addf %get3A_212, %get3A_216 : vector<16xf32>
        %swap3A_218 = arith.index_cast %add3A_204 : i32 to index
        %swap3A_219 = arith.constant 0 : index
        %swap3A_220 = tpu.vector_load %arg10[%swap3A_218, %swap3A_219] {strides = array<i32>} : memref<200x32xf32, #tpu.memory_space<vmem>>, vector<1x16xf32>,
        %swap3A_221 = vector.shape_cast %swap3A_220 : vector<1x16xf32> to vector<16xf32>
        %swap3A_222 = vector.shape_cast %add3A_217 : vector<16xf32> to vector<1x16xf32>
        tpu.vector_store %arg10[%swap3A_218, %swap3A_219], %swap3A_222 {strides = array<i32>} : memref<200x32xf32, #tpu.memory_space<vmem>>, vector<1x16xf32>,
        %add3A_223 = arith.constant 16 : i32
        %add3A_224 = arith.addi %squeeze3A_206, %add3A_223 : i32
        %get3A_225 = arith.index_cast %add3A_204 : i32 to index
        %get3A_226 = arith.index_cast %add3A_224 : i32 to index
        %get3A_227 = tpu.vector_load %arg9[%get3A_225, %get3A_226] {strides = array<i32>} : memref<200x128xf32, #tpu.memory_space<vmem>>, vector<1x16xf32>,
        %get3A_228 = vector.shape_cast %get3A_227 : vector<1x16xf32> to vector<16xf32>
        %get3A_229 = arith.index_cast %add3A_204 : i32 to index
        %get3A_230 = arith.constant 16 : index
        %get3A_231 = tpu.vector_load %arg11[%get3A_229, %get3A_230] {strides = array<i32>} : memref<200x32xf32, #tpu.memory_space<vmem>>, vector<1x16xf32>,
        %get3A_232 = vector.shape_cast %get3A_231 : vector<1x16xf32> to vector<16xf32>
        %add3A_233 = arith.addf %get3A_228, %get3A_232 : vector<16xf32>
        %swap3A_234 = arith.index_cast %add3A_204 : i32 to index
        %swap3A_235 = arith.constant 16 : index
        %swap3A_236 = tpu.vector_load %arg10[%swap3A_234, %swap3A_235] {strides = array<i32>} : memref<200x32xf32, #tpu.memory_space<vmem>>, vector<1x16xf32>,
        %swap3A_237 = vector.shape_cast %swap3A_236 : vector<1x16xf32> to vector<16xf32>
        %swap3A_238 = vector.shape_cast %add3A_233 : vector<16xf32> to vector<1x16xf32>
        tpu.vector_store %arg10[%swap3A_234, %swap3A_235], %swap3A_238 {strides = array<i32>} : memref<200x32xf32, #tpu.memory_space<vmem>>, vector<1x16xf32>,
        %add3A_239 = arith.constant 3 : i32
        %add3A_240 = arith.addi %add3A_131, %add3A_239 : i32
        %slice3A_241 = vector.extract_strided_slice %get3A_133 {offsets = [3], sizes = [1], strides = [1]} : vector<16xi32> to vector<1xi32>
        %squeeze3A_242 = vector.extract %slice3A_241[0] : i32 from vector<1xi32>
        %add3A_243 = arith.constant 0 : i32
        %add3A_244 = arith.addi %squeeze3A_242, %add3A_243 : i32
        %get3A_245 = arith.index_cast %add3A_240 : i32 to index
        %get3A_246 = arith.index_cast %add3A_244 : i32 to index
        %get3A_247 = tpu.vector_load %arg9[%get3A_245, %get3A_246] {strides = array<i32>} : memref<200x128xf32, #tpu.memory_space<vmem>>, vector<1x16xf32>,
        %get3A_248 = vector.shape_cast %get3A_247 : vector<1x16xf32> to vector<16xf32>
        %get3A_249 = arith.index_cast %add3A_240 : i32 to index
        %get3A_250 = arith.constant 0 : index
        %get3A_251 = tpu.vector_load %arg11[%get3A_249, %get3A_250] {strides = array<i32>} : memref<200x32xf32, #tpu.memory_space<vmem>>, vector<1x16xf32>,
        %get3A_252 = vector.shape_cast %get3A_251 : vector<1x16xf32> to vector<16xf32>
        %add3A_253 = arith.addf %get3A_248, %get3A_252 : vector<16xf32>
        %swap3A_254 = arith.index_cast %add3A_240 : i32 to index
        %swap3A_255 = arith.constant 0 : index
        %swap3A_256 = tpu.vector_load %arg10[%swap3A_254, %swap3A_255] {strides = array<i32>} : memref<200x32xf32, #tpu.memory_space<vmem>>, vector<1x16xf32>,
        %swap3A_257 = vector.shape_cast %swap3A_256 : vector<1x16xf32> to vector<16xf32>
        %swap3A_258 = vector.shape_cast %add3A_253 : vector<16xf32> to vector<1x16xf32>
        tpu.vector_store %arg10[%swap3A_254, %swap3A_255], %swap3A_258 {strides = array<i32>} : memref<200x32xf32, #tpu.memory_space<vmem>>, vector<1x16xf32>,
        %add3A_259 = arith.constant 16 : i32
        %add3A_260 = arith.addi %squeeze3A_242, %add3A_259 : i32
        %get3A_261 = arith.index_cast %add3A_240 : i32 to index
        %get3A_262 = arith.index_cast %add3A_260 : i32 to index
        %get3A_263 = tpu.vector_load %arg9[%get3A_261, %get3A_262] {strides = array<i32>} : memref<200x128xf32, #tpu.memory_space<vmem>>, vector<1x16xf32>,
        %get3A_264 = vector.shape_cast %get3A_263 : vector<1x16xf32> to vector<16xf32>
        %get3A_265 = arith.index_cast %add3A_240 : i32 to index
        %get3A_266 = arith.constant 16 : index
        %get3A_267 = tpu.vector_load %arg11[%get3A_265, %get3A_266] {strides = array<i32>} : memref<200x32xf32, #tpu.memory_space<vmem>>, vector<1x16xf32>,
        %get3A_268 = vector.shape_cast %get3A_267 : vector<1x16xf32> to vector<16xf32>
        %add3A_269 = arith.addf %get3A_264, %get3A_268 : vector<16xf32>
        %swap3A_270 = arith.index_cast %add3A_240 : i32 to index
        %swap3A_271 = arith.constant 16 : index
        %swap3A_272 = tpu.vector_load %arg10[%swap3A_270, %swap3A_271] {strides = array<i32>} : memref<200x32xf32, #tpu.memory_space<vmem>>, vector<1x16xf32>,
        %swap3A_273 = vector.shape_cast %swap3A_272 : vector<1x16xf32> to vector<16xf32>
        %swap3A_274 = vector.shape_cast %add3A_269 : vector<16xf32> to vector<1x16xf32>
        tpu.vector_store %arg10[%swap3A_270, %swap3A_271], %swap3A_274 {strides = array<i32>} : memref<200x32xf32, #tpu.memory_space<vmem>>, vector<1x16xf32>,
        %add3A_275 = arith.constant 4 : i32
        %add3A_276 = arith.addi %add3A_131, %add3A_275 : i32
        %slice3A_277 = vector.extract_strided_slice %get3A_133 {offsets = [4], sizes = [1], strides = [1]} : vector<16xi32> to vector<1xi32>
        %squeeze3A_278 = vector.extract %slice3A_277[0] : i32 from vector<1xi32>
        %add3A_279 = arith.constant 0 : i32
        %add3A_280 = arith.addi %squeeze3A_278, %add3A_279 : i32
        %get3A_281 = arith.index_cast %add3A_276 : i32 to index
        %get3A_282 = arith.index_cast %add3A_280 : i32 to index
        %get3A_283 = tpu.vector_load %arg9[%get3A_281, %get3A_282] {strides = array<i32>} : memref<200x128xf32, #tpu.memory_space<vmem>>, vector<1x16xf32>,
        %get3A_284 = vector.shape_cast %get3A_283 : vector<1x16xf32> to vector<16xf32>
        %get3A_285 = arith.index_cast %add3A_276 : i32 to index
        %get3A_286 = arith.constant 0 : index
        %get3A_287 = tpu.vector_load %arg11[%get3A_285, %get3A_286] {strides = array<i32>} : memref<200x32xf32, #tpu.memory_space<vmem>>, vector<1x16xf32>,
        %get3A_288 = vector.shape_cast %get3A_287 : vector<1x16xf32> to vector<16xf32>
        %add3A_289 = arith.addf %get3A_284, %get3A_288 : vector<16xf32>
        %swap3A_290 = arith.index_cast %add3A_276 : i32 to index
        %swap3A_291 = arith.constant 0 : index
        %swap3A_292 = tpu.vector_load %arg10[%swap3A_290, %swap3A_291] {strides = array<i32>} : memref<200x32xf32, #tpu.memory_space<vmem>>, vector<1x16xf32>,
        %swap3A_293 = vector.shape_cast %swap3A_292 : vector<1x16xf32> to vector<16xf32>
        %swap3A_294 = vector.shape_cast %add3A_289 : vector<16xf32> to vector<1x16xf32>
        tpu.vector_store %arg10[%swap3A_290, %swap3A_291], %swap3A_294 {strides = array<i32>} : memref<200x32xf32, #tpu.memory_space<vmem>>, vector<1x16xf32>,
        %add3A_295 = arith.constant 16 : i32
        %add3A_296 = arith.addi %squeeze3A_278, %add3A_295 : i32
        %get3A_297 = arith.index_cast %add3A_276 : i32 to index
        %get3A_298 = arith.index_cast %add3A_296 : i32 to index
        %get3A_299 = tpu.vector_load %arg9[%get3A_297, %get3A_298] {strides = array<i32>} : memref<200x128xf32, #tpu.memory_space<vmem>>, vector<1x16xf32>,
        %get3A_300 = vector.shape_cast %get3A_299 : vector<1x16xf32> to vector<16xf32>
        %get3A_301 = arith.index_cast %add3A_276 : i32 to index
        %get3A_302 = arith.constant 16 : index
        %get3A_303 = tpu.vector_load %arg11[%get3A_301, %get3A_302] {strides = array<i32>} : memref<200x32xf32, #tpu.memory_space<vmem>>, vector<1x16xf32>,
        %get3A_304 = vector.shape_cast %get3A_303 : vector<1x16xf32> to vector<16xf32>
        %add3A_305 = arith.addf %get3A_300, %get3A_304 : vector<16xf32>
        %swap3A_306 = arith.index_cast %add3A_276 : i32 to index
        %swap3A_307 = arith.constant 16 : index
        %swap3A_308 = tpu.vector_load %arg10[%swap3A_306, %swap3A_307] {strides = array<i32>} : memref<200x32xf32, #tpu.memory_space<vmem>>, vector<1x16xf32>,
        %swap3A_309 = vector.shape_cast %swap3A_308 : vector<1x16xf32> to vector<16xf32>
        %swap3A_310 = vector.shape_cast %add3A_305 : vector<16xf32> to vector<1x16xf32>
        tpu.vector_store %arg10[%swap3A_306, %swap3A_307], %swap3A_310 {strides = array<i32>} : memref<200x32xf32, #tpu.memory_space<vmem>>, vector<1x16xf32>,
        %add3A_311 = arith.constant 5 : i32
        %add3A_312 = arith.addi %add3A_131, %add3A_311 : i32
        %slice3A_313 = vector.extract_strided_slice %get3A_133 {offsets = [5], sizes = [1], strides = [1]} : vector<16xi32> to vector<1xi32>
        %squeeze3A_314 = vector.extract %slice3A_313[0] : i32 from vector<1xi32>
        %add3A_315 = arith.constant 0 : i32
        %add3A_316 = arith.addi %squeeze3A_314, %add3A_315 : i32
        %get3A_317 = arith.index_cast %add3A_312 : i32 to index
        %get3A_318 = arith.index_cast %add3A_316 : i32 to index
        %get3A_319 = tpu.vector_load %arg9[%get3A_317, %get3A_318] {strides = array<i32>} : memref<200x128xf32, #tpu.memory_space<vmem>>, vector<1x16xf32>,
        %get3A_320 = vector.shape_cast %get3A_319 : vector<1x16xf32> to vector<16xf32>
        %get3A_321 = arith.index_cast %add3A_312 : i32 to index
        %get3A_322 = arith.constant 0 : index
        %get3A_323 = tpu.vector_load %arg11[%get3A_321, %get3A_322] {strides = array<i32>} : memref<200x32xf32, #tpu.memory_space<vmem>>, vector<1x16xf32>,
        %get3A_324 = vector.shape_cast %get3A_323 : vector<1x16xf32> to vector<16xf32>
        %add3A_325 = arith.addf %get3A_320, %get3A_324 : vector<16xf32>
        %swap3A_326 = arith.index_cast %add3A_312 : i32 to index
        %swap3A_327 = arith.constant 0 : index
        %swap3A_328 = tpu.vector_load %arg10[%swap3A_326, %swap3A_327] {strides = array<i32>} : memref<200x32xf32, #tpu.memory_space<vmem>>, vector<1x16xf32>,
        %swap3A_329 = vector.shape_cast %swap3A_328 : vector<1x16xf32> to vector<16xf32>
        %swap3A_330 = vector.shape_cast %add3A_325 : vector<16xf32> to vector<1x16xf32>
        tpu.vector_store %arg10[%swap3A_326, %swap3A_327], %swap3A_330 {strides = array<i32>} : memref<200x32xf32, #tpu.memory_space<vmem>>, vector<1x16xf32>,
        %add3A_331 = arith.constant 16 : i32
        %add3A_332 = arith.addi %squeeze3A_314, %add3A_331 : i32
        %get3A_333 = arith.index_cast %add3A_312 : i32 to index
        %get3A_334 = arith.index_cast %add3A_332 : i32 to index
        %get3A_335 = tpu.vector_load %arg9[%get3A_333, %get3A_334] {strides = array<i32>} : memref<200x128xf32, #tpu.memory_space<vmem>>, vector<1x16xf32>,
        %get3A_336 = vector.shape_cast %get3A_335 : vector<1x16xf32> to vector<16xf32>
        %get3A_337 = arith.index_cast %add3A_312 : i32 to index
        %get3A_338 = arith.constant 16 : index
        %get3A_339 = tpu.vector_load %arg11[%get3A_337, %get3A_338] {strides = array<i32>} : memref<200x32xf32, #tpu.memory_space<vmem>>, vector<1x16xf32>,
        %get3A_340 = vector.shape_cast %get3A_339 : vector<1x16xf32> to vector<16xf32>
        %add3A_341 = arith.addf %get3A_336, %get3A_340 : vector<16xf32>
        %swap3A_342 = arith.index_cast %add3A_312 : i32 to index
        %swap3A_343 = arith.constant 16 : index
        %swap3A_344 = tpu.vector_load %arg10[%swap3A_342, %swap3A_343] {strides = array<i32>} : memref<200x32xf32, #tpu.memory_space<vmem>>, vector<1x16xf32>,
        %swap3A_345 = vector.shape_cast %swap3A_344 : vector<1x16xf32> to vector<16xf32>
        %swap3A_346 = vector.shape_cast %add3A_341 : vector<16xf32> to vector<1x16xf32>
        tpu.vector_store %arg10[%swap3A_342, %swap3A_343], %swap3A_346 {strides = array<i32>} : memref<200x32xf32, #tpu.memory_space<vmem>>, vector<1x16xf32>,
        %add3A_347 = arith.constant 6 : i32
        %add3A_348 = arith.addi %add3A_131, %add3A_347 : i32
        %slice3A_349 = vector.extract_strided_slice %get3A_133 {offsets = [6], sizes = [1], strides = [1]} : vector<16xi32> to vector<1xi32>
        %squeeze3A_350 = vector.extract %slice3A_349[0] : i32 from vector<1xi32>
        %add3A_351 = arith.constant 0 : i32
        %add3A_352 = arith.addi %squeeze3A_350, %add3A_351 : i32
        %get3A_353 = arith.index_cast %add3A_348 : i32 to index
        %get3A_354 = arith.index_cast %add3A_352 : i32 to index
        %get3A_355 = tpu.vector_load %arg9[%get3A_353, %get3A_354] {strides = array<i32>} : memref<200x128xf32, #tpu.memory_space<vmem>>, vector<1x16xf32>,
        %get3A_356 = vector.shape_cast %get3A_355 : vector<1x16xf32> to vector<16xf32>
        %get3A_357 = arith.index_cast %add3A_348 : i32 to index
        %get3A_358 = arith.constant 0 : index
        %get3A_359 = tpu.vector_load %arg11[%get3A_357, %get3A_358] {strides = array<i32>} : memref<200x32xf32, #tpu.memory_space<vmem>>, vector<1x16xf32>,
        %get3A_360 = vector.shape_cast %get3A_359 : vector<1x16xf32> to vector<16xf32>
        %add3A_361 = arith.addf %get3A_356, %get3A_360 : vector<16xf32>
        %swap3A_362 = arith.index_cast %add3A_348 : i32 to index
        %swap3A_363 = arith.constant 0 : index
        %swap3A_364 = tpu.vector_load %arg10[%swap3A_362, %swap3A_363] {strides = array<i32>} : memref<200x32xf32, #tpu.memory_space<vmem>>, vector<1x16xf32>,
        %swap3A_365 = vector.shape_cast %swap3A_364 : vector<1x16xf32> to vector<16xf32>
        %swap3A_366 = vector.shape_cast %add3A_361 : vector<16xf32> to vector<1x16xf32>
        tpu.vector_store %arg10[%swap3A_362, %swap3A_363], %swap3A_366 {strides = array<i32>} : memref<200x32xf32, #tpu.memory_space<vmem>>, vector<1x16xf32>,
        %add3A_367 = arith.constant 16 : i32
        %add3A_368 = arith.addi %squeeze3A_350, %add3A_367 : i32
        %get3A_369 = arith.index_cast %add3A_348 : i32 to index
        %get3A_370 = arith.index_cast %add3A_368 : i32 to index
        %get3A_371 = tpu.vector_load %arg9[%get3A_369, %get3A_370] {strides = array<i32>} : memref<200x128xf32, #tpu.memory_space<vmem>>, vector<1x16xf32>,
        %get3A_372 = vector.shape_cast %get3A_371 : vector<1x16xf32> to vector<16xf32>
        %get3A_373 = arith.index_cast %add3A_348 : i32 to index
        %get3A_374 = arith.constant 16 : index
        %get3A_375 = tpu.vector_load %arg11[%get3A_373, %get3A_374] {strides = array<i32>} : memref<200x32xf32, #tpu.memory_space<vmem>>, vector<1x16xf32>,
        %get3A_376 = vector.shape_cast %get3A_375 : vector<1x16xf32> to vector<16xf32>
        %add3A_377 = arith.addf %get3A_372, %get3A_376 : vector<16xf32>
        %swap3A_378 = arith.index_cast %add3A_348 : i32 to index
        %swap3A_379 = arith.constant 16 : index
        %swap3A_380 = tpu.vector_load %arg10[%swap3A_378, %swap3A_379] {strides = array<i32>} : memref<200x32xf32, #tpu.memory_space<vmem>>, vector<1x16xf32>,
        %swap3A_381 = vector.shape_cast %swap3A_380 : vector<1x16xf32> to vector<16xf32>
        %swap3A_382 = vector.shape_cast %add3A_377 : vector<16xf32> to vector<1x16xf32>
        tpu.vector_store %arg10[%swap3A_378, %swap3A_379], %swap3A_382 {strides = array<i32>} : memref<200x32xf32, #tpu.memory_space<vmem>>, vector<1x16xf32>,
        %add3A_383 = arith.constant 7 : i32
        %add3A_384 = arith.addi %add3A_131, %add3A_383 : i32
        %slice3A_385 = vector.extract_strided_slice %get3A_133 {offsets = [7], sizes = [1], strides = [1]} : vector<16xi32> to vector<1xi32>
        %squeeze3A_386 = vector.extract %slice3A_385[0] : i32 from vector<1xi32>
        %add3A_387 = arith.constant 0 : i32
        %add3A_388 = arith.addi %squeeze3A_386, %add3A_387 : i32
        %get3A_389 = arith.index_cast %add3A_384 : i32 to index
        %get3A_390 = arith.index_cast %add3A_388 : i32 to index
        %get3A_391 = tpu.vector_load %arg9[%get3A_389, %get3A_390] {strides = array<i32>} : memref<200x128xf32, #tpu.memory_space<vmem>>, vector<1x16xf32>,
        %get3A_392 = vector.shape_cast %get3A_391 : vector<1x16xf32> to vector<16xf32>
        %get3A_393 = arith.index_cast %add3A_384 : i32 to index
        %get3A_394 = arith.constant 0 : index
        %get3A_395 = tpu.vector_load %arg11[%get3A_393, %get3A_394] {strides = array<i32>} : memref<200x32xf32, #tpu.memory_space<vmem>>, vector<1x16xf32>,
        %get3A_396 = vector.shape_cast %get3A_395 : vector<1x16xf32> to vector<16xf32>
        %add3A_397 = arith.addf %get3A_392, %get3A_396 : vector<16xf32>
        %swap3A_398 = arith.index_cast %add3A_384 : i32 to index
        %swap3A_399 = arith.constant 0 : index
        %swap3A_400 = tpu.vector_load %arg10[%swap3A_398, %swap3A_399] {strides = array<i32>} : memref<200x32xf32, #tpu.memory_space<vmem>>, vector<1x16xf32>,
        %swap3A_401 = vector.shape_cast %swap3A_400 : vector<1x16xf32> to vector<16xf32>
        %swap3A_402 = vector.shape_cast %add3A_397 : vector<16xf32> to vector<1x16xf32>
        tpu.vector_store %arg10[%swap3A_398, %swap3A_399], %swap3A_402 {strides = array<i32>} : memref<200x32xf32, #tpu.memory_space<vmem>>, vector<1x16xf32>,
        %add3A_403 = arith.constant 16 : i32
        %add3A_404 = arith.addi %squeeze3A_386, %add3A_403 : i32
        %get3A_405 = arith.index_cast %add3A_384 : i32 to index
        %get3A_406 = arith.index_cast %add3A_404 : i32 to index
        %get3A_407 = tpu.vector_load %arg9[%get3A_405, %get3A_406] {strides = array<i32>} : memref<200x128xf32, #tpu.memory_space<vmem>>, vector<1x16xf32>,
        %get3A_408 = vector.shape_cast %get3A_407 : vector<1x16xf32> to vector<16xf32>
        %get3A_409 = arith.index_cast %add3A_384 : i32 to index
        %get3A_410 = arith.constant 16 : index
        %get3A_411 = tpu.vector_load %arg11[%get3A_409, %get3A_410] {strides = array<i32>} : memref<200x32xf32, #tpu.memory_space<vmem>>, vector<1x16xf32>,
        %get3A_412 = vector.shape_cast %get3A_411 : vector<1x16xf32> to vector<16xf32>
        %add3A_413 = arith.addf %get3A_408, %get3A_412 : vector<16xf32>
        %swap3A_414 = arith.index_cast %add3A_384 : i32 to index
        %swap3A_415 = arith.constant 16 : index
        %swap3A_416 = tpu.vector_load %arg10[%swap3A_414, %swap3A_415] {strides = array<i32>} : memref<200x32xf32, #tpu.memory_space<vmem>>, vector<1x16xf32>,
        %swap3A_417 = vector.shape_cast %swap3A_416 : vector<1x16xf32> to vector<16xf32>
        %swap3A_418 = vector.shape_cast %add3A_413 : vector<16xf32> to vector<1x16xf32>
        tpu.vector_store %arg10[%swap3A_414, %swap3A_415], %swap3A_418 {strides = array<i32>} : memref<200x32xf32, #tpu.memory_space<vmem>>, vector<1x16xf32>,
        %add3A_419 = arith.constant 8 : i32
        %add3A_420 = arith.addi %add3A_131, %add3A_419 : i32
        %slice3A_421 = vector.extract_strided_slice %get3A_133 {offsets = [8], sizes = [1], strides = [1]} : vector<16xi32> to vector<1xi32>
        %squeeze3A_422 = vector.extract %slice3A_421[0] : i32 from vector<1xi32>
        %add3A_423 = arith.constant 0 : i32
        %add3A_424 = arith.addi %squeeze3A_422, %add3A_423 : i32
        %get3A_425 = arith.index_cast %add3A_420 : i32 to index
        %get3A_426 = arith.index_cast %add3A_424 : i32 to index
        %get3A_427 = tpu.vector_load %arg9[%get3A_425, %get3A_426] {strides = array<i32>} : memref<200x128xf32, #tpu.memory_space<vmem>>, vector<1x16xf32>,
        %get3A_428 = vector.shape_cast %get3A_427 : vector<1x16xf32> to vector<16xf32>
        %get3A_429 = arith.index_cast %add3A_420 : i32 to index
        %get3A_430 = arith.constant 0 : index
        %get3A_431 = tpu.vector_load %arg11[%get3A_429, %get3A_430] {strides = array<i32>} : memref<200x32xf32, #tpu.memory_space<vmem>>, vector<1x16xf32>,
        %get3A_432 = vector.shape_cast %get3A_431 : vector<1x16xf32> to vector<16xf32>
        %add3A_433 = arith.addf %get3A_428, %get3A_432 : vector<16xf32>
        %swap3A_434 = arith.index_cast %add3A_420 : i32 to index
        %swap3A_435 = arith.constant 0 : index
        %swap3A_436 = tpu.vector_load %arg10[%swap3A_434, %swap3A_435] {strides = array<i32>} : memref<200x32xf32, #tpu.memory_space<vmem>>, vector<1x16xf32>,
        %swap3A_437 = vector.shape_cast %swap3A_436 : vector<1x16xf32> to vector<16xf32>
        %swap3A_438 = vector.shape_cast %add3A_433 : vector<16xf32> to vector<1x16xf32>
        tpu.vector_store %arg10[%swap3A_434, %swap3A_435], %swap3A_438 {strides = array<i32>} : memref<200x32xf32, #tpu.memory_space<vmem>>, vector<1x16xf32>,
        %add3A_439 = arith.constant 16 : i32
        %add3A_440 = arith.addi %squeeze3A_422, %add3A_439 : i32
        %get3A_441 = arith.index_cast %add3A_420 : i32 to index
        %get3A_442 = arith.index_cast %add3A_440 : i32 to index
        %get3A_443 = tpu.vector_load %arg9[%get3A_441, %get3A_442] {strides = array<i32>} : memref<200x128xf32, #tpu.memory_space<vmem>>, vector<1x16xf32>,
        %get3A_444 = vector.shape_cast %get3A_443 : vector<1x16xf32> to vector<16xf32>
        %get3A_445 = arith.index_cast %add3A_420 : i32 to index
        %get3A_446 = arith.constant 16 : index
        %get3A_447 = tpu.vector_load %arg11[%get3A_445, %get3A_446] {strides = array<i32>} : memref<200x32xf32, #tpu.memory_space<vmem>>, vector<1x16xf32>,
        %get3A_448 = vector.shape_cast %get3A_447 : vector<1x16xf32> to vector<16xf32>
        %add3A_449 = arith.addf %get3A_444, %get3A_448 : vector<16xf32>
        %swap3A_450 = arith.index_cast %add3A_420 : i32 to index
        %swap3A_451 = arith.constant 16 : index
        %swap3A_452 = tpu.vector_load %arg10[%swap3A_450, %swap3A_451] {strides = array<i32>} : memref<200x32xf32, #tpu.memory_space<vmem>>, vector<1x16xf32>,
        %swap3A_453 = vector.shape_cast %swap3A_452 : vector<1x16xf32> to vector<16xf32>
        %swap3A_454 = vector.shape_cast %add3A_449 : vector<16xf32> to vector<1x16xf32>
        tpu.vector_store %arg10[%swap3A_450, %swap3A_451], %swap3A_454 {strides = array<i32>} : memref<200x32xf32, #tpu.memory_space<vmem>>, vector<1x16xf32>,
        %add3A_455 = arith.constant 9 : i32
        %add3A_456 = arith.addi %add3A_131, %add3A_455 : i32
        %slice3A_457 = vector.extract_strided_slice %get3A_133 {offsets = [9], sizes = [1], strides = [1]} : vector<16xi32> to vector<1xi32>
        %squeeze3A_458 = vector.extract %slice3A_457[0] : i32 from vector<1xi32>
        %add3A_459 = arith.constant 0 : i32
        %add3A_460 = arith.addi %squeeze3A_458, %add3A_459 : i32
        %get3A_461 = arith.index_cast %add3A_456 : i32 to index
        %get3A_462 = arith.index_cast %add3A_460 : i32 to index
        %get3A_463 = tpu.vector_load %arg9[%get3A_461, %get3A_462] {strides = array<i32>} : memref<200x128xf32, #tpu.memory_space<vmem>>, vector<1x16xf32>,
        %get3A_464 = vector.shape_cast %get3A_463 : vector<1x16xf32> to vector<16xf32>
        %get3A_465 = arith.index_cast %add3A_456 : i32 to index
        %get3A_466 = arith.constant 0 : index
        %get3A_467 = tpu.vector_load %arg11[%get3A_465, %get3A_466] {strides = array<i32>} : memref<200x32xf32, #tpu.memory_space<vmem>>, vector<1x16xf32>,
        %get3A_468 = vector.shape_cast %get3A_467 : vector<1x16xf32> to vector<16xf32>
        %add3A_469 = arith.addf %get3A_464, %get3A_468 : vector<16xf32>
        %swap3A_470 = arith.index_cast %add3A_456 : i32 to index
        %swap3A_471 = arith.constant 0 : index
        %swap3A_472 = tpu.vector_load %arg10[%swap3A_470, %swap3A_471] {strides = array<i32>} : memref<200x32xf32, #tpu.memory_space<vmem>>, vector<1x16xf32>,
        %swap3A_473 = vector.shape_cast %swap3A_472 : vector<1x16xf32> to vector<16xf32>
        %swap3A_474 = vector.shape_cast %add3A_469 : vector<16xf32> to vector<1x16xf32>
        tpu.vector_store %arg10[%swap3A_470, %swap3A_471], %swap3A_474 {strides = array<i32>} : memref<200x32xf32, #tpu.memory_space<vmem>>, vector<1x16xf32>,
        %add3A_475 = arith.constant 16 : i32
        %add3A_476 = arith.addi %squeeze3A_458, %add3A_475 : i32
        %get3A_477 = arith.index_cast %add3A_456 : i32 to index
        %get3A_478 = arith.index_cast %add3A_476 : i32 to index
        %get3A_479 = tpu.vector_load %arg9[%get3A_477, %get3A_478] {strides = array<i32>} : memref<200x128xf32, #tpu.memory_space<vmem>>, vector<1x16xf32>,
        %get3A_480 = vector.shape_cast %get3A_479 : vector<1x16xf32> to vector<16xf32>
        %get3A_481 = arith.index_cast %add3A_456 : i32 to index
        %get3A_482 = arith.constant 16 : index
        %get3A_483 = tpu.vector_load %arg11[%get3A_481, %get3A_482] {strides = array<i32>} : memref<200x32xf32, #tpu.memory_space<vmem>>, vector<1x16xf32>,
        %get3A_484 = vector.shape_cast %get3A_483 : vector<1x16xf32> to vector<16xf32>
        %add3A_485 = arith.addf %get3A_480, %get3A_484 : vector<16xf32>
        %swap3A_486 = arith.index_cast %add3A_456 : i32 to index
        %swap3A_487 = arith.constant 16 : index
        %swap3A_488 = tpu.vector_load %arg10[%swap3A_486, %swap3A_487] {strides = array<i32>} : memref<200x32xf32, #tpu.memory_space<vmem>>, vector<1x16xf32>,
        %swap3A_489 = vector.shape_cast %swap3A_488 : vector<1x16xf32> to vector<16xf32>
        %swap3A_490 = vector.shape_cast %add3A_485 : vector<16xf32> to vector<1x16xf32>
        tpu.vector_store %arg10[%swap3A_486, %swap3A_487], %swap3A_490 {strides = array<i32>} : memref<200x32xf32, #tpu.memory_space<vmem>>, vector<1x16xf32>,
        %add3A_491 = arith.constant 10 : i32
        %add3A_492 = arith.addi %add3A_131, %add3A_491 : i32
        %slice3A_493 = vector.extract_strided_slice %get3A_133 {offsets = [10], sizes = [1], strides = [1]} : vector<16xi32> to vector<1xi32>
        %squeeze3A_494 = vector.extract %slice3A_493[0] : i32 from vector<1xi32>
        %add3A_495 = arith.constant 0 : i32
        %add3A_496 = arith.addi %squeeze3A_494, %add3A_495 : i32
        %get3A_497 = arith.index_cast %add3A_492 : i32 to index
        %get3A_498 = arith.index_cast %add3A_496 : i32 to index
        %get3A_499 = tpu.vector_load %arg9[%get3A_497, %get3A_498] {strides = array<i32>} : memref<200x128xf32, #tpu.memory_space<vmem>>, vector<1x16xf32>,
        %get3A_500 = vector.shape_cast %get3A_499 : vector<1x16xf32> to vector<16xf32>
        %get3A_501 = arith.index_cast %add3A_492 : i32 to index
        %get3A_502 = arith.constant 0 : index
        %get3A_503 = tpu.vector_load %arg11[%get3A_501, %get3A_502] {strides = array<i32>} : memref<200x32xf32, #tpu.memory_space<vmem>>, vector<1x16xf32>,
        %get3A_504 = vector.shape_cast %get3A_503 : vector<1x16xf32> to vector<16xf32>
        %add3A_505 = arith.addf %get3A_500, %get3A_504 : vector<16xf32>
        %swap3A_506 = arith.index_cast %add3A_492 : i32 to index
        %swap3A_507 = arith.constant 0 : index
        %swap3A_508 = tpu.vector_load %arg10[%swap3A_506, %swap3A_507] {strides = array<i32>} : memref<200x32xf32, #tpu.memory_space<vmem>>, vector<1x16xf32>,
        %swap3A_509 = vector.shape_cast %swap3A_508 : vector<1x16xf32> to vector<16xf32>
        %swap3A_510 = vector.shape_cast %add3A_505 : vector<16xf32> to vector<1x16xf32>
        tpu.vector_store %arg10[%swap3A_506, %swap3A_507], %swap3A_510 {strides = array<i32>} : memref<200x32xf32, #tpu.memory_space<vmem>>, vector<1x16xf32>,
        %add3A_511 = arith.constant 16 : i32
        %add3A_512 = arith.addi %squeeze3A_494, %add3A_511 : i32
        %get3A_513 = arith.index_cast %add3A_492 : i32 to index
        %get3A_514 = arith.index_cast %add3A_512 : i32 to index
        %get3A_515 = tpu.vector_load %arg9[%get3A_513, %get3A_514] {strides = array<i32>} : memref<200x128xf32, #tpu.memory_space<vmem>>, vector<1x16xf32>,
        %get3A_516 = vector.shape_cast %get3A_515 : vector<1x16xf32> to vector<16xf32>
        %get3A_517 = arith.index_cast %add3A_492 : i32 to index
        %get3A_518 = arith.constant 16 : index
        %get3A_519 = tpu.vector_load %arg11[%get3A_517, %get3A_518] {strides = array<i32>} : memref<200x32xf32, #tpu.memory_space<vmem>>, vector<1x16xf32>,
        %get3A_520 = vector.shape_cast %get3A_519 : vector<1x16xf32> to vector<16xf32>
        %add3A_521 = arith.addf %get3A_516, %get3A_520 : vector<16xf32>
        %swap3A_522 = arith.index_cast %add3A_492 : i32 to index
        %swap3A_523 = arith.constant 16 : index
        %swap3A_524 = tpu.vector_load %arg10[%swap3A_522, %swap3A_523] {strides = array<i32>} : memref<200x32xf32, #tpu.memory_space<vmem>>, vector<1x16xf32>,
        %swap3A_525 = vector.shape_cast %swap3A_524 : vector<1x16xf32> to vector<16xf32>
        %swap3A_526 = vector.shape_cast %add3A_521 : vector<16xf32> to vector<1x16xf32>
        tpu.vector_store %arg10[%swap3A_522, %swap3A_523], %swap3A_526 {strides = array<i32>} : memref<200x32xf32, #tpu.memory_space<vmem>>, vector<1x16xf32>,
        %add3A_527 = arith.constant 11 : i32
        %add3A_528 = arith.addi %add3A_131, %add3A_527 : i32
        %slice3A_529 = vector.extract_strided_slice %get3A_133 {offsets = [11], sizes = [1], strides = [1]} : vector<16xi32> to vector<1xi32>
        %squeeze3A_530 = vector.extract %slice3A_529[0] : i32 from vector<1xi32>
        %add3A_531 = arith.constant 0 : i32
        %add3A_532 = arith.addi %squeeze3A_530, %add3A_531 : i32
        %get3A_533 = arith.index_cast %add3A_528 : i32 to index
        %get3A_534 = arith.index_cast %add3A_532 : i32 to index
        %get3A_535 = tpu.vector_load %arg9[%get3A_533, %get3A_534] {strides = array<i32>} : memref<200x128xf32, #tpu.memory_space<vmem>>, vector<1x16xf32>,
        %get3A_536 = vector.shape_cast %get3A_535 : vector<1x16xf32> to vector<16xf32>
        %get3A_537 = arith.index_cast %add3A_528 : i32 to index
        %get3A_538 = arith.constant 0 : index
        %get3A_539 = tpu.vector_load %arg11[%get3A_537, %get3A_538] {strides = array<i32>} : memref<200x32xf32, #tpu.memory_space<vmem>>, vector<1x16xf32>,
        %get3A_540 = vector.shape_cast %get3A_539 : vector<1x16xf32> to vector<16xf32>
        %add3A_541 = arith.addf %get3A_536, %get3A_540 : vector<16xf32>
        %swap3A_542 = arith.index_cast %add3A_528 : i32 to index
        %swap3A_543 = arith.constant 0 : index
        %swap3A_544 = tpu.vector_load %arg10[%swap3A_542, %swap3A_543] {strides = array<i32>} : memref<200x32xf32, #tpu.memory_space<vmem>>, vector<1x16xf32>,
        %swap3A_545 = vector.shape_cast %swap3A_544 : vector<1x16xf32> to vector<16xf32>
        %swap3A_546 = vector.shape_cast %add3A_541 : vector<16xf32> to vector<1x16xf32>
        tpu.vector_store %arg10[%swap3A_542, %swap3A_543], %swap3A_546 {strides = array<i32>} : memref<200x32xf32, #tpu.memory_space<vmem>>, vector<1x16xf32>,
        %add3A_547 = arith.constant 16 : i32
        %add3A_548 = arith.addi %squeeze3A_530, %add3A_547 : i32
        %get3A_549 = arith.index_cast %add3A_528 : i32 to index
        %get3A_550 = arith.index_cast %add3A_548 : i32 to index
        %get3A_551 = tpu.vector_load %arg9[%get3A_549, %get3A_550] {strides = array<i32>} : memref<200x128xf32, #tpu.memory_space<vmem>>, vector<1x16xf32>,
        %get3A_552 = vector.shape_cast %get3A_551 : vector<1x16xf32> to vector<16xf32>
        %get3A_553 = arith.index_cast %add3A_528 : i32 to index
        %get3A_554 = arith.constant 16 : index
        %get3A_555 = tpu.vector_load %arg11[%get3A_553, %get3A_554] {strides = array<i32>} : memref<200x32xf32, #tpu.memory_space<vmem>>, vector<1x16xf32>,
        %get3A_556 = vector.shape_cast %get3A_555 : vector<1x16xf32> to vector<16xf32>
        %add3A_557 = arith.addf %get3A_552, %get3A_556 : vector<16xf32>
        %swap3A_558 = arith.index_cast %add3A_528 : i32 to index
        %swap3A_559 = arith.constant 16 : index
        %swap3A_560 = tpu.vector_load %arg10[%swap3A_558, %swap3A_559] {strides = array<i32>} : memref<200x32xf32, #tpu.memory_space<vmem>>, vector<1x16xf32>,
        %swap3A_561 = vector.shape_cast %swap3A_560 : vector<1x16xf32> to vector<16xf32>
        %swap3A_562 = vector.shape_cast %add3A_557 : vector<16xf32> to vector<1x16xf32>
        tpu.vector_store %arg10[%swap3A_558, %swap3A_559], %swap3A_562 {strides = array<i32>} : memref<200x32xf32, #tpu.memory_space<vmem>>, vector<1x16xf32>,
        %add3A_563 = arith.constant 12 : i32
        %add3A_564 = arith.addi %add3A_131, %add3A_563 : i32
        %slice3A_565 = vector.extract_strided_slice %get3A_133 {offsets = [12], sizes = [1], strides = [1]} : vector<16xi32> to vector<1xi32>
        %squeeze3A_566 = vector.extract %slice3A_565[0] : i32 from vector<1xi32>
        %add3A_567 = arith.constant 0 : i32
        %add3A_568 = arith.addi %squeeze3A_566, %add3A_567 : i32
        %get3A_569 = arith.index_cast %add3A_564 : i32 to index
        %get3A_570 = arith.index_cast %add3A_568 : i32 to index
        %get3A_571 = tpu.vector_load %arg9[%get3A_569, %get3A_570] {strides = array<i32>} : memref<200x128xf32, #tpu.memory_space<vmem>>, vector<1x16xf32>,
        %get3A_572 = vector.shape_cast %get3A_571 : vector<1x16xf32> to vector<16xf32>
        %get3A_573 = arith.index_cast %add3A_564 : i32 to index
        %get3A_574 = arith.constant 0 : index
        %get3A_575 = tpu.vector_load %arg11[%get3A_573, %get3A_574] {strides = array<i32>} : memref<200x32xf32, #tpu.memory_space<vmem>>, vector<1x16xf32>,
        %get3A_576 = vector.shape_cast %get3A_575 : vector<1x16xf32> to vector<16xf32>
        %add3A_577 = arith.addf %get3A_572, %get3A_576 : vector<16xf32>
        %swap3A_578 = arith.index_cast %add3A_564 : i32 to index
        %swap3A_579 = arith.constant 0 : index
        %swap3A_580 = tpu.vector_load %arg10[%swap3A_578, %swap3A_579] {strides = array<i32>} : memref<200x32xf32, #tpu.memory_space<vmem>>, vector<1x16xf32>,
        %swap3A_581 = vector.shape_cast %swap3A_580 : vector<1x16xf32> to vector<16xf32>
        %swap3A_582 = vector.shape_cast %add3A_577 : vector<16xf32> to vector<1x16xf32>
        tpu.vector_store %arg10[%swap3A_578, %swap3A_579], %swap3A_582 {strides = array<i32>} : memref<200x32xf32, #tpu.memory_space<vmem>>, vector<1x16xf32>,
        %add3A_583 = arith.constant 16 : i32
        %add3A_584 = arith.addi %squeeze3A_566, %add3A_583 : i32
        %get3A_585 = arith.index_cast %add3A_564 : i32 to index
        %get3A_586 = arith.index_cast %add3A_584 : i32 to index
        %get3A_587 = tpu.vector_load %arg9[%get3A_585, %get3A_586] {strides = array<i32>} : memref<200x128xf32, #tpu.memory_space<vmem>>, vector<1x16xf32>,
        %get3A_588 = vector.shape_cast %get3A_587 : vector<1x16xf32> to vector<16xf32>
        %get3A_589 = arith.index_cast %add3A_564 : i32 to index
        %get3A_590 = arith.constant 16 : index
        %get3A_591 = tpu.vector_load %arg11[%get3A_589, %get3A_590] {strides = array<i32>} : memref<200x32xf32, #tpu.memory_space<vmem>>, vector<1x16xf32>,
        %get3A_592 = vector.shape_cast %get3A_591 : vector<1x16xf32> to vector<16xf32>
        %add3A_593 = arith.addf %get3A_588, %get3A_592 : vector<16xf32>
        %swap3A_594 = arith.index_cast %add3A_564 : i32 to index
        %swap3A_595 = arith.constant 16 : index
        %swap3A_596 = tpu.vector_load %arg10[%swap3A_594, %swap3A_595] {strides = array<i32>} : memref<200x32xf32, #tpu.memory_space<vmem>>, vector<1x16xf32>,
        %swap3A_597 = vector.shape_cast %swap3A_596 : vector<1x16xf32> to vector<16xf32>
        %swap3A_598 = vector.shape_cast %add3A_593 : vector<16xf32> to vector<1x16xf32>
        tpu.vector_store %arg10[%swap3A_594, %swap3A_595], %swap3A_598 {strides = array<i32>} : memref<200x32xf32, #tpu.memory_space<vmem>>, vector<1x16xf32>,
        %add3A_599 = arith.constant 13 : i32
        %add3A_600 = arith.addi %add3A_131, %add3A_599 : i32
        %slice3A_601 = vector.extract_strided_slice %get3A_133 {offsets = [13], sizes = [1], strides = [1]} : vector<16xi32> to vector<1xi32>
        %squeeze3A_602 = vector.extract %slice3A_601[0] : i32 from vector<1xi32>
        %add3A_603 = arith.constant 0 : i32
        %add3A_604 = arith.addi %squeeze3A_602, %add3A_603 : i32
        %get3A_605 = arith.index_cast %add3A_600 : i32 to index
        %get3A_606 = arith.index_cast %add3A_604 : i32 to index
        %get3A_607 = tpu.vector_load %arg9[%get3A_605, %get3A_606] {strides = array<i32>} : memref<200x128xf32, #tpu.memory_space<vmem>>, vector<1x16xf32>,
        %get3A_608 = vector.shape_cast %get3A_607 : vector<1x16xf32> to vector<16xf32>
        %get3A_609 = arith.index_cast %add3A_600 : i32 to index
        %get3A_610 = arith.constant 0 : index
        %get3A_611 = tpu.vector_load %arg11[%get3A_609, %get3A_610] {strides = array<i32>} : memref<200x32xf32, #tpu.memory_space<vmem>>, vector<1x16xf32>,
        %get3A_612 = vector.shape_cast %get3A_611 : vector<1x16xf32> to vector<16xf32>
        %add3A_613 = arith.addf %get3A_608, %get3A_612 : vector<16xf32>
        %swap3A_614 = arith.index_cast %add3A_600 : i32 to index
        %swap3A_615 = arith.constant 0 : index
        %swap3A_616 = tpu.vector_load %arg10[%swap3A_614, %swap3A_615] {strides = array<i32>} : memref<200x32xf32, #tpu.memory_space<vmem>>, vector<1x16xf32>,
        %swap3A_617 = vector.shape_cast %swap3A_616 : vector<1x16xf32> to vector<16xf32>
        %swap3A_618 = vector.shape_cast %add3A_613 : vector<16xf32> to vector<1x16xf32>
        tpu.vector_store %arg10[%swap3A_614, %swap3A_615], %swap3A_618 {strides = array<i32>} : memref<200x32xf32, #tpu.memory_space<vmem>>, vector<1x16xf32>,
        %add3A_619 = arith.constant 16 : i32
        %add3A_620 = arith.addi %squeeze3A_602, %add3A_619 : i32
        %get3A_621 = arith.index_cast %add3A_600 : i32 to index
        %get3A_622 = arith.index_cast %add3A_620 : i32 to index
        %get3A_623 = tpu.vector_load %arg9[%get3A_621, %get3A_622] {strides = array<i32>} : memref<200x128xf32, #tpu.memory_space<vmem>>, vector<1x16xf32>,
        %get3A_624 = vector.shape_cast %get3A_623 : vector<1x16xf32> to vector<16xf32>
        %get3A_625 = arith.index_cast %add3A_600 : i32 to index
        %get3A_626 = arith.constant 16 : index
        %get3A_627 = tpu.vector_load %arg11[%get3A_625, %get3A_626] {strides = array<i32>} : memref<200x32xf32, #tpu.memory_space<vmem>>, vector<1x16xf32>,
        %get3A_628 = vector.shape_cast %get3A_627 : vector<1x16xf32> to vector<16xf32>
        %add3A_629 = arith.addf %get3A_624, %get3A_628 : vector<16xf32>
        %swap3A_630 = arith.index_cast %add3A_600 : i32 to index
        %swap3A_631 = arith.constant 16 : index
        %swap3A_632 = tpu.vector_load %arg10[%swap3A_630, %swap3A_631] {strides = array<i32>} : memref<200x32xf32, #tpu.memory_space<vmem>>, vector<1x16xf32>,
        %swap3A_633 = vector.shape_cast %swap3A_632 : vector<1x16xf32> to vector<16xf32>
        %swap3A_634 = vector.shape_cast %add3A_629 : vector<16xf32> to vector<1x16xf32>
        tpu.vector_store %arg10[%swap3A_630, %swap3A_631], %swap3A_634 {strides = array<i32>} : memref<200x32xf32, #tpu.memory_space<vmem>>, vector<1x16xf32>,
        %add3A_635 = arith.constant 14 : i32
        %add3A_636 = arith.addi %add3A_131, %add3A_635 : i32
        %slice3A_637 = vector.extract_strided_slice %get3A_133 {offsets = [14], sizes = [1], strides = [1]} : vector<16xi32> to vector<1xi32>
        %squeeze3A_638 = vector.extract %slice3A_637[0] : i32 from vector<1xi32>
        %add3A_639 = arith.constant 0 : i32
        %add3A_640 = arith.addi %squeeze3A_638, %add3A_639 : i32
        %get3A_641 = arith.index_cast %add3A_636 : i32 to index
        %get3A_642 = arith.index_cast %add3A_640 : i32 to index
        %get3A_643 = tpu.vector_load %arg9[%get3A_641, %get3A_642] {strides = array<i32>} : memref<200x128xf32, #tpu.memory_space<vmem>>, vector<1x16xf32>,
        %get3A_644 = vector.shape_cast %get3A_643 : vector<1x16xf32> to vector<16xf32>
        %get3A_645 = arith.index_cast %add3A_636 : i32 to index
        %get3A_646 = arith.constant 0 : index
        %get3A_647 = tpu.vector_load %arg11[%get3A_645, %get3A_646] {strides = array<i32>} : memref<200x32xf32, #tpu.memory_space<vmem>>, vector<1x16xf32>,
        %get3A_648 = vector.shape_cast %get3A_647 : vector<1x16xf32> to vector<16xf32>
        %add3A_649 = arith.addf %get3A_644, %get3A_648 : vector<16xf32>
        %swap3A_650 = arith.index_cast %add3A_636 : i32 to index
        %swap3A_651 = arith.constant 0 : index
        %swap3A_652 = tpu.vector_load %arg10[%swap3A_650, %swap3A_651] {strides = array<i32>} : memref<200x32xf32, #tpu.memory_space<vmem>>, vector<1x16xf32>,
        %swap3A_653 = vector.shape_cast %swap3A_652 : vector<1x16xf32> to vector<16xf32>
        %swap3A_654 = vector.shape_cast %add3A_649 : vector<16xf32> to vector<1x16xf32>
        tpu.vector_store %arg10[%swap3A_650, %swap3A_651], %swap3A_654 {strides = array<i32>} : memref<200x32xf32, #tpu.memory_space<vmem>>, vector<1x16xf32>,
        %add3A_655 = arith.constant 16 : i32
        %add3A_656 = arith.addi %squeeze3A_638, %add3A_655 : i32
        %get3A_657 = arith.index_cast %add3A_636 : i32 to index
        %get3A_658 = arith.index_cast %add3A_656 : i32 to index
        %get3A_659 = tpu.vector_load %arg9[%get3A_657, %get3A_658] {strides = array<i32>} : memref<200x128xf32, #tpu.memory_space<vmem>>, vector<1x16xf32>,
        %get3A_660 = vector.shape_cast %get3A_659 : vector<1x16xf32> to vector<16xf32>
        %get3A_661 = arith.index_cast %add3A_636 : i32 to index
        %get3A_662 = arith.constant 16 : index
        %get3A_663 = tpu.vector_load %arg11[%get3A_661, %get3A_662] {strides = array<i32>} : memref<200x32xf32, #tpu.memory_space<vmem>>, vector<1x16xf32>,
        %get3A_664 = vector.shape_cast %get3A_663 : vector<1x16xf32> to vector<16xf32>
        %add3A_665 = arith.addf %get3A_660, %get3A_664 : vector<16xf32>
        %swap3A_666 = arith.index_cast %add3A_636 : i32 to index
        %swap3A_667 = arith.constant 16 : index
        %swap3A_668 = tpu.vector_load %arg10[%swap3A_666, %swap3A_667] {strides = array<i32>} : memref<200x32xf32, #tpu.memory_space<vmem>>, vector<1x16xf32>,
        %swap3A_669 = vector.shape_cast %swap3A_668 : vector<1x16xf32> to vector<16xf32>
        %swap3A_670 = vector.shape_cast %add3A_665 : vector<16xf32> to vector<1x16xf32>
        tpu.vector_store %arg10[%swap3A_666, %swap3A_667], %swap3A_670 {strides = array<i32>} : memref<200x32xf32, #tpu.memory_space<vmem>>, vector<1x16xf32>,
        %add3A_671 = arith.constant 15 : i32
        %add3A_672 = arith.addi %add3A_131, %add3A_671 : i32
        %slice3A_673 = vector.extract_strided_slice %get3A_133 {offsets = [15], sizes = [1], strides = [1]} : vector<16xi32> to vector<1xi32>
        %squeeze3A_674 = vector.extract %slice3A_673[0] : i32 from vector<1xi32>
        %add3A_675 = arith.constant 0 : i32
        %add3A_676 = arith.addi %squeeze3A_674, %add3A_675 : i32
        %get3A_677 = arith.index_cast %add3A_672 : i32 to index
        %get3A_678 = arith.index_cast %add3A_676 : i32 to index
        %get3A_679 = tpu.vector_load %arg9[%get3A_677, %get3A_678] {strides = array<i32>} : memref<200x128xf32, #tpu.memory_space<vmem>>, vector<1x16xf32>,
        %get3A_680 = vector.shape_cast %get3A_679 : vector<1x16xf32> to vector<16xf32>
        %get3A_681 = arith.index_cast %add3A_672 : i32 to index
        %get3A_682 = arith.constant 0 : index
        %get3A_683 = tpu.vector_load %arg11[%get3A_681, %get3A_682] {strides = array<i32>} : memref<200x32xf32, #tpu.memory_space<vmem>>, vector<1x16xf32>,
        %get3A_684 = vector.shape_cast %get3A_683 : vector<1x16xf32> to vector<16xf32>
        %add3A_685 = arith.addf %get3A_680, %get3A_684 : vector<16xf32>
        %swap3A_686 = arith.index_cast %add3A_672 : i32 to index
        %swap3A_687 = arith.constant 0 : index
        %swap3A_688 = tpu.vector_load %arg10[%swap3A_686, %swap3A_687] {strides = array<i32>} : memref<200x32xf32, #tpu.memory_space<vmem>>, vector<1x16xf32>,
        %swap3A_689 = vector.shape_cast %swap3A_688 : vector<1x16xf32> to vector<16xf32>
        %swap3A_690 = vector.shape_cast %add3A_685 : vector<16xf32> to vector<1x16xf32>
        tpu.vector_store %arg10[%swap3A_686, %swap3A_687], %swap3A_690 {strides = array<i32>} : memref<200x32xf32, #tpu.memory_space<vmem>>, vector<1x16xf32>,
        %add3A_691 = arith.constant 16 : i32
        %add3A_692 = arith.addi %squeeze3A_674, %add3A_691 : i32
        %get3A_693 = arith.index_cast %add3A_672 : i32 to index
        %get3A_694 = arith.index_cast %add3A_692 : i32 to index
        %get3A_695 = tpu.vector_load %arg9[%get3A_693, %get3A_694] {strides = array<i32>} : memref<200x128xf32, #tpu.memory_space<vmem>>, vector<1x16xf32>,
        %get3A_696 = vector.shape_cast %get3A_695 : vector<1x16xf32> to vector<16xf32>
        %get3A_697 = arith.index_cast %add3A_672 : i32 to index
        %get3A_698 = arith.constant 16 : index
        %get3A_699 = tpu.vector_load %arg11[%get3A_697, %get3A_698] {strides = array<i32>} : memref<200x32xf32, #tpu.memory_space<vmem>>, vector<1x16xf32>,
        %get3A_700 = vector.shape_cast %get3A_699 : vector<1x16xf32> to vector<16xf32>
        %add3A_701 = arith.addf %get3A_696, %get3A_700 : vector<16xf32>
        %swap3A_702 = arith.index_cast %add3A_672 : i32 to index
        %swap3A_703 = arith.constant 16 : index
        %swap3A_704 = tpu.vector_load %arg10[%swap3A_702, %swap3A_703] {strides = array<i32>} : memref<200x32xf32, #tpu.memory_space<vmem>>, vector<1x16xf32>,
        %swap3A_705 = vector.shape_cast %swap3A_704 : vector<1x16xf32> to vector<16xf32>
        %swap3A_706 = vector.shape_cast %add3A_701 : vector<16xf32> to vector<1x16xf32>
        tpu.vector_store %arg10[%swap3A_702, %swap3A_703], %swap3A_706 {strides = array<i32>} : memref<200x32xf32, #tpu.memory_space<vmem>>, vector<1x16xf32>,
      }
      %scan3A_83 = arith.constant 3 : i32
      %dma_wait3A_84 = arith.constant 80 : i32
      %dma_wait3A_85 = arith.constant 0 : i32
      %dma_wait3A_86 = tpu.memref_slice %arg9[%dma_wait3A_84, %dma_wait3A_85] : memref<200x128xf32, #tpu.memory_space<vmem>> -> memref<40x128xf32, #tpu.memory_space<vmem>>
      %dma_wait3A_87 = arith.constant 80 : i32
      %dma_wait3A_88 = tpu.memref_slice %arg7[%dma_wait3A_87] : memref<200xi32, #tpu.memory_space<vmem>> -> memref<40xi32, #tpu.memory_space<vmem>>
      %dma_wait3A_89 = arith.constant 0 : i32
      %dma_wait3A_90 = arith.constant 0 : i32
      %dma_wait3A_91 = tpu.memref_slice %arg3[%dma_wait3A_89, %dma_wait3A_90] : memref<250000x128xf32, #tpu.memory_space<hbm>> -> memref<250000x128xf32, #tpu.memory_space<hbm>>
      tpu.wait_indirect_dma semaphore(%arg14 : memref<!tpu.dma_semaphore, #tpu.memory_space<semaphore_mem>>) src(%dma_wait3A_91 : memref<250000x128xf32, #tpu.memory_space<hbm>>) dst(%dma_wait3A_86 : memref<40x128xf32, #tpu.memory_space<vmem>>)
      %scan3A_92 = arith.constant 0 : i32
      %scan3A_93 = arith.constant 0 : i32
      %scan3A_94 = arith.constant 3 : i32
      %scan3A_95 = arith.addi %scan3A_93, %scan3A_94 : i32
      %scan3A_96 = arith.constant 1 : i32
      scf.for %scan3A_126 = %scan3A_93 to %scan3A_95 step %scan3A_96  : i32 {
        %mul3A_127 = arith.constant 16 : i32
        %mul3A_128 = arith.muli %scan3A_126, %mul3A_127 : i32
        %min3A = arith.constant 24 : i32
        %min3A_129 = arith.minsi %mul3A_128, %min3A : i32
        %add3A_130 = arith.constant 80 : i32
        %add3A_131 = arith.addi %add3A_130, %min3A_129 : i32
        %get3A = arith.index_cast %add3A_131 : i32 to index
        %get3A_132 = tpu.vector_load %arg8[%get3A] {strides = array<i32>} : memref<200xi32, #tpu.memory_space<vmem>>, vector<16xi32>,
        %get3A_133 = vector.shape_cast %get3A_132 : vector<16xi32> to vector<16xi32>
        %add3A_134 = arith.constant 0 : i32
        %add3A_135 = arith.addi %add3A_131, %add3A_134 : i32
        %slice3A = vector.extract_strided_slice %get3A_133 {offsets = [0], sizes = [1], strides = [1]} : vector<16xi32> to vector<1xi32>
        %squeeze3A = vector.extract %slice3A[0] : i32 from vector<1xi32>
        %add3A_136 = arith.constant 0 : i32
        %add3A_137 = arith.addi %squeeze3A, %add3A_136 : i32
        %get3A_138 = arith.index_cast %add3A_135 : i32 to index
        %get3A_139 = arith.index_cast %add3A_137 : i32 to index
        %get3A_140 = tpu.vector_load %arg9[%get3A_138, %get3A_139] {strides = array<i32>} : memref<200x128xf32, #tpu.memory_space<vmem>>, vector<1x16xf32>,
        %get3A_141 = vector.shape_cast %get3A_140 : vector<1x16xf32> to vector<16xf32>
        %get3A_142 = arith.index_cast %add3A_135 : i32 to index
        %get3A_143 = arith.constant 0 : index
        %get3A_144 = tpu.vector_load %arg11[%get3A_142, %get3A_143] {strides = array<i32>} : memref<200x32xf32, #tpu.memory_space<vmem>>, vector<1x16xf32>,
        %get3A_145 = vector.shape_cast %get3A_144 : vector<1x16xf32> to vector<16xf32>
        %add3A_146 = arith.addf %get3A_141, %get3A_145 : vector<16xf32>
        %swap3A = arith.index_cast %add3A_135 : i32 to index
        %swap3A_147 = arith.constant 0 : index
        %swap3A_148 = tpu.vector_load %arg10[%swap3A, %swap3A_147] {strides = array<i32>} : memref<200x32xf32, #tpu.memory_space<vmem>>, vector<1x16xf32>,
        %swap3A_149 = vector.shape_cast %swap3A_148 : vector<1x16xf32> to vector<16xf32>
        %swap3A_150 = vector.shape_cast %add3A_146 : vector<16xf32> to vector<1x16xf32>
        tpu.vector_store %arg10[%swap3A, %swap3A_147], %swap3A_150 {strides = array<i32>} : memref<200x32xf32, #tpu.memory_space<vmem>>, vector<1x16xf32>,
        %add3A_151 = arith.constant 16 : i32
        %add3A_152 = arith.addi %squeeze3A, %add3A_151 : i32
        %get3A_153 = arith.index_cast %add3A_135 : i32 to index
        %get3A_154 = arith.index_cast %add3A_152 : i32 to index
        %get3A_155 = tpu.vector_load %arg9[%get3A_153, %get3A_154] {strides = array<i32>} : memref<200x128xf32, #tpu.memory_space<vmem>>, vector<1x16xf32>,
        %get3A_156 = vector.shape_cast %get3A_155 : vector<1x16xf32> to vector<16xf32>
        %get3A_157 = arith.index_cast %add3A_135 : i32 to index
        %get3A_158 = arith.constant 16 : index
        %get3A_159 = tpu.vector_load %arg11[%get3A_157, %get3A_158] {strides = array<i32>} : memref<200x32xf32, #tpu.memory_space<vmem>>, vector<1x16xf32>,
        %get3A_160 = vector.shape_cast %get3A_159 : vector<1x16xf32> to vector<16xf32>
        %add3A_161 = arith.addf %get3A_156, %get3A_160 : vector<16xf32>
        %swap3A_162 = arith.index_cast %add3A_135 : i32 to index
        %swap3A_163 = arith.constant 16 : index
        %swap3A_164 = tpu.vector_load %arg10[%swap3A_162, %swap3A_163] {strides = array<i32>} : memref<200x32xf32, #tpu.memory_space<vmem>>, vector<1x16xf32>,
        %swap3A_165 = vector.shape_cast %swap3A_164 : vector<1x16xf32> to vector<16xf32>
        %swap3A_166 = vector.shape_cast %add3A_161 : vector<16xf32> to vector<1x16xf32>
        tpu.vector_store %arg10[%swap3A_162, %swap3A_163], %swap3A_166 {strides = array<i32>} : memref<200x32xf32, #tpu.memory_space<vmem>>, vector<1x16xf32>,
        %add3A_167 = arith.constant 1 : i32
        %add3A_168 = arith.addi %add3A_131, %add3A_167 : i32
        %slice3A_169 = vector.extract_strided_slice %get3A_133 {offsets = [1], sizes = [1], strides = [1]} : vector<16xi32> to vector<1xi32>
        %squeeze3A_170 = vector.extract %slice3A_169[0] : i32 from vector<1xi32>
        %add3A_171 = arith.constant 0 : i32
        %add3A_172 = arith.addi %squeeze3A_170, %add3A_171 : i32
        %get3A_173 = arith.index_cast %add3A_168 : i32 to index
        %get3A_174 = arith.index_cast %add3A_172 : i32 to index
        %get3A_175 = tpu.vector_load %arg9[%get3A_173, %get3A_174] {strides = array<i32>} : memref<200x128xf32, #tpu.memory_space<vmem>>, vector<1x16xf32>,
        %get3A_176 = vector.shape_cast %get3A_175 : vector<1x16xf32> to vector<16xf32>
        %get3A_177 = arith.index_cast %add3A_168 : i32 to index
        %get3A_178 = arith.constant 0 : index
        %get3A_179 = tpu.vector_load %arg11[%get3A_177, %get3A_178] {strides = array<i32>} : memref<200x32xf32, #tpu.memory_space<vmem>>, vector<1x16xf32>,
        %get3A_180 = vector.shape_cast %get3A_179 : vector<1x16xf32> to vector<16xf32>
        %add3A_181 = arith.addf %get3A_176, %get3A_180 : vector<16xf32>
        %swap3A_182 = arith.index_cast %add3A_168 : i32 to index
        %swap3A_183 = arith.constant 0 : index
        %swap3A_184 = tpu.vector_load %arg10[%swap3A_182, %swap3A_183] {strides = array<i32>} : memref<200x32xf32, #tpu.memory_space<vmem>>, vector<1x16xf32>,
        %swap3A_185 = vector.shape_cast %swap3A_184 : vector<1x16xf32> to vector<16xf32>
        %swap3A_186 = vector.shape_cast %add3A_181 : vector<16xf32> to vector<1x16xf32>
        tpu.vector_store %arg10[%swap3A_182, %swap3A_183], %swap3A_186 {strides = array<i32>} : memref<200x32xf32, #tpu.memory_space<vmem>>, vector<1x16xf32>,
        %add3A_187 = arith.constant 16 : i32
        %add3A_188 = arith.addi %squeeze3A_170, %add3A_187 : i32
        %get3A_189 = arith.index_cast %add3A_168 : i32 to index
        %get3A_190 = arith.index_cast %add3A_188 : i32 to index
        %get3A_191 = tpu.vector_load %arg9[%get3A_189, %get3A_190] {strides = array<i32>} : memref<200x128xf32, #tpu.memory_space<vmem>>, vector<1x16xf32>,
        %get3A_192 = vector.shape_cast %get3A_191 : vector<1x16xf32> to vector<16xf32>
        %get3A_193 = arith.index_cast %add3A_168 : i32 to index
        %get3A_194 = arith.constant 16 : index
        %get3A_195 = tpu.vector_load %arg11[%get3A_193, %get3A_194] {strides = array<i32>} : memref<200x32xf32, #tpu.memory_space<vmem>>, vector<1x16xf32>,
        %get3A_196 = vector.shape_cast %get3A_195 : vector<1x16xf32> to vector<16xf32>
        %add3A_197 = arith.addf %get3A_192, %get3A_196 : vector<16xf32>
        %swap3A_198 = arith.index_cast %add3A_168 : i32 to index
        %swap3A_199 = arith.constant 16 : index
        %swap3A_200 = tpu.vector_load %arg10[%swap3A_198, %swap3A_199] {strides = array<i32>} : memref<200x32xf32, #tpu.memory_space<vmem>>, vector<1x16xf32>,
        %swap3A_201 = vector.shape_cast %swap3A_200 : vector<1x16xf32> to vector<16xf32>
        %swap3A_202 = vector.shape_cast %add3A_197 : vector<16xf32> to vector<1x16xf32>
        tpu.vector_store %arg10[%swap3A_198, %swap3A_199], %swap3A_202 {strides = array<i32>} : memref<200x32xf32, #tpu.memory_space<vmem>>, vector<1x16xf32>,
        %add3A_203 = arith.constant 2 : i32
        %add3A_204 = arith.addi %add3A_131, %add3A_203 : i32
        %slice3A_205 = vector.extract_strided_slice %get3A_133 {offsets = [2], sizes = [1], strides = [1]} : vector<16xi32> to vector<1xi32>
        %squeeze3A_206 = vector.extract %slice3A_205[0] : i32 from vector<1xi32>
        %add3A_207 = arith.constant 0 : i32
        %add3A_208 = arith.addi %squeeze3A_206, %add3A_207 : i32
        %get3A_209 = arith.index_cast %add3A_204 : i32 to index
        %get3A_210 = arith.index_cast %add3A_208 : i32 to index
        %get3A_211 = tpu.vector_load %arg9[%get3A_209, %get3A_210] {strides = array<i32>} : memref<200x128xf32, #tpu.memory_space<vmem>>, vector<1x16xf32>,
        %get3A_212 = vector.shape_cast %get3A_211 : vector<1x16xf32> to vector<16xf32>
        %get3A_213 = arith.index_cast %add3A_204 : i32 to index
        %get3A_214 = arith.constant 0 : index
        %get3A_215 = tpu.vector_load %arg11[%get3A_213, %get3A_214] {strides = array<i32>} : memref<200x32xf32, #tpu.memory_space<vmem>>, vector<1x16xf32>,
        %get3A_216 = vector.shape_cast %get3A_215 : vector<1x16xf32> to vector<16xf32>
        %add3A_217 = arith.addf %get3A_212, %get3A_216 : vector<16xf32>
        %swap3A_218 = arith.index_cast %add3A_204 : i32 to index
        %swap3A_219 = arith.constant 0 : index
        %swap3A_220 = tpu.vector_load %arg10[%swap3A_218, %swap3A_219] {strides = array<i32>} : memref<200x32xf32, #tpu.memory_space<vmem>>, vector<1x16xf32>,
        %swap3A_221 = vector.shape_cast %swap3A_220 : vector<1x16xf32> to vector<16xf32>
        %swap3A_222 = vector.shape_cast %add3A_217 : vector<16xf32> to vector<1x16xf32>
        tpu.vector_store %arg10[%swap3A_218, %swap3A_219], %swap3A_222 {strides = array<i32>} : memref<200x32xf32, #tpu.memory_space<vmem>>, vector<1x16xf32>,
        %add3A_223 = arith.constant 16 : i32
        %add3A_224 = arith.addi %squeeze3A_206, %add3A_223 : i32
        %get3A_225 = arith.index_cast %add3A_204 : i32 to index
        %get3A_226 = arith.index_cast %add3A_224 : i32 to index
        %get3A_227 = tpu.vector_load %arg9[%get3A_225, %get3A_226] {strides = array<i32>} : memref<200x128xf32, #tpu.memory_space<vmem>>, vector<1x16xf32>,
        %get3A_228 = vector.shape_cast %get3A_227 : vector<1x16xf32> to vector<16xf32>
        %get3A_229 = arith.index_cast %add3A_204 : i32 to index
        %get3A_230 = arith.constant 16 : index
        %get3A_231 = tpu.vector_load %arg11[%get3A_229, %get3A_230] {strides = array<i32>} : memref<200x32xf32, #tpu.memory_space<vmem>>, vector<1x16xf32>,
        %get3A_232 = vector.shape_cast %get3A_231 : vector<1x16xf32> to vector<16xf32>
        %add3A_233 = arith.addf %get3A_228, %get3A_232 : vector<16xf32>
        %swap3A_234 = arith.index_cast %add3A_204 : i32 to index
        %swap3A_235 = arith.constant 16 : index
        %swap3A_236 = tpu.vector_load %arg10[%swap3A_234, %swap3A_235] {strides = array<i32>} : memref<200x32xf32, #tpu.memory_space<vmem>>, vector<1x16xf32>,
        %swap3A_237 = vector.shape_cast %swap3A_236 : vector<1x16xf32> to vector<16xf32>
        %swap3A_238 = vector.shape_cast %add3A_233 : vector<16xf32> to vector<1x16xf32>
        tpu.vector_store %arg10[%swap3A_234, %swap3A_235], %swap3A_238 {strides = array<i32>} : memref<200x32xf32, #tpu.memory_space<vmem>>, vector<1x16xf32>,
        %add3A_239 = arith.constant 3 : i32
        %add3A_240 = arith.addi %add3A_131, %add3A_239 : i32
        %slice3A_241 = vector.extract_strided_slice %get3A_133 {offsets = [3], sizes = [1], strides = [1]} : vector<16xi32> to vector<1xi32>
        %squeeze3A_242 = vector.extract %slice3A_241[0] : i32 from vector<1xi32>
        %add3A_243 = arith.constant 0 : i32
        %add3A_244 = arith.addi %squeeze3A_242, %add3A_243 : i32
        %get3A_245 = arith.index_cast %add3A_240 : i32 to index
        %get3A_246 = arith.index_cast %add3A_244 : i32 to index
        %get3A_247 = tpu.vector_load %arg9[%get3A_245, %get3A_246] {strides = array<i32>} : memref<200x128xf32, #tpu.memory_space<vmem>>, vector<1x16xf32>,
        %get3A_248 = vector.shape_cast %get3A_247 : vector<1x16xf32> to vector<16xf32>
        %get3A_249 = arith.index_cast %add3A_240 : i32 to index
        %get3A_250 = arith.constant 0 : index
        %get3A_251 = tpu.vector_load %arg11[%get3A_249, %get3A_250] {strides = array<i32>} : memref<200x32xf32, #tpu.memory_space<vmem>>, vector<1x16xf32>,
        %get3A_252 = vector.shape_cast %get3A_251 : vector<1x16xf32> to vector<16xf32>
        %add3A_253 = arith.addf %get3A_248, %get3A_252 : vector<16xf32>
        %swap3A_254 = arith.index_cast %add3A_240 : i32 to index
        %swap3A_255 = arith.constant 0 : index
        %swap3A_256 = tpu.vector_load %arg10[%swap3A_254, %swap3A_255] {strides = array<i32>} : memref<200x32xf32, #tpu.memory_space<vmem>>, vector<1x16xf32>,
        %swap3A_257 = vector.shape_cast %swap3A_256 : vector<1x16xf32> to vector<16xf32>
        %swap3A_258 = vector.shape_cast %add3A_253 : vector<16xf32> to vector<1x16xf32>
        tpu.vector_store %arg10[%swap3A_254, %swap3A_255], %swap3A_258 {strides = array<i32>} : memref<200x32xf32, #tpu.memory_space<vmem>>, vector<1x16xf32>,
        %add3A_259 = arith.constant 16 : i32
        %add3A_260 = arith.addi %squeeze3A_242, %add3A_259 : i32
        %get3A_261 = arith.index_cast %add3A_240 : i32 to index
        %get3A_262 = arith.index_cast %add3A_260 : i32 to index
        %get3A_263 = tpu.vector_load %arg9[%get3A_261, %get3A_262] {strides = array<i32>} : memref<200x128xf32, #tpu.memory_space<vmem>>, vector<1x16xf32>,
        %get3A_264 = vector.shape_cast %get3A_263 : vector<1x16xf32> to vector<16xf32>
        %get3A_265 = arith.index_cast %add3A_240 : i32 to index
        %get3A_266 = arith.constant 16 : index
        %get3A_267 = tpu.vector_load %arg11[%get3A_265, %get3A_266] {strides = array<i32>} : memref<200x32xf32, #tpu.memory_space<vmem>>, vector<1x16xf32>,
        %get3A_268 = vector.shape_cast %get3A_267 : vector<1x16xf32> to vector<16xf32>
        %add3A_269 = arith.addf %get3A_264, %get3A_268 : vector<16xf32>
        %swap3A_270 = arith.index_cast %add3A_240 : i32 to index
        %swap3A_271 = arith.constant 16 : index
        %swap3A_272 = tpu.vector_load %arg10[%swap3A_270, %swap3A_271] {strides = array<i32>} : memref<200x32xf32, #tpu.memory_space<vmem>>, vector<1x16xf32>,
        %swap3A_273 = vector.shape_cast %swap3A_272 : vector<1x16xf32> to vector<16xf32>
        %swap3A_274 = vector.shape_cast %add3A_269 : vector<16xf32> to vector<1x16xf32>
        tpu.vector_store %arg10[%swap3A_270, %swap3A_271], %swap3A_274 {strides = array<i32>} : memref<200x32xf32, #tpu.memory_space<vmem>>, vector<1x16xf32>,
        %add3A_275 = arith.constant 4 : i32
        %add3A_276 = arith.addi %add3A_131, %add3A_275 : i32
        %slice3A_277 = vector.extract_strided_slice %get3A_133 {offsets = [4], sizes = [1], strides = [1]} : vector<16xi32> to vector<1xi32>
        %squeeze3A_278 = vector.extract %slice3A_277[0] : i32 from vector<1xi32>
        %add3A_279 = arith.constant 0 : i32
        %add3A_280 = arith.addi %squeeze3A_278, %add3A_279 : i32
        %get3A_281 = arith.index_cast %add3A_276 : i32 to index
        %get3A_282 = arith.index_cast %add3A_280 : i32 to index
        %get3A_283 = tpu.vector_load %arg9[%get3A_281, %get3A_282] {strides = array<i32>} : memref<200x128xf32, #tpu.memory_space<vmem>>, vector<1x16xf32>,
        %get3A_284 = vector.shape_cast %get3A_283 : vector<1x16xf32> to vector<16xf32>
        %get3A_285 = arith.index_cast %add3A_276 : i32 to index
        %get3A_286 = arith.constant 0 : index
        %get3A_287 = tpu.vector_load %arg11[%get3A_285, %get3A_286] {strides = array<i32>} : memref<200x32xf32, #tpu.memory_space<vmem>>, vector<1x16xf32>,
        %get3A_288 = vector.shape_cast %get3A_287 : vector<1x16xf32> to vector<16xf32>
        %add3A_289 = arith.addf %get3A_284, %get3A_288 : vector<16xf32>
        %swap3A_290 = arith.index_cast %add3A_276 : i32 to index
        %swap3A_291 = arith.constant 0 : index
        %swap3A_292 = tpu.vector_load %arg10[%swap3A_290, %swap3A_291] {strides = array<i32>} : memref<200x32xf32, #tpu.memory_space<vmem>>, vector<1x16xf32>,
        %swap3A_293 = vector.shape_cast %swap3A_292 : vector<1x16xf32> to vector<16xf32>
        %swap3A_294 = vector.shape_cast %add3A_289 : vector<16xf32> to vector<1x16xf32>
        tpu.vector_store %arg10[%swap3A_290, %swap3A_291], %swap3A_294 {strides = array<i32>} : memref<200x32xf32, #tpu.memory_space<vmem>>, vector<1x16xf32>,
        %add3A_295 = arith.constant 16 : i32
        %add3A_296 = arith.addi %squeeze3A_278, %add3A_295 : i32
        %get3A_297 = arith.index_cast %add3A_276 : i32 to index
        %get3A_298 = arith.index_cast %add3A_296 : i32 to index
        %get3A_299 = tpu.vector_load %arg9[%get3A_297, %get3A_298] {strides = array<i32>} : memref<200x128xf32, #tpu.memory_space<vmem>>, vector<1x16xf32>,
        %get3A_300 = vector.shape_cast %get3A_299 : vector<1x16xf32> to vector<16xf32>
        %get3A_301 = arith.index_cast %add3A_276 : i32 to index
        %get3A_302 = arith.constant 16 : index
        %get3A_303 = tpu.vector_load %arg11[%get3A_301, %get3A_302] {strides = array<i32>} : memref<200x32xf32, #tpu.memory_space<vmem>>, vector<1x16xf32>,
        %get3A_304 = vector.shape_cast %get3A_303 : vector<1x16xf32> to vector<16xf32>
        %add3A_305 = arith.addf %get3A_300, %get3A_304 : vector<16xf32>
        %swap3A_306 = arith.index_cast %add3A_276 : i32 to index
        %swap3A_307 = arith.constant 16 : index
        %swap3A_308 = tpu.vector_load %arg10[%swap3A_306, %swap3A_307] {strides = array<i32>} : memref<200x32xf32, #tpu.memory_space<vmem>>, vector<1x16xf32>,
        %swap3A_309 = vector.shape_cast %swap3A_308 : vector<1x16xf32> to vector<16xf32>
        %swap3A_310 = vector.shape_cast %add3A_305 : vector<16xf32> to vector<1x16xf32>
        tpu.vector_store %arg10[%swap3A_306, %swap3A_307], %swap3A_310 {strides = array<i32>} : memref<200x32xf32, #tpu.memory_space<vmem>>, vector<1x16xf32>,
        %add3A_311 = arith.constant 5 : i32
        %add3A_312 = arith.addi %add3A_131, %add3A_311 : i32
        %slice3A_313 = vector.extract_strided_slice %get3A_133 {offsets = [5], sizes = [1], strides = [1]} : vector<16xi32> to vector<1xi32>
        %squeeze3A_314 = vector.extract %slice3A_313[0] : i32 from vector<1xi32>
        %add3A_315 = arith.constant 0 : i32
        %add3A_316 = arith.addi %squeeze3A_314, %add3A_315 : i32
        %get3A_317 = arith.index_cast %add3A_312 : i32 to index
        %get3A_318 = arith.index_cast %add3A_316 : i32 to index
        %get3A_319 = tpu.vector_load %arg9[%get3A_317, %get3A_318] {strides = array<i32>} : memref<200x128xf32, #tpu.memory_space<vmem>>, vector<1x16xf32>,
        %get3A_320 = vector.shape_cast %get3A_319 : vector<1x16xf32> to vector<16xf32>
        %get3A_321 = arith.index_cast %add3A_312 : i32 to index
        %get3A_322 = arith.constant 0 : index
        %get3A_323 = tpu.vector_load %arg11[%get3A_321, %get3A_322] {strides = array<i32>} : memref<200x32xf32, #tpu.memory_space<vmem>>, vector<1x16xf32>,
        %get3A_324 = vector.shape_cast %get3A_323 : vector<1x16xf32> to vector<16xf32>
        %add3A_325 = arith.addf %get3A_320, %get3A_324 : vector<16xf32>
        %swap3A_326 = arith.index_cast %add3A_312 : i32 to index
        %swap3A_327 = arith.constant 0 : index
        %swap3A_328 = tpu.vector_load %arg10[%swap3A_326, %swap3A_327] {strides = array<i32>} : memref<200x32xf32, #tpu.memory_space<vmem>>, vector<1x16xf32>,
        %swap3A_329 = vector.shape_cast %swap3A_328 : vector<1x16xf32> to vector<16xf32>
        %swap3A_330 = vector.shape_cast %add3A_325 : vector<16xf32> to vector<1x16xf32>
        tpu.vector_store %arg10[%swap3A_326, %swap3A_327], %swap3A_330 {strides = array<i32>} : memref<200x32xf32, #tpu.memory_space<vmem>>, vector<1x16xf32>,
        %add3A_331 = arith.constant 16 : i32
        %add3A_332 = arith.addi %squeeze3A_314, %add3A_331 : i32
        %get3A_333 = arith.index_cast %add3A_312 : i32 to index
        %get3A_334 = arith.index_cast %add3A_332 : i32 to index
        %get3A_335 = tpu.vector_load %arg9[%get3A_333, %get3A_334] {strides = array<i32>} : memref<200x128xf32, #tpu.memory_space<vmem>>, vector<1x16xf32>,
        %get3A_336 = vector.shape_cast %get3A_335 : vector<1x16xf32> to vector<16xf32>
        %get3A_337 = arith.index_cast %add3A_312 : i32 to index
        %get3A_338 = arith.constant 16 : index
        %get3A_339 = tpu.vector_load %arg11[%get3A_337, %get3A_338] {strides = array<i32>} : memref<200x32xf32, #tpu.memory_space<vmem>>, vector<1x16xf32>,
        %get3A_340 = vector.shape_cast %get3A_339 : vector<1x16xf32> to vector<16xf32>
        %add3A_341 = arith.addf %get3A_336, %get3A_340 : vector<16xf32>
        %swap3A_342 = arith.index_cast %add3A_312 : i32 to index
        %swap3A_343 = arith.constant 16 : index
        %swap3A_344 = tpu.vector_load %arg10[%swap3A_342, %swap3A_343] {strides = array<i32>} : memref<200x32xf32, #tpu.memory_space<vmem>>, vector<1x16xf32>,
        %swap3A_345 = vector.shape_cast %swap3A_344 : vector<1x16xf32> to vector<16xf32>
        %swap3A_346 = vector.shape_cast %add3A_341 : vector<16xf32> to vector<1x16xf32>
        tpu.vector_store %arg10[%swap3A_342, %swap3A_343], %swap3A_346 {strides = array<i32>} : memref<200x32xf32, #tpu.memory_space<vmem>>, vector<1x16xf32>,
        %add3A_347 = arith.constant 6 : i32
        %add3A_348 = arith.addi %add3A_131, %add3A_347 : i32
        %slice3A_349 = vector.extract_strided_slice %get3A_133 {offsets = [6], sizes = [1], strides = [1]} : vector<16xi32> to vector<1xi32>
        %squeeze3A_350 = vector.extract %slice3A_349[0] : i32 from vector<1xi32>
        %add3A_351 = arith.constant 0 : i32
        %add3A_352 = arith.addi %squeeze3A_350, %add3A_351 : i32
        %get3A_353 = arith.index_cast %add3A_348 : i32 to index
        %get3A_354 = arith.index_cast %add3A_352 : i32 to index
        %get3A_355 = tpu.vector_load %arg9[%get3A_353, %get3A_354] {strides = array<i32>} : memref<200x128xf32, #tpu.memory_space<vmem>>, vector<1x16xf32>,
        %get3A_356 = vector.shape_cast %get3A_355 : vector<1x16xf32> to vector<16xf32>
        %get3A_357 = arith.index_cast %add3A_348 : i32 to index
        %get3A_358 = arith.constant 0 : index
        %get3A_359 = tpu.vector_load %arg11[%get3A_357, %get3A_358] {strides = array<i32>} : memref<200x32xf32, #tpu.memory_space<vmem>>, vector<1x16xf32>,
        %get3A_360 = vector.shape_cast %get3A_359 : vector<1x16xf32> to vector<16xf32>
        %add3A_361 = arith.addf %get3A_356, %get3A_360 : vector<16xf32>
        %swap3A_362 = arith.index_cast %add3A_348 : i32 to index
        %swap3A_363 = arith.constant 0 : index
        %swap3A_364 = tpu.vector_load %arg10[%swap3A_362, %swap3A_363] {strides = array<i32>} : memref<200x32xf32, #tpu.memory_space<vmem>>, vector<1x16xf32>,
        %swap3A_365 = vector.shape_cast %swap3A_364 : vector<1x16xf32> to vector<16xf32>
        %swap3A_366 = vector.shape_cast %add3A_361 : vector<16xf32> to vector<1x16xf32>
        tpu.vector_store %arg10[%swap3A_362, %swap3A_363], %swap3A_366 {strides = array<i32>} : memref<200x32xf32, #tpu.memory_space<vmem>>, vector<1x16xf32>,
        %add3A_367 = arith.constant 16 : i32
        %add3A_368 = arith.addi %squeeze3A_350, %add3A_367 : i32
        %get3A_369 = arith.index_cast %add3A_348 : i32 to index
        %get3A_370 = arith.index_cast %add3A_368 : i32 to index
        %get3A_371 = tpu.vector_load %arg9[%get3A_369, %get3A_370] {strides = array<i32>} : memref<200x128xf32, #tpu.memory_space<vmem>>, vector<1x16xf32>,
        %get3A_372 = vector.shape_cast %get3A_371 : vector<1x16xf32> to vector<16xf32>
        %get3A_373 = arith.index_cast %add3A_348 : i32 to index
        %get3A_374 = arith.constant 16 : index
        %get3A_375 = tpu.vector_load %arg11[%get3A_373, %get3A_374] {strides = array<i32>} : memref<200x32xf32, #tpu.memory_space<vmem>>, vector<1x16xf32>,
        %get3A_376 = vector.shape_cast %get3A_375 : vector<1x16xf32> to vector<16xf32>
        %add3A_377 = arith.addf %get3A_372, %get3A_376 : vector<16xf32>
        %swap3A_378 = arith.index_cast %add3A_348 : i32 to index
        %swap3A_379 = arith.constant 16 : index
        %swap3A_380 = tpu.vector_load %arg10[%swap3A_378, %swap3A_379] {strides = array<i32>} : memref<200x32xf32, #tpu.memory_space<vmem>>, vector<1x16xf32>,
        %swap3A_381 = vector.shape_cast %swap3A_380 : vector<1x16xf32> to vector<16xf32>
        %swap3A_382 = vector.shape_cast %add3A_377 : vector<16xf32> to vector<1x16xf32>
        tpu.vector_store %arg10[%swap3A_378, %swap3A_379], %swap3A_382 {strides = array<i32>} : memref<200x32xf32, #tpu.memory_space<vmem>>, vector<1x16xf32>,
        %add3A_383 = arith.constant 7 : i32
        %add3A_384 = arith.addi %add3A_131, %add3A_383 : i32
        %slice3A_385 = vector.extract_strided_slice %get3A_133 {offsets = [7], sizes = [1], strides = [1]} : vector<16xi32> to vector<1xi32>
        %squeeze3A_386 = vector.extract %slice3A_385[0] : i32 from vector<1xi32>
        %add3A_387 = arith.constant 0 : i32
        %add3A_388 = arith.addi %squeeze3A_386, %add3A_387 : i32
        %get3A_389 = arith.index_cast %add3A_384 : i32 to index
        %get3A_390 = arith.index_cast %add3A_388 : i32 to index
        %get3A_391 = tpu.vector_load %arg9[%get3A_389, %get3A_390] {strides = array<i32>} : memref<200x128xf32, #tpu.memory_space<vmem>>, vector<1x16xf32>,
        %get3A_392 = vector.shape_cast %get3A_391 : vector<1x16xf32> to vector<16xf32>
        %get3A_393 = arith.index_cast %add3A_384 : i32 to index
        %get3A_394 = arith.constant 0 : index
        %get3A_395 = tpu.vector_load %arg11[%get3A_393, %get3A_394] {strides = array<i32>} : memref<200x32xf32, #tpu.memory_space<vmem>>, vector<1x16xf32>,
        %get3A_396 = vector.shape_cast %get3A_395 : vector<1x16xf32> to vector<16xf32>
        %add3A_397 = arith.addf %get3A_392, %get3A_396 : vector<16xf32>
        %swap3A_398 = arith.index_cast %add3A_384 : i32 to index
        %swap3A_399 = arith.constant 0 : index
        %swap3A_400 = tpu.vector_load %arg10[%swap3A_398, %swap3A_399] {strides = array<i32>} : memref<200x32xf32, #tpu.memory_space<vmem>>, vector<1x16xf32>,
        %swap3A_401 = vector.shape_cast %swap3A_400 : vector<1x16xf32> to vector<16xf32>
        %swap3A_402 = vector.shape_cast %add3A_397 : vector<16xf32> to vector<1x16xf32>
        tpu.vector_store %arg10[%swap3A_398, %swap3A_399], %swap3A_402 {strides = array<i32>} : memref<200x32xf32, #tpu.memory_space<vmem>>, vector<1x16xf32>,
        %add3A_403 = arith.constant 16 : i32
        %add3A_404 = arith.addi %squeeze3A_386, %add3A_403 : i32
        %get3A_405 = arith.index_cast %add3A_384 : i32 to index
        %get3A_406 = arith.index_cast %add3A_404 : i32 to index
        %get3A_407 = tpu.vector_load %arg9[%get3A_405, %get3A_406] {strides = array<i32>} : memref<200x128xf32, #tpu.memory_space<vmem>>, vector<1x16xf32>,
        %get3A_408 = vector.shape_cast %get3A_407 : vector<1x16xf32> to vector<16xf32>
        %get3A_409 = arith.index_cast %add3A_384 : i32 to index
        %get3A_410 = arith.constant 16 : index
        %get3A_411 = tpu.vector_load %arg11[%get3A_409, %get3A_410] {strides = array<i32>} : memref<200x32xf32, #tpu.memory_space<vmem>>, vector<1x16xf32>,
        %get3A_412 = vector.shape_cast %get3A_411 : vector<1x16xf32> to vector<16xf32>
        %add3A_413 = arith.addf %get3A_408, %get3A_412 : vector<16xf32>
        %swap3A_414 = arith.index_cast %add3A_384 : i32 to index
        %swap3A_415 = arith.constant 16 : index
        %swap3A_416 = tpu.vector_load %arg10[%swap3A_414, %swap3A_415] {strides = array<i32>} : memref<200x32xf32, #tpu.memory_space<vmem>>, vector<1x16xf32>,
        %swap3A_417 = vector.shape_cast %swap3A_416 : vector<1x16xf32> to vector<16xf32>
        %swap3A_418 = vector.shape_cast %add3A_413 : vector<16xf32> to vector<1x16xf32>
        tpu.vector_store %arg10[%swap3A_414, %swap3A_415], %swap3A_418 {strides = array<i32>} : memref<200x32xf32, #tpu.memory_space<vmem>>, vector<1x16xf32>,
        %add3A_419 = arith.constant 8 : i32
        %add3A_420 = arith.addi %add3A_131, %add3A_419 : i32
        %slice3A_421 = vector.extract_strided_slice %get3A_133 {offsets = [8], sizes = [1], strides = [1]} : vector<16xi32> to vector<1xi32>
        %squeeze3A_422 = vector.extract %slice3A_421[0] : i32 from vector<1xi32>
        %add3A_423 = arith.constant 0 : i32
        %add3A_424 = arith.addi %squeeze3A_422, %add3A_423 : i32
        %get3A_425 = arith.index_cast %add3A_420 : i32 to index
        %get3A_426 = arith.index_cast %add3A_424 : i32 to index
        %get3A_427 = tpu.vector_load %arg9[%get3A_425, %get3A_426] {strides = array<i32>} : memref<200x128xf32, #tpu.memory_space<vmem>>, vector<1x16xf32>,
        %get3A_428 = vector.shape_cast %get3A_427 : vector<1x16xf32> to vector<16xf32>
        %get3A_429 = arith.index_cast %add3A_420 : i32 to index
        %get3A_430 = arith.constant 0 : index
        %get3A_431 = tpu.vector_load %arg11[%get3A_429, %get3A_430] {strides = array<i32>} : memref<200x32xf32, #tpu.memory_space<vmem>>, vector<1x16xf32>,
        %get3A_432 = vector.shape_cast %get3A_431 : vector<1x16xf32> to vector<16xf32>
        %add3A_433 = arith.addf %get3A_428, %get3A_432 : vector<16xf32>
        %swap3A_434 = arith.index_cast %add3A_420 : i32 to index
        %swap3A_435 = arith.constant 0 : index
        %swap3A_436 = tpu.vector_load %arg10[%swap3A_434, %swap3A_435] {strides = array<i32>} : memref<200x32xf32, #tpu.memory_space<vmem>>, vector<1x16xf32>,
        %swap3A_437 = vector.shape_cast %swap3A_436 : vector<1x16xf32> to vector<16xf32>
        %swap3A_438 = vector.shape_cast %add3A_433 : vector<16xf32> to vector<1x16xf32>
        tpu.vector_store %arg10[%swap3A_434, %swap3A_435], %swap3A_438 {strides = array<i32>} : memref<200x32xf32, #tpu.memory_space<vmem>>, vector<1x16xf32>,
        %add3A_439 = arith.constant 16 : i32
        %add3A_440 = arith.addi %squeeze3A_422, %add3A_439 : i32
        %get3A_441 = arith.index_cast %add3A_420 : i32 to index
        %get3A_442 = arith.index_cast %add3A_440 : i32 to index
        %get3A_443 = tpu.vector_load %arg9[%get3A_441, %get3A_442] {strides = array<i32>} : memref<200x128xf32, #tpu.memory_space<vmem>>, vector<1x16xf32>,
        %get3A_444 = vector.shape_cast %get3A_443 : vector<1x16xf32> to vector<16xf32>
        %get3A_445 = arith.index_cast %add3A_420 : i32 to index
        %get3A_446 = arith.constant 16 : index
        %get3A_447 = tpu.vector_load %arg11[%get3A_445, %get3A_446] {strides = array<i32>} : memref<200x32xf32, #tpu.memory_space<vmem>>, vector<1x16xf32>,
        %get3A_448 = vector.shape_cast %get3A_447 : vector<1x16xf32> to vector<16xf32>
        %add3A_449 = arith.addf %get3A_444, %get3A_448 : vector<16xf32>
        %swap3A_450 = arith.index_cast %add3A_420 : i32 to index
        %swap3A_451 = arith.constant 16 : index
        %swap3A_452 = tpu.vector_load %arg10[%swap3A_450, %swap3A_451] {strides = array<i32>} : memref<200x32xf32, #tpu.memory_space<vmem>>, vector<1x16xf32>,
        %swap3A_453 = vector.shape_cast %swap3A_452 : vector<1x16xf32> to vector<16xf32>
        %swap3A_454 = vector.shape_cast %add3A_449 : vector<16xf32> to vector<1x16xf32>
        tpu.vector_store %arg10[%swap3A_450, %swap3A_451], %swap3A_454 {strides = array<i32>} : memref<200x32xf32, #tpu.memory_space<vmem>>, vector<1x16xf32>,
        %add3A_455 = arith.constant 9 : i32
        %add3A_456 = arith.addi %add3A_131, %add3A_455 : i32
        %slice3A_457 = vector.extract_strided_slice %get3A_133 {offsets = [9], sizes = [1], strides = [1]} : vector<16xi32> to vector<1xi32>
        %squeeze3A_458 = vector.extract %slice3A_457[0] : i32 from vector<1xi32>
        %add3A_459 = arith.constant 0 : i32
        %add3A_460 = arith.addi %squeeze3A_458, %add3A_459 : i32
        %get3A_461 = arith.index_cast %add3A_456 : i32 to index
        %get3A_462 = arith.index_cast %add3A_460 : i32 to index
        %get3A_463 = tpu.vector_load %arg9[%get3A_461, %get3A_462] {strides = array<i32>} : memref<200x128xf32, #tpu.memory_space<vmem>>, vector<1x16xf32>,
        %get3A_464 = vector.shape_cast %get3A_463 : vector<1x16xf32> to vector<16xf32>
        %get3A_465 = arith.index_cast %add3A_456 : i32 to index
        %get3A_466 = arith.constant 0 : index
        %get3A_467 = tpu.vector_load %arg11[%get3A_465, %get3A_466] {strides = array<i32>} : memref<200x32xf32, #tpu.memory_space<vmem>>, vector<1x16xf32>,
        %get3A_468 = vector.shape_cast %get3A_467 : vector<1x16xf32> to vector<16xf32>
        %add3A_469 = arith.addf %get3A_464, %get3A_468 : vector<16xf32>
        %swap3A_470 = arith.index_cast %add3A_456 : i32 to index
        %swap3A_471 = arith.constant 0 : index
        %swap3A_472 = tpu.vector_load %arg10[%swap3A_470, %swap3A_471] {strides = array<i32>} : memref<200x32xf32, #tpu.memory_space<vmem>>, vector<1x16xf32>,
        %swap3A_473 = vector.shape_cast %swap3A_472 : vector<1x16xf32> to vector<16xf32>
        %swap3A_474 = vector.shape_cast %add3A_469 : vector<16xf32> to vector<1x16xf32>
        tpu.vector_store %arg10[%swap3A_470, %swap3A_471], %swap3A_474 {strides = array<i32>} : memref<200x32xf32, #tpu.memory_space<vmem>>, vector<1x16xf32>,
        %add3A_475 = arith.constant 16 : i32
        %add3A_476 = arith.addi %squeeze3A_458, %add3A_475 : i32
        %get3A_477 = arith.index_cast %add3A_456 : i32 to index
        %get3A_478 = arith.index_cast %add3A_476 : i32 to index
        %get3A_479 = tpu.vector_load %arg9[%get3A_477, %get3A_478] {strides = array<i32>} : memref<200x128xf32, #tpu.memory_space<vmem>>, vector<1x16xf32>,
        %get3A_480 = vector.shape_cast %get3A_479 : vector<1x16xf32> to vector<16xf32>
        %get3A_481 = arith.index_cast %add3A_456 : i32 to index
        %get3A_482 = arith.constant 16 : index
        %get3A_483 = tpu.vector_load %arg11[%get3A_481, %get3A_482] {strides = array<i32>} : memref<200x32xf32, #tpu.memory_space<vmem>>, vector<1x16xf32>,
        %get3A_484 = vector.shape_cast %get3A_483 : vector<1x16xf32> to vector<16xf32>
        %add3A_485 = arith.addf %get3A_480, %get3A_484 : vector<16xf32>
        %swap3A_486 = arith.index_cast %add3A_456 : i32 to index
        %swap3A_487 = arith.constant 16 : index
        %swap3A_488 = tpu.vector_load %arg10[%swap3A_486, %swap3A_487] {strides = array<i32>} : memref<200x32xf32, #tpu.memory_space<vmem>>, vector<1x16xf32>,
        %swap3A_489 = vector.shape_cast %swap3A_488 : vector<1x16xf32> to vector<16xf32>
        %swap3A_490 = vector.shape_cast %add3A_485 : vector<16xf32> to vector<1x16xf32>
        tpu.vector_store %arg10[%swap3A_486, %swap3A_487], %swap3A_490 {strides = array<i32>} : memref<200x32xf32, #tpu.memory_space<vmem>>, vector<1x16xf32>,
        %add3A_491 = arith.constant 10 : i32
        %add3A_492 = arith.addi %add3A_131, %add3A_491 : i32
        %slice3A_493 = vector.extract_strided_slice %get3A_133 {offsets = [10], sizes = [1], strides = [1]} : vector<16xi32> to vector<1xi32>
        %squeeze3A_494 = vector.extract %slice3A_493[0] : i32 from vector<1xi32>
        %add3A_495 = arith.constant 0 : i32
        %add3A_496 = arith.addi %squeeze3A_494, %add3A_495 : i32
        %get3A_497 = arith.index_cast %add3A_492 : i32 to index
        %get3A_498 = arith.index_cast %add3A_496 : i32 to index
        %get3A_499 = tpu.vector_load %arg9[%get3A_497, %get3A_498] {strides = array<i32>} : memref<200x128xf32, #tpu.memory_space<vmem>>, vector<1x16xf32>,
        %get3A_500 = vector.shape_cast %get3A_499 : vector<1x16xf32> to vector<16xf32>
        %get3A_501 = arith.index_cast %add3A_492 : i32 to index
        %get3A_502 = arith.constant 0 : index
        %get3A_503 = tpu.vector_load %arg11[%get3A_501, %get3A_502] {strides = array<i32>} : memref<200x32xf32, #tpu.memory_space<vmem>>, vector<1x16xf32>,
        %get3A_504 = vector.shape_cast %get3A_503 : vector<1x16xf32> to vector<16xf32>
        %add3A_505 = arith.addf %get3A_500, %get3A_504 : vector<16xf32>
        %swap3A_506 = arith.index_cast %add3A_492 : i32 to index
        %swap3A_507 = arith.constant 0 : index
        %swap3A_508 = tpu.vector_load %arg10[%swap3A_506, %swap3A_507] {strides = array<i32>} : memref<200x32xf32, #tpu.memory_space<vmem>>, vector<1x16xf32>,
        %swap3A_509 = vector.shape_cast %swap3A_508 : vector<1x16xf32> to vector<16xf32>
        %swap3A_510 = vector.shape_cast %add3A_505 : vector<16xf32> to vector<1x16xf32>
        tpu.vector_store %arg10[%swap3A_506, %swap3A_507], %swap3A_510 {strides = array<i32>} : memref<200x32xf32, #tpu.memory_space<vmem>>, vector<1x16xf32>,
        %add3A_511 = arith.constant 16 : i32
        %add3A_512 = arith.addi %squeeze3A_494, %add3A_511 : i32
        %get3A_513 = arith.index_cast %add3A_492 : i32 to index
        %get3A_514 = arith.index_cast %add3A_512 : i32 to index
        %get3A_515 = tpu.vector_load %arg9[%get3A_513, %get3A_514] {strides = array<i32>} : memref<200x128xf32, #tpu.memory_space<vmem>>, vector<1x16xf32>,
        %get3A_516 = vector.shape_cast %get3A_515 : vector<1x16xf32> to vector<16xf32>
        %get3A_517 = arith.index_cast %add3A_492 : i32 to index
        %get3A_518 = arith.constant 16 : index
        %get3A_519 = tpu.vector_load %arg11[%get3A_517, %get3A_518] {strides = array<i32>} : memref<200x32xf32, #tpu.memory_space<vmem>>, vector<1x16xf32>,
        %get3A_520 = vector.shape_cast %get3A_519 : vector<1x16xf32> to vector<16xf32>
        %add3A_521 = arith.addf %get3A_516, %get3A_520 : vector<16xf32>
        %swap3A_522 = arith.index_cast %add3A_492 : i32 to index
        %swap3A_523 = arith.constant 16 : index
        %swap3A_524 = tpu.vector_load %arg10[%swap3A_522, %swap3A_523] {strides = array<i32>} : memref<200x32xf32, #tpu.memory_space<vmem>>, vector<1x16xf32>,
        %swap3A_525 = vector.shape_cast %swap3A_524 : vector<1x16xf32> to vector<16xf32>
        %swap3A_526 = vector.shape_cast %add3A_521 : vector<16xf32> to vector<1x16xf32>
        tpu.vector_store %arg10[%swap3A_522, %swap3A_523], %swap3A_526 {strides = array<i32>} : memref<200x32xf32, #tpu.memory_space<vmem>>, vector<1x16xf32>,
        %add3A_527 = arith.constant 11 : i32
        %add3A_528 = arith.addi %add3A_131, %add3A_527 : i32
        %slice3A_529 = vector.extract_strided_slice %get3A_133 {offsets = [11], sizes = [1], strides = [1]} : vector<16xi32> to vector<1xi32>
        %squeeze3A_530 = vector.extract %slice3A_529[0] : i32 from vector<1xi32>
        %add3A_531 = arith.constant 0 : i32
        %add3A_532 = arith.addi %squeeze3A_530, %add3A_531 : i32
        %get3A_533 = arith.index_cast %add3A_528 : i32 to index
        %get3A_534 = arith.index_cast %add3A_532 : i32 to index
        %get3A_535 = tpu.vector_load %arg9[%get3A_533, %get3A_534] {strides = array<i32>} : memref<200x128xf32, #tpu.memory_space<vmem>>, vector<1x16xf32>,
        %get3A_536 = vector.shape_cast %get3A_535 : vector<1x16xf32> to vector<16xf32>
        %get3A_537 = arith.index_cast %add3A_528 : i32 to index
        %get3A_538 = arith.constant 0 : index
        %get3A_539 = tpu.vector_load %arg11[%get3A_537, %get3A_538] {strides = array<i32>} : memref<200x32xf32, #tpu.memory_space<vmem>>, vector<1x16xf32>,
        %get3A_540 = vector.shape_cast %get3A_539 : vector<1x16xf32> to vector<16xf32>
        %add3A_541 = arith.addf %get3A_536, %get3A_540 : vector<16xf32>
        %swap3A_542 = arith.index_cast %add3A_528 : i32 to index
        %swap3A_543 = arith.constant 0 : index
        %swap3A_544 = tpu.vector_load %arg10[%swap3A_542, %swap3A_543] {strides = array<i32>} : memref<200x32xf32, #tpu.memory_space<vmem>>, vector<1x16xf32>,
        %swap3A_545 = vector.shape_cast %swap3A_544 : vector<1x16xf32> to vector<16xf32>
        %swap3A_546 = vector.shape_cast %add3A_541 : vector<16xf32> to vector<1x16xf32>
        tpu.vector_store %arg10[%swap3A_542, %swap3A_543], %swap3A_546 {strides = array<i32>} : memref<200x32xf32, #tpu.memory_space<vmem>>, vector<1x16xf32>,
        %add3A_547 = arith.constant 16 : i32
        %add3A_548 = arith.addi %squeeze3A_530, %add3A_547 : i32
        %get3A_549 = arith.index_cast %add3A_528 : i32 to index
        %get3A_550 = arith.index_cast %add3A_548 : i32 to index
        %get3A_551 = tpu.vector_load %arg9[%get3A_549, %get3A_550] {strides = array<i32>} : memref<200x128xf32, #tpu.memory_space<vmem>>, vector<1x16xf32>,
        %get3A_552 = vector.shape_cast %get3A_551 : vector<1x16xf32> to vector<16xf32>
        %get3A_553 = arith.index_cast %add3A_528 : i32 to index
        %get3A_554 = arith.constant 16 : index
        %get3A_555 = tpu.vector_load %arg11[%get3A_553, %get3A_554] {strides = array<i32>} : memref<200x32xf32, #tpu.memory_space<vmem>>, vector<1x16xf32>,
        %get3A_556 = vector.shape_cast %get3A_555 : vector<1x16xf32> to vector<16xf32>
        %add3A_557 = arith.addf %get3A_552, %get3A_556 : vector<16xf32>
        %swap3A_558 = arith.index_cast %add3A_528 : i32 to index
        %swap3A_559 = arith.constant 16 : index
        %swap3A_560 = tpu.vector_load %arg10[%swap3A_558, %swap3A_559] {strides = array<i32>} : memref<200x32xf32, #tpu.memory_space<vmem>>, vector<1x16xf32>,
        %swap3A_561 = vector.shape_cast %swap3A_560 : vector<1x16xf32> to vector<16xf32>
        %swap3A_562 = vector.shape_cast %add3A_557 : vector<16xf32> to vector<1x16xf32>
        tpu.vector_store %arg10[%swap3A_558, %swap3A_559], %swap3A_562 {strides = array<i32>} : memref<200x32xf32, #tpu.memory_space<vmem>>, vector<1x16xf32>,
        %add3A_563 = arith.constant 12 : i32
        %add3A_564 = arith.addi %add3A_131, %add3A_563 : i32
        %slice3A_565 = vector.extract_strided_slice %get3A_133 {offsets = [12], sizes = [1], strides = [1]} : vector<16xi32> to vector<1xi32>
        %squeeze3A_566 = vector.extract %slice3A_565[0] : i32 from vector<1xi32>
        %add3A_567 = arith.constant 0 : i32
        %add3A_568 = arith.addi %squeeze3A_566, %add3A_567 : i32
        %get3A_569 = arith.index_cast %add3A_564 : i32 to index
        %get3A_570 = arith.index_cast %add3A_568 : i32 to index
        %get3A_571 = tpu.vector_load %arg9[%get3A_569, %get3A_570] {strides = array<i32>} : memref<200x128xf32, #tpu.memory_space<vmem>>, vector<1x16xf32>,
        %get3A_572 = vector.shape_cast %get3A_571 : vector<1x16xf32> to vector<16xf32>
        %get3A_573 = arith.index_cast %add3A_564 : i32 to index
        %get3A_574 = arith.constant 0 : index
        %get3A_575 = tpu.vector_load %arg11[%get3A_573, %get3A_574] {strides = array<i32>} : memref<200x32xf32, #tpu.memory_space<vmem>>, vector<1x16xf32>,
        %get3A_576 = vector.shape_cast %get3A_575 : vector<1x16xf32> to vector<16xf32>
        %add3A_577 = arith.addf %get3A_572, %get3A_576 : vector<16xf32>
        %swap3A_578 = arith.index_cast %add3A_564 : i32 to index
        %swap3A_579 = arith.constant 0 : index
        %swap3A_580 = tpu.vector_load %arg10[%swap3A_578, %swap3A_579] {strides = array<i32>} : memref<200x32xf32, #tpu.memory_space<vmem>>, vector<1x16xf32>,
        %swap3A_581 = vector.shape_cast %swap3A_580 : vector<1x16xf32> to vector<16xf32>
        %swap3A_582 = vector.shape_cast %add3A_577 : vector<16xf32> to vector<1x16xf32>
        tpu.vector_store %arg10[%swap3A_578, %swap3A_579], %swap3A_582 {strides = array<i32>} : memref<200x32xf32, #tpu.memory_space<vmem>>, vector<1x16xf32>,
        %add3A_583 = arith.constant 16 : i32
        %add3A_584 = arith.addi %squeeze3A_566, %add3A_583 : i32
        %get3A_585 = arith.index_cast %add3A_564 : i32 to index
        %get3A_586 = arith.index_cast %add3A_584 : i32 to index
        %get3A_587 = tpu.vector_load %arg9[%get3A_585, %get3A_586] {strides = array<i32>} : memref<200x128xf32, #tpu.memory_space<vmem>>, vector<1x16xf32>,
        %get3A_588 = vector.shape_cast %get3A_587 : vector<1x16xf32> to vector<16xf32>
        %get3A_589 = arith.index_cast %add3A_564 : i32 to index
        %get3A_590 = arith.constant 16 : index
        %get3A_591 = tpu.vector_load %arg11[%get3A_589, %get3A_590] {strides = array<i32>} : memref<200x32xf32, #tpu.memory_space<vmem>>, vector<1x16xf32>,
        %get3A_592 = vector.shape_cast %get3A_591 : vector<1x16xf32> to vector<16xf32>
        %add3A_593 = arith.addf %get3A_588, %get3A_592 : vector<16xf32>
        %swap3A_594 = arith.index_cast %add3A_564 : i32 to index
        %swap3A_595 = arith.constant 16 : index
        %swap3A_596 = tpu.vector_load %arg10[%swap3A_594, %swap3A_595] {strides = array<i32>} : memref<200x32xf32, #tpu.memory_space<vmem>>, vector<1x16xf32>,
        %swap3A_597 = vector.shape_cast %swap3A_596 : vector<1x16xf32> to vector<16xf32>
        %swap3A_598 = vector.shape_cast %add3A_593 : vector<16xf32> to vector<1x16xf32>
        tpu.vector_store %arg10[%swap3A_594, %swap3A_595], %swap3A_598 {strides = array<i32>} : memref<200x32xf32, #tpu.memory_space<vmem>>, vector<1x16xf32>,
        %add3A_599 = arith.constant 13 : i32
        %add3A_600 = arith.addi %add3A_131, %add3A_599 : i32
        %slice3A_601 = vector.extract_strided_slice %get3A_133 {offsets = [13], sizes = [1], strides = [1]} : vector<16xi32> to vector<1xi32>
        %squeeze3A_602 = vector.extract %slice3A_601[0] : i32 from vector<1xi32>
        %add3A_603 = arith.constant 0 : i32
        %add3A_604 = arith.addi %squeeze3A_602, %add3A_603 : i32
        %get3A_605 = arith.index_cast %add3A_600 : i32 to index
        %get3A_606 = arith.index_cast %add3A_604 : i32 to index
        %get3A_607 = tpu.vector_load %arg9[%get3A_605, %get3A_606] {strides = array<i32>} : memref<200x128xf32, #tpu.memory_space<vmem>>, vector<1x16xf32>,
        %get3A_608 = vector.shape_cast %get3A_607 : vector<1x16xf32> to vector<16xf32>
        %get3A_609 = arith.index_cast %add3A_600 : i32 to index
        %get3A_610 = arith.constant 0 : index
        %get3A_611 = tpu.vector_load %arg11[%get3A_609, %get3A_610] {strides = array<i32>} : memref<200x32xf32, #tpu.memory_space<vmem>>, vector<1x16xf32>,
        %get3A_612 = vector.shape_cast %get3A_611 : vector<1x16xf32> to vector<16xf32>
        %add3A_613 = arith.addf %get3A_608, %get3A_612 : vector<16xf32>
        %swap3A_614 = arith.index_cast %add3A_600 : i32 to index
        %swap3A_615 = arith.constant 0 : index
        %swap3A_616 = tpu.vector_load %arg10[%swap3A_614, %swap3A_615] {strides = array<i32>} : memref<200x32xf32, #tpu.memory_space<vmem>>, vector<1x16xf32>,
        %swap3A_617 = vector.shape_cast %swap3A_616 : vector<1x16xf32> to vector<16xf32>
        %swap3A_618 = vector.shape_cast %add3A_613 : vector<16xf32> to vector<1x16xf32>
        tpu.vector_store %arg10[%swap3A_614, %swap3A_615], %swap3A_618 {strides = array<i32>} : memref<200x32xf32, #tpu.memory_space<vmem>>, vector<1x16xf32>,
        %add3A_619 = arith.constant 16 : i32
        %add3A_620 = arith.addi %squeeze3A_602, %add3A_619 : i32
        %get3A_621 = arith.index_cast %add3A_600 : i32 to index
        %get3A_622 = arith.index_cast %add3A_620 : i32 to index
        %get3A_623 = tpu.vector_load %arg9[%get3A_621, %get3A_622] {strides = array<i32>} : memref<200x128xf32, #tpu.memory_space<vmem>>, vector<1x16xf32>,
        %get3A_624 = vector.shape_cast %get3A_623 : vector<1x16xf32> to vector<16xf32>
        %get3A_625 = arith.index_cast %add3A_600 : i32 to index
        %get3A_626 = arith.constant 16 : index
        %get3A_627 = tpu.vector_load %arg11[%get3A_625, %get3A_626] {strides = array<i32>} : memref<200x32xf32, #tpu.memory_space<vmem>>, vector<1x16xf32>,
        %get3A_628 = vector.shape_cast %get3A_627 : vector<1x16xf32> to vector<16xf32>
        %add3A_629 = arith.addf %get3A_624, %get3A_628 : vector<16xf32>
        %swap3A_630 = arith.index_cast %add3A_600 : i32 to index
        %swap3A_631 = arith.constant 16 : index
        %swap3A_632 = tpu.vector_load %arg10[%swap3A_630, %swap3A_631] {strides = array<i32>} : memref<200x32xf32, #tpu.memory_space<vmem>>, vector<1x16xf32>,
        %swap3A_633 = vector.shape_cast %swap3A_632 : vector<1x16xf32> to vector<16xf32>
        %swap3A_634 = vector.shape_cast %add3A_629 : vector<16xf32> to vector<1x16xf32>
        tpu.vector_store %arg10[%swap3A_630, %swap3A_631], %swap3A_634 {strides = array<i32>} : memref<200x32xf32, #tpu.memory_space<vmem>>, vector<1x16xf32>,
        %add3A_635 = arith.constant 14 : i32
        %add3A_636 = arith.addi %add3A_131, %add3A_635 : i32
        %slice3A_637 = vector.extract_strided_slice %get3A_133 {offsets = [14], sizes = [1], strides = [1]} : vector<16xi32> to vector<1xi32>
        %squeeze3A_638 = vector.extract %slice3A_637[0] : i32 from vector<1xi32>
        %add3A_639 = arith.constant 0 : i32
        %add3A_640 = arith.addi %squeeze3A_638, %add3A_639 : i32
        %get3A_641 = arith.index_cast %add3A_636 : i32 to index
        %get3A_642 = arith.index_cast %add3A_640 : i32 to index
        %get3A_643 = tpu.vector_load %arg9[%get3A_641, %get3A_642] {strides = array<i32>} : memref<200x128xf32, #tpu.memory_space<vmem>>, vector<1x16xf32>,
        %get3A_644 = vector.shape_cast %get3A_643 : vector<1x16xf32> to vector<16xf32>
        %get3A_645 = arith.index_cast %add3A_636 : i32 to index
        %get3A_646 = arith.constant 0 : index
        %get3A_647 = tpu.vector_load %arg11[%get3A_645, %get3A_646] {strides = array<i32>} : memref<200x32xf32, #tpu.memory_space<vmem>>, vector<1x16xf32>,
        %get3A_648 = vector.shape_cast %get3A_647 : vector<1x16xf32> to vector<16xf32>
        %add3A_649 = arith.addf %get3A_644, %get3A_648 : vector<16xf32>
        %swap3A_650 = arith.index_cast %add3A_636 : i32 to index
        %swap3A_651 = arith.constant 0 : index
        %swap3A_652 = tpu.vector_load %arg10[%swap3A_650, %swap3A_651] {strides = array<i32>} : memref<200x32xf32, #tpu.memory_space<vmem>>, vector<1x16xf32>,
        %swap3A_653 = vector.shape_cast %swap3A_652 : vector<1x16xf32> to vector<16xf32>
        %swap3A_654 = vector.shape_cast %add3A_649 : vector<16xf32> to vector<1x16xf32>
        tpu.vector_store %arg10[%swap3A_650, %swap3A_651], %swap3A_654 {strides = array<i32>} : memref<200x32xf32, #tpu.memory_space<vmem>>, vector<1x16xf32>,
        %add3A_655 = arith.constant 16 : i32
        %add3A_656 = arith.addi %squeeze3A_638, %add3A_655 : i32
        %get3A_657 = arith.index_cast %add3A_636 : i32 to index
        %get3A_658 = arith.index_cast %add3A_656 : i32 to index
        %get3A_659 = tpu.vector_load %arg9[%get3A_657, %get3A_658] {strides = array<i32>} : memref<200x128xf32, #tpu.memory_space<vmem>>, vector<1x16xf32>,
        %get3A_660 = vector.shape_cast %get3A_659 : vector<1x16xf32> to vector<16xf32>
        %get3A_661 = arith.index_cast %add3A_636 : i32 to index
        %get3A_662 = arith.constant 16 : index
        %get3A_663 = tpu.vector_load %arg11[%get3A_661, %get3A_662] {strides = array<i32>} : memref<200x32xf32, #tpu.memory_space<vmem>>, vector<1x16xf32>,
        %get3A_664 = vector.shape_cast %get3A_663 : vector<1x16xf32> to vector<16xf32>
        %add3A_665 = arith.addf %get3A_660, %get3A_664 : vector<16xf32>
        %swap3A_666 = arith.index_cast %add3A_636 : i32 to index
        %swap3A_667 = arith.constant 16 : index
        %swap3A_668 = tpu.vector_load %arg10[%swap3A_666, %swap3A_667] {strides = array<i32>} : memref<200x32xf32, #tpu.memory_space<vmem>>, vector<1x16xf32>,
        %swap3A_669 = vector.shape_cast %swap3A_668 : vector<1x16xf32> to vector<16xf32>
        %swap3A_670 = vector.shape_cast %add3A_665 : vector<16xf32> to vector<1x16xf32>
        tpu.vector_store %arg10[%swap3A_666, %swap3A_667], %swap3A_670 {strides = array<i32>} : memref<200x32xf32, #tpu.memory_space<vmem>>, vector<1x16xf32>,
        %add3A_671 = arith.constant 15 : i32
        %add3A_672 = arith.addi %add3A_131, %add3A_671 : i32
        %slice3A_673 = vector.extract_strided_slice %get3A_133 {offsets = [15], sizes = [1], strides = [1]} : vector<16xi32> to vector<1xi32>
        %squeeze3A_674 = vector.extract %slice3A_673[0] : i32 from vector<1xi32>
        %add3A_675 = arith.constant 0 : i32
        %add3A_676 = arith.addi %squeeze3A_674, %add3A_675 : i32
        %get3A_677 = arith.index_cast %add3A_672 : i32 to index
        %get3A_678 = arith.index_cast %add3A_676 : i32 to index
        %get3A_679 = tpu.vector_load %arg9[%get3A_677, %get3A_678] {strides = array<i32>} : memref<200x128xf32, #tpu.memory_space<vmem>>, vector<1x16xf32>,
        %get3A_680 = vector.shape_cast %get3A_679 : vector<1x16xf32> to vector<16xf32>
        %get3A_681 = arith.index_cast %add3A_672 : i32 to index
        %get3A_682 = arith.constant 0 : index
        %get3A_683 = tpu.vector_load %arg11[%get3A_681, %get3A_682] {strides = array<i32>} : memref<200x32xf32, #tpu.memory_space<vmem>>, vector<1x16xf32>,
        %get3A_684 = vector.shape_cast %get3A_683 : vector<1x16xf32> to vector<16xf32>
        %add3A_685 = arith.addf %get3A_680, %get3A_684 : vector<16xf32>
        %swap3A_686 = arith.index_cast %add3A_672 : i32 to index
        %swap3A_687 = arith.constant 0 : index
        %swap3A_688 = tpu.vector_load %arg10[%swap3A_686, %swap3A_687] {strides = array<i32>} : memref<200x32xf32, #tpu.memory_space<vmem>>, vector<1x16xf32>,
        %swap3A_689 = vector.shape_cast %swap3A_688 : vector<1x16xf32> to vector<16xf32>
        %swap3A_690 = vector.shape_cast %add3A_685 : vector<16xf32> to vector<1x16xf32>
        tpu.vector_store %arg10[%swap3A_686, %swap3A_687], %swap3A_690 {strides = array<i32>} : memref<200x32xf32, #tpu.memory_space<vmem>>, vector<1x16xf32>,
        %add3A_691 = arith.constant 16 : i32
        %add3A_692 = arith.addi %squeeze3A_674, %add3A_691 : i32
        %get3A_693 = arith.index_cast %add3A_672 : i32 to index
        %get3A_694 = arith.index_cast %add3A_692 : i32 to index
        %get3A_695 = tpu.vector_load %arg9[%get3A_693, %get3A_694] {strides = array<i32>} : memref<200x128xf32, #tpu.memory_space<vmem>>, vector<1x16xf32>,
        %get3A_696 = vector.shape_cast %get3A_695 : vector<1x16xf32> to vector<16xf32>
        %get3A_697 = arith.index_cast %add3A_672 : i32 to index
        %get3A_698 = arith.constant 16 : index
        %get3A_699 = tpu.vector_load %arg11[%get3A_697, %get3A_698] {strides = array<i32>} : memref<200x32xf32, #tpu.memory_space<vmem>>, vector<1x16xf32>,
        %get3A_700 = vector.shape_cast %get3A_699 : vector<1x16xf32> to vector<16xf32>
        %add3A_701 = arith.addf %get3A_696, %get3A_700 : vector<16xf32>
        %swap3A_702 = arith.index_cast %add3A_672 : i32 to index
        %swap3A_703 = arith.constant 16 : index
        %swap3A_704 = tpu.vector_load %arg10[%swap3A_702, %swap3A_703] {strides = array<i32>} : memref<200x32xf32, #tpu.memory_space<vmem>>, vector<1x16xf32>,
        %swap3A_705 = vector.shape_cast %swap3A_704 : vector<1x16xf32> to vector<16xf32>
        %swap3A_706 = vector.shape_cast %add3A_701 : vector<16xf32> to vector<1x16xf32>
        tpu.vector_store %arg10[%swap3A_702, %swap3A_703], %swap3A_706 {strides = array<i32>} : memref<200x32xf32, #tpu.memory_space<vmem>>, vector<1x16xf32>,
      }
      %scan3A_97 = arith.constant 3 : i32
      %dma_wait3A_98 = arith.constant 120 : i32
      %dma_wait3A_99 = arith.constant 0 : i32
      %dma_wait3A_100 = tpu.memref_slice %arg9[%dma_wait3A_98, %dma_wait3A_99] : memref<200x128xf32, #tpu.memory_space<vmem>> -> memref<40x128xf32, #tpu.memory_space<vmem>>
      %dma_wait3A_101 = arith.constant 120 : i32
      %dma_wait3A_102 = tpu.memref_slice %arg7[%dma_wait3A_101] : memref<200xi32, #tpu.memory_space<vmem>> -> memref<40xi32, #tpu.memory_space<vmem>>
      %dma_wait3A_103 = arith.constant 0 : i32
      %dma_wait3A_104 = arith.constant 0 : i32
      %dma_wait3A_105 = tpu.memref_slice %arg3[%dma_wait3A_103, %dma_wait3A_104] : memref<250000x128xf32, #tpu.memory_space<hbm>> -> memref<250000x128xf32, #tpu.memory_space<hbm>>
      tpu.wait_indirect_dma semaphore(%arg15 : memref<!tpu.dma_semaphore, #tpu.memory_space<semaphore_mem>>) src(%dma_wait3A_105 : memref<250000x128xf32, #tpu.memory_space<hbm>>) dst(%dma_wait3A_100 : memref<40x128xf32, #tpu.memory_space<vmem>>)
      %scan3A_106 = arith.constant 0 : i32
      %scan3A_107 = arith.constant 0 : i32
      %scan3A_108 = arith.constant 3 : i32
      %scan3A_109 = arith.addi %scan3A_107, %scan3A_108 : i32
      %scan3A_110 = arith.constant 1 : i32
      scf.for %scan3A_126 = %scan3A_107 to %scan3A_109 step %scan3A_110  : i32 {
        %mul3A_127 = arith.constant 16 : i32
        %mul3A_128 = arith.muli %scan3A_126, %mul3A_127 : i32
        %min3A = arith.constant 24 : i32
        %min3A_129 = arith.minsi %mul3A_128, %min3A : i32
        %add3A_130 = arith.constant 120 : i32
        %add3A_131 = arith.addi %add3A_130, %min3A_129 : i32
        %get3A = arith.index_cast %add3A_131 : i32 to index
        %get3A_132 = tpu.vector_load %arg8[%get3A] {strides = array<i32>} : memref<200xi32, #tpu.memory_space<vmem>>, vector<16xi32>,
        %get3A_133 = vector.shape_cast %get3A_132 : vector<16xi32> to vector<16xi32>
        %add3A_134 = arith.constant 0 : i32
        %add3A_135 = arith.addi %add3A_131, %add3A_134 : i32
        %slice3A = vector.extract_strided_slice %get3A_133 {offsets = [0], sizes = [1], strides = [1]} : vector<16xi32> to vector<1xi32>
        %squeeze3A = vector.extract %slice3A[0] : i32 from vector<1xi32>
        %add3A_136 = arith.constant 0 : i32
        %add3A_137 = arith.addi %squeeze3A, %add3A_136 : i32
        %get3A_138 = arith.index_cast %add3A_135 : i32 to index
        %get3A_139 = arith.index_cast %add3A_137 : i32 to index
        %get3A_140 = tpu.vector_load %arg9[%get3A_138, %get3A_139] {strides = array<i32>} : memref<200x128xf32, #tpu.memory_space<vmem>>, vector<1x16xf32>,
        %get3A_141 = vector.shape_cast %get3A_140 : vector<1x16xf32> to vector<16xf32>
        %get3A_142 = arith.index_cast %add3A_135 : i32 to index
        %get3A_143 = arith.constant 0 : index
        %get3A_144 = tpu.vector_load %arg11[%get3A_142, %get3A_143] {strides = array<i32>} : memref<200x32xf32, #tpu.memory_space<vmem>>, vector<1x16xf32>,
        %get3A_145 = vector.shape_cast %get3A_144 : vector<1x16xf32> to vector<16xf32>
        %add3A_146 = arith.addf %get3A_141, %get3A_145 : vector<16xf32>
        %swap3A = arith.index_cast %add3A_135 : i32 to index
        %swap3A_147 = arith.constant 0 : index
        %swap3A_148 = tpu.vector_load %arg10[%swap3A, %swap3A_147] {strides = array<i32>} : memref<200x32xf32, #tpu.memory_space<vmem>>, vector<1x16xf32>,
        %swap3A_149 = vector.shape_cast %swap3A_148 : vector<1x16xf32> to vector<16xf32>
        %swap3A_150 = vector.shape_cast %add3A_146 : vector<16xf32> to vector<1x16xf32>
        tpu.vector_store %arg10[%swap3A, %swap3A_147], %swap3A_150 {strides = array<i32>} : memref<200x32xf32, #tpu.memory_space<vmem>>, vector<1x16xf32>,
        %add3A_151 = arith.constant 16 : i32
        %add3A_152 = arith.addi %squeeze3A, %add3A_151 : i32
        %get3A_153 = arith.index_cast %add3A_135 : i32 to index
        %get3A_154 = arith.index_cast %add3A_152 : i32 to index
        %get3A_155 = tpu.vector_load %arg9[%get3A_153, %get3A_154] {strides = array<i32>} : memref<200x128xf32, #tpu.memory_space<vmem>>, vector<1x16xf32>,
        %get3A_156 = vector.shape_cast %get3A_155 : vector<1x16xf32> to vector<16xf32>
        %get3A_157 = arith.index_cast %add3A_135 : i32 to index
        %get3A_158 = arith.constant 16 : index
        %get3A_159 = tpu.vector_load %arg11[%get3A_157, %get3A_158] {strides = array<i32>} : memref<200x32xf32, #tpu.memory_space<vmem>>, vector<1x16xf32>,
        %get3A_160 = vector.shape_cast %get3A_159 : vector<1x16xf32> to vector<16xf32>
        %add3A_161 = arith.addf %get3A_156, %get3A_160 : vector<16xf32>
        %swap3A_162 = arith.index_cast %add3A_135 : i32 to index
        %swap3A_163 = arith.constant 16 : index
        %swap3A_164 = tpu.vector_load %arg10[%swap3A_162, %swap3A_163] {strides = array<i32>} : memref<200x32xf32, #tpu.memory_space<vmem>>, vector<1x16xf32>,
        %swap3A_165 = vector.shape_cast %swap3A_164 : vector<1x16xf32> to vector<16xf32>
        %swap3A_166 = vector.shape_cast %add3A_161 : vector<16xf32> to vector<1x16xf32>
        tpu.vector_store %arg10[%swap3A_162, %swap3A_163], %swap3A_166 {strides = array<i32>} : memref<200x32xf32, #tpu.memory_space<vmem>>, vector<1x16xf32>,
        %add3A_167 = arith.constant 1 : i32
        %add3A_168 = arith.addi %add3A_131, %add3A_167 : i32
        %slice3A_169 = vector.extract_strided_slice %get3A_133 {offsets = [1], sizes = [1], strides = [1]} : vector<16xi32> to vector<1xi32>
        %squeeze3A_170 = vector.extract %slice3A_169[0] : i32 from vector<1xi32>
        %add3A_171 = arith.constant 0 : i32
        %add3A_172 = arith.addi %squeeze3A_170, %add3A_171 : i32
        %get3A_173 = arith.index_cast %add3A_168 : i32 to index
        %get3A_174 = arith.index_cast %add3A_172 : i32 to index
        %get3A_175 = tpu.vector_load %arg9[%get3A_173, %get3A_174] {strides = array<i32>} : memref<200x128xf32, #tpu.memory_space<vmem>>, vector<1x16xf32>,
        %get3A_176 = vector.shape_cast %get3A_175 : vector<1x16xf32> to vector<16xf32>
        %get3A_177 = arith.index_cast %add3A_168 : i32 to index
        %get3A_178 = arith.constant 0 : index
        %get3A_179 = tpu.vector_load %arg11[%get3A_177, %get3A_178] {strides = array<i32>} : memref<200x32xf32, #tpu.memory_space<vmem>>, vector<1x16xf32>,
        %get3A_180 = vector.shape_cast %get3A_179 : vector<1x16xf32> to vector<16xf32>
        %add3A_181 = arith.addf %get3A_176, %get3A_180 : vector<16xf32>
        %swap3A_182 = arith.index_cast %add3A_168 : i32 to index
        %swap3A_183 = arith.constant 0 : index
        %swap3A_184 = tpu.vector_load %arg10[%swap3A_182, %swap3A_183] {strides = array<i32>} : memref<200x32xf32, #tpu.memory_space<vmem>>, vector<1x16xf32>,
        %swap3A_185 = vector.shape_cast %swap3A_184 : vector<1x16xf32> to vector<16xf32>
        %swap3A_186 = vector.shape_cast %add3A_181 : vector<16xf32> to vector<1x16xf32>
        tpu.vector_store %arg10[%swap3A_182, %swap3A_183], %swap3A_186 {strides = array<i32>} : memref<200x32xf32, #tpu.memory_space<vmem>>, vector<1x16xf32>,
        %add3A_187 = arith.constant 16 : i32
        %add3A_188 = arith.addi %squeeze3A_170, %add3A_187 : i32
        %get3A_189 = arith.index_cast %add3A_168 : i32 to index
        %get3A_190 = arith.index_cast %add3A_188 : i32 to index
        %get3A_191 = tpu.vector_load %arg9[%get3A_189, %get3A_190] {strides = array<i32>} : memref<200x128xf32, #tpu.memory_space<vmem>>, vector<1x16xf32>,
        %get3A_192 = vector.shape_cast %get3A_191 : vector<1x16xf32> to vector<16xf32>
        %get3A_193 = arith.index_cast %add3A_168 : i32 to index
        %get3A_194 = arith.constant 16 : index
        %get3A_195 = tpu.vector_load %arg11[%get3A_193, %get3A_194] {strides = array<i32>} : memref<200x32xf32, #tpu.memory_space<vmem>>, vector<1x16xf32>,
        %get3A_196 = vector.shape_cast %get3A_195 : vector<1x16xf32> to vector<16xf32>
        %add3A_197 = arith.addf %get3A_192, %get3A_196 : vector<16xf32>
        %swap3A_198 = arith.index_cast %add3A_168 : i32 to index
        %swap3A_199 = arith.constant 16 : index
        %swap3A_200 = tpu.vector_load %arg10[%swap3A_198, %swap3A_199] {strides = array<i32>} : memref<200x32xf32, #tpu.memory_space<vmem>>, vector<1x16xf32>,
        %swap3A_201 = vector.shape_cast %swap3A_200 : vector<1x16xf32> to vector<16xf32>
        %swap3A_202 = vector.shape_cast %add3A_197 : vector<16xf32> to vector<1x16xf32>
        tpu.vector_store %arg10[%swap3A_198, %swap3A_199], %swap3A_202 {strides = array<i32>} : memref<200x32xf32, #tpu.memory_space<vmem>>, vector<1x16xf32>,
        %add3A_203 = arith.constant 2 : i32
        %add3A_204 = arith.addi %add3A_131, %add3A_203 : i32
        %slice3A_205 = vector.extract_strided_slice %get3A_133 {offsets = [2], sizes = [1], strides = [1]} : vector<16xi32> to vector<1xi32>
        %squeeze3A_206 = vector.extract %slice3A_205[0] : i32 from vector<1xi32>
        %add3A_207 = arith.constant 0 : i32
        %add3A_208 = arith.addi %squeeze3A_206, %add3A_207 : i32
        %get3A_209 = arith.index_cast %add3A_204 : i32 to index
        %get3A_210 = arith.index_cast %add3A_208 : i32 to index
        %get3A_211 = tpu.vector_load %arg9[%get3A_209, %get3A_210] {strides = array<i32>} : memref<200x128xf32, #tpu.memory_space<vmem>>, vector<1x16xf32>,
        %get3A_212 = vector.shape_cast %get3A_211 : vector<1x16xf32> to vector<16xf32>
        %get3A_213 = arith.index_cast %add3A_204 : i32 to index
        %get3A_214 = arith.constant 0 : index
        %get3A_215 = tpu.vector_load %arg11[%get3A_213, %get3A_214] {strides = array<i32>} : memref<200x32xf32, #tpu.memory_space<vmem>>, vector<1x16xf32>,
        %get3A_216 = vector.shape_cast %get3A_215 : vector<1x16xf32> to vector<16xf32>
        %add3A_217 = arith.addf %get3A_212, %get3A_216 : vector<16xf32>
        %swap3A_218 = arith.index_cast %add3A_204 : i32 to index
        %swap3A_219 = arith.constant 0 : index
        %swap3A_220 = tpu.vector_load %arg10[%swap3A_218, %swap3A_219] {strides = array<i32>} : memref<200x32xf32, #tpu.memory_space<vmem>>, vector<1x16xf32>,
        %swap3A_221 = vector.shape_cast %swap3A_220 : vector<1x16xf32> to vector<16xf32>
        %swap3A_222 = vector.shape_cast %add3A_217 : vector<16xf32> to vector<1x16xf32>
        tpu.vector_store %arg10[%swap3A_218, %swap3A_219], %swap3A_222 {strides = array<i32>} : memref<200x32xf32, #tpu.memory_space<vmem>>, vector<1x16xf32>,
        %add3A_223 = arith.constant 16 : i32
        %add3A_224 = arith.addi %squeeze3A_206, %add3A_223 : i32
        %get3A_225 = arith.index_cast %add3A_204 : i32 to index
        %get3A_226 = arith.index_cast %add3A_224 : i32 to index
        %get3A_227 = tpu.vector_load %arg9[%get3A_225, %get3A_226] {strides = array<i32>} : memref<200x128xf32, #tpu.memory_space<vmem>>, vector<1x16xf32>,
        %get3A_228 = vector.shape_cast %get3A_227 : vector<1x16xf32> to vector<16xf32>
        %get3A_229 = arith.index_cast %add3A_204 : i32 to index
        %get3A_230 = arith.constant 16 : index
        %get3A_231 = tpu.vector_load %arg11[%get3A_229, %get3A_230] {strides = array<i32>} : memref<200x32xf32, #tpu.memory_space<vmem>>, vector<1x16xf32>,
        %get3A_232 = vector.shape_cast %get3A_231 : vector<1x16xf32> to vector<16xf32>
        %add3A_233 = arith.addf %get3A_228, %get3A_232 : vector<16xf32>
        %swap3A_234 = arith.index_cast %add3A_204 : i32 to index
        %swap3A_235 = arith.constant 16 : index
        %swap3A_236 = tpu.vector_load %arg10[%swap3A_234, %swap3A_235] {strides = array<i32>} : memref<200x32xf32, #tpu.memory_space<vmem>>, vector<1x16xf32>,
        %swap3A_237 = vector.shape_cast %swap3A_236 : vector<1x16xf32> to vector<16xf32>
        %swap3A_238 = vector.shape_cast %add3A_233 : vector<16xf32> to vector<1x16xf32>
        tpu.vector_store %arg10[%swap3A_234, %swap3A_235], %swap3A_238 {strides = array<i32>} : memref<200x32xf32, #tpu.memory_space<vmem>>, vector<1x16xf32>,
        %add3A_239 = arith.constant 3 : i32
        %add3A_240 = arith.addi %add3A_131, %add3A_239 : i32
        %slice3A_241 = vector.extract_strided_slice %get3A_133 {offsets = [3], sizes = [1], strides = [1]} : vector<16xi32> to vector<1xi32>
        %squeeze3A_242 = vector.extract %slice3A_241[0] : i32 from vector<1xi32>
        %add3A_243 = arith.constant 0 : i32
        %add3A_244 = arith.addi %squeeze3A_242, %add3A_243 : i32
        %get3A_245 = arith.index_cast %add3A_240 : i32 to index
        %get3A_246 = arith.index_cast %add3A_244 : i32 to index
        %get3A_247 = tpu.vector_load %arg9[%get3A_245, %get3A_246] {strides = array<i32>} : memref<200x128xf32, #tpu.memory_space<vmem>>, vector<1x16xf32>,
        %get3A_248 = vector.shape_cast %get3A_247 : vector<1x16xf32> to vector<16xf32>
        %get3A_249 = arith.index_cast %add3A_240 : i32 to index
        %get3A_250 = arith.constant 0 : index
        %get3A_251 = tpu.vector_load %arg11[%get3A_249, %get3A_250] {strides = array<i32>} : memref<200x32xf32, #tpu.memory_space<vmem>>, vector<1x16xf32>,
        %get3A_252 = vector.shape_cast %get3A_251 : vector<1x16xf32> to vector<16xf32>
        %add3A_253 = arith.addf %get3A_248, %get3A_252 : vector<16xf32>
        %swap3A_254 = arith.index_cast %add3A_240 : i32 to index
        %swap3A_255 = arith.constant 0 : index
        %swap3A_256 = tpu.vector_load %arg10[%swap3A_254, %swap3A_255] {strides = array<i32>} : memref<200x32xf32, #tpu.memory_space<vmem>>, vector<1x16xf32>,
        %swap3A_257 = vector.shape_cast %swap3A_256 : vector<1x16xf32> to vector<16xf32>
        %swap3A_258 = vector.shape_cast %add3A_253 : vector<16xf32> to vector<1x16xf32>
        tpu.vector_store %arg10[%swap3A_254, %swap3A_255], %swap3A_258 {strides = array<i32>} : memref<200x32xf32, #tpu.memory_space<vmem>>, vector<1x16xf32>,
        %add3A_259 = arith.constant 16 : i32
        %add3A_260 = arith.addi %squeeze3A_242, %add3A_259 : i32
        %get3A_261 = arith.index_cast %add3A_240 : i32 to index
        %get3A_262 = arith.index_cast %add3A_260 : i32 to index
        %get3A_263 = tpu.vector_load %arg9[%get3A_261, %get3A_262] {strides = array<i32>} : memref<200x128xf32, #tpu.memory_space<vmem>>, vector<1x16xf32>,
        %get3A_264 = vector.shape_cast %get3A_263 : vector<1x16xf32> to vector<16xf32>
        %get3A_265 = arith.index_cast %add3A_240 : i32 to index
        %get3A_266 = arith.constant 16 : index
        %get3A_267 = tpu.vector_load %arg11[%get3A_265, %get3A_266] {strides = array<i32>} : memref<200x32xf32, #tpu.memory_space<vmem>>, vector<1x16xf32>,
        %get3A_268 = vector.shape_cast %get3A_267 : vector<1x16xf32> to vector<16xf32>
        %add3A_269 = arith.addf %get3A_264, %get3A_268 : vector<16xf32>
        %swap3A_270 = arith.index_cast %add3A_240 : i32 to index
        %swap3A_271 = arith.constant 16 : index
        %swap3A_272 = tpu.vector_load %arg10[%swap3A_270, %swap3A_271] {strides = array<i32>} : memref<200x32xf32, #tpu.memory_space<vmem>>, vector<1x16xf32>,
        %swap3A_273 = vector.shape_cast %swap3A_272 : vector<1x16xf32> to vector<16xf32>
        %swap3A_274 = vector.shape_cast %add3A_269 : vector<16xf32> to vector<1x16xf32>
        tpu.vector_store %arg10[%swap3A_270, %swap3A_271], %swap3A_274 {strides = array<i32>} : memref<200x32xf32, #tpu.memory_space<vmem>>, vector<1x16xf32>,
        %add3A_275 = arith.constant 4 : i32
        %add3A_276 = arith.addi %add3A_131, %add3A_275 : i32
        %slice3A_277 = vector.extract_strided_slice %get3A_133 {offsets = [4], sizes = [1], strides = [1]} : vector<16xi32> to vector<1xi32>
        %squeeze3A_278 = vector.extract %slice3A_277[0] : i32 from vector<1xi32>
        %add3A_279 = arith.constant 0 : i32
        %add3A_280 = arith.addi %squeeze3A_278, %add3A_279 : i32
        %get3A_281 = arith.index_cast %add3A_276 : i32 to index
        %get3A_282 = arith.index_cast %add3A_280 : i32 to index
        %get3A_283 = tpu.vector_load %arg9[%get3A_281, %get3A_282] {strides = array<i32>} : memref<200x128xf32, #tpu.memory_space<vmem>>, vector<1x16xf32>,
        %get3A_284 = vector.shape_cast %get3A_283 : vector<1x16xf32> to vector<16xf32>
        %get3A_285 = arith.index_cast %add3A_276 : i32 to index
        %get3A_286 = arith.constant 0 : index
        %get3A_287 = tpu.vector_load %arg11[%get3A_285, %get3A_286] {strides = array<i32>} : memref<200x32xf32, #tpu.memory_space<vmem>>, vector<1x16xf32>,
        %get3A_288 = vector.shape_cast %get3A_287 : vector<1x16xf32> to vector<16xf32>
        %add3A_289 = arith.addf %get3A_284, %get3A_288 : vector<16xf32>
        %swap3A_290 = arith.index_cast %add3A_276 : i32 to index
        %swap3A_291 = arith.constant 0 : index
        %swap3A_292 = tpu.vector_load %arg10[%swap3A_290, %swap3A_291] {strides = array<i32>} : memref<200x32xf32, #tpu.memory_space<vmem>>, vector<1x16xf32>,
        %swap3A_293 = vector.shape_cast %swap3A_292 : vector<1x16xf32> to vector<16xf32>
        %swap3A_294 = vector.shape_cast %add3A_289 : vector<16xf32> to vector<1x16xf32>
        tpu.vector_store %arg10[%swap3A_290, %swap3A_291], %swap3A_294 {strides = array<i32>} : memref<200x32xf32, #tpu.memory_space<vmem>>, vector<1x16xf32>,
        %add3A_295 = arith.constant 16 : i32
        %add3A_296 = arith.addi %squeeze3A_278, %add3A_295 : i32
        %get3A_297 = arith.index_cast %add3A_276 : i32 to index
        %get3A_298 = arith.index_cast %add3A_296 : i32 to index
        %get3A_299 = tpu.vector_load %arg9[%get3A_297, %get3A_298] {strides = array<i32>} : memref<200x128xf32, #tpu.memory_space<vmem>>, vector<1x16xf32>,
        %get3A_300 = vector.shape_cast %get3A_299 : vector<1x16xf32> to vector<16xf32>
        %get3A_301 = arith.index_cast %add3A_276 : i32 to index
        %get3A_302 = arith.constant 16 : index
        %get3A_303 = tpu.vector_load %arg11[%get3A_301, %get3A_302] {strides = array<i32>} : memref<200x32xf32, #tpu.memory_space<vmem>>, vector<1x16xf32>,
        %get3A_304 = vector.shape_cast %get3A_303 : vector<1x16xf32> to vector<16xf32>
        %add3A_305 = arith.addf %get3A_300, %get3A_304 : vector<16xf32>
        %swap3A_306 = arith.index_cast %add3A_276 : i32 to index
        %swap3A_307 = arith.constant 16 : index
        %swap3A_308 = tpu.vector_load %arg10[%swap3A_306, %swap3A_307] {strides = array<i32>} : memref<200x32xf32, #tpu.memory_space<vmem>>, vector<1x16xf32>,
        %swap3A_309 = vector.shape_cast %swap3A_308 : vector<1x16xf32> to vector<16xf32>
        %swap3A_310 = vector.shape_cast %add3A_305 : vector<16xf32> to vector<1x16xf32>
        tpu.vector_store %arg10[%swap3A_306, %swap3A_307], %swap3A_310 {strides = array<i32>} : memref<200x32xf32, #tpu.memory_space<vmem>>, vector<1x16xf32>,
        %add3A_311 = arith.constant 5 : i32
        %add3A_312 = arith.addi %add3A_131, %add3A_311 : i32
        %slice3A_313 = vector.extract_strided_slice %get3A_133 {offsets = [5], sizes = [1], strides = [1]} : vector<16xi32> to vector<1xi32>
        %squeeze3A_314 = vector.extract %slice3A_313[0] : i32 from vector<1xi32>
        %add3A_315 = arith.constant 0 : i32
        %add3A_316 = arith.addi %squeeze3A_314, %add3A_315 : i32
        %get3A_317 = arith.index_cast %add3A_312 : i32 to index
        %get3A_318 = arith.index_cast %add3A_316 : i32 to index
        %get3A_319 = tpu.vector_load %arg9[%get3A_317, %get3A_318] {strides = array<i32>} : memref<200x128xf32, #tpu.memory_space<vmem>>, vector<1x16xf32>,
        %get3A_320 = vector.shape_cast %get3A_319 : vector<1x16xf32> to vector<16xf32>
        %get3A_321 = arith.index_cast %add3A_312 : i32 to index
        %get3A_322 = arith.constant 0 : index
        %get3A_323 = tpu.vector_load %arg11[%get3A_321, %get3A_322] {strides = array<i32>} : memref<200x32xf32, #tpu.memory_space<vmem>>, vector<1x16xf32>,
        %get3A_324 = vector.shape_cast %get3A_323 : vector<1x16xf32> to vector<16xf32>
        %add3A_325 = arith.addf %get3A_320, %get3A_324 : vector<16xf32>
        %swap3A_326 = arith.index_cast %add3A_312 : i32 to index
        %swap3A_327 = arith.constant 0 : index
        %swap3A_328 = tpu.vector_load %arg10[%swap3A_326, %swap3A_327] {strides = array<i32>} : memref<200x32xf32, #tpu.memory_space<vmem>>, vector<1x16xf32>,
        %swap3A_329 = vector.shape_cast %swap3A_328 : vector<1x16xf32> to vector<16xf32>
        %swap3A_330 = vector.shape_cast %add3A_325 : vector<16xf32> to vector<1x16xf32>
        tpu.vector_store %arg10[%swap3A_326, %swap3A_327], %swap3A_330 {strides = array<i32>} : memref<200x32xf32, #tpu.memory_space<vmem>>, vector<1x16xf32>,
        %add3A_331 = arith.constant 16 : i32
        %add3A_332 = arith.addi %squeeze3A_314, %add3A_331 : i32
        %get3A_333 = arith.index_cast %add3A_312 : i32 to index
        %get3A_334 = arith.index_cast %add3A_332 : i32 to index
        %get3A_335 = tpu.vector_load %arg9[%get3A_333, %get3A_334] {strides = array<i32>} : memref<200x128xf32, #tpu.memory_space<vmem>>, vector<1x16xf32>,
        %get3A_336 = vector.shape_cast %get3A_335 : vector<1x16xf32> to vector<16xf32>
        %get3A_337 = arith.index_cast %add3A_312 : i32 to index
        %get3A_338 = arith.constant 16 : index
        %get3A_339 = tpu.vector_load %arg11[%get3A_337, %get3A_338] {strides = array<i32>} : memref<200x32xf32, #tpu.memory_space<vmem>>, vector<1x16xf32>,
        %get3A_340 = vector.shape_cast %get3A_339 : vector<1x16xf32> to vector<16xf32>
        %add3A_341 = arith.addf %get3A_336, %get3A_340 : vector<16xf32>
        %swap3A_342 = arith.index_cast %add3A_312 : i32 to index
        %swap3A_343 = arith.constant 16 : index
        %swap3A_344 = tpu.vector_load %arg10[%swap3A_342, %swap3A_343] {strides = array<i32>} : memref<200x32xf32, #tpu.memory_space<vmem>>, vector<1x16xf32>,
        %swap3A_345 = vector.shape_cast %swap3A_344 : vector<1x16xf32> to vector<16xf32>
        %swap3A_346 = vector.shape_cast %add3A_341 : vector<16xf32> to vector<1x16xf32>
        tpu.vector_store %arg10[%swap3A_342, %swap3A_343], %swap3A_346 {strides = array<i32>} : memref<200x32xf32, #tpu.memory_space<vmem>>, vector<1x16xf32>,
        %add3A_347 = arith.constant 6 : i32
        %add3A_348 = arith.addi %add3A_131, %add3A_347 : i32
        %slice3A_349 = vector.extract_strided_slice %get3A_133 {offsets = [6], sizes = [1], strides = [1]} : vector<16xi32> to vector<1xi32>
        %squeeze3A_350 = vector.extract %slice3A_349[0] : i32 from vector<1xi32>
        %add3A_351 = arith.constant 0 : i32
        %add3A_352 = arith.addi %squeeze3A_350, %add3A_351 : i32
        %get3A_353 = arith.index_cast %add3A_348 : i32 to index
        %get3A_354 = arith.index_cast %add3A_352 : i32 to index
        %get3A_355 = tpu.vector_load %arg9[%get3A_353, %get3A_354] {strides = array<i32>} : memref<200x128xf32, #tpu.memory_space<vmem>>, vector<1x16xf32>,
        %get3A_356 = vector.shape_cast %get3A_355 : vector<1x16xf32> to vector<16xf32>
        %get3A_357 = arith.index_cast %add3A_348 : i32 to index
        %get3A_358 = arith.constant 0 : index
        %get3A_359 = tpu.vector_load %arg11[%get3A_357, %get3A_358] {strides = array<i32>} : memref<200x32xf32, #tpu.memory_space<vmem>>, vector<1x16xf32>,
        %get3A_360 = vector.shape_cast %get3A_359 : vector<1x16xf32> to vector<16xf32>
        %add3A_361 = arith.addf %get3A_356, %get3A_360 : vector<16xf32>
        %swap3A_362 = arith.index_cast %add3A_348 : i32 to index
        %swap3A_363 = arith.constant 0 : index
        %swap3A_364 = tpu.vector_load %arg10[%swap3A_362, %swap3A_363] {strides = array<i32>} : memref<200x32xf32, #tpu.memory_space<vmem>>, vector<1x16xf32>,
        %swap3A_365 = vector.shape_cast %swap3A_364 : vector<1x16xf32> to vector<16xf32>
        %swap3A_366 = vector.shape_cast %add3A_361 : vector<16xf32> to vector<1x16xf32>
        tpu.vector_store %arg10[%swap3A_362, %swap3A_363], %swap3A_366 {strides = array<i32>} : memref<200x32xf32, #tpu.memory_space<vmem>>, vector<1x16xf32>,
        %add3A_367 = arith.constant 16 : i32
        %add3A_368 = arith.addi %squeeze3A_350, %add3A_367 : i32
        %get3A_369 = arith.index_cast %add3A_348 : i32 to index
        %get3A_370 = arith.index_cast %add3A_368 : i32 to index
        %get3A_371 = tpu.vector_load %arg9[%get3A_369, %get3A_370] {strides = array<i32>} : memref<200x128xf32, #tpu.memory_space<vmem>>, vector<1x16xf32>,
        %get3A_372 = vector.shape_cast %get3A_371 : vector<1x16xf32> to vector<16xf32>
        %get3A_373 = arith.index_cast %add3A_348 : i32 to index
        %get3A_374 = arith.constant 16 : index
        %get3A_375 = tpu.vector_load %arg11[%get3A_373, %get3A_374] {strides = array<i32>} : memref<200x32xf32, #tpu.memory_space<vmem>>, vector<1x16xf32>,
        %get3A_376 = vector.shape_cast %get3A_375 : vector<1x16xf32> to vector<16xf32>
        %add3A_377 = arith.addf %get3A_372, %get3A_376 : vector<16xf32>
        %swap3A_378 = arith.index_cast %add3A_348 : i32 to index
        %swap3A_379 = arith.constant 16 : index
        %swap3A_380 = tpu.vector_load %arg10[%swap3A_378, %swap3A_379] {strides = array<i32>} : memref<200x32xf32, #tpu.memory_space<vmem>>, vector<1x16xf32>,
        %swap3A_381 = vector.shape_cast %swap3A_380 : vector<1x16xf32> to vector<16xf32>
        %swap3A_382 = vector.shape_cast %add3A_377 : vector<16xf32> to vector<1x16xf32>
        tpu.vector_store %arg10[%swap3A_378, %swap3A_379], %swap3A_382 {strides = array<i32>} : memref<200x32xf32, #tpu.memory_space<vmem>>, vector<1x16xf32>,
        %add3A_383 = arith.constant 7 : i32
        %add3A_384 = arith.addi %add3A_131, %add3A_383 : i32
        %slice3A_385 = vector.extract_strided_slice %get3A_133 {offsets = [7], sizes = [1], strides = [1]} : vector<16xi32> to vector<1xi32>
        %squeeze3A_386 = vector.extract %slice3A_385[0] : i32 from vector<1xi32>
        %add3A_387 = arith.constant 0 : i32
        %add3A_388 = arith.addi %squeeze3A_386, %add3A_387 : i32
        %get3A_389 = arith.index_cast %add3A_384 : i32 to index
        %get3A_390 = arith.index_cast %add3A_388 : i32 to index
        %get3A_391 = tpu.vector_load %arg9[%get3A_389, %get3A_390] {strides = array<i32>} : memref<200x128xf32, #tpu.memory_space<vmem>>, vector<1x16xf32>,
        %get3A_392 = vector.shape_cast %get3A_391 : vector<1x16xf32> to vector<16xf32>
        %get3A_393 = arith.index_cast %add3A_384 : i32 to index
        %get3A_394 = arith.constant 0 : index
        %get3A_395 = tpu.vector_load %arg11[%get3A_393, %get3A_394] {strides = array<i32>} : memref<200x32xf32, #tpu.memory_space<vmem>>, vector<1x16xf32>,
        %get3A_396 = vector.shape_cast %get3A_395 : vector<1x16xf32> to vector<16xf32>
        %add3A_397 = arith.addf %get3A_392, %get3A_396 : vector<16xf32>
        %swap3A_398 = arith.index_cast %add3A_384 : i32 to index
        %swap3A_399 = arith.constant 0 : index
        %swap3A_400 = tpu.vector_load %arg10[%swap3A_398, %swap3A_399] {strides = array<i32>} : memref<200x32xf32, #tpu.memory_space<vmem>>, vector<1x16xf32>,
        %swap3A_401 = vector.shape_cast %swap3A_400 : vector<1x16xf32> to vector<16xf32>
        %swap3A_402 = vector.shape_cast %add3A_397 : vector<16xf32> to vector<1x16xf32>
        tpu.vector_store %arg10[%swap3A_398, %swap3A_399], %swap3A_402 {strides = array<i32>} : memref<200x32xf32, #tpu.memory_space<vmem>>, vector<1x16xf32>,
        %add3A_403 = arith.constant 16 : i32
        %add3A_404 = arith.addi %squeeze3A_386, %add3A_403 : i32
        %get3A_405 = arith.index_cast %add3A_384 : i32 to index
        %get3A_406 = arith.index_cast %add3A_404 : i32 to index
        %get3A_407 = tpu.vector_load %arg9[%get3A_405, %get3A_406] {strides = array<i32>} : memref<200x128xf32, #tpu.memory_space<vmem>>, vector<1x16xf32>,
        %get3A_408 = vector.shape_cast %get3A_407 : vector<1x16xf32> to vector<16xf32>
        %get3A_409 = arith.index_cast %add3A_384 : i32 to index
        %get3A_410 = arith.constant 16 : index
        %get3A_411 = tpu.vector_load %arg11[%get3A_409, %get3A_410] {strides = array<i32>} : memref<200x32xf32, #tpu.memory_space<vmem>>, vector<1x16xf32>,
        %get3A_412 = vector.shape_cast %get3A_411 : vector<1x16xf32> to vector<16xf32>
        %add3A_413 = arith.addf %get3A_408, %get3A_412 : vector<16xf32>
        %swap3A_414 = arith.index_cast %add3A_384 : i32 to index
        %swap3A_415 = arith.constant 16 : index
        %swap3A_416 = tpu.vector_load %arg10[%swap3A_414, %swap3A_415] {strides = array<i32>} : memref<200x32xf32, #tpu.memory_space<vmem>>, vector<1x16xf32>,
        %swap3A_417 = vector.shape_cast %swap3A_416 : vector<1x16xf32> to vector<16xf32>
        %swap3A_418 = vector.shape_cast %add3A_413 : vector<16xf32> to vector<1x16xf32>
        tpu.vector_store %arg10[%swap3A_414, %swap3A_415], %swap3A_418 {strides = array<i32>} : memref<200x32xf32, #tpu.memory_space<vmem>>, vector<1x16xf32>,
        %add3A_419 = arith.constant 8 : i32
        %add3A_420 = arith.addi %add3A_131, %add3A_419 : i32
        %slice3A_421 = vector.extract_strided_slice %get3A_133 {offsets = [8], sizes = [1], strides = [1]} : vector<16xi32> to vector<1xi32>
        %squeeze3A_422 = vector.extract %slice3A_421[0] : i32 from vector<1xi32>
        %add3A_423 = arith.constant 0 : i32
        %add3A_424 = arith.addi %squeeze3A_422, %add3A_423 : i32
        %get3A_425 = arith.index_cast %add3A_420 : i32 to index
        %get3A_426 = arith.index_cast %add3A_424 : i32 to index
        %get3A_427 = tpu.vector_load %arg9[%get3A_425, %get3A_426] {strides = array<i32>} : memref<200x128xf32, #tpu.memory_space<vmem>>, vector<1x16xf32>,
        %get3A_428 = vector.shape_cast %get3A_427 : vector<1x16xf32> to vector<16xf32>
        %get3A_429 = arith.index_cast %add3A_420 : i32 to index
        %get3A_430 = arith.constant 0 : index
        %get3A_431 = tpu.vector_load %arg11[%get3A_429, %get3A_430] {strides = array<i32>} : memref<200x32xf32, #tpu.memory_space<vmem>>, vector<1x16xf32>,
        %get3A_432 = vector.shape_cast %get3A_431 : vector<1x16xf32> to vector<16xf32>
        %add3A_433 = arith.addf %get3A_428, %get3A_432 : vector<16xf32>
        %swap3A_434 = arith.index_cast %add3A_420 : i32 to index
        %swap3A_435 = arith.constant 0 : index
        %swap3A_436 = tpu.vector_load %arg10[%swap3A_434, %swap3A_435] {strides = array<i32>} : memref<200x32xf32, #tpu.memory_space<vmem>>, vector<1x16xf32>,
        %swap3A_437 = vector.shape_cast %swap3A_436 : vector<1x16xf32> to vector<16xf32>
        %swap3A_438 = vector.shape_cast %add3A_433 : vector<16xf32> to vector<1x16xf32>
        tpu.vector_store %arg10[%swap3A_434, %swap3A_435], %swap3A_438 {strides = array<i32>} : memref<200x32xf32, #tpu.memory_space<vmem>>, vector<1x16xf32>,
        %add3A_439 = arith.constant 16 : i32
        %add3A_440 = arith.addi %squeeze3A_422, %add3A_439 : i32
        %get3A_441 = arith.index_cast %add3A_420 : i32 to index
        %get3A_442 = arith.index_cast %add3A_440 : i32 to index
        %get3A_443 = tpu.vector_load %arg9[%get3A_441, %get3A_442] {strides = array<i32>} : memref<200x128xf32, #tpu.memory_space<vmem>>, vector<1x16xf32>,
        %get3A_444 = vector.shape_cast %get3A_443 : vector<1x16xf32> to vector<16xf32>
        %get3A_445 = arith.index_cast %add3A_420 : i32 to index
        %get3A_446 = arith.constant 16 : index
        %get3A_447 = tpu.vector_load %arg11[%get3A_445, %get3A_446] {strides = array<i32>} : memref<200x32xf32, #tpu.memory_space<vmem>>, vector<1x16xf32>,
        %get3A_448 = vector.shape_cast %get3A_447 : vector<1x16xf32> to vector<16xf32>
        %add3A_449 = arith.addf %get3A_444, %get3A_448 : vector<16xf32>
        %swap3A_450 = arith.index_cast %add3A_420 : i32 to index
        %swap3A_451 = arith.constant 16 : index
        %swap3A_452 = tpu.vector_load %arg10[%swap3A_450, %swap3A_451] {strides = array<i32>} : memref<200x32xf32, #tpu.memory_space<vmem>>, vector<1x16xf32>,
        %swap3A_453 = vector.shape_cast %swap3A_452 : vector<1x16xf32> to vector<16xf32>
        %swap3A_454 = vector.shape_cast %add3A_449 : vector<16xf32> to vector<1x16xf32>
        tpu.vector_store %arg10[%swap3A_450, %swap3A_451], %swap3A_454 {strides = array<i32>} : memref<200x32xf32, #tpu.memory_space<vmem>>, vector<1x16xf32>,
        %add3A_455 = arith.constant 9 : i32
        %add3A_456 = arith.addi %add3A_131, %add3A_455 : i32
        %slice3A_457 = vector.extract_strided_slice %get3A_133 {offsets = [9], sizes = [1], strides = [1]} : vector<16xi32> to vector<1xi32>
        %squeeze3A_458 = vector.extract %slice3A_457[0] : i32 from vector<1xi32>
        %add3A_459 = arith.constant 0 : i32
        %add3A_460 = arith.addi %squeeze3A_458, %add3A_459 : i32
        %get3A_461 = arith.index_cast %add3A_456 : i32 to index
        %get3A_462 = arith.index_cast %add3A_460 : i32 to index
        %get3A_463 = tpu.vector_load %arg9[%get3A_461, %get3A_462] {strides = array<i32>} : memref<200x128xf32, #tpu.memory_space<vmem>>, vector<1x16xf32>,
        %get3A_464 = vector.shape_cast %get3A_463 : vector<1x16xf32> to vector<16xf32>
        %get3A_465 = arith.index_cast %add3A_456 : i32 to index
        %get3A_466 = arith.constant 0 : index
        %get3A_467 = tpu.vector_load %arg11[%get3A_465, %get3A_466] {strides = array<i32>} : memref<200x32xf32, #tpu.memory_space<vmem>>, vector<1x16xf32>,
        %get3A_468 = vector.shape_cast %get3A_467 : vector<1x16xf32> to vector<16xf32>
        %add3A_469 = arith.addf %get3A_464, %get3A_468 : vector<16xf32>
        %swap3A_470 = arith.index_cast %add3A_456 : i32 to index
        %swap3A_471 = arith.constant 0 : index
        %swap3A_472 = tpu.vector_load %arg10[%swap3A_470, %swap3A_471] {strides = array<i32>} : memref<200x32xf32, #tpu.memory_space<vmem>>, vector<1x16xf32>,
        %swap3A_473 = vector.shape_cast %swap3A_472 : vector<1x16xf32> to vector<16xf32>
        %swap3A_474 = vector.shape_cast %add3A_469 : vector<16xf32> to vector<1x16xf32>
        tpu.vector_store %arg10[%swap3A_470, %swap3A_471], %swap3A_474 {strides = array<i32>} : memref<200x32xf32, #tpu.memory_space<vmem>>, vector<1x16xf32>,
        %add3A_475 = arith.constant 16 : i32
        %add3A_476 = arith.addi %squeeze3A_458, %add3A_475 : i32
        %get3A_477 = arith.index_cast %add3A_456 : i32 to index
        %get3A_478 = arith.index_cast %add3A_476 : i32 to index
        %get3A_479 = tpu.vector_load %arg9[%get3A_477, %get3A_478] {strides = array<i32>} : memref<200x128xf32, #tpu.memory_space<vmem>>, vector<1x16xf32>,
        %get3A_480 = vector.shape_cast %get3A_479 : vector<1x16xf32> to vector<16xf32>
        %get3A_481 = arith.index_cast %add3A_456 : i32 to index
        %get3A_482 = arith.constant 16 : index
        %get3A_483 = tpu.vector_load %arg11[%get3A_481, %get3A_482] {strides = array<i32>} : memref<200x32xf32, #tpu.memory_space<vmem>>, vector<1x16xf32>,
        %get3A_484 = vector.shape_cast %get3A_483 : vector<1x16xf32> to vector<16xf32>
        %add3A_485 = arith.addf %get3A_480, %get3A_484 : vector<16xf32>
        %swap3A_486 = arith.index_cast %add3A_456 : i32 to index
        %swap3A_487 = arith.constant 16 : index
        %swap3A_488 = tpu.vector_load %arg10[%swap3A_486, %swap3A_487] {strides = array<i32>} : memref<200x32xf32, #tpu.memory_space<vmem>>, vector<1x16xf32>,
        %swap3A_489 = vector.shape_cast %swap3A_488 : vector<1x16xf32> to vector<16xf32>
        %swap3A_490 = vector.shape_cast %add3A_485 : vector<16xf32> to vector<1x16xf32>
        tpu.vector_store %arg10[%swap3A_486, %swap3A_487], %swap3A_490 {strides = array<i32>} : memref<200x32xf32, #tpu.memory_space<vmem>>, vector<1x16xf32>,
        %add3A_491 = arith.constant 10 : i32
        %add3A_492 = arith.addi %add3A_131, %add3A_491 : i32
        %slice3A_493 = vector.extract_strided_slice %get3A_133 {offsets = [10], sizes = [1], strides = [1]} : vector<16xi32> to vector<1xi32>
        %squeeze3A_494 = vector.extract %slice3A_493[0] : i32 from vector<1xi32>
        %add3A_495 = arith.constant 0 : i32
        %add3A_496 = arith.addi %squeeze3A_494, %add3A_495 : i32
        %get3A_497 = arith.index_cast %add3A_492 : i32 to index
        %get3A_498 = arith.index_cast %add3A_496 : i32 to index
        %get3A_499 = tpu.vector_load %arg9[%get3A_497, %get3A_498] {strides = array<i32>} : memref<200x128xf32, #tpu.memory_space<vmem>>, vector<1x16xf32>,
        %get3A_500 = vector.shape_cast %get3A_499 : vector<1x16xf32> to vector<16xf32>
        %get3A_501 = arith.index_cast %add3A_492 : i32 to index
        %get3A_502 = arith.constant 0 : index
        %get3A_503 = tpu.vector_load %arg11[%get3A_501, %get3A_502] {strides = array<i32>} : memref<200x32xf32, #tpu.memory_space<vmem>>, vector<1x16xf32>,
        %get3A_504 = vector.shape_cast %get3A_503 : vector<1x16xf32> to vector<16xf32>
        %add3A_505 = arith.addf %get3A_500, %get3A_504 : vector<16xf32>
        %swap3A_506 = arith.index_cast %add3A_492 : i32 to index
        %swap3A_507 = arith.constant 0 : index
        %swap3A_508 = tpu.vector_load %arg10[%swap3A_506, %swap3A_507] {strides = array<i32>} : memref<200x32xf32, #tpu.memory_space<vmem>>, vector<1x16xf32>,
        %swap3A_509 = vector.shape_cast %swap3A_508 : vector<1x16xf32> to vector<16xf32>
        %swap3A_510 = vector.shape_cast %add3A_505 : vector<16xf32> to vector<1x16xf32>
        tpu.vector_store %arg10[%swap3A_506, %swap3A_507], %swap3A_510 {strides = array<i32>} : memref<200x32xf32, #tpu.memory_space<vmem>>, vector<1x16xf32>,
        %add3A_511 = arith.constant 16 : i32
        %add3A_512 = arith.addi %squeeze3A_494, %add3A_511 : i32
        %get3A_513 = arith.index_cast %add3A_492 : i32 to index
        %get3A_514 = arith.index_cast %add3A_512 : i32 to index
        %get3A_515 = tpu.vector_load %arg9[%get3A_513, %get3A_514] {strides = array<i32>} : memref<200x128xf32, #tpu.memory_space<vmem>>, vector<1x16xf32>,
        %get3A_516 = vector.shape_cast %get3A_515 : vector<1x16xf32> to vector<16xf32>
        %get3A_517 = arith.index_cast %add3A_492 : i32 to index
        %get3A_518 = arith.constant 16 : index
        %get3A_519 = tpu.vector_load %arg11[%get3A_517, %get3A_518] {strides = array<i32>} : memref<200x32xf32, #tpu.memory_space<vmem>>, vector<1x16xf32>,
        %get3A_520 = vector.shape_cast %get3A_519 : vector<1x16xf32> to vector<16xf32>
        %add3A_521 = arith.addf %get3A_516, %get3A_520 : vector<16xf32>
        %swap3A_522 = arith.index_cast %add3A_492 : i32 to index
        %swap3A_523 = arith.constant 16 : index
        %swap3A_524 = tpu.vector_load %arg10[%swap3A_522, %swap3A_523] {strides = array<i32>} : memref<200x32xf32, #tpu.memory_space<vmem>>, vector<1x16xf32>,
        %swap3A_525 = vector.shape_cast %swap3A_524 : vector<1x16xf32> to vector<16xf32>
        %swap3A_526 = vector.shape_cast %add3A_521 : vector<16xf32> to vector<1x16xf32>
        tpu.vector_store %arg10[%swap3A_522, %swap3A_523], %swap3A_526 {strides = array<i32>} : memref<200x32xf32, #tpu.memory_space<vmem>>, vector<1x16xf32>,
        %add3A_527 = arith.constant 11 : i32
        %add3A_528 = arith.addi %add3A_131, %add3A_527 : i32
        %slice3A_529 = vector.extract_strided_slice %get3A_133 {offsets = [11], sizes = [1], strides = [1]} : vector<16xi32> to vector<1xi32>
        %squeeze3A_530 = vector.extract %slice3A_529[0] : i32 from vector<1xi32>
        %add3A_531 = arith.constant 0 : i32
        %add3A_532 = arith.addi %squeeze3A_530, %add3A_531 : i32
        %get3A_533 = arith.index_cast %add3A_528 : i32 to index
        %get3A_534 = arith.index_cast %add3A_532 : i32 to index
        %get3A_535 = tpu.vector_load %arg9[%get3A_533, %get3A_534] {strides = array<i32>} : memref<200x128xf32, #tpu.memory_space<vmem>>, vector<1x16xf32>,
        %get3A_536 = vector.shape_cast %get3A_535 : vector<1x16xf32> to vector<16xf32>
        %get3A_537 = arith.index_cast %add3A_528 : i32 to index
        %get3A_538 = arith.constant 0 : index
        %get3A_539 = tpu.vector_load %arg11[%get3A_537, %get3A_538] {strides = array<i32>} : memref<200x32xf32, #tpu.memory_space<vmem>>, vector<1x16xf32>,
        %get3A_540 = vector.shape_cast %get3A_539 : vector<1x16xf32> to vector<16xf32>
        %add3A_541 = arith.addf %get3A_536, %get3A_540 : vector<16xf32>
        %swap3A_542 = arith.index_cast %add3A_528 : i32 to index
        %swap3A_543 = arith.constant 0 : index
        %swap3A_544 = tpu.vector_load %arg10[%swap3A_542, %swap3A_543] {strides = array<i32>} : memref<200x32xf32, #tpu.memory_space<vmem>>, vector<1x16xf32>,
        %swap3A_545 = vector.shape_cast %swap3A_544 : vector<1x16xf32> to vector<16xf32>
        %swap3A_546 = vector.shape_cast %add3A_541 : vector<16xf32> to vector<1x16xf32>
        tpu.vector_store %arg10[%swap3A_542, %swap3A_543], %swap3A_546 {strides = array<i32>} : memref<200x32xf32, #tpu.memory_space<vmem>>, vector<1x16xf32>,
        %add3A_547 = arith.constant 16 : i32
        %add3A_548 = arith.addi %squeeze3A_530, %add3A_547 : i32
        %get3A_549 = arith.index_cast %add3A_528 : i32 to index
        %get3A_550 = arith.index_cast %add3A_548 : i32 to index
        %get3A_551 = tpu.vector_load %arg9[%get3A_549, %get3A_550] {strides = array<i32>} : memref<200x128xf32, #tpu.memory_space<vmem>>, vector<1x16xf32>,
        %get3A_552 = vector.shape_cast %get3A_551 : vector<1x16xf32> to vector<16xf32>
        %get3A_553 = arith.index_cast %add3A_528 : i32 to index
        %get3A_554 = arith.constant 16 : index
        %get3A_555 = tpu.vector_load %arg11[%get3A_553, %get3A_554] {strides = array<i32>} : memref<200x32xf32, #tpu.memory_space<vmem>>, vector<1x16xf32>,
        %get3A_556 = vector.shape_cast %get3A_555 : vector<1x16xf32> to vector<16xf32>
        %add3A_557 = arith.addf %get3A_552, %get3A_556 : vector<16xf32>
        %swap3A_558 = arith.index_cast %add3A_528 : i32 to index
        %swap3A_559 = arith.constant 16 : index
        %swap3A_560 = tpu.vector_load %arg10[%swap3A_558, %swap3A_559] {strides = array<i32>} : memref<200x32xf32, #tpu.memory_space<vmem>>, vector<1x16xf32>,
        %swap3A_561 = vector.shape_cast %swap3A_560 : vector<1x16xf32> to vector<16xf32>
        %swap3A_562 = vector.shape_cast %add3A_557 : vector<16xf32> to vector<1x16xf32>
        tpu.vector_store %arg10[%swap3A_558, %swap3A_559], %swap3A_562 {strides = array<i32>} : memref<200x32xf32, #tpu.memory_space<vmem>>, vector<1x16xf32>,
        %add3A_563 = arith.constant 12 : i32
        %add3A_564 = arith.addi %add3A_131, %add3A_563 : i32
        %slice3A_565 = vector.extract_strided_slice %get3A_133 {offsets = [12], sizes = [1], strides = [1]} : vector<16xi32> to vector<1xi32>
        %squeeze3A_566 = vector.extract %slice3A_565[0] : i32 from vector<1xi32>
        %add3A_567 = arith.constant 0 : i32
        %add3A_568 = arith.addi %squeeze3A_566, %add3A_567 : i32
        %get3A_569 = arith.index_cast %add3A_564 : i32 to index
        %get3A_570 = arith.index_cast %add3A_568 : i32 to index
        %get3A_571 = tpu.vector_load %arg9[%get3A_569, %get3A_570] {strides = array<i32>} : memref<200x128xf32, #tpu.memory_space<vmem>>, vector<1x16xf32>,
        %get3A_572 = vector.shape_cast %get3A_571 : vector<1x16xf32> to vector<16xf32>
        %get3A_573 = arith.index_cast %add3A_564 : i32 to index
        %get3A_574 = arith.constant 0 : index
        %get3A_575 = tpu.vector_load %arg11[%get3A_573, %get3A_574] {strides = array<i32>} : memref<200x32xf32, #tpu.memory_space<vmem>>, vector<1x16xf32>,
        %get3A_576 = vector.shape_cast %get3A_575 : vector<1x16xf32> to vector<16xf32>
        %add3A_577 = arith.addf %get3A_572, %get3A_576 : vector<16xf32>
        %swap3A_578 = arith.index_cast %add3A_564 : i32 to index
        %swap3A_579 = arith.constant 0 : index
        %swap3A_580 = tpu.vector_load %arg10[%swap3A_578, %swap3A_579] {strides = array<i32>} : memref<200x32xf32, #tpu.memory_space<vmem>>, vector<1x16xf32>,
        %swap3A_581 = vector.shape_cast %swap3A_580 : vector<1x16xf32> to vector<16xf32>
        %swap3A_582 = vector.shape_cast %add3A_577 : vector<16xf32> to vector<1x16xf32>
        tpu.vector_store %arg10[%swap3A_578, %swap3A_579], %swap3A_582 {strides = array<i32>} : memref<200x32xf32, #tpu.memory_space<vmem>>, vector<1x16xf32>,
        %add3A_583 = arith.constant 16 : i32
        %add3A_584 = arith.addi %squeeze3A_566, %add3A_583 : i32
        %get3A_585 = arith.index_cast %add3A_564 : i32 to index
        %get3A_586 = arith.index_cast %add3A_584 : i32 to index
        %get3A_587 = tpu.vector_load %arg9[%get3A_585, %get3A_586] {strides = array<i32>} : memref<200x128xf32, #tpu.memory_space<vmem>>, vector<1x16xf32>,
        %get3A_588 = vector.shape_cast %get3A_587 : vector<1x16xf32> to vector<16xf32>
        %get3A_589 = arith.index_cast %add3A_564 : i32 to index
        %get3A_590 = arith.constant 16 : index
        %get3A_591 = tpu.vector_load %arg11[%get3A_589, %get3A_590] {strides = array<i32>} : memref<200x32xf32, #tpu.memory_space<vmem>>, vector<1x16xf32>,
        %get3A_592 = vector.shape_cast %get3A_591 : vector<1x16xf32> to vector<16xf32>
        %add3A_593 = arith.addf %get3A_588, %get3A_592 : vector<16xf32>
        %swap3A_594 = arith.index_cast %add3A_564 : i32 to index
        %swap3A_595 = arith.constant 16 : index
        %swap3A_596 = tpu.vector_load %arg10[%swap3A_594, %swap3A_595] {strides = array<i32>} : memref<200x32xf32, #tpu.memory_space<vmem>>, vector<1x16xf32>,
        %swap3A_597 = vector.shape_cast %swap3A_596 : vector<1x16xf32> to vector<16xf32>
        %swap3A_598 = vector.shape_cast %add3A_593 : vector<16xf32> to vector<1x16xf32>
        tpu.vector_store %arg10[%swap3A_594, %swap3A_595], %swap3A_598 {strides = array<i32>} : memref<200x32xf32, #tpu.memory_space<vmem>>, vector<1x16xf32>,
        %add3A_599 = arith.constant 13 : i32
        %add3A_600 = arith.addi %add3A_131, %add3A_599 : i32
        %slice3A_601 = vector.extract_strided_slice %get3A_133 {offsets = [13], sizes = [1], strides = [1]} : vector<16xi32> to vector<1xi32>
        %squeeze3A_602 = vector.extract %slice3A_601[0] : i32 from vector<1xi32>
        %add3A_603 = arith.constant 0 : i32
        %add3A_604 = arith.addi %squeeze3A_602, %add3A_603 : i32
        %get3A_605 = arith.index_cast %add3A_600 : i32 to index
        %get3A_606 = arith.index_cast %add3A_604 : i32 to index
        %get3A_607 = tpu.vector_load %arg9[%get3A_605, %get3A_606] {strides = array<i32>} : memref<200x128xf32, #tpu.memory_space<vmem>>, vector<1x16xf32>,
        %get3A_608 = vector.shape_cast %get3A_607 : vector<1x16xf32> to vector<16xf32>
        %get3A_609 = arith.index_cast %add3A_600 : i32 to index
        %get3A_610 = arith.constant 0 : index
        %get3A_611 = tpu.vector_load %arg11[%get3A_609, %get3A_610] {strides = array<i32>} : memref<200x32xf32, #tpu.memory_space<vmem>>, vector<1x16xf32>,
        %get3A_612 = vector.shape_cast %get3A_611 : vector<1x16xf32> to vector<16xf32>
        %add3A_613 = arith.addf %get3A_608, %get3A_612 : vector<16xf32>
        %swap3A_614 = arith.index_cast %add3A_600 : i32 to index
        %swap3A_615 = arith.constant 0 : index
        %swap3A_616 = tpu.vector_load %arg10[%swap3A_614, %swap3A_615] {strides = array<i32>} : memref<200x32xf32, #tpu.memory_space<vmem>>, vector<1x16xf32>,
        %swap3A_617 = vector.shape_cast %swap3A_616 : vector<1x16xf32> to vector<16xf32>
        %swap3A_618 = vector.shape_cast %add3A_613 : vector<16xf32> to vector<1x16xf32>
        tpu.vector_store %arg10[%swap3A_614, %swap3A_615], %swap3A_618 {strides = array<i32>} : memref<200x32xf32, #tpu.memory_space<vmem>>, vector<1x16xf32>,
        %add3A_619 = arith.constant 16 : i32
        %add3A_620 = arith.addi %squeeze3A_602, %add3A_619 : i32
        %get3A_621 = arith.index_cast %add3A_600 : i32 to index
        %get3A_622 = arith.index_cast %add3A_620 : i32 to index
        %get3A_623 = tpu.vector_load %arg9[%get3A_621, %get3A_622] {strides = array<i32>} : memref<200x128xf32, #tpu.memory_space<vmem>>, vector<1x16xf32>,
        %get3A_624 = vector.shape_cast %get3A_623 : vector<1x16xf32> to vector<16xf32>
        %get3A_625 = arith.index_cast %add3A_600 : i32 to index
        %get3A_626 = arith.constant 16 : index
        %get3A_627 = tpu.vector_load %arg11[%get3A_625, %get3A_626] {strides = array<i32>} : memref<200x32xf32, #tpu.memory_space<vmem>>, vector<1x16xf32>,
        %get3A_628 = vector.shape_cast %get3A_627 : vector<1x16xf32> to vector<16xf32>
        %add3A_629 = arith.addf %get3A_624, %get3A_628 : vector<16xf32>
        %swap3A_630 = arith.index_cast %add3A_600 : i32 to index
        %swap3A_631 = arith.constant 16 : index
        %swap3A_632 = tpu.vector_load %arg10[%swap3A_630, %swap3A_631] {strides = array<i32>} : memref<200x32xf32, #tpu.memory_space<vmem>>, vector<1x16xf32>,
        %swap3A_633 = vector.shape_cast %swap3A_632 : vector<1x16xf32> to vector<16xf32>
        %swap3A_634 = vector.shape_cast %add3A_629 : vector<16xf32> to vector<1x16xf32>
        tpu.vector_store %arg10[%swap3A_630, %swap3A_631], %swap3A_634 {strides = array<i32>} : memref<200x32xf32, #tpu.memory_space<vmem>>, vector<1x16xf32>,
        %add3A_635 = arith.constant 14 : i32
        %add3A_636 = arith.addi %add3A_131, %add3A_635 : i32
        %slice3A_637 = vector.extract_strided_slice %get3A_133 {offsets = [14], sizes = [1], strides = [1]} : vector<16xi32> to vector<1xi32>
        %squeeze3A_638 = vector.extract %slice3A_637[0] : i32 from vector<1xi32>
        %add3A_639 = arith.constant 0 : i32
        %add3A_640 = arith.addi %squeeze3A_638, %add3A_639 : i32
        %get3A_641 = arith.index_cast %add3A_636 : i32 to index
        %get3A_642 = arith.index_cast %add3A_640 : i32 to index
        %get3A_643 = tpu.vector_load %arg9[%get3A_641, %get3A_642] {strides = array<i32>} : memref<200x128xf32, #tpu.memory_space<vmem>>, vector<1x16xf32>,
        %get3A_644 = vector.shape_cast %get3A_643 : vector<1x16xf32> to vector<16xf32>
        %get3A_645 = arith.index_cast %add3A_636 : i32 to index
        %get3A_646 = arith.constant 0 : index
        %get3A_647 = tpu.vector_load %arg11[%get3A_645, %get3A_646] {strides = array<i32>} : memref<200x32xf32, #tpu.memory_space<vmem>>, vector<1x16xf32>,
        %get3A_648 = vector.shape_cast %get3A_647 : vector<1x16xf32> to vector<16xf32>
        %add3A_649 = arith.addf %get3A_644, %get3A_648 : vector<16xf32>
        %swap3A_650 = arith.index_cast %add3A_636 : i32 to index
        %swap3A_651 = arith.constant 0 : index
        %swap3A_652 = tpu.vector_load %arg10[%swap3A_650, %swap3A_651] {strides = array<i32>} : memref<200x32xf32, #tpu.memory_space<vmem>>, vector<1x16xf32>,
        %swap3A_653 = vector.shape_cast %swap3A_652 : vector<1x16xf32> to vector<16xf32>
        %swap3A_654 = vector.shape_cast %add3A_649 : vector<16xf32> to vector<1x16xf32>
        tpu.vector_store %arg10[%swap3A_650, %swap3A_651], %swap3A_654 {strides = array<i32>} : memref<200x32xf32, #tpu.memory_space<vmem>>, vector<1x16xf32>,
        %add3A_655 = arith.constant 16 : i32
        %add3A_656 = arith.addi %squeeze3A_638, %add3A_655 : i32
        %get3A_657 = arith.index_cast %add3A_636 : i32 to index
        %get3A_658 = arith.index_cast %add3A_656 : i32 to index
        %get3A_659 = tpu.vector_load %arg9[%get3A_657, %get3A_658] {strides = array<i32>} : memref<200x128xf32, #tpu.memory_space<vmem>>, vector<1x16xf32>,
        %get3A_660 = vector.shape_cast %get3A_659 : vector<1x16xf32> to vector<16xf32>
        %get3A_661 = arith.index_cast %add3A_636 : i32 to index
        %get3A_662 = arith.constant 16 : index
        %get3A_663 = tpu.vector_load %arg11[%get3A_661, %get3A_662] {strides = array<i32>} : memref<200x32xf32, #tpu.memory_space<vmem>>, vector<1x16xf32>,
        %get3A_664 = vector.shape_cast %get3A_663 : vector<1x16xf32> to vector<16xf32>
        %add3A_665 = arith.addf %get3A_660, %get3A_664 : vector<16xf32>
        %swap3A_666 = arith.index_cast %add3A_636 : i32 to index
        %swap3A_667 = arith.constant 16 : index
        %swap3A_668 = tpu.vector_load %arg10[%swap3A_666, %swap3A_667] {strides = array<i32>} : memref<200x32xf32, #tpu.memory_space<vmem>>, vector<1x16xf32>,
        %swap3A_669 = vector.shape_cast %swap3A_668 : vector<1x16xf32> to vector<16xf32>
        %swap3A_670 = vector.shape_cast %add3A_665 : vector<16xf32> to vector<1x16xf32>
        tpu.vector_store %arg10[%swap3A_666, %swap3A_667], %swap3A_670 {strides = array<i32>} : memref<200x32xf32, #tpu.memory_space<vmem>>, vector<1x16xf32>,
        %add3A_671 = arith.constant 15 : i32
        %add3A_672 = arith.addi %add3A_131, %add3A_671 : i32
        %slice3A_673 = vector.extract_strided_slice %get3A_133 {offsets = [15], sizes = [1], strides = [1]} : vector<16xi32> to vector<1xi32>
        %squeeze3A_674 = vector.extract %slice3A_673[0] : i32 from vector<1xi32>
        %add3A_675 = arith.constant 0 : i32
        %add3A_676 = arith.addi %squeeze3A_674, %add3A_675 : i32
        %get3A_677 = arith.index_cast %add3A_672 : i32 to index
        %get3A_678 = arith.index_cast %add3A_676 : i32 to index
        %get3A_679 = tpu.vector_load %arg9[%get3A_677, %get3A_678] {strides = array<i32>} : memref<200x128xf32, #tpu.memory_space<vmem>>, vector<1x16xf32>,
        %get3A_680 = vector.shape_cast %get3A_679 : vector<1x16xf32> to vector<16xf32>
        %get3A_681 = arith.index_cast %add3A_672 : i32 to index
        %get3A_682 = arith.constant 0 : index
        %get3A_683 = tpu.vector_load %arg11[%get3A_681, %get3A_682] {strides = array<i32>} : memref<200x32xf32, #tpu.memory_space<vmem>>, vector<1x16xf32>,
        %get3A_684 = vector.shape_cast %get3A_683 : vector<1x16xf32> to vector<16xf32>
        %add3A_685 = arith.addf %get3A_680, %get3A_684 : vector<16xf32>
        %swap3A_686 = arith.index_cast %add3A_672 : i32 to index
        %swap3A_687 = arith.constant 0 : index
        %swap3A_688 = tpu.vector_load %arg10[%swap3A_686, %swap3A_687] {strides = array<i32>} : memref<200x32xf32, #tpu.memory_space<vmem>>, vector<1x16xf32>,
        %swap3A_689 = vector.shape_cast %swap3A_688 : vector<1x16xf32> to vector<16xf32>
        %swap3A_690 = vector.shape_cast %add3A_685 : vector<16xf32> to vector<1x16xf32>
        tpu.vector_store %arg10[%swap3A_686, %swap3A_687], %swap3A_690 {strides = array<i32>} : memref<200x32xf32, #tpu.memory_space<vmem>>, vector<1x16xf32>,
        %add3A_691 = arith.constant 16 : i32
        %add3A_692 = arith.addi %squeeze3A_674, %add3A_691 : i32
        %get3A_693 = arith.index_cast %add3A_672 : i32 to index
        %get3A_694 = arith.index_cast %add3A_692 : i32 to index
        %get3A_695 = tpu.vector_load %arg9[%get3A_693, %get3A_694] {strides = array<i32>} : memref<200x128xf32, #tpu.memory_space<vmem>>, vector<1x16xf32>,
        %get3A_696 = vector.shape_cast %get3A_695 : vector<1x16xf32> to vector<16xf32>
        %get3A_697 = arith.index_cast %add3A_672 : i32 to index
        %get3A_698 = arith.constant 16 : index
        %get3A_699 = tpu.vector_load %arg11[%get3A_697, %get3A_698] {strides = array<i32>} : memref<200x32xf32, #tpu.memory_space<vmem>>, vector<1x16xf32>,
        %get3A_700 = vector.shape_cast %get3A_699 : vector<1x16xf32> to vector<16xf32>
        %add3A_701 = arith.addf %get3A_696, %get3A_700 : vector<16xf32>
        %swap3A_702 = arith.index_cast %add3A_672 : i32 to index
        %swap3A_703 = arith.constant 16 : index
        %swap3A_704 = tpu.vector_load %arg10[%swap3A_702, %swap3A_703] {strides = array<i32>} : memref<200x32xf32, #tpu.memory_space<vmem>>, vector<1x16xf32>,
        %swap3A_705 = vector.shape_cast %swap3A_704 : vector<1x16xf32> to vector<16xf32>
        %swap3A_706 = vector.shape_cast %add3A_701 : vector<16xf32> to vector<1x16xf32>
        tpu.vector_store %arg10[%swap3A_702, %swap3A_703], %swap3A_706 {strides = array<i32>} : memref<200x32xf32, #tpu.memory_space<vmem>>, vector<1x16xf32>,
      }
      %scan3A_111 = arith.constant 3 : i32
      %dma_wait3A_112 = arith.constant 160 : i32
      %dma_wait3A_113 = arith.constant 0 : i32
      %dma_wait3A_114 = tpu.memref_slice %arg9[%dma_wait3A_112, %dma_wait3A_113] : memref<200x128xf32, #tpu.memory_space<vmem>> -> memref<40x128xf32, #tpu.memory_space<vmem>>
      %dma_wait3A_115 = arith.constant 160 : i32
      %dma_wait3A_116 = tpu.memref_slice %arg7[%dma_wait3A_115] : memref<200xi32, #tpu.memory_space<vmem>> -> memref<40xi32, #tpu.memory_space<vmem>>
      %dma_wait3A_117 = arith.constant 0 : i32
      %dma_wait3A_118 = arith.constant 0 : i32
      %dma_wait3A_119 = tpu.memref_slice %arg3[%dma_wait3A_117, %dma_wait3A_118] : memref<250000x128xf32, #tpu.memory_space<hbm>> -> memref<250000x128xf32, #tpu.memory_space<hbm>>
      tpu.wait_indirect_dma semaphore(%arg16 : memref<!tpu.dma_semaphore, #tpu.memory_space<semaphore_mem>>) src(%dma_wait3A_119 : memref<250000x128xf32, #tpu.memory_space<hbm>>) dst(%dma_wait3A_114 : memref<40x128xf32, #tpu.memory_space<vmem>>)
      %scan3A_120 = arith.constant 0 : i32
      %scan3A_121 = arith.constant 0 : i32
      %scan3A_122 = arith.constant 3 : i32
      %scan3A_123 = arith.addi %scan3A_121, %scan3A_122 : i32
      %scan3A_124 = arith.constant 1 : i32
      scf.for %scan3A_126 = %scan3A_121 to %scan3A_123 step %scan3A_124  : i32 {
        %mul3A_127 = arith.constant 16 : i32
        %mul3A_128 = arith.muli %scan3A_126, %mul3A_127 : i32
        %min3A = arith.constant 24 : i32
        %min3A_129 = arith.minsi %mul3A_128, %min3A : i32
        %add3A_130 = arith.constant 160 : i32
        %add3A_131 = arith.addi %add3A_130, %min3A_129 : i32
        %get3A = arith.index_cast %add3A_131 : i32 to index
        %get3A_132 = tpu.vector_load %arg8[%get3A] {strides = array<i32>} : memref<200xi32, #tpu.memory_space<vmem>>, vector<16xi32>,
        %get3A_133 = vector.shape_cast %get3A_132 : vector<16xi32> to vector<16xi32>
        %add3A_134 = arith.constant 0 : i32
        %add3A_135 = arith.addi %add3A_131, %add3A_134 : i32
        %slice3A = vector.extract_strided_slice %get3A_133 {offsets = [0], sizes = [1], strides = [1]} : vector<16xi32> to vector<1xi32>
        %squeeze3A = vector.extract %slice3A[0] : i32 from vector<1xi32>
        %add3A_136 = arith.constant 0 : i32
        %add3A_137 = arith.addi %squeeze3A, %add3A_136 : i32
        %get3A_138 = arith.index_cast %add3A_135 : i32 to index
        %get3A_139 = arith.index_cast %add3A_137 : i32 to index
        %get3A_140 = tpu.vector_load %arg9[%get3A_138, %get3A_139] {strides = array<i32>} : memref<200x128xf32, #tpu.memory_space<vmem>>, vector<1x16xf32>,
        %get3A_141 = vector.shape_cast %get3A_140 : vector<1x16xf32> to vector<16xf32>
        %get3A_142 = arith.index_cast %add3A_135 : i32 to index
        %get3A_143 = arith.constant 0 : index
        %get3A_144 = tpu.vector_load %arg11[%get3A_142, %get3A_143] {strides = array<i32>} : memref<200x32xf32, #tpu.memory_space<vmem>>, vector<1x16xf32>,
        %get3A_145 = vector.shape_cast %get3A_144 : vector<1x16xf32> to vector<16xf32>
        %add3A_146 = arith.addf %get3A_141, %get3A_145 : vector<16xf32>
        %swap3A = arith.index_cast %add3A_135 : i32 to index
        %swap3A_147 = arith.constant 0 : index
        %swap3A_148 = tpu.vector_load %arg10[%swap3A, %swap3A_147] {strides = array<i32>} : memref<200x32xf32, #tpu.memory_space<vmem>>, vector<1x16xf32>,
        %swap3A_149 = vector.shape_cast %swap3A_148 : vector<1x16xf32> to vector<16xf32>
        %swap3A_150 = vector.shape_cast %add3A_146 : vector<16xf32> to vector<1x16xf32>
        tpu.vector_store %arg10[%swap3A, %swap3A_147], %swap3A_150 {strides = array<i32>} : memref<200x32xf32, #tpu.memory_space<vmem>>, vector<1x16xf32>,
        %add3A_151 = arith.constant 16 : i32
        %add3A_152 = arith.addi %squeeze3A, %add3A_151 : i32
        %get3A_153 = arith.index_cast %add3A_135 : i32 to index
        %get3A_154 = arith.index_cast %add3A_152 : i32 to index
        %get3A_155 = tpu.vector_load %arg9[%get3A_153, %get3A_154] {strides = array<i32>} : memref<200x128xf32, #tpu.memory_space<vmem>>, vector<1x16xf32>,
        %get3A_156 = vector.shape_cast %get3A_155 : vector<1x16xf32> to vector<16xf32>
        %get3A_157 = arith.index_cast %add3A_135 : i32 to index
        %get3A_158 = arith.constant 16 : index
        %get3A_159 = tpu.vector_load %arg11[%get3A_157, %get3A_158] {strides = array<i32>} : memref<200x32xf32, #tpu.memory_space<vmem>>, vector<1x16xf32>,
        %get3A_160 = vector.shape_cast %get3A_159 : vector<1x16xf32> to vector<16xf32>
        %add3A_161 = arith.addf %get3A_156, %get3A_160 : vector<16xf32>
        %swap3A_162 = arith.index_cast %add3A_135 : i32 to index
        %swap3A_163 = arith.constant 16 : index
        %swap3A_164 = tpu.vector_load %arg10[%swap3A_162, %swap3A_163] {strides = array<i32>} : memref<200x32xf32, #tpu.memory_space<vmem>>, vector<1x16xf32>,
        %swap3A_165 = vector.shape_cast %swap3A_164 : vector<1x16xf32> to vector<16xf32>
        %swap3A_166 = vector.shape_cast %add3A_161 : vector<16xf32> to vector<1x16xf32>
        tpu.vector_store %arg10[%swap3A_162, %swap3A_163], %swap3A_166 {strides = array<i32>} : memref<200x32xf32, #tpu.memory_space<vmem>>, vector<1x16xf32>,
        %add3A_167 = arith.constant 1 : i32
        %add3A_168 = arith.addi %add3A_131, %add3A_167 : i32
        %slice3A_169 = vector.extract_strided_slice %get3A_133 {offsets = [1], sizes = [1], strides = [1]} : vector<16xi32> to vector<1xi32>
        %squeeze3A_170 = vector.extract %slice3A_169[0] : i32 from vector<1xi32>
        %add3A_171 = arith.constant 0 : i32
        %add3A_172 = arith.addi %squeeze3A_170, %add3A_171 : i32
        %get3A_173 = arith.index_cast %add3A_168 : i32 to index
        %get3A_174 = arith.index_cast %add3A_172 : i32 to index
        %get3A_175 = tpu.vector_load %arg9[%get3A_173, %get3A_174] {strides = array<i32>} : memref<200x128xf32, #tpu.memory_space<vmem>>, vector<1x16xf32>,
        %get3A_176 = vector.shape_cast %get3A_175 : vector<1x16xf32> to vector<16xf32>
        %get3A_177 = arith.index_cast %add3A_168 : i32 to index
        %get3A_178 = arith.constant 0 : index
        %get3A_179 = tpu.vector_load %arg11[%get3A_177, %get3A_178] {strides = array<i32>} : memref<200x32xf32, #tpu.memory_space<vmem>>, vector<1x16xf32>,
        %get3A_180 = vector.shape_cast %get3A_179 : vector<1x16xf32> to vector<16xf32>
        %add3A_181 = arith.addf %get3A_176, %get3A_180 : vector<16xf32>
        %swap3A_182 = arith.index_cast %add3A_168 : i32 to index
        %swap3A_183 = arith.constant 0 : index
        %swap3A_184 = tpu.vector_load %arg10[%swap3A_182, %swap3A_183] {strides = array<i32>} : memref<200x32xf32, #tpu.memory_space<vmem>>, vector<1x16xf32>,
        %swap3A_185 = vector.shape_cast %swap3A_184 : vector<1x16xf32> to vector<16xf32>
        %swap3A_186 = vector.shape_cast %add3A_181 : vector<16xf32> to vector<1x16xf32>
        tpu.vector_store %arg10[%swap3A_182, %swap3A_183], %swap3A_186 {strides = array<i32>} : memref<200x32xf32, #tpu.memory_space<vmem>>, vector<1x16xf32>,
        %add3A_187 = arith.constant 16 : i32
        %add3A_188 = arith.addi %squeeze3A_170, %add3A_187 : i32
        %get3A_189 = arith.index_cast %add3A_168 : i32 to index
        %get3A_190 = arith.index_cast %add3A_188 : i32 to index
        %get3A_191 = tpu.vector_load %arg9[%get3A_189, %get3A_190] {strides = array<i32>} : memref<200x128xf32, #tpu.memory_space<vmem>>, vector<1x16xf32>,
        %get3A_192 = vector.shape_cast %get3A_191 : vector<1x16xf32> to vector<16xf32>
        %get3A_193 = arith.index_cast %add3A_168 : i32 to index
        %get3A_194 = arith.constant 16 : index
        %get3A_195 = tpu.vector_load %arg11[%get3A_193, %get3A_194] {strides = array<i32>} : memref<200x32xf32, #tpu.memory_space<vmem>>, vector<1x16xf32>,
        %get3A_196 = vector.shape_cast %get3A_195 : vector<1x16xf32> to vector<16xf32>
        %add3A_197 = arith.addf %get3A_192, %get3A_196 : vector<16xf32>
        %swap3A_198 = arith.index_cast %add3A_168 : i32 to index
        %swap3A_199 = arith.constant 16 : index
        %swap3A_200 = tpu.vector_load %arg10[%swap3A_198, %swap3A_199] {strides = array<i32>} : memref<200x32xf32, #tpu.memory_space<vmem>>, vector<1x16xf32>,
        %swap3A_201 = vector.shape_cast %swap3A_200 : vector<1x16xf32> to vector<16xf32>
        %swap3A_202 = vector.shape_cast %add3A_197 : vector<16xf32> to vector<1x16xf32>
        tpu.vector_store %arg10[%swap3A_198, %swap3A_199], %swap3A_202 {strides = array<i32>} : memref<200x32xf32, #tpu.memory_space<vmem>>, vector<1x16xf32>,
        %add3A_203 = arith.constant 2 : i32
        %add3A_204 = arith.addi %add3A_131, %add3A_203 : i32
        %slice3A_205 = vector.extract_strided_slice %get3A_133 {offsets = [2], sizes = [1], strides = [1]} : vector<16xi32> to vector<1xi32>
        %squeeze3A_206 = vector.extract %slice3A_205[0] : i32 from vector<1xi32>
        %add3A_207 = arith.constant 0 : i32
        %add3A_208 = arith.addi %squeeze3A_206, %add3A_207 : i32
        %get3A_209 = arith.index_cast %add3A_204 : i32 to index
        %get3A_210 = arith.index_cast %add3A_208 : i32 to index
        %get3A_211 = tpu.vector_load %arg9[%get3A_209, %get3A_210] {strides = array<i32>} : memref<200x128xf32, #tpu.memory_space<vmem>>, vector<1x16xf32>,
        %get3A_212 = vector.shape_cast %get3A_211 : vector<1x16xf32> to vector<16xf32>
        %get3A_213 = arith.index_cast %add3A_204 : i32 to index
        %get3A_214 = arith.constant 0 : index
        %get3A_215 = tpu.vector_load %arg11[%get3A_213, %get3A_214] {strides = array<i32>} : memref<200x32xf32, #tpu.memory_space<vmem>>, vector<1x16xf32>,
        %get3A_216 = vector.shape_cast %get3A_215 : vector<1x16xf32> to vector<16xf32>
        %add3A_217 = arith.addf %get3A_212, %get3A_216 : vector<16xf32>
        %swap3A_218 = arith.index_cast %add3A_204 : i32 to index
        %swap3A_219 = arith.constant 0 : index
        %swap3A_220 = tpu.vector_load %arg10[%swap3A_218, %swap3A_219] {strides = array<i32>} : memref<200x32xf32, #tpu.memory_space<vmem>>, vector<1x16xf32>,
        %swap3A_221 = vector.shape_cast %swap3A_220 : vector<1x16xf32> to vector<16xf32>
        %swap3A_222 = vector.shape_cast %add3A_217 : vector<16xf32> to vector<1x16xf32>
        tpu.vector_store %arg10[%swap3A_218, %swap3A_219], %swap3A_222 {strides = array<i32>} : memref<200x32xf32, #tpu.memory_space<vmem>>, vector<1x16xf32>,
        %add3A_223 = arith.constant 16 : i32
        %add3A_224 = arith.addi %squeeze3A_206, %add3A_223 : i32
        %get3A_225 = arith.index_cast %add3A_204 : i32 to index
        %get3A_226 = arith.index_cast %add3A_224 : i32 to index
        %get3A_227 = tpu.vector_load %arg9[%get3A_225, %get3A_226] {strides = array<i32>} : memref<200x128xf32, #tpu.memory_space<vmem>>, vector<1x16xf32>,
        %get3A_228 = vector.shape_cast %get3A_227 : vector<1x16xf32> to vector<16xf32>
        %get3A_229 = arith.index_cast %add3A_204 : i32 to index
        %get3A_230 = arith.constant 16 : index
        %get3A_231 = tpu.vector_load %arg11[%get3A_229, %get3A_230] {strides = array<i32>} : memref<200x32xf32, #tpu.memory_space<vmem>>, vector<1x16xf32>,
        %get3A_232 = vector.shape_cast %get3A_231 : vector<1x16xf32> to vector<16xf32>
        %add3A_233 = arith.addf %get3A_228, %get3A_232 : vector<16xf32>
        %swap3A_234 = arith.index_cast %add3A_204 : i32 to index
        %swap3A_235 = arith.constant 16 : index
        %swap3A_236 = tpu.vector_load %arg10[%swap3A_234, %swap3A_235] {strides = array<i32>} : memref<200x32xf32, #tpu.memory_space<vmem>>, vector<1x16xf32>,
        %swap3A_237 = vector.shape_cast %swap3A_236 : vector<1x16xf32> to vector<16xf32>
        %swap3A_238 = vector.shape_cast %add3A_233 : vector<16xf32> to vector<1x16xf32>
        tpu.vector_store %arg10[%swap3A_234, %swap3A_235], %swap3A_238 {strides = array<i32>} : memref<200x32xf32, #tpu.memory_space<vmem>>, vector<1x16xf32>,
        %add3A_239 = arith.constant 3 : i32
        %add3A_240 = arith.addi %add3A_131, %add3A_239 : i32
        %slice3A_241 = vector.extract_strided_slice %get3A_133 {offsets = [3], sizes = [1], strides = [1]} : vector<16xi32> to vector<1xi32>
        %squeeze3A_242 = vector.extract %slice3A_241[0] : i32 from vector<1xi32>
        %add3A_243 = arith.constant 0 : i32
        %add3A_244 = arith.addi %squeeze3A_242, %add3A_243 : i32
        %get3A_245 = arith.index_cast %add3A_240 : i32 to index
        %get3A_246 = arith.index_cast %add3A_244 : i32 to index
        %get3A_247 = tpu.vector_load %arg9[%get3A_245, %get3A_246] {strides = array<i32>} : memref<200x128xf32, #tpu.memory_space<vmem>>, vector<1x16xf32>,
        %get3A_248 = vector.shape_cast %get3A_247 : vector<1x16xf32> to vector<16xf32>
        %get3A_249 = arith.index_cast %add3A_240 : i32 to index
        %get3A_250 = arith.constant 0 : index
        %get3A_251 = tpu.vector_load %arg11[%get3A_249, %get3A_250] {strides = array<i32>} : memref<200x32xf32, #tpu.memory_space<vmem>>, vector<1x16xf32>,
        %get3A_252 = vector.shape_cast %get3A_251 : vector<1x16xf32> to vector<16xf32>
        %add3A_253 = arith.addf %get3A_248, %get3A_252 : vector<16xf32>
        %swap3A_254 = arith.index_cast %add3A_240 : i32 to index
        %swap3A_255 = arith.constant 0 : index
        %swap3A_256 = tpu.vector_load %arg10[%swap3A_254, %swap3A_255] {strides = array<i32>} : memref<200x32xf32, #tpu.memory_space<vmem>>, vector<1x16xf32>,
        %swap3A_257 = vector.shape_cast %swap3A_256 : vector<1x16xf32> to vector<16xf32>
        %swap3A_258 = vector.shape_cast %add3A_253 : vector<16xf32> to vector<1x16xf32>
        tpu.vector_store %arg10[%swap3A_254, %swap3A_255], %swap3A_258 {strides = array<i32>} : memref<200x32xf32, #tpu.memory_space<vmem>>, vector<1x16xf32>,
        %add3A_259 = arith.constant 16 : i32
        %add3A_260 = arith.addi %squeeze3A_242, %add3A_259 : i32
        %get3A_261 = arith.index_cast %add3A_240 : i32 to index
        %get3A_262 = arith.index_cast %add3A_260 : i32 to index
        %get3A_263 = tpu.vector_load %arg9[%get3A_261, %get3A_262] {strides = array<i32>} : memref<200x128xf32, #tpu.memory_space<vmem>>, vector<1x16xf32>,
        %get3A_264 = vector.shape_cast %get3A_263 : vector<1x16xf32> to vector<16xf32>
        %get3A_265 = arith.index_cast %add3A_240 : i32 to index
        %get3A_266 = arith.constant 16 : index
        %get3A_267 = tpu.vector_load %arg11[%get3A_265, %get3A_266] {strides = array<i32>} : memref<200x32xf32, #tpu.memory_space<vmem>>, vector<1x16xf32>,
        %get3A_268 = vector.shape_cast %get3A_267 : vector<1x16xf32> to vector<16xf32>
        %add3A_269 = arith.addf %get3A_264, %get3A_268 : vector<16xf32>
        %swap3A_270 = arith.index_cast %add3A_240 : i32 to index
        %swap3A_271 = arith.constant 16 : index
        %swap3A_272 = tpu.vector_load %arg10[%swap3A_270, %swap3A_271] {strides = array<i32>} : memref<200x32xf32, #tpu.memory_space<vmem>>, vector<1x16xf32>,
        %swap3A_273 = vector.shape_cast %swap3A_272 : vector<1x16xf32> to vector<16xf32>
        %swap3A_274 = vector.shape_cast %add3A_269 : vector<16xf32> to vector<1x16xf32>
        tpu.vector_store %arg10[%swap3A_270, %swap3A_271], %swap3A_274 {strides = array<i32>} : memref<200x32xf32, #tpu.memory_space<vmem>>, vector<1x16xf32>,
        %add3A_275 = arith.constant 4 : i32
        %add3A_276 = arith.addi %add3A_131, %add3A_275 : i32
        %slice3A_277 = vector.extract_strided_slice %get3A_133 {offsets = [4], sizes = [1], strides = [1]} : vector<16xi32> to vector<1xi32>
        %squeeze3A_278 = vector.extract %slice3A_277[0] : i32 from vector<1xi32>
        %add3A_279 = arith.constant 0 : i32
        %add3A_280 = arith.addi %squeeze3A_278, %add3A_279 : i32
        %get3A_281 = arith.index_cast %add3A_276 : i32 to index
        %get3A_282 = arith.index_cast %add3A_280 : i32 to index
        %get3A_283 = tpu.vector_load %arg9[%get3A_281, %get3A_282] {strides = array<i32>} : memref<200x128xf32, #tpu.memory_space<vmem>>, vector<1x16xf32>,
        %get3A_284 = vector.shape_cast %get3A_283 : vector<1x16xf32> to vector<16xf32>
        %get3A_285 = arith.index_cast %add3A_276 : i32 to index
        %get3A_286 = arith.constant 0 : index
        %get3A_287 = tpu.vector_load %arg11[%get3A_285, %get3A_286] {strides = array<i32>} : memref<200x32xf32, #tpu.memory_space<vmem>>, vector<1x16xf32>,
        %get3A_288 = vector.shape_cast %get3A_287 : vector<1x16xf32> to vector<16xf32>
        %add3A_289 = arith.addf %get3A_284, %get3A_288 : vector<16xf32>
        %swap3A_290 = arith.index_cast %add3A_276 : i32 to index
        %swap3A_291 = arith.constant 0 : index
        %swap3A_292 = tpu.vector_load %arg10[%swap3A_290, %swap3A_291] {strides = array<i32>} : memref<200x32xf32, #tpu.memory_space<vmem>>, vector<1x16xf32>,
        %swap3A_293 = vector.shape_cast %swap3A_292 : vector<1x16xf32> to vector<16xf32>
        %swap3A_294 = vector.shape_cast %add3A_289 : vector<16xf32> to vector<1x16xf32>
        tpu.vector_store %arg10[%swap3A_290, %swap3A_291], %swap3A_294 {strides = array<i32>} : memref<200x32xf32, #tpu.memory_space<vmem>>, vector<1x16xf32>,
        %add3A_295 = arith.constant 16 : i32
        %add3A_296 = arith.addi %squeeze3A_278, %add3A_295 : i32
        %get3A_297 = arith.index_cast %add3A_276 : i32 to index
        %get3A_298 = arith.index_cast %add3A_296 : i32 to index
        %get3A_299 = tpu.vector_load %arg9[%get3A_297, %get3A_298] {strides = array<i32>} : memref<200x128xf32, #tpu.memory_space<vmem>>, vector<1x16xf32>,
        %get3A_300 = vector.shape_cast %get3A_299 : vector<1x16xf32> to vector<16xf32>
        %get3A_301 = arith.index_cast %add3A_276 : i32 to index
        %get3A_302 = arith.constant 16 : index
        %get3A_303 = tpu.vector_load %arg11[%get3A_301, %get3A_302] {strides = array<i32>} : memref<200x32xf32, #tpu.memory_space<vmem>>, vector<1x16xf32>,
        %get3A_304 = vector.shape_cast %get3A_303 : vector<1x16xf32> to vector<16xf32>
        %add3A_305 = arith.addf %get3A_300, %get3A_304 : vector<16xf32>
        %swap3A_306 = arith.index_cast %add3A_276 : i32 to index
        %swap3A_307 = arith.constant 16 : index
        %swap3A_308 = tpu.vector_load %arg10[%swap3A_306, %swap3A_307] {strides = array<i32>} : memref<200x32xf32, #tpu.memory_space<vmem>>, vector<1x16xf32>,
        %swap3A_309 = vector.shape_cast %swap3A_308 : vector<1x16xf32> to vector<16xf32>
        %swap3A_310 = vector.shape_cast %add3A_305 : vector<16xf32> to vector<1x16xf32>
        tpu.vector_store %arg10[%swap3A_306, %swap3A_307], %swap3A_310 {strides = array<i32>} : memref<200x32xf32, #tpu.memory_space<vmem>>, vector<1x16xf32>,
        %add3A_311 = arith.constant 5 : i32
        %add3A_312 = arith.addi %add3A_131, %add3A_311 : i32
        %slice3A_313 = vector.extract_strided_slice %get3A_133 {offsets = [5], sizes = [1], strides = [1]} : vector<16xi32> to vector<1xi32>
        %squeeze3A_314 = vector.extract %slice3A_313[0] : i32 from vector<1xi32>
        %add3A_315 = arith.constant 0 : i32
        %add3A_316 = arith.addi %squeeze3A_314, %add3A_315 : i32
        %get3A_317 = arith.index_cast %add3A_312 : i32 to index
        %get3A_318 = arith.index_cast %add3A_316 : i32 to index
        %get3A_319 = tpu.vector_load %arg9[%get3A_317, %get3A_318] {strides = array<i32>} : memref<200x128xf32, #tpu.memory_space<vmem>>, vector<1x16xf32>,
        %get3A_320 = vector.shape_cast %get3A_319 : vector<1x16xf32> to vector<16xf32>
        %get3A_321 = arith.index_cast %add3A_312 : i32 to index
        %get3A_322 = arith.constant 0 : index
        %get3A_323 = tpu.vector_load %arg11[%get3A_321, %get3A_322] {strides = array<i32>} : memref<200x32xf32, #tpu.memory_space<vmem>>, vector<1x16xf32>,
        %get3A_324 = vector.shape_cast %get3A_323 : vector<1x16xf32> to vector<16xf32>
        %add3A_325 = arith.addf %get3A_320, %get3A_324 : vector<16xf32>
        %swap3A_326 = arith.index_cast %add3A_312 : i32 to index
        %swap3A_327 = arith.constant 0 : index
        %swap3A_328 = tpu.vector_load %arg10[%swap3A_326, %swap3A_327] {strides = array<i32>} : memref<200x32xf32, #tpu.memory_space<vmem>>, vector<1x16xf32>,
        %swap3A_329 = vector.shape_cast %swap3A_328 : vector<1x16xf32> to vector<16xf32>
        %swap3A_330 = vector.shape_cast %add3A_325 : vector<16xf32> to vector<1x16xf32>
        tpu.vector_store %arg10[%swap3A_326, %swap3A_327], %swap3A_330 {strides = array<i32>} : memref<200x32xf32, #tpu.memory_space<vmem>>, vector<1x16xf32>,
        %add3A_331 = arith.constant 16 : i32
        %add3A_332 = arith.addi %squeeze3A_314, %add3A_331 : i32
        %get3A_333 = arith.index_cast %add3A_312 : i32 to index
        %get3A_334 = arith.index_cast %add3A_332 : i32 to index
        %get3A_335 = tpu.vector_load %arg9[%get3A_333, %get3A_334] {strides = array<i32>} : memref<200x128xf32, #tpu.memory_space<vmem>>, vector<1x16xf32>,
        %get3A_336 = vector.shape_cast %get3A_335 : vector<1x16xf32> to vector<16xf32>
        %get3A_337 = arith.index_cast %add3A_312 : i32 to index
        %get3A_338 = arith.constant 16 : index
        %get3A_339 = tpu.vector_load %arg11[%get3A_337, %get3A_338] {strides = array<i32>} : memref<200x32xf32, #tpu.memory_space<vmem>>, vector<1x16xf32>,
        %get3A_340 = vector.shape_cast %get3A_339 : vector<1x16xf32> to vector<16xf32>
        %add3A_341 = arith.addf %get3A_336, %get3A_340 : vector<16xf32>
        %swap3A_342 = arith.index_cast %add3A_312 : i32 to index
        %swap3A_343 = arith.constant 16 : index
        %swap3A_344 = tpu.vector_load %arg10[%swap3A_342, %swap3A_343] {strides = array<i32>} : memref<200x32xf32, #tpu.memory_space<vmem>>, vector<1x16xf32>,
        %swap3A_345 = vector.shape_cast %swap3A_344 : vector<1x16xf32> to vector<16xf32>
        %swap3A_346 = vector.shape_cast %add3A_341 : vector<16xf32> to vector<1x16xf32>
        tpu.vector_store %arg10[%swap3A_342, %swap3A_343], %swap3A_346 {strides = array<i32>} : memref<200x32xf32, #tpu.memory_space<vmem>>, vector<1x16xf32>,
        %add3A_347 = arith.constant 6 : i32
        %add3A_348 = arith.addi %add3A_131, %add3A_347 : i32
        %slice3A_349 = vector.extract_strided_slice %get3A_133 {offsets = [6], sizes = [1], strides = [1]} : vector<16xi32> to vector<1xi32>
        %squeeze3A_350 = vector.extract %slice3A_349[0] : i32 from vector<1xi32>
        %add3A_351 = arith.constant 0 : i32
        %add3A_352 = arith.addi %squeeze3A_350, %add3A_351 : i32
        %get3A_353 = arith.index_cast %add3A_348 : i32 to index
        %get3A_354 = arith.index_cast %add3A_352 : i32 to index
        %get3A_355 = tpu.vector_load %arg9[%get3A_353, %get3A_354] {strides = array<i32>} : memref<200x128xf32, #tpu.memory_space<vmem>>, vector<1x16xf32>,
        %get3A_356 = vector.shape_cast %get3A_355 : vector<1x16xf32> to vector<16xf32>
        %get3A_357 = arith.index_cast %add3A_348 : i32 to index
        %get3A_358 = arith.constant 0 : index
        %get3A_359 = tpu.vector_load %arg11[%get3A_357, %get3A_358] {strides = array<i32>} : memref<200x32xf32, #tpu.memory_space<vmem>>, vector<1x16xf32>,
        %get3A_360 = vector.shape_cast %get3A_359 : vector<1x16xf32> to vector<16xf32>
        %add3A_361 = arith.addf %get3A_356, %get3A_360 : vector<16xf32>
        %swap3A_362 = arith.index_cast %add3A_348 : i32 to index
        %swap3A_363 = arith.constant 0 : index
        %swap3A_364 = tpu.vector_load %arg10[%swap3A_362, %swap3A_363] {strides = array<i32>} : memref<200x32xf32, #tpu.memory_space<vmem>>, vector<1x16xf32>,
        %swap3A_365 = vector.shape_cast %swap3A_364 : vector<1x16xf32> to vector<16xf32>
        %swap3A_366 = vector.shape_cast %add3A_361 : vector<16xf32> to vector<1x16xf32>
        tpu.vector_store %arg10[%swap3A_362, %swap3A_363], %swap3A_366 {strides = array<i32>} : memref<200x32xf32, #tpu.memory_space<vmem>>, vector<1x16xf32>,
        %add3A_367 = arith.constant 16 : i32
        %add3A_368 = arith.addi %squeeze3A_350, %add3A_367 : i32
        %get3A_369 = arith.index_cast %add3A_348 : i32 to index
        %get3A_370 = arith.index_cast %add3A_368 : i32 to index
        %get3A_371 = tpu.vector_load %arg9[%get3A_369, %get3A_370] {strides = array<i32>} : memref<200x128xf32, #tpu.memory_space<vmem>>, vector<1x16xf32>,
        %get3A_372 = vector.shape_cast %get3A_371 : vector<1x16xf32> to vector<16xf32>
        %get3A_373 = arith.index_cast %add3A_348 : i32 to index
        %get3A_374 = arith.constant 16 : index
        %get3A_375 = tpu.vector_load %arg11[%get3A_373, %get3A_374] {strides = array<i32>} : memref<200x32xf32, #tpu.memory_space<vmem>>, vector<1x16xf32>,
        %get3A_376 = vector.shape_cast %get3A_375 : vector<1x16xf32> to vector<16xf32>
        %add3A_377 = arith.addf %get3A_372, %get3A_376 : vector<16xf32>
        %swap3A_378 = arith.index_cast %add3A_348 : i32 to index
        %swap3A_379 = arith.constant 16 : index
        %swap3A_380 = tpu.vector_load %arg10[%swap3A_378, %swap3A_379] {strides = array<i32>} : memref<200x32xf32, #tpu.memory_space<vmem>>, vector<1x16xf32>,
        %swap3A_381 = vector.shape_cast %swap3A_380 : vector<1x16xf32> to vector<16xf32>
        %swap3A_382 = vector.shape_cast %add3A_377 : vector<16xf32> to vector<1x16xf32>
        tpu.vector_store %arg10[%swap3A_378, %swap3A_379], %swap3A_382 {strides = array<i32>} : memref<200x32xf32, #tpu.memory_space<vmem>>, vector<1x16xf32>,
        %add3A_383 = arith.constant 7 : i32
        %add3A_384 = arith.addi %add3A_131, %add3A_383 : i32
        %slice3A_385 = vector.extract_strided_slice %get3A_133 {offsets = [7], sizes = [1], strides = [1]} : vector<16xi32> to vector<1xi32>
        %squeeze3A_386 = vector.extract %slice3A_385[0] : i32 from vector<1xi32>
        %add3A_387 = arith.constant 0 : i32
        %add3A_388 = arith.addi %squeeze3A_386, %add3A_387 : i32
        %get3A_389 = arith.index_cast %add3A_384 : i32 to index
        %get3A_390 = arith.index_cast %add3A_388 : i32 to index
        %get3A_391 = tpu.vector_load %arg9[%get3A_389, %get3A_390] {strides = array<i32>} : memref<200x128xf32, #tpu.memory_space<vmem>>, vector<1x16xf32>,
        %get3A_392 = vector.shape_cast %get3A_391 : vector<1x16xf32> to vector<16xf32>
        %get3A_393 = arith.index_cast %add3A_384 : i32 to index
        %get3A_394 = arith.constant 0 : index
        %get3A_395 = tpu.vector_load %arg11[%get3A_393, %get3A_394] {strides = array<i32>} : memref<200x32xf32, #tpu.memory_space<vmem>>, vector<1x16xf32>,
        %get3A_396 = vector.shape_cast %get3A_395 : vector<1x16xf32> to vector<16xf32>
        %add3A_397 = arith.addf %get3A_392, %get3A_396 : vector<16xf32>
        %swap3A_398 = arith.index_cast %add3A_384 : i32 to index
        %swap3A_399 = arith.constant 0 : index
        %swap3A_400 = tpu.vector_load %arg10[%swap3A_398, %swap3A_399] {strides = array<i32>} : memref<200x32xf32, #tpu.memory_space<vmem>>, vector<1x16xf32>,
        %swap3A_401 = vector.shape_cast %swap3A_400 : vector<1x16xf32> to vector<16xf32>
        %swap3A_402 = vector.shape_cast %add3A_397 : vector<16xf32> to vector<1x16xf32>
        tpu.vector_store %arg10[%swap3A_398, %swap3A_399], %swap3A_402 {strides = array<i32>} : memref<200x32xf32, #tpu.memory_space<vmem>>, vector<1x16xf32>,
        %add3A_403 = arith.constant 16 : i32
        %add3A_404 = arith.addi %squeeze3A_386, %add3A_403 : i32
        %get3A_405 = arith.index_cast %add3A_384 : i32 to index
        %get3A_406 = arith.index_cast %add3A_404 : i32 to index
        %get3A_407 = tpu.vector_load %arg9[%get3A_405, %get3A_406] {strides = array<i32>} : memref<200x128xf32, #tpu.memory_space<vmem>>, vector<1x16xf32>,
        %get3A_408 = vector.shape_cast %get3A_407 : vector<1x16xf32> to vector<16xf32>
        %get3A_409 = arith.index_cast %add3A_384 : i32 to index
        %get3A_410 = arith.constant 16 : index
        %get3A_411 = tpu.vector_load %arg11[%get3A_409, %get3A_410] {strides = array<i32>} : memref<200x32xf32, #tpu.memory_space<vmem>>, vector<1x16xf32>,
        %get3A_412 = vector.shape_cast %get3A_411 : vector<1x16xf32> to vector<16xf32>
        %add3A_413 = arith.addf %get3A_408, %get3A_412 : vector<16xf32>
        %swap3A_414 = arith.index_cast %add3A_384 : i32 to index
        %swap3A_415 = arith.constant 16 : index
        %swap3A_416 = tpu.vector_load %arg10[%swap3A_414, %swap3A_415] {strides = array<i32>} : memref<200x32xf32, #tpu.memory_space<vmem>>, vector<1x16xf32>,
        %swap3A_417 = vector.shape_cast %swap3A_416 : vector<1x16xf32> to vector<16xf32>
        %swap3A_418 = vector.shape_cast %add3A_413 : vector<16xf32> to vector<1x16xf32>
        tpu.vector_store %arg10[%swap3A_414, %swap3A_415], %swap3A_418 {strides = array<i32>} : memref<200x32xf32, #tpu.memory_space<vmem>>, vector<1x16xf32>,
        %add3A_419 = arith.constant 8 : i32
        %add3A_420 = arith.addi %add3A_131, %add3A_419 : i32
        %slice3A_421 = vector.extract_strided_slice %get3A_133 {offsets = [8], sizes = [1], strides = [1]} : vector<16xi32> to vector<1xi32>
        %squeeze3A_422 = vector.extract %slice3A_421[0] : i32 from vector<1xi32>
        %add3A_423 = arith.constant 0 : i32
        %add3A_424 = arith.addi %squeeze3A_422, %add3A_423 : i32
        %get3A_425 = arith.index_cast %add3A_420 : i32 to index
        %get3A_426 = arith.index_cast %add3A_424 : i32 to index
        %get3A_427 = tpu.vector_load %arg9[%get3A_425, %get3A_426] {strides = array<i32>} : memref<200x128xf32, #tpu.memory_space<vmem>>, vector<1x16xf32>,
        %get3A_428 = vector.shape_cast %get3A_427 : vector<1x16xf32> to vector<16xf32>
        %get3A_429 = arith.index_cast %add3A_420 : i32 to index
        %get3A_430 = arith.constant 0 : index
        %get3A_431 = tpu.vector_load %arg11[%get3A_429, %get3A_430] {strides = array<i32>} : memref<200x32xf32, #tpu.memory_space<vmem>>, vector<1x16xf32>,
        %get3A_432 = vector.shape_cast %get3A_431 : vector<1x16xf32> to vector<16xf32>
        %add3A_433 = arith.addf %get3A_428, %get3A_432 : vector<16xf32>
        %swap3A_434 = arith.index_cast %add3A_420 : i32 to index
        %swap3A_435 = arith.constant 0 : index
        %swap3A_436 = tpu.vector_load %arg10[%swap3A_434, %swap3A_435] {strides = array<i32>} : memref<200x32xf32, #tpu.memory_space<vmem>>, vector<1x16xf32>,
        %swap3A_437 = vector.shape_cast %swap3A_436 : vector<1x16xf32> to vector<16xf32>
        %swap3A_438 = vector.shape_cast %add3A_433 : vector<16xf32> to vector<1x16xf32>
        tpu.vector_store %arg10[%swap3A_434, %swap3A_435], %swap3A_438 {strides = array<i32>} : memref<200x32xf32, #tpu.memory_space<vmem>>, vector<1x16xf32>,
        %add3A_439 = arith.constant 16 : i32
        %add3A_440 = arith.addi %squeeze3A_422, %add3A_439 : i32
        %get3A_441 = arith.index_cast %add3A_420 : i32 to index
        %get3A_442 = arith.index_cast %add3A_440 : i32 to index
        %get3A_443 = tpu.vector_load %arg9[%get3A_441, %get3A_442] {strides = array<i32>} : memref<200x128xf32, #tpu.memory_space<vmem>>, vector<1x16xf32>,
        %get3A_444 = vector.shape_cast %get3A_443 : vector<1x16xf32> to vector<16xf32>
        %get3A_445 = arith.index_cast %add3A_420 : i32 to index
        %get3A_446 = arith.constant 16 : index
        %get3A_447 = tpu.vector_load %arg11[%get3A_445, %get3A_446] {strides = array<i32>} : memref<200x32xf32, #tpu.memory_space<vmem>>, vector<1x16xf32>,
        %get3A_448 = vector.shape_cast %get3A_447 : vector<1x16xf32> to vector<16xf32>
        %add3A_449 = arith.addf %get3A_444, %get3A_448 : vector<16xf32>
        %swap3A_450 = arith.index_cast %add3A_420 : i32 to index
        %swap3A_451 = arith.constant 16 : index
        %swap3A_452 = tpu.vector_load %arg10[%swap3A_450, %swap3A_451] {strides = array<i32>} : memref<200x32xf32, #tpu.memory_space<vmem>>, vector<1x16xf32>,
        %swap3A_453 = vector.shape_cast %swap3A_452 : vector<1x16xf32> to vector<16xf32>
        %swap3A_454 = vector.shape_cast %add3A_449 : vector<16xf32> to vector<1x16xf32>
        tpu.vector_store %arg10[%swap3A_450, %swap3A_451], %swap3A_454 {strides = array<i32>} : memref<200x32xf32, #tpu.memory_space<vmem>>, vector<1x16xf32>,
        %add3A_455 = arith.constant 9 : i32
        %add3A_456 = arith.addi %add3A_131, %add3A_455 : i32
        %slice3A_457 = vector.extract_strided_slice %get3A_133 {offsets = [9], sizes = [1], strides = [1]} : vector<16xi32> to vector<1xi32>
        %squeeze3A_458 = vector.extract %slice3A_457[0] : i32 from vector<1xi32>
        %add3A_459 = arith.constant 0 : i32
        %add3A_460 = arith.addi %squeeze3A_458, %add3A_459 : i32
        %get3A_461 = arith.index_cast %add3A_456 : i32 to index
        %get3A_462 = arith.index_cast %add3A_460 : i32 to index
        %get3A_463 = tpu.vector_load %arg9[%get3A_461, %get3A_462] {strides = array<i32>} : memref<200x128xf32, #tpu.memory_space<vmem>>, vector<1x16xf32>,
        %get3A_464 = vector.shape_cast %get3A_463 : vector<1x16xf32> to vector<16xf32>
        %get3A_465 = arith.index_cast %add3A_456 : i32 to index
        %get3A_466 = arith.constant 0 : index
        %get3A_467 = tpu.vector_load %arg11[%get3A_465, %get3A_466] {strides = array<i32>} : memref<200x32xf32, #tpu.memory_space<vmem>>, vector<1x16xf32>,
        %get3A_468 = vector.shape_cast %get3A_467 : vector<1x16xf32> to vector<16xf32>
        %add3A_469 = arith.addf %get3A_464, %get3A_468 : vector<16xf32>
        %swap3A_470 = arith.index_cast %add3A_456 : i32 to index
        %swap3A_471 = arith.constant 0 : index
        %swap3A_472 = tpu.vector_load %arg10[%swap3A_470, %swap3A_471] {strides = array<i32>} : memref<200x32xf32, #tpu.memory_space<vmem>>, vector<1x16xf32>,
        %swap3A_473 = vector.shape_cast %swap3A_472 : vector<1x16xf32> to vector<16xf32>
        %swap3A_474 = vector.shape_cast %add3A_469 : vector<16xf32> to vector<1x16xf32>
        tpu.vector_store %arg10[%swap3A_470, %swap3A_471], %swap3A_474 {strides = array<i32>} : memref<200x32xf32, #tpu.memory_space<vmem>>, vector<1x16xf32>,
        %add3A_475 = arith.constant 16 : i32
        %add3A_476 = arith.addi %squeeze3A_458, %add3A_475 : i32
        %get3A_477 = arith.index_cast %add3A_456 : i32 to index
        %get3A_478 = arith.index_cast %add3A_476 : i32 to index
        %get3A_479 = tpu.vector_load %arg9[%get3A_477, %get3A_478] {strides = array<i32>} : memref<200x128xf32, #tpu.memory_space<vmem>>, vector<1x16xf32>,
        %get3A_480 = vector.shape_cast %get3A_479 : vector<1x16xf32> to vector<16xf32>
        %get3A_481 = arith.index_cast %add3A_456 : i32 to index
        %get3A_482 = arith.constant 16 : index
        %get3A_483 = tpu.vector_load %arg11[%get3A_481, %get3A_482] {strides = array<i32>} : memref<200x32xf32, #tpu.memory_space<vmem>>, vector<1x16xf32>,
        %get3A_484 = vector.shape_cast %get3A_483 : vector<1x16xf32> to vector<16xf32>
        %add3A_485 = arith.addf %get3A_480, %get3A_484 : vector<16xf32>
        %swap3A_486 = arith.index_cast %add3A_456 : i32 to index
        %swap3A_487 = arith.constant 16 : index
        %swap3A_488 = tpu.vector_load %arg10[%swap3A_486, %swap3A_487] {strides = array<i32>} : memref<200x32xf32, #tpu.memory_space<vmem>>, vector<1x16xf32>,
        %swap3A_489 = vector.shape_cast %swap3A_488 : vector<1x16xf32> to vector<16xf32>
        %swap3A_490 = vector.shape_cast %add3A_485 : vector<16xf32> to vector<1x16xf32>
        tpu.vector_store %arg10[%swap3A_486, %swap3A_487], %swap3A_490 {strides = array<i32>} : memref<200x32xf32, #tpu.memory_space<vmem>>, vector<1x16xf32>,
        %add3A_491 = arith.constant 10 : i32
        %add3A_492 = arith.addi %add3A_131, %add3A_491 : i32
        %slice3A_493 = vector.extract_strided_slice %get3A_133 {offsets = [10], sizes = [1], strides = [1]} : vector<16xi32> to vector<1xi32>
        %squeeze3A_494 = vector.extract %slice3A_493[0] : i32 from vector<1xi32>
        %add3A_495 = arith.constant 0 : i32
        %add3A_496 = arith.addi %squeeze3A_494, %add3A_495 : i32
        %get3A_497 = arith.index_cast %add3A_492 : i32 to index
        %get3A_498 = arith.index_cast %add3A_496 : i32 to index
        %get3A_499 = tpu.vector_load %arg9[%get3A_497, %get3A_498] {strides = array<i32>} : memref<200x128xf32, #tpu.memory_space<vmem>>, vector<1x16xf32>,
        %get3A_500 = vector.shape_cast %get3A_499 : vector<1x16xf32> to vector<16xf32>
        %get3A_501 = arith.index_cast %add3A_492 : i32 to index
        %get3A_502 = arith.constant 0 : index
        %get3A_503 = tpu.vector_load %arg11[%get3A_501, %get3A_502] {strides = array<i32>} : memref<200x32xf32, #tpu.memory_space<vmem>>, vector<1x16xf32>,
        %get3A_504 = vector.shape_cast %get3A_503 : vector<1x16xf32> to vector<16xf32>
        %add3A_505 = arith.addf %get3A_500, %get3A_504 : vector<16xf32>
        %swap3A_506 = arith.index_cast %add3A_492 : i32 to index
        %swap3A_507 = arith.constant 0 : index
        %swap3A_508 = tpu.vector_load %arg10[%swap3A_506, %swap3A_507] {strides = array<i32>} : memref<200x32xf32, #tpu.memory_space<vmem>>, vector<1x16xf32>,
        %swap3A_509 = vector.shape_cast %swap3A_508 : vector<1x16xf32> to vector<16xf32>
        %swap3A_510 = vector.shape_cast %add3A_505 : vector<16xf32> to vector<1x16xf32>
        tpu.vector_store %arg10[%swap3A_506, %swap3A_507], %swap3A_510 {strides = array<i32>} : memref<200x32xf32, #tpu.memory_space<vmem>>, vector<1x16xf32>,
        %add3A_511 = arith.constant 16 : i32
        %add3A_512 = arith.addi %squeeze3A_494, %add3A_511 : i32
        %get3A_513 = arith.index_cast %add3A_492 : i32 to index
        %get3A_514 = arith.index_cast %add3A_512 : i32 to index
        %get3A_515 = tpu.vector_load %arg9[%get3A_513, %get3A_514] {strides = array<i32>} : memref<200x128xf32, #tpu.memory_space<vmem>>, vector<1x16xf32>,
        %get3A_516 = vector.shape_cast %get3A_515 : vector<1x16xf32> to vector<16xf32>
        %get3A_517 = arith.index_cast %add3A_492 : i32 to index
        %get3A_518 = arith.constant 16 : index
        %get3A_519 = tpu.vector_load %arg11[%get3A_517, %get3A_518] {strides = array<i32>} : memref<200x32xf32, #tpu.memory_space<vmem>>, vector<1x16xf32>,
        %get3A_520 = vector.shape_cast %get3A_519 : vector<1x16xf32> to vector<16xf32>
        %add3A_521 = arith.addf %get3A_516, %get3A_520 : vector<16xf32>
        %swap3A_522 = arith.index_cast %add3A_492 : i32 to index
        %swap3A_523 = arith.constant 16 : index
        %swap3A_524 = tpu.vector_load %arg10[%swap3A_522, %swap3A_523] {strides = array<i32>} : memref<200x32xf32, #tpu.memory_space<vmem>>, vector<1x16xf32>,
        %swap3A_525 = vector.shape_cast %swap3A_524 : vector<1x16xf32> to vector<16xf32>
        %swap3A_526 = vector.shape_cast %add3A_521 : vector<16xf32> to vector<1x16xf32>
        tpu.vector_store %arg10[%swap3A_522, %swap3A_523], %swap3A_526 {strides = array<i32>} : memref<200x32xf32, #tpu.memory_space<vmem>>, vector<1x16xf32>,
        %add3A_527 = arith.constant 11 : i32
        %add3A_528 = arith.addi %add3A_131, %add3A_527 : i32
        %slice3A_529 = vector.extract_strided_slice %get3A_133 {offsets = [11], sizes = [1], strides = [1]} : vector<16xi32> to vector<1xi32>
        %squeeze3A_530 = vector.extract %slice3A_529[0] : i32 from vector<1xi32>
        %add3A_531 = arith.constant 0 : i32
        %add3A_532 = arith.addi %squeeze3A_530, %add3A_531 : i32
        %get3A_533 = arith.index_cast %add3A_528 : i32 to index
        %get3A_534 = arith.index_cast %add3A_532 : i32 to index
        %get3A_535 = tpu.vector_load %arg9[%get3A_533, %get3A_534] {strides = array<i32>} : memref<200x128xf32, #tpu.memory_space<vmem>>, vector<1x16xf32>,
        %get3A_536 = vector.shape_cast %get3A_535 : vector<1x16xf32> to vector<16xf32>
        %get3A_537 = arith.index_cast %add3A_528 : i32 to index
        %get3A_538 = arith.constant 0 : index
        %get3A_539 = tpu.vector_load %arg11[%get3A_537, %get3A_538] {strides = array<i32>} : memref<200x32xf32, #tpu.memory_space<vmem>>, vector<1x16xf32>,
        %get3A_540 = vector.shape_cast %get3A_539 : vector<1x16xf32> to vector<16xf32>
        %add3A_541 = arith.addf %get3A_536, %get3A_540 : vector<16xf32>
        %swap3A_542 = arith.index_cast %add3A_528 : i32 to index
        %swap3A_543 = arith.constant 0 : index
        %swap3A_544 = tpu.vector_load %arg10[%swap3A_542, %swap3A_543] {strides = array<i32>} : memref<200x32xf32, #tpu.memory_space<vmem>>, vector<1x16xf32>,
        %swap3A_545 = vector.shape_cast %swap3A_544 : vector<1x16xf32> to vector<16xf32>
        %swap3A_546 = vector.shape_cast %add3A_541 : vector<16xf32> to vector<1x16xf32>
        tpu.vector_store %arg10[%swap3A_542, %swap3A_543], %swap3A_546 {strides = array<i32>} : memref<200x32xf32, #tpu.memory_space<vmem>>, vector<1x16xf32>,
        %add3A_547 = arith.constant 16 : i32
        %add3A_548 = arith.addi %squeeze3A_530, %add3A_547 : i32
        %get3A_549 = arith.index_cast %add3A_528 : i32 to index
        %get3A_550 = arith.index_cast %add3A_548 : i32 to index
        %get3A_551 = tpu.vector_load %arg9[%get3A_549, %get3A_550] {strides = array<i32>} : memref<200x128xf32, #tpu.memory_space<vmem>>, vector<1x16xf32>,
        %get3A_552 = vector.shape_cast %get3A_551 : vector<1x16xf32> to vector<16xf32>
        %get3A_553 = arith.index_cast %add3A_528 : i32 to index
        %get3A_554 = arith.constant 16 : index
        %get3A_555 = tpu.vector_load %arg11[%get3A_553, %get3A_554] {strides = array<i32>} : memref<200x32xf32, #tpu.memory_space<vmem>>, vector<1x16xf32>,
        %get3A_556 = vector.shape_cast %get3A_555 : vector<1x16xf32> to vector<16xf32>
        %add3A_557 = arith.addf %get3A_552, %get3A_556 : vector<16xf32>
        %swap3A_558 = arith.index_cast %add3A_528 : i32 to index
        %swap3A_559 = arith.constant 16 : index
        %swap3A_560 = tpu.vector_load %arg10[%swap3A_558, %swap3A_559] {strides = array<i32>} : memref<200x32xf32, #tpu.memory_space<vmem>>, vector<1x16xf32>,
        %swap3A_561 = vector.shape_cast %swap3A_560 : vector<1x16xf32> to vector<16xf32>
        %swap3A_562 = vector.shape_cast %add3A_557 : vector<16xf32> to vector<1x16xf32>
        tpu.vector_store %arg10[%swap3A_558, %swap3A_559], %swap3A_562 {strides = array<i32>} : memref<200x32xf32, #tpu.memory_space<vmem>>, vector<1x16xf32>,
        %add3A_563 = arith.constant 12 : i32
        %add3A_564 = arith.addi %add3A_131, %add3A_563 : i32
        %slice3A_565 = vector.extract_strided_slice %get3A_133 {offsets = [12], sizes = [1], strides = [1]} : vector<16xi32> to vector<1xi32>
        %squeeze3A_566 = vector.extract %slice3A_565[0] : i32 from vector<1xi32>
        %add3A_567 = arith.constant 0 : i32
        %add3A_568 = arith.addi %squeeze3A_566, %add3A_567 : i32
        %get3A_569 = arith.index_cast %add3A_564 : i32 to index
        %get3A_570 = arith.index_cast %add3A_568 : i32 to index
        %get3A_571 = tpu.vector_load %arg9[%get3A_569, %get3A_570] {strides = array<i32>} : memref<200x128xf32, #tpu.memory_space<vmem>>, vector<1x16xf32>,
        %get3A_572 = vector.shape_cast %get3A_571 : vector<1x16xf32> to vector<16xf32>
        %get3A_573 = arith.index_cast %add3A_564 : i32 to index
        %get3A_574 = arith.constant 0 : index
        %get3A_575 = tpu.vector_load %arg11[%get3A_573, %get3A_574] {strides = array<i32>} : memref<200x32xf32, #tpu.memory_space<vmem>>, vector<1x16xf32>,
        %get3A_576 = vector.shape_cast %get3A_575 : vector<1x16xf32> to vector<16xf32>
        %add3A_577 = arith.addf %get3A_572, %get3A_576 : vector<16xf32>
        %swap3A_578 = arith.index_cast %add3A_564 : i32 to index
        %swap3A_579 = arith.constant 0 : index
        %swap3A_580 = tpu.vector_load %arg10[%swap3A_578, %swap3A_579] {strides = array<i32>} : memref<200x32xf32, #tpu.memory_space<vmem>>, vector<1x16xf32>,
        %swap3A_581 = vector.shape_cast %swap3A_580 : vector<1x16xf32> to vector<16xf32>
        %swap3A_582 = vector.shape_cast %add3A_577 : vector<16xf32> to vector<1x16xf32>
        tpu.vector_store %arg10[%swap3A_578, %swap3A_579], %swap3A_582 {strides = array<i32>} : memref<200x32xf32, #tpu.memory_space<vmem>>, vector<1x16xf32>,
        %add3A_583 = arith.constant 16 : i32
        %add3A_584 = arith.addi %squeeze3A_566, %add3A_583 : i32
        %get3A_585 = arith.index_cast %add3A_564 : i32 to index
        %get3A_586 = arith.index_cast %add3A_584 : i32 to index
        %get3A_587 = tpu.vector_load %arg9[%get3A_585, %get3A_586] {strides = array<i32>} : memref<200x128xf32, #tpu.memory_space<vmem>>, vector<1x16xf32>,
        %get3A_588 = vector.shape_cast %get3A_587 : vector<1x16xf32> to vector<16xf32>
        %get3A_589 = arith.index_cast %add3A_564 : i32 to index
        %get3A_590 = arith.constant 16 : index
        %get3A_591 = tpu.vector_load %arg11[%get3A_589, %get3A_590] {strides = array<i32>} : memref<200x32xf32, #tpu.memory_space<vmem>>, vector<1x16xf32>,
        %get3A_592 = vector.shape_cast %get3A_591 : vector<1x16xf32> to vector<16xf32>
        %add3A_593 = arith.addf %get3A_588, %get3A_592 : vector<16xf32>
        %swap3A_594 = arith.index_cast %add3A_564 : i32 to index
        %swap3A_595 = arith.constant 16 : index
        %swap3A_596 = tpu.vector_load %arg10[%swap3A_594, %swap3A_595] {strides = array<i32>} : memref<200x32xf32, #tpu.memory_space<vmem>>, vector<1x16xf32>,
        %swap3A_597 = vector.shape_cast %swap3A_596 : vector<1x16xf32> to vector<16xf32>
        %swap3A_598 = vector.shape_cast %add3A_593 : vector<16xf32> to vector<1x16xf32>
        tpu.vector_store %arg10[%swap3A_594, %swap3A_595], %swap3A_598 {strides = array<i32>} : memref<200x32xf32, #tpu.memory_space<vmem>>, vector<1x16xf32>,
        %add3A_599 = arith.constant 13 : i32
        %add3A_600 = arith.addi %add3A_131, %add3A_599 : i32
        %slice3A_601 = vector.extract_strided_slice %get3A_133 {offsets = [13], sizes = [1], strides = [1]} : vector<16xi32> to vector<1xi32>
        %squeeze3A_602 = vector.extract %slice3A_601[0] : i32 from vector<1xi32>
        %add3A_603 = arith.constant 0 : i32
        %add3A_604 = arith.addi %squeeze3A_602, %add3A_603 : i32
        %get3A_605 = arith.index_cast %add3A_600 : i32 to index
        %get3A_606 = arith.index_cast %add3A_604 : i32 to index
        %get3A_607 = tpu.vector_load %arg9[%get3A_605, %get3A_606] {strides = array<i32>} : memref<200x128xf32, #tpu.memory_space<vmem>>, vector<1x16xf32>,
        %get3A_608 = vector.shape_cast %get3A_607 : vector<1x16xf32> to vector<16xf32>
        %get3A_609 = arith.index_cast %add3A_600 : i32 to index
        %get3A_610 = arith.constant 0 : index
        %get3A_611 = tpu.vector_load %arg11[%get3A_609, %get3A_610] {strides = array<i32>} : memref<200x32xf32, #tpu.memory_space<vmem>>, vector<1x16xf32>,
        %get3A_612 = vector.shape_cast %get3A_611 : vector<1x16xf32> to vector<16xf32>
        %add3A_613 = arith.addf %get3A_608, %get3A_612 : vector<16xf32>
        %swap3A_614 = arith.index_cast %add3A_600 : i32 to index
        %swap3A_615 = arith.constant 0 : index
        %swap3A_616 = tpu.vector_load %arg10[%swap3A_614, %swap3A_615] {strides = array<i32>} : memref<200x32xf32, #tpu.memory_space<vmem>>, vector<1x16xf32>,
        %swap3A_617 = vector.shape_cast %swap3A_616 : vector<1x16xf32> to vector<16xf32>
        %swap3A_618 = vector.shape_cast %add3A_613 : vector<16xf32> to vector<1x16xf32>
        tpu.vector_store %arg10[%swap3A_614, %swap3A_615], %swap3A_618 {strides = array<i32>} : memref<200x32xf32, #tpu.memory_space<vmem>>, vector<1x16xf32>,
        %add3A_619 = arith.constant 16 : i32
        %add3A_620 = arith.addi %squeeze3A_602, %add3A_619 : i32
        %get3A_621 = arith.index_cast %add3A_600 : i32 to index
        %get3A_622 = arith.index_cast %add3A_620 : i32 to index
        %get3A_623 = tpu.vector_load %arg9[%get3A_621, %get3A_622] {strides = array<i32>} : memref<200x128xf32, #tpu.memory_space<vmem>>, vector<1x16xf32>,
        %get3A_624 = vector.shape_cast %get3A_623 : vector<1x16xf32> to vector<16xf32>
        %get3A_625 = arith.index_cast %add3A_600 : i32 to index
        %get3A_626 = arith.constant 16 : index
        %get3A_627 = tpu.vector_load %arg11[%get3A_625, %get3A_626] {strides = array<i32>} : memref<200x32xf32, #tpu.memory_space<vmem>>, vector<1x16xf32>,
        %get3A_628 = vector.shape_cast %get3A_627 : vector<1x16xf32> to vector<16xf32>
        %add3A_629 = arith.addf %get3A_624, %get3A_628 : vector<16xf32>
        %swap3A_630 = arith.index_cast %add3A_600 : i32 to index
        %swap3A_631 = arith.constant 16 : index
        %swap3A_632 = tpu.vector_load %arg10[%swap3A_630, %swap3A_631] {strides = array<i32>} : memref<200x32xf32, #tpu.memory_space<vmem>>, vector<1x16xf32>,
        %swap3A_633 = vector.shape_cast %swap3A_632 : vector<1x16xf32> to vector<16xf32>
        %swap3A_634 = vector.shape_cast %add3A_629 : vector<16xf32> to vector<1x16xf32>
        tpu.vector_store %arg10[%swap3A_630, %swap3A_631], %swap3A_634 {strides = array<i32>} : memref<200x32xf32, #tpu.memory_space<vmem>>, vector<1x16xf32>,
        %add3A_635 = arith.constant 14 : i32
        %add3A_636 = arith.addi %add3A_131, %add3A_635 : i32
        %slice3A_637 = vector.extract_strided_slice %get3A_133 {offsets = [14], sizes = [1], strides = [1]} : vector<16xi32> to vector<1xi32>
        %squeeze3A_638 = vector.extract %slice3A_637[0] : i32 from vector<1xi32>
        %add3A_639 = arith.constant 0 : i32
        %add3A_640 = arith.addi %squeeze3A_638, %add3A_639 : i32
        %get3A_641 = arith.index_cast %add3A_636 : i32 to index
        %get3A_642 = arith.index_cast %add3A_640 : i32 to index
        %get3A_643 = tpu.vector_load %arg9[%get3A_641, %get3A_642] {strides = array<i32>} : memref<200x128xf32, #tpu.memory_space<vmem>>, vector<1x16xf32>,
        %get3A_644 = vector.shape_cast %get3A_643 : vector<1x16xf32> to vector<16xf32>
        %get3A_645 = arith.index_cast %add3A_636 : i32 to index
        %get3A_646 = arith.constant 0 : index
        %get3A_647 = tpu.vector_load %arg11[%get3A_645, %get3A_646] {strides = array<i32>} : memref<200x32xf32, #tpu.memory_space<vmem>>, vector<1x16xf32>,
        %get3A_648 = vector.shape_cast %get3A_647 : vector<1x16xf32> to vector<16xf32>
        %add3A_649 = arith.addf %get3A_644, %get3A_648 : vector<16xf32>
        %swap3A_650 = arith.index_cast %add3A_636 : i32 to index
        %swap3A_651 = arith.constant 0 : index
        %swap3A_652 = tpu.vector_load %arg10[%swap3A_650, %swap3A_651] {strides = array<i32>} : memref<200x32xf32, #tpu.memory_space<vmem>>, vector<1x16xf32>,
        %swap3A_653 = vector.shape_cast %swap3A_652 : vector<1x16xf32> to vector<16xf32>
        %swap3A_654 = vector.shape_cast %add3A_649 : vector<16xf32> to vector<1x16xf32>
        tpu.vector_store %arg10[%swap3A_650, %swap3A_651], %swap3A_654 {strides = array<i32>} : memref<200x32xf32, #tpu.memory_space<vmem>>, vector<1x16xf32>,
        %add3A_655 = arith.constant 16 : i32
        %add3A_656 = arith.addi %squeeze3A_638, %add3A_655 : i32
        %get3A_657 = arith.index_cast %add3A_636 : i32 to index
        %get3A_658 = arith.index_cast %add3A_656 : i32 to index
        %get3A_659 = tpu.vector_load %arg9[%get3A_657, %get3A_658] {strides = array<i32>} : memref<200x128xf32, #tpu.memory_space<vmem>>, vector<1x16xf32>,
        %get3A_660 = vector.shape_cast %get3A_659 : vector<1x16xf32> to vector<16xf32>
        %get3A_661 = arith.index_cast %add3A_636 : i32 to index
        %get3A_662 = arith.constant 16 : index
        %get3A_663 = tpu.vector_load %arg11[%get3A_661, %get3A_662] {strides = array<i32>} : memref<200x32xf32, #tpu.memory_space<vmem>>, vector<1x16xf32>,
        %get3A_664 = vector.shape_cast %get3A_663 : vector<1x16xf32> to vector<16xf32>
        %add3A_665 = arith.addf %get3A_660, %get3A_664 : vector<16xf32>
        %swap3A_666 = arith.index_cast %add3A_636 : i32 to index
        %swap3A_667 = arith.constant 16 : index
        %swap3A_668 = tpu.vector_load %arg10[%swap3A_666, %swap3A_667] {strides = array<i32>} : memref<200x32xf32, #tpu.memory_space<vmem>>, vector<1x16xf32>,
        %swap3A_669 = vector.shape_cast %swap3A_668 : vector<1x16xf32> to vector<16xf32>
        %swap3A_670 = vector.shape_cast %add3A_665 : vector<16xf32> to vector<1x16xf32>
        tpu.vector_store %arg10[%swap3A_666, %swap3A_667], %swap3A_670 {strides = array<i32>} : memref<200x32xf32, #tpu.memory_space<vmem>>, vector<1x16xf32>,
        %add3A_671 = arith.constant 15 : i32
        %add3A_672 = arith.addi %add3A_131, %add3A_671 : i32
        %slice3A_673 = vector.extract_strided_slice %get3A_133 {offsets = [15], sizes = [1], strides = [1]} : vector<16xi32> to vector<1xi32>
        %squeeze3A_674 = vector.extract %slice3A_673[0] : i32 from vector<1xi32>
        %add3A_675 = arith.constant 0 : i32
        %add3A_676 = arith.addi %squeeze3A_674, %add3A_675 : i32
        %get3A_677 = arith.index_cast %add3A_672 : i32 to index
        %get3A_678 = arith.index_cast %add3A_676 : i32 to index
        %get3A_679 = tpu.vector_load %arg9[%get3A_677, %get3A_678] {strides = array<i32>} : memref<200x128xf32, #tpu.memory_space<vmem>>, vector<1x16xf32>,
        %get3A_680 = vector.shape_cast %get3A_679 : vector<1x16xf32> to vector<16xf32>
        %get3A_681 = arith.index_cast %add3A_672 : i32 to index
        %get3A_682 = arith.constant 0 : index
        %get3A_683 = tpu.vector_load %arg11[%get3A_681, %get3A_682] {strides = array<i32>} : memref<200x32xf32, #tpu.memory_space<vmem>>, vector<1x16xf32>,
        %get3A_684 = vector.shape_cast %get3A_683 : vector<1x16xf32> to vector<16xf32>
        %add3A_685 = arith.addf %get3A_680, %get3A_684 : vector<16xf32>
        %swap3A_686 = arith.index_cast %add3A_672 : i32 to index
        %swap3A_687 = arith.constant 0 : index
        %swap3A_688 = tpu.vector_load %arg10[%swap3A_686, %swap3A_687] {strides = array<i32>} : memref<200x32xf32, #tpu.memory_space<vmem>>, vector<1x16xf32>,
        %swap3A_689 = vector.shape_cast %swap3A_688 : vector<1x16xf32> to vector<16xf32>
        %swap3A_690 = vector.shape_cast %add3A_685 : vector<16xf32> to vector<1x16xf32>
        tpu.vector_store %arg10[%swap3A_686, %swap3A_687], %swap3A_690 {strides = array<i32>} : memref<200x32xf32, #tpu.memory_space<vmem>>, vector<1x16xf32>,
        %add3A_691 = arith.constant 16 : i32
        %add3A_692 = arith.addi %squeeze3A_674, %add3A_691 : i32
        %get3A_693 = arith.index_cast %add3A_672 : i32 to index
        %get3A_694 = arith.index_cast %add3A_692 : i32 to index
        %get3A_695 = tpu.vector_load %arg9[%get3A_693, %get3A_694] {strides = array<i32>} : memref<200x128xf32, #tpu.memory_space<vmem>>, vector<1x16xf32>,
        %get3A_696 = vector.shape_cast %get3A_695 : vector<1x16xf32> to vector<16xf32>
        %get3A_697 = arith.index_cast %add3A_672 : i32 to index
        %get3A_698 = arith.constant 16 : index
        %get3A_699 = tpu.vector_load %arg11[%get3A_697, %get3A_698] {strides = array<i32>} : memref<200x32xf32, #tpu.memory_space<vmem>>, vector<1x16xf32>,
        %get3A_700 = vector.shape_cast %get3A_699 : vector<1x16xf32> to vector<16xf32>
        %add3A_701 = arith.addf %get3A_696, %get3A_700 : vector<16xf32>
        %swap3A_702 = arith.index_cast %add3A_672 : i32 to index
        %swap3A_703 = arith.constant 16 : index
        %swap3A_704 = tpu.vector_load %arg10[%swap3A_702, %swap3A_703] {strides = array<i32>} : memref<200x32xf32, #tpu.memory_space<vmem>>, vector<1x16xf32>,
        %swap3A_705 = vector.shape_cast %swap3A_704 : vector<1x16xf32> to vector<16xf32>
        %swap3A_706 = vector.shape_cast %add3A_701 : vector<16xf32> to vector<1x16xf32>
        tpu.vector_store %arg10[%swap3A_702, %swap3A_703], %swap3A_706 {strides = array<i32>} : memref<200x32xf32, #tpu.memory_space<vmem>>, vector<1x16xf32>,
      }
      %scan3A_125 = arith.constant 3 : i32
      "tpu.region"() ({
        %run_scoped3A = tpu.sem_alloc : memref<!tpu.dma_semaphore, #tpu.memory_space<semaphore_mem>>
        %dma_start3A_126 = arith.constant 0 : i32
        %dma_start3A_127 = tpu.memref_slice %arg5[%mul3A_11, %dma_start3A_126] : memref<819200x32xf32, #tpu.memory_space<hbm>> -> memref<200x32xf32, #tpu.memory_space<hbm>>
        %dma_start3A_128 = arith.constant 0 : i32
        %dma_start3A_129 = tpu.memref_slice %arg5[%mul3A_11, %dma_start3A_128] : memref<819200x32xf32, #tpu.memory_space<hbm>> -> memref<200x32xf32, #tpu.memory_space<hbm>>
        tpu.enqueue_dma source(%arg10 : memref<200x32xf32, #tpu.memory_space<vmem>>) target(%dma_start3A_129 : memref<200x32xf32, #tpu.memory_space<hbm>>) target_semaphore(%run_scoped3A : memref<!tpu.dma_semaphore, #tpu.memory_space<semaphore_mem>>)
        %dma_wait3A_130 = arith.constant 0 : i32
        %dma_wait3A_131 = tpu.memref_slice %arg5[%mul3A_11, %dma_wait3A_130] : memref<819200x32xf32, #tpu.memory_space<hbm>> -> memref<200x32xf32, #tpu.memory_space<hbm>>
        %dma_wait3A_132 = arith.constant 0 : i32
        %dma_wait3A_133 = tpu.memref_slice %arg5[%mul3A_11, %dma_wait3A_132] : memref<819200x32xf32, #tpu.memory_space<hbm>> -> memref<200x32xf32, #tpu.memory_space<hbm>>
        tpu.wait_dma2 semaphore(%run_scoped3A : memref<!tpu.dma_semaphore, #tpu.memory_space<semaphore_mem>>) src(%arg10 : memref<200x32xf32, #tpu.memory_space<vmem>>) dst(%dma_wait3A_133 : memref<200x32xf32, #tpu.memory_space<hbm>>)
        tpu.yield
      }) : () -> ()
    }
    %scan3A_5 = arith.constant 128 : i32
    return
  }
}

</mosaic_0001>

<sc_bundles>
// kernel: kernel.3.cloned.1.call-start
scs
__scs_entry_jumppad:
0x0: {  	(pc) =	sbr.rel $0x88, $3  }
0x1: {  	(tag) =	ssettag $0x0;
	lr =	simm.s32 $0x1  }
0x2: {  	[smem:$0x3F9F] =	sst lr;
	_ =	strace $0xD0000000  }
0x3: {  	_ = 	snop  }
0x4: {  	_ = 	snop  }
0x5: {  	_ = 	snop  }
0x6: {  	_ = 	snop  }
0x7: {  	_ = 	snop  }
__scs_overlays_trampoline_lowered:
0x8: {  	[smem:$0x3FAE] =	sst s0  }
0x9: {  	[smem:$0x3FAF] =	sst s1  }
0xa: {  	[smem:$0x3FB0] =	sst s2  }
0xb: {  	[smem:$0x3FB1] =	sst s3  }
0xc: {  	[smem:$0x3FB2] =	sst s4  }
0xd: {  	[smem:$0x3FB3] =	sst s5  }
0xe: {  	[smem:$0x3FB4] =	sst s6  }
0xf: {  	[smem:$0x3FB5] =	sst s7  }
0x10: {  	[smem:$0x3FB6] =	sst s8  }
0x11: {  	[smem:$0x3FB7] =	sst s9;
	s0 =	simm.s32 @!p0 $0x0  }
0x12: {  	s1 =	sld [smem:$0x3F9D];
	s0 =	simm.s32 @p0 $0x1  }
0x13: {  	[smem:$0x3FB8] =	sst s0;
	s0 =	simm.s32 @!p1 $0x0  }
0x14: {  	s2 =	sld [smem:$0x3F9C];
	s0 =	simm.s32 @p1 $0x1  }
0x15: {  	[smem:$0x3FB9] =	sst s0;
	s0 =	simm.s32 @!p2 $0x0  }
0x16: {  	s3 =	sld [smem:$0x3FDB];
	s0 =	simm.s32 @p2 $0x1  }
0x17: {  	s4 =	simm.s32 $0x1BF5;
	[smem:$0x3FBB] =	sst s0  }
0x18: {  	s0 =	sld [smem:$0x3F9E];
	_ =	swait.ge [sflag:s4], $0x0  }
0x19: {  	s7 =	sld [smem:$0x3F9F]  }
0x1a: {  	s8 =	sadd.s32 $0xFFFFE003, lr  }
0x1b: {  	s9 =	sadd.s32 $0xFFFFFEF7, lr;
	s5 =	simm.s32 $0xFFFFFFFF;
	p2 =	slt.u32 s8, $0xFFFFF086  }
0x1c: {  	p1 =	slt.u32 s9, $0xF7A;
	s5 =	simm.s32 @!p2 $0x0  }
0x1d: {  	s5 =	simm.s32 @p1 $0x1;
	p0 =	seq.s32 s7, s2  }
0x1e: {  	s7 =	smul.u32 @!p0 $0xF7A, s2;
	p2 =	seq.s32 @!p0 s5, $0x0  }
0x1f: {  	s9 =	smul.u32 $0xF7A, s1;
	s8 =	simm.s32 @!p0 $0x1BF5;
	p2 =	por !p2, p0  }
0x20: {  	[sflag:s8] =	ssyncset.s32 @!p0 $0xFFFFF086;
	s6 =	sadd.s32 @!p0 s3, s7;
	s7 =	simm.s32 @!p0 $0x108  }
0x21: {  	s3 =	sadd.s32 s3, s9;
	s6 =	sadd.s32 @!p0 $0x88, s6;
	s7 =	simm.s32 @p2 $0x1082  }
0x22: {  	[simem:s7], [sflag:s8] =	dma.local @!p0 [hbm:s6], $0xF7A  }
0x23: {  	s9 =	sor.u32 $0xD0000000, s2;
	s6 =	simm.s32 $0x108;
	_ =	swait.ge @!p0 [sflag:s8], $0x0  }
0x24: {  	s3 =	sadd.s32 $0x88, s3;
	s6 =	simm.s32 @!p1 $0x1082;
	[sflag:s4] =	ssyncset.s32 $0xFFFFF086  }
0x25: {  	[simem:s6], [sflag:s4] =	dma.local [hbm:s3], $0xF7A  }
0x26: {  	[smem:$0x3F9F] =	sst s1;
	(tag) =	ssettag s2;
	_ =	strace s9  }
0x27: {  	s1 =	sld [smem:$0x3FAF]  }
0x28: {  	s2 =	sld [smem:$0x3FB0]  }
0x29: {  	s4 =	sld [smem:$0x3FB2]  }
0x2a: {  	p0 =	seq.s32 s5, $0x0;
	s5 =	sld [smem:$0x3FB3]  }
0x2b: {  	s6 =	sld [smem:$0x3FB4]  }
0x2c: {  	s7 =	sld [smem:$0x3FB5]  }
0x2d: {  	s3 =	simm.s32 $0x108;
	s8 =	sld [smem:$0x3FB6]  }
0x2e: {  	s3 =	simm.s32 @!p0 $0x1082;
	s9 =	sld [smem:$0x3FB7]  }
0x2f: {  	lr =	sadd.s32 s0, s3;
	s0 =	sld [smem:$0x3FAE]  }
0x30: {  	s3 =	sld [smem:$0x3FB1]  }
0x31: {  	[smem:$0x3FBA] =	sst s10  }
0x32: {  	s10 =	sld [smem:$0x3FB8];
	_ =	sdelay $0x3  }
0x33: {  	p0 =	seq.s32 s10, $0x1;
	s10 =	sld [smem:$0x3FBA];
	_ =	sdelay $0x3  }
0x34: {  	[smem:$0x3FBA] =	sst s10  }
0x35: {  	s10 =	sld [smem:$0x3FB9];
	_ =	sdelay $0x3  }
0x36: {  	p1 =	seq.s32 s10, $0x1;
	s10 =	sld [smem:$0x3FBA];
	_ =	sdelay $0x3  }
0x37: {  	[smem:$0x3FBA] =	sst s10  }
0x38: {  	s10 =	sld [smem:$0x3FBB]  }
0x39: {  	_ = 	snop;
	(pc) =	sbr.ind lr, $3  }
0x3a: {  	_ = 	snop  }
0x3b: {  	_ = 	snop  }
0x3c: {  	p2 =	seq.s32 s10, $0x1;
	s10 =	sld [smem:$0x3FBA]  }
0x3d: {  	_ =	shalt  }
0x3e: {  	_ =	shalt  }
0x3f: {  	_ =	shalt  }
0x40: {  	_ =	shalt  }
0x41: {  	_ =	shalt  }
0x42: {  	_ =	shalt  }
0x43: {  	_ =	shalt  }
0x44: {  	_ =	shalt  }
0x45: {  	_ =	shalt  }
0x46: {  	_ =	shalt  }
0x47: {  	_ =	shalt  }
0x48: {  	_ =	shalt  }
0x49: {  	_ =	shalt  }
0x4a: {  	_ =	shalt  }
0x4b: {  	_ =	shalt  }
0x4c: {  	_ =	shalt  }
0x4d: {  	_ =	shalt  }
0x4e: {  	_ =	shalt  }
0x4f: {  	_ =	shalt  }
0x50: {  	_ =	shalt  }
0x51: {  	_ =	shalt  }
0x52: {  	_ =	shalt  }
0x53: {  	_ =	shalt  }
0x54: {  	_ =	shalt  }
0x55: {  	_ =	shalt  }
0x56: {  	_ =	shalt  }
0x57: {  	_ =	shalt  }
0x58: {  	_ =	shalt  }
0x59: {  	_ =	shalt  }
0x5a: {  	_ =	shalt  }
0x5b: {  	_ =	shalt  }
0x5c: {  	_ =	shalt  }
0x5d: {  	_ =	shalt  }
0x5e: {  	_ =	shalt  }
0x5f: {  	_ =	shalt  }
0x60: {  	_ =	shalt  }
0x61: {  	_ =	shalt  }
0x62: {  	_ =	shalt  }
0x63: {  	_ =	shalt  }
0x64: {  	_ =	shalt  }
0x65: {  	_ =	shalt  }
0x66: {  	_ =	shalt  }
0x67: {  	_ =	shalt  }
0x68: {  	_ =	shalt  }
0x69: {  	_ =	shalt  }
0x6a: {  	_ =	shalt  }
0x6b: {  	_ =	shalt  }
0x6c: {  	_ =	shalt  }
0x6d: {  	_ =	shalt  }
0x6e: {  	_ =	shalt  }
0x6f: {  	_ =	shalt  }
0x70: {  	_ =	shalt  }
0x71: {  	_ =	shalt  }
0x72: {  	_ =	shalt  }
0x73: {  	_ =	shalt  }
0x74: {  	_ =	shalt  }
0x75: {  	_ =	shalt  }
0x76: {  	_ =	shalt  }
0x77: {  	_ =	shalt  }
0x78: {  	_ =	shalt  }
0x79: {  	_ =	shalt  }
0x7a: {  	_ =	shalt  }
0x7b: {  	_ =	shalt  }
0x7c: {  	_ =	shalt  }
0x7d: {  	_ =	shalt  }
0x7e: {  	_ =	shalt  }
0x7f: {  	_ =	shalt  }
0x80: {  	_ =	shalt  }
0x81: {  	_ =	shalt  }
0x82: {  	_ =	shalt  }
0x83: {  	_ =	shalt  }
0x84: {  	_ =	shalt  }
0x85: {  	_ =	shalt  }
0x86: {  	_ =	shalt  }
0x87: {  	_ =	shalt  }
.Lfunc_end0:
.L_simem_size_0:
called_computation.1_lowered:
.L_overlay_start_0:
0x88: {  	s2 =	sld [smem:$0x3FD9]  }
0x89: {  	s3 =	sld [smem:$0x3FFE];
	_ =	sdelay $0x1  }
0x8a: {  	s1 =	srdreg.scid  }
0x8b: {  	s0 =	sand.u32 $0x1, s1  }
0x8c: {  	s17 =	sshll.u32 s0, $0xA;
	s2 =	sadd.s32 s3, s2  }
0x8d: {  	s2 =	sadd.s32 s2, s17  }
0x8e: {  	[smem:$0x3FC6] =	sst s2  }
0x8f: {  	_ = 	snop  }
0x90: {  	s2 =	sld [smem:$0x3FD0];
	(tm) =	ssettm $0x1  }
0x91: {  	s18 =	sld [smem:$0x3FFB];
	_ =	sdelay $0x3  }
0x92: {  	_ =	strace s18  }
0x93: {  	s3 =	sld [smem:$0x3FFC];
	_ =	sdelay $0x3  }
0x94: {  	_ =	strace s3  }
0x95: {  	s3 =	sld [smem:$0x3FFD];
	_ =	sdelay $0x3  }
0x96: {  	_ =	strace s3  }
0x97: {  	_ =	strace $0x8FFFFFFF  }
0x98: {  	s19 =	sld [smem:$0x3FDB];
	_ =	sdelay $0x1  }
0x99: {  	s4 =	simm.s32 $_scs_section_size  }
0x9a: {  	s5 =	simm.s32 $_size__tile_overlayer_lowered;
	s6 =	simm.s32 $_tile_overlayer_lowered  }
0x9b: {  	s22 =	simm.s32 $0x1BFF;
	s21 =	sshll.u32 s6, $0x1;
	s3 =	sadd.s32 s4, s19  }
0x9c: {  	s7 =	simm.s32 $0x0;
	s20 =	sshll.u32 s5, $0x1;
	s5 =	sadd.s32 s21, s3  }
0x9d: {  	[timem:s7], [sflag:s22] =	dma.local [hbm:s5], s20  }
0x9e: {  	_ =	swait.ge [sflag:s22], s20  }
0x9f: {  	s4 =	ssub.s32 $0x0, s20;
	[sflag:s22] =	ssyncset.done $0x0  }
0xa0: {  	[sflag:s22] =	ssyncadd.s32 s4;
	_ =	sdelay $0x1  }
0xa1: {  	s23 =	simm.s32 $0x1B8B  }
0xa2: {  	_ =	swait.ge [sflag:s23], $0x1  }
0xa3: {  	[sflag:s23] =	ssyncset.done $0x0  }
0xa4: {  	s25 =	simm.s32 $0x1B8E;
	s24 =	sld [smem:$0x3FFE];
	[sflag:s23] =	ssyncadd.s32 $0xFFFFFFFF  }
0xa5: {  	s26 =	simm.s32 $execute0_lowered;
	[smem:$0x3FD2] =	sst s25  }
0xa6: {  	s5 =	sshll.u32 s26, $0x1;
	_ =	strace $0x80000046;
	[dreg:$0x1] =	wrdreg $0xFFFFFFFF  }
0xa7: {  	s28 =	simm.s32 $_size_execute0_lowered;
	s3 =	sadd.s32 s3, s5;
	[dreg:$0x0] =	wrdreg $0x0  }
0xa8: {  	s5 =	sshll.u32 s28, $0x1;
	[dreg:$0x2] =	wrdreg s3  }
0xa9: {  	[dreg:$0x3] =	wrdreg s5  }
0xaa: {  	[dreg:$0x4] =	wrdreg $0xC0  }
0xab: {  	_ =	task [dreg:s7], $0x5FFFF  }
0xac: {  	[dreg:$0x1] =	wrdreg $0xFFFFFFFF  }
0xad: {  	[dreg:$0x0] =	wrdreg $0x60  }
0xae: {  	[dreg:$0x2] =	wrdreg s2  }
0xaf: {  	[dreg:$0x3] =	wrdreg s24  }
0xb0: {  	[dreg:$0x4] =	wrdreg $0x9  }
0xb1: {  	_ =	task.clear_ibuf [dreg:s7], $0x5FFFF;
	_ =	strace $0x90000046  }
0xb2: {  	s29 =	simm.s32 $0x9;
	_ =	strace $0x80000048  }
0xb3: {  	_ =	swait.ge [sflag:s29], $0x1  }
0xb4: {  	[sflag:s29] =	ssyncadd.s32 $0xFFFFFFFF  }
0xb5: {  	_ =	strace $0x90000048  }
0xb6: {  	_ =	sfence  }
0xb7: {  	s30 =	sld [smem:$0x0];
	_ =	sdelay $0x2  }
0xb8: {  	s31 =	sshll.u32 s1, $0xD;
	s1 =	sshrl.u32 s1, $0x2  }
0xb9: {  	s3 =	sand.u32 $0x4000, s31;
	s1 =	sadd.s32 s1, s30  }
0xba: {  	s0 =	sor.u32 s3, s0;
	s1 =	sshll.u32 s1, $0x11  }
0xbb: {  	s0 =	sor.u32 s1, s0  }
0xbc: {  	s0 =	sadd.s32 $0x8F2B, s0  }
0xbd: {  	[sflag:s0] =	ssyncadd.remote.s32 $0x1  }
0xbe: {  	_ =	sfence.sel $0xFFFF  }
0xbf: {  	[dreg:$0x0] =	wrdreg $0xFFFFFFFF;
	(pc) =	sbr.abs _section_cstart, $3  }
0xc0: {  	[dreg:$0x1] =	wrdreg $0xFFFFFFFF  }
0xc1: {  	_ =	task.clear_ibuf [dreg:s7], $0x2FFFF;
	_ =	strace $0x9FFFFFFF  }
0xc2: {  	(tm) =	ssettm $0x7FFFFFFF  }
0xc3: {  	_ =	shalt  }
tec
execute0_lowered:
.L_overlay_start_1:
0x0: {  	(tag) =	ssettag $0x1  }
0x1: {  	s0 =	rddreg [dreg:$0x1]  }
0x2: {  	s1 =	simm.s32 $0x0;
	s28 =	srdreg.scid;
	s4 =	stileid.u32  }
0x3: {  	[smem:$0x7FF] =	sst s1;
	s2 =	sadd.s32 $0xF43000, s0;
	s1 =	sand.u32 $0x1, s28  }
0x4: {  	s29 =	sadd.s32 $0xC00, s0;
	s4 =	sshll.u32 s4, $0x8;
	s0 =	sadd.s32 $0x1A00, s0  }
0x5: {  	_ =	strace $0x80000047;
	[smem:$0x7F9] =	sst s2;
	s30 =	ssub.s32 $0x2, s1  }
0x6: {  	[smem:$0x7FA] =	sst s29;
	s1 =	sshll.u32 s1, $0x7;
	s3 =	sshrl.u32 s30, $0x1  }
0x7: {  	[smem:$0x7FB] =	sst s0;
	s1 =	sor.u32 s1, s4;
	s31 =	ssub.s32 s30, s3  }
0x8: {  	[smem:$0x7FC] =	sst s1;
	s0 =	smax.u32 s31, $0x1  }
0x9: {  	s3 =	simm.s32 $0x6;
	s1 =	simm.s32 $0x0;
	[smem:$0x7FD] =	sst s0  }
.LBB2_1:
0xa: {  	s31 =	sld [smem:$0x7FA];
	_ =	sdelay $0x1  }
0xb: {  	[smem:$0x7F8] =	sst s1;
	s0 =	simm.s32 $0x0;
	s2 =	simm.s32 $0xCB00  }
0xc: {  	[tilespmem:s2], [sflag:$0x6] =	stream.linear.gather [hbm4b:s31+s0], $0x6400, $0x38;
	[tilespmem:$0x12F00] =	vst v63  }
0xd: {  	_ =	swait.ge [sflag:s3], $0x6400  }
0xe: {  	[sflag:s3] =	ssyncset.done $0x0  }
0xf: {  	s1 =	simm.s32 $0x0;
	[sflag:s3] =	ssyncadd.s32 $0xFFFF9C00  }
.LBB2_2:
0x10: {  	s0 =	sld [smem:$0x7FC];
	_ =	sdelay $0x2  }
0x11: {  	s0 =	sadd.s32 s0, s1  }
0x12: {  	[smem:$0x7F7] =	sst s0;
	s0 =	smul.u32 $0x19, s0  }
0x13: {  	s19 =	rddreg [dreg:$0x0]  }
0x14: {  	[smem:$0x7F6] =	sst s1;
	s20 =	simm.s32 $0x0;
	s1 =	sadd.s32 s19, s0  }
0x15: {  	[tilespmem:s20], [sflag:$0x6] =	stream.linear.gather [hbm4b:s1+s20], $0xC8, $0x38;
	[tilespmem:$0x12F00] =	vst v63  }
0x16: {  	_ =	swait.ge [sflag:s3], $0xC8  }
0x17: {  	[sflag:s3] =	ssyncset.done $0x0  }
0x18: {  	[sflag:s3] =	ssyncadd.s32 $0xFFFFFF38  }
0x19: {  	v0 =	vld [tilespmem:$0x0];
	_ =	sdelay $0x1  }
0x1a: {  	v1 =	vld [tilespmem:$0x10];
	_ =	sdelay $0x1  }
0x1b: {  	v2 =	vld [tilespmem:$0x20]  }
0x1c: {  	v3 =	vshrl.u32 v0, $0x2;
	v0 =	vshll.u32 v0, $0x5  }
0x1d: {  	[tilespmem:$0x100] =	vst v3;
	v0 =	vand.u32 $0x60, v0;
	v3 =	vld [tilespmem:$0x30]  }
0x1e: {  	[tilespmem:$0x200] =	vst v0;
	v0 =	vshrl.u32 v1, $0x2;
	v1 =	vshll.u32 v1, $0x5  }
0x1f: {  	[tilespmem:$0x110] =	vst v0;
	v0 =	vand.u32 $0x60, v1;
	v1 =	vld [tilespmem:$0x40]  }
0x20: {  	[tilespmem:$0x210] =	vst v0;
	v0 =	vshrl.u32 v2, $0x2;
	v2 =	vshll.u32 v2, $0x5  }
0x21: {  	[tilespmem:$0x120] =	vst v0;
	v0 =	vand.u32 $0x60, v2;
	v2 =	vld [tilespmem:$0x50]  }
0x22: {  	[tilespmem:$0x220] =	vst v0;
	v0 =	vshrl.u32 v3, $0x2;
	v3 =	vshll.u32 v3, $0x5  }
0x23: {  	[tilespmem:$0x130] =	vst v0;
	v0 =	vand.u32 $0x60, v3;
	v3 =	vld [tilespmem:$0x60]  }
0x24: {  	[tilespmem:$0x230] =	vst v0;
	v0 =	vshrl.u32 v1, $0x2;
	v1 =	vshll.u32 v1, $0x5  }
0x25: {  	[tilespmem:$0x140] =	vst v0;
	v0 =	vand.u32 $0x60, v1;
	v1 =	vld [tilespmem:$0x70]  }
0x26: {  	[tilespmem:$0x240] =	vst v0;
	v0 =	vshrl.u32 v2, $0x2;
	v2 =	vshll.u32 v2, $0x5  }
0x27: {  	[tilespmem:$0x150] =	vst v0;
	v0 =	vand.u32 $0x60, v2;
	v2 =	vld [tilespmem:$0x80]  }
0x28: {  	[tilespmem:$0x250] =	vst v0;
	v0 =	vshrl.u32 v3, $0x2;
	v3 =	vshll.u32 v3, $0x5  }
0x29: {  	[tilespmem:$0x160] =	vst v0;
	v0 =	vand.u32 $0x60, v3;
	v3 =	vld [tilespmem:$0x90]  }
0x2a: {  	[tilespmem:$0x260] =	vst v0;
	v0 =	vshrl.u32 v1, $0x2;
	v1 =	vshll.u32 v1, $0x5  }
0x2b: {  	[tilespmem:$0x170] =	vst v0;
	v0 =	vand.u32 $0x60, v1;
	v1 =	vld [tilespmem:$0xA0]  }
0x2c: {  	[tilespmem:$0x270] =	vst v0;
	v0 =	vshrl.u32 v2, $0x2;
	v2 =	vshll.u32 v2, $0x5  }
0x2d: {  	[tilespmem:$0x180] =	vst v0;
	v0 =	vand.u32 $0x60, v2;
	v2 =	vld [tilespmem:$0xB0]  }
0x2e: {  	[tilespmem:$0x280] =	vst v0;
	v0 =	vshrl.u32 v3, $0x2;
	v3 =	vshll.u32 v3, $0x5  }
0x2f: {  	[tilespmem:$0x190] =	vst v0;
	v0 =	vand.u32 $0x60, v3;
	v3 =	vld [tilespmem:$0xB8]  }
0x30: {  	[tilespmem:$0x290] =	vst v0;
	v0 =	vshrl.u32 v1, $0x2;
	v1 =	vshll.u32 v1, $0x5  }
0x31: {  	[tilespmem:$0x1A0] =	vst v0;
	v0 =	vand.u32 $0x60, v1  }
0x32: {  	[tilespmem:$0x2A0] =	vst v0;
	v0 =	vshrl.u32 v2, $0x2;
	v1 =	vshll.u32 v2, $0x5  }
0x33: {  	[tilespmem:$0x1B0] =	vst v0;
	v0 =	vand.u32 $0x60, v1  }
0x34: {  	s21 =	sld [smem:$0x7F9];
	[tilespmem:$0x2B0] =	vst v0;
	v0 =	vshrl.u32 v3, $0x2;
	v1 =	vshll.u32 v3, $0x5  }
0x35: {  	[tilespmem:$0x1B8] =	vst v0;
	v0 =	vand.u32 $0x60, v1  }
0x36: {  	s2 =	simm.s32 $0x28;
	s22 =	simm.s32 $0x100;
	s4 =	simm.s32 $0x300;
	[tilespmem:$0x2B8] =	vst v0  }
0x37: {  	[tilespmem:s4], [sflag:$0x1] =	stream.indirect.gather [hbm4b:s21+s2], $0x80, s22, s2, $0xb8;
	[tilespmem:$0x12F00] =	vst v63  }
0x38: {  	s23 =	simm.s32 $0x128;
	s24 =	simm.s32 $0x1700  }
0x39: {  	[tilespmem:s24], [sflag:$0x2] =	stream.indirect.gather [hbm4b:s21+s2], $0x80, s23, s2, $0xb8;
	[tilespmem:$0x12F00] =	vst v63  }
0x3a: {  	s25 =	simm.s32 $0x150;
	s26 =	simm.s32 $0x2B00  }
0x3b: {  	[tilespmem:s26], [sflag:$0x3] =	stream.indirect.gather [hbm4b:s21+s2], $0x80, s25, s2, $0xb8;
	[tilespmem:$0x12F00] =	vst v63  }
0x3c: {  	s28 =	simm.s32 $0x178;
	s29 =	simm.s32 $0x3F00  }
0x3d: {  	[tilespmem:s29], [sflag:$0x4] =	stream.indirect.gather [hbm4b:s21+s2], $0x80, s28, s2, $0xb8;
	[tilespmem:$0x12F00] =	vst v63  }
0x3e: {  	s30 =	simm.s32 $0x1A0;
	s31 =	simm.s32 $0x5300  }
0x3f: {  	[tilespmem:s31], [sflag:$0x5] =	stream.indirect.gather [hbm4b:s21+s2], $0x80, s30, s2, $0xb8;
	[tilespmem:$0x12F00] =	vst v63  }
0x40: {  	s2 =	simm.s32 $0x1  }
0x41: {  	_ =	swait.ge [sflag:s2], $0x1400  }
0x42: {  	[sflag:s2] =	ssyncset.done $0x0  }
0x43: {  	s0 =	smin.u32 s20, $0x18;
	[sflag:s2] =	ssyncadd.s32 $0xFFFFEC00  }
0x44: {  	v0 =	vld [tilespmem:s0+$0x200];
	_ =	sdelay $0x4  }
0x45: {  	(v2sf) =	vpush v0, $0x0;
	_ =	sdelay $0xe  }
0x46: {  	s0 =	sshll.u32 s0, $0x7;
	s3 =	spop (v2sf)  }
0x47: {  	s5 =	sadd.s32 $0x300, s0;
	(v2sf) =	vpush v0, $0x1;
	s4 =	sand.u32 $0xFFFFFF80, s3  }
0x48: {  	s6 =	sand.u32 $0x7F, s3;
	s2 =	sadd.s32 s4, s5  }
0x49: {  	v1 =	vld [tilespmem:s0+$0xCB00];
	s2 =	sor.u32 s6, s2  }
0x4a: {  	v2 =	vld [tilespmem:s2+$0x0];
	_ =	sdelay $0x3  }
0x4b: {  	s1 =	sadd.s32 $0x10, s3  }
0x4c: {  	s7 =	sand.u32 $0xFFFFFF80, s1;
	v1 =	vadd.f32 v1, v2  }
0x4d: {  	s1 =	sand.u32 $0x7F, s1;
	s2 =	sadd.s32 s7, s5  }
0x4e: {  	s1 =	sor.u32 s1, s2;
	[tilespmem:s0+$0x6700] =	vst v1;
	v1 =	vld [tilespmem:s0+$0xCB10]  }
0x4f: {  	v2 =	vld [tilespmem:s1+$0x0];
	_ =	sdelay $0x3  }
0x50: {  	s8 =	spop (v2sf)  }
0x51: {  	s10 =	sadd.s32 $0x380, s0;
	(v2sf) =	vpush v0, $0x2;
	s9 =	sand.u32 $0xFFFFFF80, s8;
	v1 =	vadd.f32 v1, v2  }
0x52: {  	s11 =	sand.u32 $0x7F, s8;
	s2 =	sadd.s32 s9, s10  }
0x53: {  	s2 =	sor.u32 s11, s2;
	[tilespmem:s0+$0x6710] =	vst v1;
	v1 =	vld [tilespmem:s0+$0xCB80]  }
0x54: {  	v2 =	vld [tilespmem:s2+$0x0];
	_ =	sdelay $0x3  }
0x55: {  	s1 =	sadd.s32 $0x10, s8  }
0x56: {  	s12 =	sand.u32 $0xFFFFFF80, s1;
	v1 =	vadd.f32 v1, v2  }
0x57: {  	s1 =	sand.u32 $0x7F, s1;
	s2 =	sadd.s32 s12, s10  }
0x58: {  	s1 =	sor.u32 s1, s2;
	[tilespmem:s0+$0x6780] =	vst v1;
	v1 =	vld [tilespmem:s0+$0xCB90]  }
0x59: {  	v2 =	vld [tilespmem:s1+$0x0];
	_ =	sdelay $0x3  }
0x5a: {  	s13 =	spop (v2sf)  }
0x5b: {  	s15 =	sadd.s32 $0x400, s0;
	(v2sf) =	vpush v0, $0x3;
	s14 =	sand.u32 $0xFFFFFF80, s13;
	v1 =	vadd.f32 v1, v2  }
0x5c: {  	s16 =	sand.u32 $0x7F, s13;
	s2 =	sadd.s32 s14, s15  }
0x5d: {  	s2 =	sor.u32 s16, s2;
	[tilespmem:s0+$0x6790] =	vst v1;
	v1 =	vld [tilespmem:s0+$0xCC00]  }
0x5e: {  	v2 =	vld [tilespmem:s2+$0x0];
	_ =	sdelay $0x3  }
0x5f: {  	s1 =	sadd.s32 $0x10, s13  }
0x60: {  	s17 =	sand.u32 $0xFFFFFF80, s1;
	v1 =	vadd.f32 v1, v2  }
0x61: {  	s1 =	sand.u32 $0x7F, s1;
	s2 =	sadd.s32 s17, s15  }
0x62: {  	s1 =	sor.u32 s1, s2;
	[tilespmem:s0+$0x6800] =	vst v1;
	v1 =	vld [tilespmem:s0+$0xCC10]  }
0x63: {  	v2 =	vld [tilespmem:s1+$0x0];
	_ =	sdelay $0x3  }
0x64: {  	s18 =	spop (v2sf)  }
0x65: {  	s19 =	sadd.s32 $0x480, s0;
	(v2sf) =	vpush v0, $0x4;
	s20 =	sand.u32 $0xFFFFFF80, s18;
	v1 =	vadd.f32 v1, v2  }
0x66: {  	s21 =	sand.u32 $0x7F, s18;
	s3 =	sadd.s32 s20, s19  }
0x67: {  	s3 =	sor.u32 s21, s3;
	[tilespmem:s0+$0x6810] =	vst v1;
	v1 =	vld [tilespmem:s0+$0xCC80]  }
0x68: {  	v2 =	vld [tilespmem:s3+$0x0];
	_ =	sdelay $0x3  }
0x69: {  	s1 =	sadd.s32 $0x10, s18  }
0x6a: {  	s22 =	sand.u32 $0xFFFFFF80, s1;
	v1 =	vadd.f32 v1, v2  }
0x6b: {  	s1 =	sand.u32 $0x7F, s1;
	s2 =	sadd.s32 s22, s19  }
0x6c: {  	s1 =	sor.u32 s1, s2;
	[tilespmem:s0+$0x6880] =	vst v1;
	v1 =	vld [tilespmem:s0+$0xCC90]  }
0x6d: {  	v2 =	vld [tilespmem:s1+$0x0];
	_ =	sdelay $0x3  }
0x6e: {  	s23 =	spop (v2sf)  }
0x6f: {  	s24 =	sadd.s32 $0x500, s0;
	(v2sf) =	vpush v0, $0x5;
	s25 =	sand.u32 $0xFFFFFF80, s23;
	v1 =	vadd.f32 v1, v2  }
0x70: {  	s26 =	sand.u32 $0x7F, s23;
	s3 =	sadd.s32 s25, s24  }
0x71: {  	s3 =	sor.u32 s26, s3;
	[tilespmem:s0+$0x6890] =	vst v1;
	v1 =	vld [tilespmem:s0+$0xCD00]  }
0x72: {  	v2 =	vld [tilespmem:s3+$0x0];
	_ =	sdelay $0x3  }
0x73: {  	s1 =	sadd.s32 $0x10, s23  }
0x74: {  	s28 =	sand.u32 $0xFFFFFF80, s1;
	v1 =	vadd.f32 v1, v2  }
0x75: {  	s1 =	sand.u32 $0x7F, s1;
	s2 =	sadd.s32 s28, s24  }
0x76: {  	s1 =	sor.u32 s1, s2;
	[tilespmem:s0+$0x6900] =	vst v1;
	v1 =	vld [tilespmem:s0+$0xCD10]  }
0x77: {  	v2 =	vld [tilespmem:s1+$0x0];
	_ =	sdelay $0x3  }
0x78: {  	s29 =	spop (v2sf)  }
0x79: {  	s31 =	sadd.s32 $0x580, s0;
	(v2sf) =	vpush v0, $0x6;
	s30 =	sand.u32 $0xFFFFFF80, s29;
	v1 =	vadd.f32 v1, v2  }
0x7a: {  	s5 =	sand.u32 $0x7F, s29;
	s2 =	sadd.s32 s30, s31  }
0x7b: {  	s2 =	sor.u32 s5, s2;
	[tilespmem:s0+$0x6910] =	vst v1;
	v1 =	vld [tilespmem:s0+$0xCD80]  }
0x7c: {  	v2 =	vld [tilespmem:s2+$0x0];
	_ =	sdelay $0x3  }
0x7d: {  	s1 =	sadd.s32 $0x10, s29  }
0x7e: {  	s6 =	sand.u32 $0xFFFFFF80, s1;
	v1 =	vadd.f32 v1, v2  }
0x7f: {  	s1 =	sand.u32 $0x7F, s1;
	s2 =	sadd.s32 s6, s31  }
0x80: {  	s1 =	sor.u32 s1, s2;
	[tilespmem:s0+$0x6980] =	vst v1;
	v1 =	vld [tilespmem:s0+$0xCD90]  }
0x81: {  	v2 =	vld [tilespmem:s1+$0x0];
	_ =	sdelay $0x3  }
0x82: {  	s7 =	spop (v2sf)  }
0x83: {  	s8 =	sadd.s32 $0x600, s0;
	(v2sf) =	vpush v0, $0x7;
	s9 =	sand.u32 $0xFFFFFF80, s7;
	v1 =	vadd.f32 v1, v2  }
0x84: {  	s10 =	sand.u32 $0x7F, s7;
	s3 =	sadd.s32 s9, s8  }
0x85: {  	s3 =	sor.u32 s10, s3;
	[tilespmem:s0+$0x6990] =	vst v1;
	v1 =	vld [tilespmem:s0+$0xCE00]  }
0x86: {  	v2 =	vld [tilespmem:s3+$0x0];
	_ =	sdelay $0x3  }
0x87: {  	s1 =	sadd.s32 $0x10, s7  }
0x88: {  	s11 =	sand.u32 $0xFFFFFF80, s1;
	v1 =	vadd.f32 v1, v2  }
0x89: {  	s1 =	sand.u32 $0x7F, s1;
	s2 =	sadd.s32 s11, s8  }
0x8a: {  	s1 =	sor.u32 s1, s2;
	[tilespmem:s0+$0x6A00] =	vst v1;
	v1 =	vld [tilespmem:s0+$0xCE10]  }
0x8b: {  	v2 =	vld [tilespmem:s1+$0x0];
	_ =	sdelay $0x3  }
0x8c: {  	s12 =	spop (v2sf)  }
0x8d: {  	s13 =	sadd.s32 $0x680, s0;
	(v2sf) =	vpush v0, $0x8;
	s14 =	sand.u32 $0xFFFFFF80, s12;
	v1 =	vadd.f32 v1, v2  }
0x8e: {  	s15 =	sand.u32 $0x7F, s12;
	s3 =	sadd.s32 s14, s13  }
0x8f: {  	s3 =	sor.u32 s15, s3;
	[tilespmem:s0+$0x6A10] =	vst v1;
	v1 =	vld [tilespmem:s0+$0xCE80]  }
0x90: {  	v2 =	vld [tilespmem:s3+$0x0];
	_ =	sdelay $0x3  }
0x91: {  	s1 =	sadd.s32 $0x10, s12  }
0x92: {  	s16 =	sand.u32 $0xFFFFFF80, s1;
	v1 =	vadd.f32 v1, v2  }
0x93: {  	s1 =	sand.u32 $0x7F, s1;
	s2 =	sadd.s32 s16, s13  }
0x94: {  	s1 =	sor.u32 s1, s2;
	[tilespmem:s0+$0x6A80] =	vst v1;
	v1 =	vld [tilespmem:s0+$0xCE90]  }
0x95: {  	v2 =	vld [tilespmem:s1+$0x0];
	_ =	sdelay $0x3  }
0x96: {  	s17 =	spop (v2sf)  }
0x97: {  	s18 =	sadd.s32 $0x700, s0;
	(v2sf) =	vpush v0, $0x9;
	s19 =	sand.u32 $0xFFFFFF80, s17;
	v1 =	vadd.f32 v1, v2  }
0x98: {  	s20 =	sand.u32 $0x7F, s17;
	s3 =	sadd.s32 s19, s18  }
0x99: {  	s3 =	sor.u32 s20, s3;
	[tilespmem:s0+$0x6A90] =	vst v1;
	v1 =	vld [tilespmem:s0+$0xCF00]  }
0x9a: {  	v2 =	vld [tilespmem:s3+$0x0];
	_ =	sdelay $0x3  }
0x9b: {  	s1 =	sadd.s32 $0x10, s17  }
0x9c: {  	s21 =	sand.u32 $0xFFFFFF80, s1;
	v1 =	vadd.f32 v1, v2  }
0x9d: {  	s1 =	sand.u32 $0x7F, s1;
	s2 =	sadd.s32 s21, s18  }
0x9e: {  	s1 =	sor.u32 s1, s2;
	[tilespmem:s0+$0x6B00] =	vst v1;
	v1 =	vld [tilespmem:s0+$0xCF10]  }
0x9f: {  	v2 =	vld [tilespmem:s1+$0x0];
	_ =	sdelay $0x3  }
0xa0: {  	s22 =	spop (v2sf)  }
0xa1: {  	s24 =	sadd.s32 $0x780, s0;
	(v2sf) =	vpush v0, $0xA;
	s23 =	sand.u32 $0xFFFFFF80, s22;
	v1 =	vadd.f32 v1, v2  }
0xa2: {  	s25 =	sand.u32 $0x7F, s22;
	s2 =	sadd.s32 s23, s24  }
0xa3: {  	s2 =	sor.u32 s25, s2;
	[tilespmem:s0+$0x6B10] =	vst v1;
	v1 =	vld [tilespmem:s0+$0xCF80]  }
0xa4: {  	v2 =	vld [tilespmem:s2+$0x0];
	_ =	sdelay $0x3  }
0xa5: {  	s1 =	sadd.s32 $0x10, s22  }
0xa6: {  	s26 =	sand.u32 $0xFFFFFF80, s1;
	v1 =	vadd.f32 v1, v2  }
0xa7: {  	s1 =	sand.u32 $0x7F, s1;
	s2 =	sadd.s32 s26, s24  }
0xa8: {  	s1 =	sor.u32 s1, s2;
	[tilespmem:s0+$0x6B80] =	vst v1;
	v1 =	vld [tilespmem:s0+$0xCF90]  }
0xa9: {  	v2 =	vld [tilespmem:s1+$0x0];
	_ =	sdelay $0x3  }
0xaa: {  	s28 =	spop (v2sf)  }
0xab: {  	s30 =	sadd.s32 $0x800, s0;
	(v2sf) =	vpush v0, $0xB;
	s29 =	sand.u32 $0xFFFFFF80, s28;
	v1 =	vadd.f32 v1, v2  }
0xac: {  	s31 =	sand.u32 $0x7F, s28;
	s2 =	sadd.s32 s29, s30  }
0xad: {  	s2 =	sor.u32 s31, s2;
	[tilespmem:s0+$0x6B90] =	vst v1;
	v1 =	vld [tilespmem:s0+$0xD000]  }
0xae: {  	v2 =	vld [tilespmem:s2+$0x0];
	_ =	sdelay $0x3  }
0xaf: {  	s1 =	sadd.s32 $0x10, s28  }
0xb0: {  	s5 =	sand.u32 $0xFFFFFF80, s1;
	v1 =	vadd.f32 v1, v2  }
0xb1: {  	s1 =	sand.u32 $0x7F, s1;
	s2 =	sadd.s32 s5, s30  }
0xb2: {  	s1 =	sor.u32 s1, s2;
	[tilespmem:s0+$0x6C00] =	vst v1;
	v1 =	vld [tilespmem:s0+$0xD010]  }
0xb3: {  	v2 =	vld [tilespmem:s1+$0x0];
	_ =	sdelay $0x3  }
0xb4: {  	s6 =	spop (v2sf)  }
0xb5: {  	s7 =	sadd.s32 $0x880, s0;
	(v2sf) =	vpush v0, $0xC;
	s8 =	sand.u32 $0xFFFFFF80, s6;
	v1 =	vadd.f32 v1, v2  }
0xb6: {  	s9 =	sand.u32 $0x7F, s6;
	s3 =	sadd.s32 s8, s7  }
0xb7: {  	s3 =	sor.u32 s9, s3;
	[tilespmem:s0+$0x6C10] =	vst v1;
	v1 =	vld [tilespmem:s0+$0xD080]  }
0xb8: {  	v2 =	vld [tilespmem:s3+$0x0];
	_ =	sdelay $0x3  }
0xb9: {  	s1 =	sadd.s32 $0x10, s6  }
0xba: {  	s10 =	sand.u32 $0xFFFFFF80, s1;
	v1 =	vadd.f32 v1, v2  }
0xbb: {  	s1 =	sand.u32 $0x7F, s1;
	s2 =	sadd.s32 s10, s7  }
0xbc: {  	s1 =	sor.u32 s1, s2;
	[tilespmem:s0+$0x6C80] =	vst v1;
	v1 =	vld [tilespmem:s0+$0xD090]  }
0xbd: {  	v2 =	vld [tilespmem:s1+$0x0];
	_ =	sdelay $0x3  }
0xbe: {  	s11 =	spop (v2sf)  }
0xbf: {  	s12 =	sadd.s32 $0x900, s0;
	(v2sf) =	vpush v0, $0xD;
	s13 =	sand.u32 $0xFFFFFF80, s11;
	v1 =	vadd.f32 v1, v2  }
0xc0: {  	s14 =	sand.u32 $0x7F, s11;
	s3 =	sadd.s32 s13, s12  }
0xc1: {  	s3 =	sor.u32 s14, s3;
	[tilespmem:s0+$0x6C90] =	vst v1;
	v1 =	vld [tilespmem:s0+$0xD100]  }
0xc2: {  	v2 =	vld [tilespmem:s3+$0x0];
	_ =	sdelay $0x3  }
0xc3: {  	s1 =	sadd.s32 $0x10, s11  }
0xc4: {  	s15 =	sand.u32 $0xFFFFFF80, s1;
	v1 =	vadd.f32 v1, v2  }
0xc5: {  	s1 =	sand.u32 $0x7F, s1;
	s2 =	sadd.s32 s15, s12  }
0xc6: {  	s1 =	sor.u32 s1, s2;
	[tilespmem:s0+$0x6D00] =	vst v1;
	v1 =	vld [tilespmem:s0+$0xD110]  }
0xc7: {  	v2 =	vld [tilespmem:s1+$0x0];
	_ =	sdelay $0x3  }
0xc8: {  	s16 =	spop (v2sf)  }
0xc9: {  	s18 =	sadd.s32 $0x980, s0;
	(v2sf) =	vpush v0, $0xE;
	s17 =	sand.u32 $0xFFFFFF80, s16;
	v1 =	vadd.f32 v1, v2  }
0xca: {  	s19 =	sand.u32 $0x7F, s16;
	s2 =	sadd.s32 s17, s18  }
0xcb: {  	s2 =	sor.u32 s19, s2;
	[tilespmem:s0+$0x6D10] =	vst v1;
	v1 =	vld [tilespmem:s0+$0xD180]  }
0xcc: {  	v2 =	vld [tilespmem:s2+$0x0];
	_ =	sdelay $0x3  }
0xcd: {  	s1 =	sadd.s32 $0x10, s16  }
0xce: {  	s20 =	sand.u32 $0xFFFFFF80, s1;
	v1 =	vadd.f32 v1, v2  }
0xcf: {  	s1 =	sand.u32 $0x7F, s1;
	s2 =	sadd.s32 s20, s18  }
0xd0: {  	s1 =	sor.u32 s1, s2;
	[tilespmem:s0+$0x6D80] =	vst v1;
	v1 =	vld [tilespmem:s0+$0xD190]  }
0xd1: {  	v2 =	vld [tilespmem:s1+$0x0];
	_ =	sdelay $0x3  }
0xd2: {  	s21 =	spop (v2sf)  }
0xd3: {  	s22 =	sadd.s32 $0xA00, s0;
	(v2sf) =	vpush v0, $0xF;
	s23 =	sand.u32 $0xFFFFFF80, s21;
	v1 =	vadd.f32 v1, v2  }
0xd4: {  	s24 =	sand.u32 $0x7F, s21;
	s3 =	sadd.s32 s23, s22  }
0xd5: {  	v0 =	vld [tilespmem:s0+$0xD200];
	s3 =	sor.u32 s24, s3;
	[tilespmem:s0+$0x6D90] =	vst v1  }
0xd6: {  	v1 =	vld [tilespmem:s3+$0x0];
	_ =	sdelay $0x3  }
0xd7: {  	s1 =	sadd.s32 $0x10, s21  }
0xd8: {  	s25 =	sand.u32 $0xFFFFFF80, s1;
	v0 =	vadd.f32 v0, v1  }
0xd9: {  	s1 =	sand.u32 $0x7F, s1;
	s2 =	sadd.s32 s25, s22  }
0xda: {  	s1 =	sor.u32 s1, s2;
	[tilespmem:s0+$0x6E00] =	vst v0;
	v0 =	vld [tilespmem:s0+$0xD210]  }
0xdb: {  	v1 =	vld [tilespmem:s1+$0x0];
	_ =	sdelay $0x3  }
0xdc: {  	s26 =	spop (v2sf)  }
0xdd: {  	s28 =	sadd.s32 $0xA80, s0;
	s29 =	sand.u32 $0xFFFFFF80, s26;
	v0 =	vadd.f32 v0, v1  }
0xde: {  	s30 =	sand.u32 $0x7F, s26;
	s3 =	sadd.s32 s29, s28  }
0xdf: {  	s3 =	sor.u32 s30, s3;
	[tilespmem:s0+$0x6E10] =	vst v0;
	v0 =	vld [tilespmem:s0+$0xD280]  }
0xe0: {  	v1 =	vld [tilespmem:s3+$0x0];
	_ =	sdelay $0x3  }
0xe1: {  	s1 =	sadd.s32 $0x10, s26  }
0xe2: {  	s31 =	sand.u32 $0xFFFFFF80, s1;
	v0 =	vadd.f32 v0, v1  }
0xe3: {  	s1 =	sand.u32 $0x7F, s1;
	s2 =	sadd.s32 s31, s28  }
0xe4: {  	s1 =	sor.u32 s1, s2;
	[tilespmem:s0+$0x6E80] =	vst v0;
	v0 =	vld [tilespmem:s0+$0xD290]  }
0xe5: {  	v1 =	vld [tilespmem:s1+$0x0];
	_ =	sdelay $0x4  }
0xe6: {  	s2 =	simm.s32 $0x10;
	v0 =	vadd.f32 v0, v1  }
.LBB2_3:
0xe7: {  	s1 =	smov.u32 s2  }
0xe8: {  	s1 =	smin.u32 s1, $0x18;
	[tilespmem:s0+$0x6E90] =	vst v0  }
0xe9: {  	v0 =	vld [tilespmem:s1+$0x200];
	_ =	sdelay $0x4  }
0xea: {  	(v2sf) =	vpush v0, $0x0  }
0xeb: {  	(v2sf) =	vpush v0, $0x1;
	_ =	sdelay $0x1  }
0xec: {  	(v2sf) =	vpush v0, $0x2;
	_ =	sdelay $0x1  }
0xed: {  	(v2sf) =	vpush v0, $0x3;
	_ =	sdelay $0x2  }
0xee: {  	(v2sf) =	vpush v0, $0x4;
	_ =	sdelay $0x1  }
0xef: {  	(v2sf) =	vpush v0, $0x5;
	_ =	sdelay $0x1  }
0xf0: {  	p0 =	sne.s32 s2, $0x20;
	s0 =	sshll.u32 s1, $0x7;
	(v2sf) =	vpush v0, $0x6  }
0xf1: {  	s23 =	sadd.s32 $0x10, s2;
	s5 =	sadd.s32 $0x300, s0;
	s9 =	sadd.s32 $0x880, s0  }
0xf2: {  	s6 =	sadd.s32 $0x480, s0;
	s19 =	sadd.s32 $0x700, s0;
	s17 =	sadd.s32 $0x400, s0  }
0xf3: {  	s8 =	sadd.s32 $0x500, s0;
	s21 =	sadd.s32 $0x600, s0;
	s24 =	spop (v2sf)  }
0xf4: {  	s16 =	sadd.s32 $0x580, s0;
	s3 =	sand.u32 $0xFFFFFF80, s24;
	s1 =	spop (v2sf)  }
0xf5: {  	s4 =	sand.u32 $0x7F, s24;
	s2 =	sadd.s32 $0x10, s24;
	s3 =	sadd.s32 s3, s5  }
0xf6: {  	(v2sf) =	vpush v0, $0x7;
	s7 =	sand.u32 $0xFFFFFF80, s1;
	s14 =	spop (v2sf);
	s12 =	sadd.s32 $0x10, s1  }
0xf7: {  	(v2sf) =	vpush v0, $0x8;
	s28 =	sand.u32 $0x7F, s2;
	s15 =	sand.u32 $0xFFFFFF80, s2;
	s25 =	sand.u32 $0xFFFFFF80, s14  }
0xf8: {  	v1 =	vld [tilespmem:s0+$0xCB00];
	s3 =	sor.u32 s4, s3;
	s4 =	sadd.s32 s25, s17;
	s25 =	spop (v2sf)  }
0xf9: {  	s1 =	sand.u32 $0x7F, s1;
	s20 =	sadd.s32 $0x10, s14;
	v2 =	vld [tilespmem:s3+$0x0];
	s26 =	sand.u32 $0xFFFFFF80, s25  }
0xfa: {  	s5 =	sadd.s32 s15, s5;
	s31 =	sadd.s32 $0x10, s25;
	s3 =	sadd.s32 s26, s6  }
0xfb: {  	s26 =	spop (v2sf);
	(v2sf) =	vpush v0, $0x9;
	s11 =	sand.u32 $0xFFFFFF80, s31;
	[smem:$0x7E1] =	sst s3  }
0xfc: {  	s13 =	sand.u32 $0xFFFFFF80, s26;
	s30 =	sadd.s32 s11, s6;
	s3 =	sor.u32 s28, s5  }
0xfd: {  	s18 =	spop (v2sf);
	s5 =	sadd.s32 $0x380, s0;
	[smem:$0x7E2] =	sst s30  }
0xfe: {  	(v2sf) =	vpush v0, $0xA;
	s6 =	sadd.s32 s13, s8;
	s10 =	sand.u32 $0xFFFFFF80, s18;
	s15 =	sadd.s32 $0x10, s18;
	v1 =	vadd.f32 v1, v2  }
0xff: {  	s13 =	spop (v2sf);
	s7 =	sadd.s32 s7, s5;
	[smem:$0x7E3] =	sst s6  }
0x100: {  	s22 =	sand.u32 $0xFFFFFF80, s15;
	s24 =	sand.u32 $0xFFFFFF80, s13;
	s28 =	sadd.s32 s10, s16;
	[tilespmem:s0+$0x6700] =	vst v1;
	v1 =	vld [tilespmem:s0+$0xCB10]  }
0x101: {  	(v2sf) =	vpush v0, $0xB;
	s6 =	sadd.s32 $0x10, s13;
	s10 =	sor.u32 s1, s7;
	[smem:$0x7E4] =	sst s28;
	v2 =	vld [tilespmem:s3+$0x0]  }
0x102: {  	s30 =	sadd.s32 s22, s16;
	s22 =	sadd.s32 $0x680, s0;
	s28 =	sand.u32 $0xFFFFFF80, s12  }
0x103: {  	[smem:$0x7E5] =	sst s30;
	s30 =	sand.u32 $0xFFFFFF80, s6;
	s3 =	sadd.s32 s24, s21  }
0x104: {  	s16 =	sadd.s32 s28, s5;
	s28 =	sadd.s32 s30, s21;
	[smem:$0x7E6] =	sst s3  }
0x105: {  	s12 =	sand.u32 $0x7F, s12;
	[smem:$0x7E7] =	sst s28;
	s3 =	spop (v2sf);
	(v2sf) =	vpush v0, $0xC  }
0x106: {  	v1 =	vadd.f32 v1, v2;
	s30 =	sand.u32 $0xFFFFFF80, s3;
	s7 =	sadd.s32 $0x10, s3;
	s5 =	spop (v2sf)  }
0x107: {  	s1 =	sadd.s32 s30, s22;
	s2 =	sand.u32 $0xFFFFFF80, s7;
	s30 =	sadd.s32 $0x10, s5  }
0x108: {  	[tilespmem:s0+$0x6710] =	vst v1;
	v1 =	vld [tilespmem:s0+$0xCB80];
	[smem:$0x7E8] =	sst s1;
	s21 =	sadd.s32 s2, s22;
	s24 =	sand.u32 $0xFFFFFF80, s30  }
0x109: {  	s16 =	sor.u32 s12, s16;
	(v2sf) =	vpush v0, $0xD;
	v2 =	vld [tilespmem:s10+$0x0];
	[smem:$0x7E9] =	sst s21;
	s28 =	sadd.s32 s24, s19  }
0x10a: {  	s10 =	sand.u32 $0xFFFFFF80, s5;
	[smem:$0x7EB] =	sst s28;
	s28 =	spop (v2sf)  }
0x10b: {  	s21 =	sadd.s32 $0x780, s0;
	s22 =	sadd.s32 s10, s19;
	s2 =	sand.u32 $0xFFFFFF80, s28  }
0x10c: {  	[smem:$0x7EA] =	sst s22;
	s24 =	sadd.s32 $0x10, s28;
	s22 =	sadd.s32 s2, s21  }
0x10d: {  	(v2sf) =	vpush v0, $0xE;
	s2 =	sand.u32 $0xFFFFFF80, s24;
	[smem:$0x7EC] =	sst s22;
	s22 =	spop (v2sf)  }
0x10e: {  	s1 =	sadd.s32 $0x800, s0;
	(v2sf) =	vpush v0, $0xF;
	s21 =	sadd.s32 s2, s21;
	v0 =	vadd.f32 v1, v2;
	s2 =	sand.u32 $0xFFFFFF80, s22  }
0x10f: {  	[smem:$0x7ED] =	sst s21;
	s12 =	sadd.s32 $0x10, s22;
	s21 =	sadd.s32 s2, s1  }
0x110: {  	s2 =	sand.u32 $0xFFFFFF80, s12;
	[tilespmem:s0+$0x6780] =	vst v0;
	v0 =	vld [tilespmem:s0+$0xCB90];
	[smem:$0x7EE] =	sst s21;
	s21 =	spop (v2sf)  }
0x111: {  	s1 =	sadd.s32 s2, s1;
	v1 =	vld [tilespmem:s16+$0x0];
	s16 =	sand.u32 $0xFFFFFF80, s21;
	s19 =	sadd.s32 $0x10, s21  }
0x112: {  	[smem:$0x7EF] =	sst s1;
	s1 =	sadd.s32 s16, s9;
	s2 =	sand.u32 $0xFFFFFF80, s19  }
0x113: {  	s10 =	sand.u32 $0xFFFFFF80, s20;
	[smem:$0x7F0] =	sst s1;
	s1 =	sadd.s32 s2, s9  }
0x114: {  	s10 =	sadd.s32 s10, s17;
	[smem:$0x7F1] =	sst s1;
	s16 =	spop (v2sf)  }
0x115: {  	s1 =	sadd.s32 $0x900, s0;
	s2 =	sand.u32 $0xFFFFFF80, s16;
	s9 =	sadd.s32 $0x10, s16  }
0x116: {  	s17 =	sand.u32 $0x7F, s16;
	s16 =	sadd.s32 s2, s1;
	s2 =	sand.u32 $0xFFFFFF80, s9;
	v0 =	vadd.f32 v0, v1  }
0x117: {  	s14 =	sand.u32 $0x7F, s14;
	[smem:$0x7F3] =	sst s9;
	s1 =	sadd.s32 s2, s1  }
0x118: {  	s9 =	spop (v2sf);
	[smem:$0x7F4] =	sst s1;
	s1 =	sor.u32 s14, s4;
	[tilespmem:s0+$0x6790] =	vst v0;
	v0 =	vld [tilespmem:s0+$0xCC00]  }
0x119: {  	s16 =	sor.u32 s17, s16;
	s2 =	sand.u32 $0xFFFFFF80, s9;
	v1 =	vld [tilespmem:s1+$0x0]  }
0x11a: {  	[smem:$0x7F2] =	sst s16;
	s4 =	sadd.s32 $0x10, s9;
	s16 =	sadd.s32 $0x980, s0  }
0x11b: {  	s29 =	sadd.s32 $0xA00, s0;
	s17 =	sand.u32 $0xFFFFFF80, s4;
	s2 =	sadd.s32 s2, s16  }
0x11c: {  	s14 =	spop (v2sf);
	[smem:$0x7F5] =	sst s2;
	s17 =	sadd.s32 s17, s16  }
0x11d: {  	s2 =	sand.u32 $0xFFFFFF80, s14;
	[dreg:$0x1d] =	wrdreg s17;
	s17 =	sadd.s32 $0x10, s14  }
0x11e: {  	s1 =	sadd.s32 s2, s29;
	s16 =	sand.u32 $0xFFFFFF80, s17;
	v0 =	vadd.f32 v0, v1  }
0x11f: {  	s20 =	sand.u32 $0x7F, s20;
	[dreg:$0x13] =	wrdreg s1;
	s1 =	sadd.s32 s16, s29  }
0x120: {  	[dreg:$0xe] =	wrdreg s1;
	s1 =	sor.u32 s20, s10;
	[tilespmem:s0+$0x6800] =	vst v0;
	v0 =	vld [tilespmem:s0+$0xCC10]  }
0x121: {  	v1 =	vld [tilespmem:s1+$0x0];
	_ =	sdelay $0x3  }
0x122: {  	s20 =	sand.u32 $0x7F, s25;
	s25 =	sld [smem:$0x7E1]  }
0x123: {  	v0 =	vadd.f32 v0, v1;
	_ =	sdelay $0x1  }
0x124: {  	s1 =	sor.u32 s20, s25;
	[tilespmem:s0+$0x6810] =	vst v0;
	v0 =	vld [tilespmem:s0+$0xCC80]  }
0x125: {  	v1 =	vld [tilespmem:s1+$0x0];
	_ =	sdelay $0x3  }
0x126: {  	s20 =	sld [smem:$0x7E2]  }
0x127: {  	v0 =	vadd.f32 v0, v1  }
0x128: {  	s10 =	sand.u32 $0x7F, s31  }
0x129: {  	s1 =	sor.u32 s10, s20;
	[tilespmem:s0+$0x6880] =	vst v0;
	v0 =	vld [tilespmem:s0+$0xCC90]  }
0x12a: {  	v1 =	vld [tilespmem:s1+$0x0];
	_ =	sdelay $0x3  }
0x12b: {  	s11 =	sadd.s32 $0x10, s26;
	s25 =	sand.u32 $0x7F, s26;
	s26 =	sld [smem:$0x7E3]  }
0x12c: {  	v0 =	vadd.f32 v0, v1;
	_ =	sdelay $0x1  }
0x12d: {  	s1 =	sor.u32 s25, s26;
	[tilespmem:s0+$0x6890] =	vst v0;
	v0 =	vld [tilespmem:s0+$0xCD00]  }
0x12e: {  	v1 =	vld [tilespmem:s1+$0x0];
	_ =	sdelay $0x4  }
0x12f: {  	[dreg:$0x4] =	wrdreg s23;
	s23 =	sand.u32 $0xFFFFFF80, s11;
	v0 =	vadd.f32 v0, v1  }
0x130: {  	[dreg:$0x1a] =	wrdreg s4;
	s4 =	sadd.s32 s23, s8;
	s31 =	sand.u32 $0x7F, s11  }
0x131: {  	s1 =	sor.u32 s31, s4;
	[tilespmem:s0+$0x6900] =	vst v0;
	v0 =	vld [tilespmem:s0+$0xCD10]  }
0x132: {  	v1 =	vld [tilespmem:s1+$0x0];
	_ =	sdelay $0x3  }
0x133: {  	s11 =	sld [smem:$0x7E4]  }
0x134: {  	v0 =	vadd.f32 v0, v1  }
0x135: {  	s10 =	sand.u32 $0x7F, s18  }
0x136: {  	s1 =	sor.u32 s10, s11;
	[tilespmem:s0+$0x6910] =	vst v0;
	v0 =	vld [tilespmem:s0+$0xCD80]  }
0x137: {  	v1 =	vld [tilespmem:s1+$0x0];
	_ =	sdelay $0x3  }
0x138: {  	s18 =	sld [smem:$0x7E5]  }
0x139: {  	v0 =	vadd.f32 v0, v1  }
0x13a: {  	s15 =	sand.u32 $0x7F, s15  }
0x13b: {  	s1 =	sor.u32 s15, s18;
	[tilespmem:s0+$0x6980] =	vst v0;
	v0 =	vld [tilespmem:s0+$0xCD90]  }
0x13c: {  	v1 =	vld [tilespmem:s1+$0x0];
	_ =	sdelay $0x3  }
0x13d: {  	s25 =	sld [smem:$0x7E6]  }
0x13e: {  	v0 =	vadd.f32 v0, v1  }
0x13f: {  	s20 =	sand.u32 $0x7F, s13  }
0x140: {  	s1 =	sor.u32 s20, s25;
	[tilespmem:s0+$0x6990] =	vst v0;
	v0 =	vld [tilespmem:s0+$0xCE00]  }
0x141: {  	v1 =	vld [tilespmem:s1+$0x0];
	_ =	sdelay $0x3  }
0x142: {  	s31 =	sld [smem:$0x7E7]  }
0x143: {  	v0 =	vadd.f32 v0, v1  }
0x144: {  	s26 =	sand.u32 $0x7F, s6  }
0x145: {  	s1 =	sor.u32 s26, s31;
	[tilespmem:s0+$0x6A00] =	vst v0;
	v0 =	vld [tilespmem:s0+$0xCE10]  }
0x146: {  	v1 =	vld [tilespmem:s1+$0x0];
	_ =	sdelay $0x3  }
0x147: {  	s10 =	sld [smem:$0x7E8]  }
0x148: {  	v0 =	vadd.f32 v0, v1  }
0x149: {  	s6 =	sand.u32 $0x7F, s3  }
0x14a: {  	s1 =	sor.u32 s6, s10;
	[tilespmem:s0+$0x6A10] =	vst v0;
	v0 =	vld [tilespmem:s0+$0xCE80]  }
0x14b: {  	v1 =	vld [tilespmem:s1+$0x0];
	_ =	sdelay $0x3  }
0x14c: {  	s13 =	sld [smem:$0x7E9]  }
0x14d: {  	v0 =	vadd.f32 v0, v1  }
0x14e: {  	s11 =	sand.u32 $0x7F, s7  }
0x14f: {  	s1 =	sor.u32 s11, s13;
	[tilespmem:s0+$0x6A80] =	vst v0;
	v0 =	vld [tilespmem:s0+$0xCE90]  }
0x150: {  	v1 =	vld [tilespmem:s1+$0x0];
	_ =	sdelay $0x3  }
0x151: {  	s18 =	sld [smem:$0x7EA]  }
0x152: {  	v0 =	vadd.f32 v0, v1  }
0x153: {  	s15 =	sand.u32 $0x7F, s5  }
0x154: {  	s1 =	sor.u32 s15, s18;
	[tilespmem:s0+$0x6A90] =	vst v0;
	v0 =	vld [tilespmem:s0+$0xCF00]  }
0x155: {  	v1 =	vld [tilespmem:s1+$0x0];
	_ =	sdelay $0x3  }
0x156: {  	s25 =	sld [smem:$0x7EB]  }
0x157: {  	v0 =	vadd.f32 v0, v1  }
0x158: {  	s20 =	sand.u32 $0x7F, s30  }
0x159: {  	s1 =	sor.u32 s20, s25;
	[tilespmem:s0+$0x6B00] =	vst v0;
	v0 =	vld [tilespmem:s0+$0xCF10]  }
0x15a: {  	v1 =	vld [tilespmem:s1+$0x0];
	_ =	sdelay $0x3  }
0x15b: {  	s26 =	sand.u32 $0x7F, s28;
	s28 =	sld [smem:$0x7EC]  }
0x15c: {  	v0 =	vadd.f32 v0, v1;
	_ =	sdelay $0x1  }
0x15d: {  	s1 =	sor.u32 s26, s28;
	[tilespmem:s0+$0x6B10] =	vst v0;
	v0 =	vld [tilespmem:s0+$0xCF80]  }
0x15e: {  	v1 =	vld [tilespmem:s1+$0x0];
	_ =	sdelay $0x3  }
0x15f: {  	s31 =	sld [smem:$0x7ED]  }
0x160: {  	v0 =	vadd.f32 v0, v1  }
0x161: {  	s30 =	sand.u32 $0x7F, s24  }
0x162: {  	s1 =	sor.u32 s30, s31;
	[tilespmem:s0+$0x6B80] =	vst v0;
	v0 =	vld [tilespmem:s0+$0xCF90]  }
0x163: {  	v1 =	vld [tilespmem:s1+$0x0];
	_ =	sdelay $0x3  }
0x164: {  	s4 =	sld [smem:$0x7EE]  }
0x165: {  	v0 =	vadd.f32 v0, v1  }
0x166: {  	s3 =	sand.u32 $0x7F, s22  }
0x167: {  	s1 =	sor.u32 s3, s4;
	[tilespmem:s0+$0x6B90] =	vst v0;
	v0 =	vld [tilespmem:s0+$0xD000]  }
0x168: {  	v1 =	vld [tilespmem:s1+$0x0];
	_ =	sdelay $0x3  }
0x169: {  	s6 =	sld [smem:$0x7EF]  }
0x16a: {  	v0 =	vadd.f32 v0, v1  }
0x16b: {  	s5 =	sand.u32 $0x7F, s12  }
0x16c: {  	s1 =	sor.u32 s5, s6;
	[tilespmem:s0+$0x6C00] =	vst v0;
	v0 =	vld [tilespmem:s0+$0xD010]  }
0x16d: {  	v1 =	vld [tilespmem:s1+$0x0];
	_ =	sdelay $0x3  }
0x16e: {  	s10 =	sld [smem:$0x7F0]  }
0x16f: {  	v0 =	vadd.f32 v0, v1  }
0x170: {  	s7 =	sand.u32 $0x7F, s21  }
0x171: {  	s1 =	sor.u32 s7, s10;
	[tilespmem:s0+$0x6C10] =	vst v0;
	v0 =	vld [tilespmem:s0+$0xD080]  }
0x172: {  	v1 =	vld [tilespmem:s1+$0x0];
	_ =	sdelay $0x3  }
0x173: {  	s12 =	sld [smem:$0x7F1]  }
0x174: {  	v0 =	vadd.f32 v0, v1  }
0x175: {  	s11 =	sand.u32 $0x7F, s19  }
0x176: {  	s1 =	sor.u32 s11, s12;
	[tilespmem:s0+$0x6C80] =	vst v0;
	v0 =	vld [tilespmem:s0+$0xD090]  }
0x177: {  	v1 =	vld [tilespmem:s1+$0x0];
	_ =	sdelay $0x4  }
0x178: {  	s13 =	sld [smem:$0x7F2];
	v0 =	vadd.f32 v0, v1;
	_ =	sdelay $0x1  }
0x179: {  	[tilespmem:s0+$0x6C90] =	vst v0;
	v0 =	vld [tilespmem:s0+$0xD100]  }
0x17a: {  	v1 =	vld [tilespmem:s13+$0x0];
	_ =	sdelay $0x2  }
0x17b: {  	s15 =	sld [smem:$0x7F3]  }
0x17c: {  	s18 =	sld [smem:$0x7F4]  }
0x17d: {  	v0 =	vadd.f32 v0, v1  }
0x17e: {  	s1 =	sand.u32 $0x7F, s15  }
0x17f: {  	s1 =	sor.u32 s1, s18;
	[tilespmem:s0+$0x6D00] =	vst v0;
	v0 =	vld [tilespmem:s0+$0xD110]  }
0x180: {  	v1 =	vld [tilespmem:s1+$0x0];
	_ =	sdelay $0x3  }
0x181: {  	s20 =	sld [smem:$0x7F5]  }
0x182: {  	v0 =	vadd.f32 v0, v1  }
0x183: {  	s19 =	sand.u32 $0x7F, s9  }
0x184: {  	s1 =	sor.u32 s19, s20;
	[tilespmem:s0+$0x6D10] =	vst v0;
	v0 =	vld [tilespmem:s0+$0xD180]  }
0x185: {  	v1 =	vld [tilespmem:s1+$0x0];
	_ =	sdelay $0x4  }
0x186: {  	s21 =	rddreg [dreg:$0x1a];
	v0 =	vadd.f32 v0, v1  }
0x187: {  	s22 =	rddreg [dreg:$0x1d];
	s1 =	sand.u32 $0x7F, s21  }
0x188: {  	s1 =	sor.u32 s1, s22;
	[tilespmem:s0+$0x6D80] =	vst v0;
	v0 =	vld [tilespmem:s0+$0xD190]  }
0x189: {  	v1 =	vld [tilespmem:s1+$0x0];
	_ =	sdelay $0x4  }
0x18a: {  	v0 =	vadd.f32 v0, v1  }
0x18b: {  	s24 =	sand.u32 $0x7F, s14;
	s25 =	rddreg [dreg:$0x13]  }
0x18c: {  	s1 =	sor.u32 s24, s25;
	[tilespmem:s0+$0x6D90] =	vst v0;
	v0 =	vld [tilespmem:s0+$0xD200]  }
0x18d: {  	v1 =	vld [tilespmem:s1+$0x0];
	_ =	sdelay $0x4  }
0x18e: {  	v0 =	vadd.f32 v0, v1  }
0x18f: {  	s26 =	sand.u32 $0x7F, s17;
	s28 =	rddreg [dreg:$0xe]  }
0x190: {  	s1 =	sor.u32 s26, s28;
	[tilespmem:s0+$0x6E00] =	vst v0;
	v0 =	vld [tilespmem:s0+$0xD210]  }
0x191: {  	v1 =	vld [tilespmem:s1+$0x0];
	_ =	sdelay $0x3  }
0x192: {  	s8 =	spop (v2sf)  }
0x193: {  	s23 =	sand.u32 $0xFFFFFF80, s8;
	s2 =	sadd.s32 $0xA80, s0;
	v0 =	vadd.f32 v0, v1  }
0x194: {  	s23 =	sadd.s32 s23, s2;
	s30 =	sand.u32 $0x7F, s8  }
0x195: {  	s1 =	sor.u32 s30, s23;
	[tilespmem:s0+$0x6E10] =	vst v0;
	v0 =	vld [tilespmem:s0+$0xD280]  }
0x196: {  	v1 =	vld [tilespmem:s1+$0x0];
	_ =	sdelay $0x3  }
0x197: {  	s16 =	sadd.s32 $0x10, s8  }
0x198: {  	s29 =	sand.u32 $0xFFFFFF80, s16;
	v0 =	vadd.f32 v0, v1  }
0x199: {  	s29 =	sadd.s32 s29, s2;
	s31 =	sand.u32 $0x7F, s16  }
0x19a: {  	s1 =	sor.u32 s31, s29;
	[tilespmem:s0+$0x6E80] =	vst v0;
	v0 =	vld [tilespmem:s0+$0xD290]  }
0x19b: {  	v1 =	vld [tilespmem:s1+$0x0]  }
.Ltmp0:
0x19c: {  	_ = 	snop;
	(pc) =	sbr.rel @p0 .LBB2_3-.Ltmp0, $2  }
0x19d: {  	_ =	sdelay $0x2  }
0x19e: {  	s2 =	rddreg [dreg:$0x4];
	v0 =	vadd.f32 v0, v1  }
0x19f: {  	_ = 	snop  }
0x1a0: {  	s1 =	simm.s32 $0x2;
	[tilespmem:s0+$0x6E90] =	vst v0  }
0x1a1: {  	_ =	swait.ge [sflag:s1], $0x1400  }
0x1a2: {  	s5 =	simm.s32 $0x0;
	[sflag:s1] =	ssyncset.done $0x0  }
0x1a3: {  	s0 =	smin.u32 s5, $0x18;
	[sflag:s1] =	ssyncadd.s32 $0xFFFFEC00  }
0x1a4: {  	v0 =	vld [tilespmem:s0+$0x228];
	_ =	sdelay $0x4  }
0x1a5: {  	(v2sf) =	vpush v0, $0x0;
	_ =	sdelay $0xe  }
0x1a6: {  	s0 =	sshll.u32 s0, $0x7;
	s6 =	spop (v2sf)  }
0x1a7: {  	s3 =	sadd.s32 $0x1700, s0;
	(v2sf) =	vpush v0, $0x1;
	s2 =	sand.u32 $0xFFFFFF80, s6  }
0x1a8: {  	s4 =	sand.u32 $0x7F, s6;
	s2 =	sadd.s32 s2, s3  }
0x1a9: {  	v1 =	vld [tilespmem:s0+$0xDF00];
	s2 =	sor.u32 s4, s2  }
0x1aa: {  	v2 =	vld [tilespmem:s2+$0x0];
	_ =	sdelay $0x3  }
0x1ab: {  	s1 =	sadd.s32 $0x10, s6  }
0x1ac: {  	s7 =	sand.u32 $0xFFFFFF80, s1;
	v1 =	vadd.f32 v1, v2  }
0x1ad: {  	s1 =	sand.u32 $0x7F, s1;
	s2 =	sadd.s32 s7, s3  }
0x1ae: {  	s1 =	sor.u32 s1, s2;
	[tilespmem:s0+$0x7B00] =	vst v1;
	v1 =	vld [tilespmem:s0+$0xDF10]  }
0x1af: {  	v2 =	vld [tilespmem:s1+$0x0];
	_ =	sdelay $0x3  }
0x1b0: {  	s8 =	spop (v2sf)  }
0x1b1: {  	s10 =	sadd.s32 $0x1780, s0;
	(v2sf) =	vpush v0, $0x2;
	s9 =	sand.u32 $0xFFFFFF80, s8;
	v1 =	vadd.f32 v1, v2  }
0x1b2: {  	s11 =	sand.u32 $0x7F, s8;
	s2 =	sadd.s32 s9, s10  }
0x1b3: {  	s2 =	sor.u32 s11, s2;
	[tilespmem:s0+$0x7B10] =	vst v1;
	v1 =	vld [tilespmem:s0+$0xDF80]  }
0x1b4: {  	v2 =	vld [tilespmem:s2+$0x0];
	_ =	sdelay $0x3  }
0x1b5: {  	s1 =	sadd.s32 $0x10, s8  }
0x1b6: {  	s12 =	sand.u32 $0xFFFFFF80, s1;
	v1 =	vadd.f32 v1, v2  }
0x1b7: {  	s1 =	sand.u32 $0x7F, s1;
	s2 =	sadd.s32 s12, s10  }
0x1b8: {  	s1 =	sor.u32 s1, s2;
	[tilespmem:s0+$0x7B80] =	vst v1;
	v1 =	vld [tilespmem:s0+$0xDF90]  }
0x1b9: {  	v2 =	vld [tilespmem:s1+$0x0];
	_ =	sdelay $0x3  }
0x1ba: {  	s13 =	spop (v2sf)  }
0x1bb: {  	s15 =	sadd.s32 $0x1800, s0;
	(v2sf) =	vpush v0, $0x3;
	s14 =	sand.u32 $0xFFFFFF80, s13;
	v1 =	vadd.f32 v1, v2  }
0x1bc: {  	s16 =	sand.u32 $0x7F, s13;
	s2 =	sadd.s32 s14, s15  }
0x1bd: {  	s2 =	sor.u32 s16, s2;
	[tilespmem:s0+$0x7B90] =	vst v1;
	v1 =	vld [tilespmem:s0+$0xE000]  }
0x1be: {  	v2 =	vld [tilespmem:s2+$0x0];
	_ =	sdelay $0x3  }
0x1bf: {  	s1 =	sadd.s32 $0x10, s13  }
0x1c0: {  	s17 =	sand.u32 $0xFFFFFF80, s1;
	v1 =	vadd.f32 v1, v2  }
0x1c1: {  	s1 =	sand.u32 $0x7F, s1;
	s2 =	sadd.s32 s17, s15  }
0x1c2: {  	s1 =	sor.u32 s1, s2;
	[tilespmem:s0+$0x7C00] =	vst v1;
	v1 =	vld [tilespmem:s0+$0xE010]  }
0x1c3: {  	v2 =	vld [tilespmem:s1+$0x0];
	_ =	sdelay $0x3  }
0x1c4: {  	s18 =	spop (v2sf)  }
0x1c5: {  	s19 =	sadd.s32 $0x1880, s0;
	(v2sf) =	vpush v0, $0x4;
	s20 =	sand.u32 $0xFFFFFF80, s18;
	v1 =	vadd.f32 v1, v2  }
0x1c6: {  	s21 =	sand.u32 $0x7F, s18;
	s3 =	sadd.s32 s20, s19  }
0x1c7: {  	s3 =	sor.u32 s21, s3;
	[tilespmem:s0+$0x7C10] =	vst v1;
	v1 =	vld [tilespmem:s0+$0xE080]  }
0x1c8: {  	v2 =	vld [tilespmem:s3+$0x0];
	_ =	sdelay $0x3  }
0x1c9: {  	s1 =	sadd.s32 $0x10, s18  }
0x1ca: {  	s22 =	sand.u32 $0xFFFFFF80, s1;
	v1 =	vadd.f32 v1, v2  }
0x1cb: {  	s1 =	sand.u32 $0x7F, s1;
	s2 =	sadd.s32 s22, s19  }
0x1cc: {  	s1 =	sor.u32 s1, s2;
	[tilespmem:s0+$0x7C80] =	vst v1;
	v1 =	vld [tilespmem:s0+$0xE090]  }
0x1cd: {  	v2 =	vld [tilespmem:s1+$0x0];
	_ =	sdelay $0x3  }
0x1ce: {  	s23 =	spop (v2sf)  }
0x1cf: {  	s24 =	sadd.s32 $0x1900, s0;
	(v2sf) =	vpush v0, $0x5;
	s25 =	sand.u32 $0xFFFFFF80, s23;
	v1 =	vadd.f32 v1, v2  }
0x1d0: {  	s26 =	sand.u32 $0x7F, s23;
	s3 =	sadd.s32 s25, s24  }
0x1d1: {  	s3 =	sor.u32 s26, s3;
	[tilespmem:s0+$0x7C90] =	vst v1;
	v1 =	vld [tilespmem:s0+$0xE100]  }
0x1d2: {  	v2 =	vld [tilespmem:s3+$0x0];
	_ =	sdelay $0x3  }
0x1d3: {  	s1 =	sadd.s32 $0x10, s23  }
0x1d4: {  	s28 =	sand.u32 $0xFFFFFF80, s1;
	v1 =	vadd.f32 v1, v2  }
0x1d5: {  	s1 =	sand.u32 $0x7F, s1;
	s2 =	sadd.s32 s28, s24  }
0x1d6: {  	s1 =	sor.u32 s1, s2;
	[tilespmem:s0+$0x7D00] =	vst v1;
	v1 =	vld [tilespmem:s0+$0xE110]  }
0x1d7: {  	v2 =	vld [tilespmem:s1+$0x0];
	_ =	sdelay $0x3  }
0x1d8: {  	s29 =	spop (v2sf)  }
0x1d9: {  	s31 =	sadd.s32 $0x1980, s0;
	(v2sf) =	vpush v0, $0x6;
	s30 =	sand.u32 $0xFFFFFF80, s29;
	v1 =	vadd.f32 v1, v2  }
0x1da: {  	s5 =	sand.u32 $0x7F, s29;
	s2 =	sadd.s32 s30, s31  }
0x1db: {  	s2 =	sor.u32 s5, s2;
	[tilespmem:s0+$0x7D10] =	vst v1;
	v1 =	vld [tilespmem:s0+$0xE180]  }
0x1dc: {  	v2 =	vld [tilespmem:s2+$0x0];
	_ =	sdelay $0x3  }
0x1dd: {  	s1 =	sadd.s32 $0x10, s29  }
0x1de: {  	s6 =	sand.u32 $0xFFFFFF80, s1;
	v1 =	vadd.f32 v1, v2  }
0x1df: {  	s1 =	sand.u32 $0x7F, s1;
	s2 =	sadd.s32 s6, s31  }
0x1e0: {  	s1 =	sor.u32 s1, s2;
	[tilespmem:s0+$0x7D80] =	vst v1;
	v1 =	vld [tilespmem:s0+$0xE190]  }
0x1e1: {  	v2 =	vld [tilespmem:s1+$0x0];
	_ =	sdelay $0x3  }
0x1e2: {  	s7 =	spop (v2sf)  }
0x1e3: {  	s8 =	sadd.s32 $0x1A00, s0;
	(v2sf) =	vpush v0, $0x7;
	s9 =	sand.u32 $0xFFFFFF80, s7;
	v1 =	vadd.f32 v1, v2  }
0x1e4: {  	s10 =	sand.u32 $0x7F, s7;
	s3 =	sadd.s32 s9, s8  }
0x1e5: {  	s3 =	sor.u32 s10, s3;
	[tilespmem:s0+$0x7D90] =	vst v1;
	v1 =	vld [tilespmem:s0+$0xE200]  }
0x1e6: {  	v2 =	vld [tilespmem:s3+$0x0];
	_ =	sdelay $0x3  }
0x1e7: {  	s1 =	sadd.s32 $0x10, s7  }
0x1e8: {  	s11 =	sand.u32 $0xFFFFFF80, s1;
	v1 =	vadd.f32 v1, v2  }
0x1e9: {  	s1 =	sand.u32 $0x7F, s1;
	s2 =	sadd.s32 s11, s8  }
0x1ea: {  	s1 =	sor.u32 s1, s2;
	[tilespmem:s0+$0x7E00] =	vst v1;
	v1 =	vld [tilespmem:s0+$0xE210]  }
0x1eb: {  	v2 =	vld [tilespmem:s1+$0x0];
	_ =	sdelay $0x3  }
0x1ec: {  	s12 =	spop (v2sf)  }
0x1ed: {  	s13 =	sadd.s32 $0x1A80, s0;
	(v2sf) =	vpush v0, $0x8;
	s14 =	sand.u32 $0xFFFFFF80, s12;
	v1 =	vadd.f32 v1, v2  }
0x1ee: {  	s15 =	sand.u32 $0x7F, s12;
	s3 =	sadd.s32 s14, s13  }
0x1ef: {  	s3 =	sor.u32 s15, s3;
	[tilespmem:s0+$0x7E10] =	vst v1;
	v1 =	vld [tilespmem:s0+$0xE280]  }
0x1f0: {  	v2 =	vld [tilespmem:s3+$0x0];
	_ =	sdelay $0x3  }
0x1f1: {  	s1 =	sadd.s32 $0x10, s12  }
0x1f2: {  	s16 =	sand.u32 $0xFFFFFF80, s1;
	v1 =	vadd.f32 v1, v2  }
0x1f3: {  	s1 =	sand.u32 $0x7F, s1;
	s2 =	sadd.s32 s16, s13  }
0x1f4: {  	s1 =	sor.u32 s1, s2;
	[tilespmem:s0+$0x7E80] =	vst v1;
	v1 =	vld [tilespmem:s0+$0xE290]  }
0x1f5: {  	v2 =	vld [tilespmem:s1+$0x0];
	_ =	sdelay $0x3  }
0x1f6: {  	s17 =	spop (v2sf)  }
0x1f7: {  	s18 =	sadd.s32 $0x1B00, s0;
	(v2sf) =	vpush v0, $0x9;
	s19 =	sand.u32 $0xFFFFFF80, s17;
	v1 =	vadd.f32 v1, v2  }
0x1f8: {  	s20 =	sand.u32 $0x7F, s17;
	s3 =	sadd.s32 s19, s18  }
0x1f9: {  	s3 =	sor.u32 s20, s3;
	[tilespmem:s0+$0x7E90] =	vst v1;
	v1 =	vld [tilespmem:s0+$0xE300]  }
0x1fa: {  	v2 =	vld [tilespmem:s3+$0x0];
	_ =	sdelay $0x3  }
0x1fb: {  	s1 =	sadd.s32 $0x10, s17  }
0x1fc: {  	s21 =	sand.u32 $0xFFFFFF80, s1;
	v1 =	vadd.f32 v1, v2  }
0x1fd: {  	s1 =	sand.u32 $0x7F, s1;
	s2 =	sadd.s32 s21, s18  }
0x1fe: {  	s1 =	sor.u32 s1, s2;
	[tilespmem:s0+$0x7F00] =	vst v1;
	v1 =	vld [tilespmem:s0+$0xE310]  }
0x1ff: {  	v2 =	vld [tilespmem:s1+$0x0];
	_ =	sdelay $0x3  }
0x200: {  	s22 =	spop (v2sf)  }
0x201: {  	s24 =	sadd.s32 $0x1B80, s0;
	(v2sf) =	vpush v0, $0xA;
	s23 =	sand.u32 $0xFFFFFF80, s22;
	v1 =	vadd.f32 v1, v2  }
0x202: {  	s25 =	sand.u32 $0x7F, s22;
	s2 =	sadd.s32 s23, s24  }
0x203: {  	s2 =	sor.u32 s25, s2;
	[tilespmem:s0+$0x7F10] =	vst v1;
	v1 =	vld [tilespmem:s0+$0xE380]  }
0x204: {  	v2 =	vld [tilespmem:s2+$0x0];
	_ =	sdelay $0x3  }
0x205: {  	s1 =	sadd.s32 $0x10, s22  }
0x206: {  	s26 =	sand.u32 $0xFFFFFF80, s1;
	v1 =	vadd.f32 v1, v2  }
0x207: {  	s1 =	sand.u32 $0x7F, s1;
	s2 =	sadd.s32 s26, s24  }
0x208: {  	s1 =	sor.u32 s1, s2;
	[tilespmem:s0+$0x7F80] =	vst v1;
	v1 =	vld [tilespmem:s0+$0xE390]  }
0x209: {  	v2 =	vld [tilespmem:s1+$0x0];
	_ =	sdelay $0x3  }
0x20a: {  	s28 =	spop (v2sf)  }
0x20b: {  	s30 =	sadd.s32 $0x1C00, s0;
	(v2sf) =	vpush v0, $0xB;
	s29 =	sand.u32 $0xFFFFFF80, s28;
	v1 =	vadd.f32 v1, v2  }
0x20c: {  	s31 =	sand.u32 $0x7F, s28;
	s2 =	sadd.s32 s29, s30  }
0x20d: {  	s2 =	sor.u32 s31, s2;
	[tilespmem:s0+$0x7F90] =	vst v1;
	v1 =	vld [tilespmem:s0+$0xE400]  }
0x20e: {  	v2 =	vld [tilespmem:s2+$0x0];
	_ =	sdelay $0x3  }
0x20f: {  	s1 =	sadd.s32 $0x10, s28  }
0x210: {  	s5 =	sand.u32 $0xFFFFFF80, s1;
	v1 =	vadd.f32 v1, v2  }
0x211: {  	s1 =	sand.u32 $0x7F, s1;
	s2 =	sadd.s32 s5, s30  }
0x212: {  	s1 =	sor.u32 s1, s2;
	[tilespmem:s0+$0x8000] =	vst v1;
	v1 =	vld [tilespmem:s0+$0xE410]  }
0x213: {  	v2 =	vld [tilespmem:s1+$0x0];
	_ =	sdelay $0x3  }
0x214: {  	s6 =	spop (v2sf)  }
0x215: {  	s7 =	sadd.s32 $0x1C80, s0;
	(v2sf) =	vpush v0, $0xC;
	s8 =	sand.u32 $0xFFFFFF80, s6;
	v1 =	vadd.f32 v1, v2  }
0x216: {  	s9 =	sand.u32 $0x7F, s6;
	s3 =	sadd.s32 s8, s7  }
0x217: {  	s3 =	sor.u32 s9, s3;
	[tilespmem:s0+$0x8010] =	vst v1;
	v1 =	vld [tilespmem:s0+$0xE480]  }
0x218: {  	v2 =	vld [tilespmem:s3+$0x0];
	_ =	sdelay $0x3  }
0x219: {  	s1 =	sadd.s32 $0x10, s6  }
0x21a: {  	s10 =	sand.u32 $0xFFFFFF80, s1;
	v1 =	vadd.f32 v1, v2  }
0x21b: {  	s1 =	sand.u32 $0x7F, s1;
	s2 =	sadd.s32 s10, s7  }
0x21c: {  	s1 =	sor.u32 s1, s2;
	[tilespmem:s0+$0x8080] =	vst v1;
	v1 =	vld [tilespmem:s0+$0xE490]  }
0x21d: {  	v2 =	vld [tilespmem:s1+$0x0];
	_ =	sdelay $0x3  }
0x21e: {  	s11 =	spop (v2sf)  }
0x21f: {  	s12 =	sadd.s32 $0x1D00, s0;
	(v2sf) =	vpush v0, $0xD;
	s13 =	sand.u32 $0xFFFFFF80, s11;
	v1 =	vadd.f32 v1, v2  }
0x220: {  	s14 =	sand.u32 $0x7F, s11;
	s3 =	sadd.s32 s13, s12  }
0x221: {  	s3 =	sor.u32 s14, s3;
	[tilespmem:s0+$0x8090] =	vst v1;
	v1 =	vld [tilespmem:s0+$0xE500]  }
0x222: {  	v2 =	vld [tilespmem:s3+$0x0];
	_ =	sdelay $0x3  }
0x223: {  	s1 =	sadd.s32 $0x10, s11  }
0x224: {  	s15 =	sand.u32 $0xFFFFFF80, s1;
	v1 =	vadd.f32 v1, v2  }
0x225: {  	s1 =	sand.u32 $0x7F, s1;
	s2 =	sadd.s32 s15, s12  }
0x226: {  	s1 =	sor.u32 s1, s2;
	[tilespmem:s0+$0x8100] =	vst v1;
	v1 =	vld [tilespmem:s0+$0xE510]  }
0x227: {  	v2 =	vld [tilespmem:s1+$0x0];
	_ =	sdelay $0x3  }
0x228: {  	s16 =	spop (v2sf)  }
0x229: {  	s18 =	sadd.s32 $0x1D80, s0;
	(v2sf) =	vpush v0, $0xE;
	s17 =	sand.u32 $0xFFFFFF80, s16;
	v1 =	vadd.f32 v1, v2  }
0x22a: {  	s19 =	sand.u32 $0x7F, s16;
	s2 =	sadd.s32 s17, s18  }
0x22b: {  	s2 =	sor.u32 s19, s2;
	[tilespmem:s0+$0x8110] =	vst v1;
	v1 =	vld [tilespmem:s0+$0xE580]  }
0x22c: {  	v2 =	vld [tilespmem:s2+$0x0];
	_ =	sdelay $0x3  }
0x22d: {  	s1 =	sadd.s32 $0x10, s16  }
0x22e: {  	s20 =	sand.u32 $0xFFFFFF80, s1;
	v1 =	vadd.f32 v1, v2  }
0x22f: {  	s1 =	sand.u32 $0x7F, s1;
	s2 =	sadd.s32 s20, s18  }
0x230: {  	s1 =	sor.u32 s1, s2;
	[tilespmem:s0+$0x8180] =	vst v1;
	v1 =	vld [tilespmem:s0+$0xE590]  }
0x231: {  	v2 =	vld [tilespmem:s1+$0x0];
	_ =	sdelay $0x3  }
0x232: {  	s21 =	spop (v2sf)  }
0x233: {  	s22 =	sadd.s32 $0x1E00, s0;
	(v2sf) =	vpush v0, $0xF;
	s23 =	sand.u32 $0xFFFFFF80, s21;
	v1 =	vadd.f32 v1, v2  }
0x234: {  	s24 =	sand.u32 $0x7F, s21;
	s3 =	sadd.s32 s23, s22  }
0x235: {  	v0 =	vld [tilespmem:s0+$0xE600];
	s3 =	sor.u32 s24, s3;
	[tilespmem:s0+$0x8190] =	vst v1  }
0x236: {  	v1 =	vld [tilespmem:s3+$0x0];
	_ =	sdelay $0x3  }
0x237: {  	s1 =	sadd.s32 $0x10, s21  }
0x238: {  	s25 =	sand.u32 $0xFFFFFF80, s1;
	v0 =	vadd.f32 v0, v1  }
0x239: {  	s1 =	sand.u32 $0x7F, s1;
	s2 =	sadd.s32 s25, s22  }
0x23a: {  	s1 =	sor.u32 s1, s2;
	[tilespmem:s0+$0x8200] =	vst v0;
	v0 =	vld [tilespmem:s0+$0xE610]  }
0x23b: {  	v1 =	vld [tilespmem:s1+$0x0];
	_ =	sdelay $0x3  }
0x23c: {  	s26 =	spop (v2sf)  }
0x23d: {  	s28 =	sadd.s32 $0x1E80, s0;
	s29 =	sand.u32 $0xFFFFFF80, s26;
	v0 =	vadd.f32 v0, v1  }
0x23e: {  	s30 =	sand.u32 $0x7F, s26;
	s3 =	sadd.s32 s29, s28  }
0x23f: {  	s3 =	sor.u32 s30, s3;
	[tilespmem:s0+$0x8210] =	vst v0;
	v0 =	vld [tilespmem:s0+$0xE680]  }
0x240: {  	v1 =	vld [tilespmem:s3+$0x0];
	_ =	sdelay $0x3  }
0x241: {  	s1 =	sadd.s32 $0x10, s26  }
0x242: {  	s31 =	sand.u32 $0xFFFFFF80, s1;
	v0 =	vadd.f32 v0, v1  }
0x243: {  	s1 =	sand.u32 $0x7F, s1;
	s2 =	sadd.s32 s31, s28  }
0x244: {  	s1 =	sor.u32 s1, s2;
	[tilespmem:s0+$0x8280] =	vst v0;
	v0 =	vld [tilespmem:s0+$0xE690]  }
0x245: {  	v1 =	vld [tilespmem:s1+$0x0];
	_ =	sdelay $0x4  }
0x246: {  	s2 =	simm.s32 $0x10;
	v0 =	vadd.f32 v0, v1  }
.LBB2_5:
0x247: {  	s1 =	smov.u32 s2  }
0x248: {  	s1 =	smin.u32 s1, $0x18;
	[tilespmem:s0+$0x8290] =	vst v0  }
0x249: {  	v0 =	vld [tilespmem:s1+$0x228];
	_ =	sdelay $0x4  }
0x24a: {  	(v2sf) =	vpush v0, $0x0  }
0x24b: {  	(v2sf) =	vpush v0, $0x1;
	_ =	sdelay $0x1  }
0x24c: {  	(v2sf) =	vpush v0, $0x2;
	_ =	sdelay $0x1  }
0x24d: {  	(v2sf) =	vpush v0, $0x3;
	_ =	sdelay $0x2  }
0x24e: {  	(v2sf) =	vpush v0, $0x4;
	_ =	sdelay $0x1  }
0x24f: {  	(v2sf) =	vpush v0, $0x5;
	_ =	sdelay $0x1  }
0x250: {  	p0 =	sne.s32 s2, $0x20;
	s0 =	sshll.u32 s1, $0x7;
	(v2sf) =	vpush v0, $0x6  }
0x251: {  	s23 =	sadd.s32 $0x10, s2;
	s5 =	sadd.s32 $0x1700, s0;
	s9 =	sadd.s32 $0x1C80, s0  }
0x252: {  	s6 =	sadd.s32 $0x1880, s0;
	s19 =	sadd.s32 $0x1B00, s0;
	s17 =	sadd.s32 $0x1800, s0  }
0x253: {  	s8 =	sadd.s32 $0x1900, s0;
	s21 =	sadd.s32 $0x1A00, s0;
	s24 =	spop (v2sf)  }
0x254: {  	s16 =	sadd.s32 $0x1980, s0;
	s3 =	sand.u32 $0xFFFFFF80, s24;
	s1 =	spop (v2sf)  }
0x255: {  	s4 =	sand.u32 $0x7F, s24;
	s2 =	sadd.s32 $0x10, s24;
	s3 =	sadd.s32 s3, s5  }
0x256: {  	(v2sf) =	vpush v0, $0x7;
	s7 =	sand.u32 $0xFFFFFF80, s1;
	s14 =	spop (v2sf);
	s12 =	sadd.s32 $0x10, s1  }
0x257: {  	(v2sf) =	vpush v0, $0x8;
	s28 =	sand.u32 $0x7F, s2;
	s15 =	sand.u32 $0xFFFFFF80, s2;
	s25 =	sand.u32 $0xFFFFFF80, s14  }
0x258: {  	v1 =	vld [tilespmem:s0+$0xDF00];
	s3 =	sor.u32 s4, s3;
	s4 =	sadd.s32 s25, s17;
	s25 =	spop (v2sf)  }
0x259: {  	s1 =	sand.u32 $0x7F, s1;
	s20 =	sadd.s32 $0x10, s14;
	v2 =	vld [tilespmem:s3+$0x0];
	s26 =	sand.u32 $0xFFFFFF80, s25  }
0x25a: {  	s5 =	sadd.s32 s15, s5;
	s31 =	sadd.s32 $0x10, s25;
	s3 =	sadd.s32 s26, s6  }
0x25b: {  	s26 =	spop (v2sf);
	(v2sf) =	vpush v0, $0x9;
	s11 =	sand.u32 $0xFFFFFF80, s31;
	[smem:$0x7CC] =	sst s3  }
0x25c: {  	s13 =	sand.u32 $0xFFFFFF80, s26;
	s30 =	sadd.s32 s11, s6;
	s3 =	sor.u32 s28, s5  }
0x25d: {  	s18 =	spop (v2sf);
	s5 =	sadd.s32 $0x1780, s0;
	[smem:$0x7CD] =	sst s30  }
0x25e: {  	(v2sf) =	vpush v0, $0xA;
	s6 =	sadd.s32 s13, s8;
	s10 =	sand.u32 $0xFFFFFF80, s18;
	s15 =	sadd.s32 $0x10, s18;
	v1 =	vadd.f32 v1, v2  }
0x25f: {  	s13 =	spop (v2sf);
	s7 =	sadd.s32 s7, s5;
	[smem:$0x7CE] =	sst s6  }
0x260: {  	s22 =	sand.u32 $0xFFFFFF80, s15;
	s24 =	sand.u32 $0xFFFFFF80, s13;
	s28 =	sadd.s32 s10, s16;
	[tilespmem:s0+$0x7B00] =	vst v1;
	v1 =	vld [tilespmem:s0+$0xDF10]  }
0x261: {  	(v2sf) =	vpush v0, $0xB;
	s6 =	sadd.s32 $0x10, s13;
	s10 =	sor.u32 s1, s7;
	[smem:$0x7CF] =	sst s28;
	v2 =	vld [tilespmem:s3+$0x0]  }
0x262: {  	s30 =	sadd.s32 s22, s16;
	s22 =	sadd.s32 $0x1A80, s0;
	s28 =	sand.u32 $0xFFFFFF80, s12  }
0x263: {  	[smem:$0x7D0] =	sst s30;
	s30 =	sand.u32 $0xFFFFFF80, s6;
	s3 =	sadd.s32 s24, s21  }
0x264: {  	s16 =	sadd.s32 s28, s5;
	s28 =	sadd.s32 s30, s21;
	[smem:$0x7D1] =	sst s3  }
0x265: {  	s12 =	sand.u32 $0x7F, s12;
	[smem:$0x7D2] =	sst s28;
	s3 =	spop (v2sf);
	(v2sf) =	vpush v0, $0xC  }
0x266: {  	v1 =	vadd.f32 v1, v2;
	s30 =	sand.u32 $0xFFFFFF80, s3;
	s7 =	sadd.s32 $0x10, s3;
	s5 =	spop (v2sf)  }
0x267: {  	s1 =	sadd.s32 s30, s22;
	s2 =	sand.u32 $0xFFFFFF80, s7;
	s30 =	sadd.s32 $0x10, s5  }
0x268: {  	[tilespmem:s0+$0x7B10] =	vst v1;
	v1 =	vld [tilespmem:s0+$0xDF80];
	[smem:$0x7D3] =	sst s1;
	s21 =	sadd.s32 s2, s22;
	s24 =	sand.u32 $0xFFFFFF80, s30  }
0x269: {  	s16 =	sor.u32 s12, s16;
	(v2sf) =	vpush v0, $0xD;
	v2 =	vld [tilespmem:s10+$0x0];
	[smem:$0x7D4] =	sst s21;
	s28 =	sadd.s32 s24, s19  }
0x26a: {  	s10 =	sand.u32 $0xFFFFFF80, s5;
	[smem:$0x7D6] =	sst s28;
	s28 =	spop (v2sf)  }
0x26b: {  	s21 =	sadd.s32 $0x1B80, s0;
	s22 =	sadd.s32 s10, s19;
	s2 =	sand.u32 $0xFFFFFF80, s28  }
0x26c: {  	[smem:$0x7D5] =	sst s22;
	s24 =	sadd.s32 $0x10, s28;
	s22 =	sadd.s32 s2, s21  }
0x26d: {  	(v2sf) =	vpush v0, $0xE;
	s2 =	sand.u32 $0xFFFFFF80, s24;
	[smem:$0x7D7] =	sst s22;
	s22 =	spop (v2sf)  }
0x26e: {  	s1 =	sadd.s32 $0x1C00, s0;
	(v2sf) =	vpush v0, $0xF;
	s21 =	sadd.s32 s2, s21;
	v0 =	vadd.f32 v1, v2;
	s2 =	sand.u32 $0xFFFFFF80, s22  }
0x26f: {  	[smem:$0x7D8] =	sst s21;
	s12 =	sadd.s32 $0x10, s22;
	s21 =	sadd.s32 s2, s1  }
0x270: {  	s2 =	sand.u32 $0xFFFFFF80, s12;
	[tilespmem:s0+$0x7B80] =	vst v0;
	v0 =	vld [tilespmem:s0+$0xDF90];
	[smem:$0x7D9] =	sst s21;
	s21 =	spop (v2sf)  }
0x271: {  	s1 =	sadd.s32 s2, s1;
	v1 =	vld [tilespmem:s16+$0x0];
	s16 =	sand.u32 $0xFFFFFF80, s21;
	s19 =	sadd.s32 $0x10, s21  }
0x272: {  	[smem:$0x7DA] =	sst s1;
	s1 =	sadd.s32 s16, s9;
	s2 =	sand.u32 $0xFFFFFF80, s19  }
0x273: {  	s10 =	sand.u32 $0xFFFFFF80, s20;
	[smem:$0x7DB] =	sst s1;
	s1 =	sadd.s32 s2, s9  }
0x274: {  	s10 =	sadd.s32 s10, s17;
	[smem:$0x7DC] =	sst s1;
	s16 =	spop (v2sf)  }
0x275: {  	s1 =	sadd.s32 $0x1D00, s0;
	s2 =	sand.u32 $0xFFFFFF80, s16;
	s9 =	sadd.s32 $0x10, s16  }
0x276: {  	s17 =	sand.u32 $0x7F, s16;
	s16 =	sadd.s32 s2, s1;
	s2 =	sand.u32 $0xFFFFFF80, s9;
	v0 =	vadd.f32 v0, v1  }
0x277: {  	s14 =	sand.u32 $0x7F, s14;
	[smem:$0x7DE] =	sst s9;
	s1 =	sadd.s32 s2, s1  }
0x278: {  	s9 =	spop (v2sf);
	[smem:$0x7DF] =	sst s1;
	s1 =	sor.u32 s14, s4;
	[tilespmem:s0+$0x7B90] =	vst v0;
	v0 =	vld [tilespmem:s0+$0xE000]  }
0x279: {  	s16 =	sor.u32 s17, s16;
	s2 =	sand.u32 $0xFFFFFF80, s9;
	v1 =	vld [tilespmem:s1+$0x0]  }
0x27a: {  	[smem:$0x7DD] =	sst s16;
	s4 =	sadd.s32 $0x10, s9;
	s16 =	sadd.s32 $0x1D80, s0  }
0x27b: {  	s29 =	sadd.s32 $0x1E00, s0;
	s17 =	sand.u32 $0xFFFFFF80, s4;
	s2 =	sadd.s32 s2, s16  }
0x27c: {  	s14 =	spop (v2sf);
	[smem:$0x7E0] =	sst s2;
	s17 =	sadd.s32 s17, s16  }
0x27d: {  	s2 =	sand.u32 $0xFFFFFF80, s14;
	[dreg:$0x1e] =	wrdreg s17;
	s17 =	sadd.s32 $0x10, s14  }
0x27e: {  	s1 =	sadd.s32 s2, s29;
	s16 =	sand.u32 $0xFFFFFF80, s17;
	v0 =	vadd.f32 v0, v1  }
0x27f: {  	s20 =	sand.u32 $0x7F, s20;
	[dreg:$0x14] =	wrdreg s1;
	s1 =	sadd.s32 s16, s29  }
0x280: {  	[dreg:$0xf] =	wrdreg s1;
	s1 =	sor.u32 s20, s10;
	[tilespmem:s0+$0x7C00] =	vst v0;
	v0 =	vld [tilespmem:s0+$0xE010]  }
0x281: {  	v1 =	vld [tilespmem:s1+$0x0];
	_ =	sdelay $0x3  }
0x282: {  	s20 =	sand.u32 $0x7F, s25;
	s25 =	sld [smem:$0x7CC]  }
0x283: {  	v0 =	vadd.f32 v0, v1;
	_ =	sdelay $0x1  }
0x284: {  	s1 =	sor.u32 s20, s25;
	[tilespmem:s0+$0x7C10] =	vst v0;
	v0 =	vld [tilespmem:s0+$0xE080]  }
0x285: {  	v1 =	vld [tilespmem:s1+$0x0];
	_ =	sdelay $0x3  }
0x286: {  	s20 =	sld [smem:$0x7CD]  }
0x287: {  	v0 =	vadd.f32 v0, v1  }
0x288: {  	s10 =	sand.u32 $0x7F, s31  }
0x289: {  	s1 =	sor.u32 s10, s20;
	[tilespmem:s0+$0x7C80] =	vst v0;
	v0 =	vld [tilespmem:s0+$0xE090]  }
0x28a: {  	v1 =	vld [tilespmem:s1+$0x0];
	_ =	sdelay $0x3  }
0x28b: {  	s11 =	sadd.s32 $0x10, s26;
	s25 =	sand.u32 $0x7F, s26;
	s26 =	sld [smem:$0x7CE]  }
0x28c: {  	v0 =	vadd.f32 v0, v1;
	_ =	sdelay $0x1  }
0x28d: {  	s1 =	sor.u32 s25, s26;
	[tilespmem:s0+$0x7C90] =	vst v0;
	v0 =	vld [tilespmem:s0+$0xE100]  }
0x28e: {  	v1 =	vld [tilespmem:s1+$0x0];
	_ =	sdelay $0x4  }
0x28f: {  	[dreg:$0x5] =	wrdreg s23;
	s23 =	sand.u32 $0xFFFFFF80, s11;
	v0 =	vadd.f32 v0, v1  }
0x290: {  	[dreg:$0x1b] =	wrdreg s4;
	s4 =	sadd.s32 s23, s8;
	s31 =	sand.u32 $0x7F, s11  }
0x291: {  	s1 =	sor.u32 s31, s4;
	[tilespmem:s0+$0x7D00] =	vst v0;
	v0 =	vld [tilespmem:s0+$0xE110]  }
0x292: {  	v1 =	vld [tilespmem:s1+$0x0];
	_ =	sdelay $0x3  }
0x293: {  	s11 =	sld [smem:$0x7CF]  }
0x294: {  	v0 =	vadd.f32 v0, v1  }
0x295: {  	s10 =	sand.u32 $0x7F, s18  }
0x296: {  	s1 =	sor.u32 s10, s11;
	[tilespmem:s0+$0x7D10] =	vst v0;
	v0 =	vld [tilespmem:s0+$0xE180]  }
0x297: {  	v1 =	vld [tilespmem:s1+$0x0];
	_ =	sdelay $0x3  }
0x298: {  	s18 =	sld [smem:$0x7D0]  }
0x299: {  	v0 =	vadd.f32 v0, v1  }
0x29a: {  	s15 =	sand.u32 $0x7F, s15  }
0x29b: {  	s1 =	sor.u32 s15, s18;
	[tilespmem:s0+$0x7D80] =	vst v0;
	v0 =	vld [tilespmem:s0+$0xE190]  }
0x29c: {  	v1 =	vld [tilespmem:s1+$0x0];
	_ =	sdelay $0x3  }
0x29d: {  	s25 =	sld [smem:$0x7D1]  }
0x29e: {  	v0 =	vadd.f32 v0, v1  }
0x29f: {  	s20 =	sand.u32 $0x7F, s13  }
0x2a0: {  	s1 =	sor.u32 s20, s25;
	[tilespmem:s0+$0x7D90] =	vst v0;
	v0 =	vld [tilespmem:s0+$0xE200]  }
0x2a1: {  	v1 =	vld [tilespmem:s1+$0x0];
	_ =	sdelay $0x3  }
0x2a2: {  	s31 =	sld [smem:$0x7D2]  }
0x2a3: {  	v0 =	vadd.f32 v0, v1  }
0x2a4: {  	s26 =	sand.u32 $0x7F, s6  }
0x2a5: {  	s1 =	sor.u32 s26, s31;
	[tilespmem:s0+$0x7E00] =	vst v0;
	v0 =	vld [tilespmem:s0+$0xE210]  }
0x2a6: {  	v1 =	vld [tilespmem:s1+$0x0];
	_ =	sdelay $0x3  }
0x2a7: {  	s10 =	sld [smem:$0x7D3]  }
0x2a8: {  	v0 =	vadd.f32 v0, v1  }
0x2a9: {  	s6 =	sand.u32 $0x7F, s3  }
0x2aa: {  	s1 =	sor.u32 s6, s10;
	[tilespmem:s0+$0x7E10] =	vst v0;
	v0 =	vld [tilespmem:s0+$0xE280]  }
0x2ab: {  	v1 =	vld [tilespmem:s1+$0x0];
	_ =	sdelay $0x3  }
0x2ac: {  	s13 =	sld [smem:$0x7D4]  }
0x2ad: {  	v0 =	vadd.f32 v0, v1  }
0x2ae: {  	s11 =	sand.u32 $0x7F, s7  }
0x2af: {  	s1 =	sor.u32 s11, s13;
	[tilespmem:s0+$0x7E80] =	vst v0;
	v0 =	vld [tilespmem:s0+$0xE290]  }
0x2b0: {  	v1 =	vld [tilespmem:s1+$0x0];
	_ =	sdelay $0x3  }
0x2b1: {  	s18 =	sld [smem:$0x7D5]  }
0x2b2: {  	v0 =	vadd.f32 v0, v1  }
0x2b3: {  	s15 =	sand.u32 $0x7F, s5  }
0x2b4: {  	s1 =	sor.u32 s15, s18;
	[tilespmem:s0+$0x7E90] =	vst v0;
	v0 =	vld [tilespmem:s0+$0xE300]  }
0x2b5: {  	v1 =	vld [tilespmem:s1+$0x0];
	_ =	sdelay $0x3  }
0x2b6: {  	s25 =	sld [smem:$0x7D6]  }
0x2b7: {  	v0 =	vadd.f32 v0, v1  }
0x2b8: {  	s20 =	sand.u32 $0x7F, s30  }
0x2b9: {  	s1 =	sor.u32 s20, s25;
	[tilespmem:s0+$0x7F00] =	vst v0;
	v0 =	vld [tilespmem:s0+$0xE310]  }
0x2ba: {  	v1 =	vld [tilespmem:s1+$0x0];
	_ =	sdelay $0x3  }
0x2bb: {  	s26 =	sand.u32 $0x7F, s28;
	s28 =	sld [smem:$0x7D7]  }
0x2bc: {  	v0 =	vadd.f32 v0, v1;
	_ =	sdelay $0x1  }
0x2bd: {  	s1 =	sor.u32 s26, s28;
	[tilespmem:s0+$0x7F10] =	vst v0;
	v0 =	vld [tilespmem:s0+$0xE380]  }
0x2be: {  	v1 =	vld [tilespmem:s1+$0x0];
	_ =	sdelay $0x3  }
0x2bf: {  	s31 =	sld [smem:$0x7D8]  }
0x2c0: {  	v0 =	vadd.f32 v0, v1  }
0x2c1: {  	s30 =	sand.u32 $0x7F, s24  }
0x2c2: {  	s1 =	sor.u32 s30, s31;
	[tilespmem:s0+$0x7F80] =	vst v0;
	v0 =	vld [tilespmem:s0+$0xE390]  }
0x2c3: {  	v1 =	vld [tilespmem:s1+$0x0];
	_ =	sdelay $0x3  }
0x2c4: {  	s4 =	sld [smem:$0x7D9]  }
0x2c5: {  	v0 =	vadd.f32 v0, v1  }
0x2c6: {  	s3 =	sand.u32 $0x7F, s22  }
0x2c7: {  	s1 =	sor.u32 s3, s4;
	[tilespmem:s0+$0x7F90] =	vst v0;
	v0 =	vld [tilespmem:s0+$0xE400]  }
0x2c8: {  	v1 =	vld [tilespmem:s1+$0x0];
	_ =	sdelay $0x3  }
0x2c9: {  	s6 =	sld [smem:$0x7DA]  }
0x2ca: {  	v0 =	vadd.f32 v0, v1  }
0x2cb: {  	s5 =	sand.u32 $0x7F, s12  }
0x2cc: {  	s1 =	sor.u32 s5, s6;
	[tilespmem:s0+$0x8000] =	vst v0;
	v0 =	vld [tilespmem:s0+$0xE410]  }
0x2cd: {  	v1 =	vld [tilespmem:s1+$0x0];
	_ =	sdelay $0x3  }
0x2ce: {  	s10 =	sld [smem:$0x7DB]  }
0x2cf: {  	v0 =	vadd.f32 v0, v1  }
0x2d0: {  	s7 =	sand.u32 $0x7F, s21  }
0x2d1: {  	s1 =	sor.u32 s7, s10;
	[tilespmem:s0+$0x8010] =	vst v0;
	v0 =	vld [tilespmem:s0+$0xE480]  }
0x2d2: {  	v1 =	vld [tilespmem:s1+$0x0];
	_ =	sdelay $0x3  }
0x2d3: {  	s12 =	sld [smem:$0x7DC]  }
0x2d4: {  	v0 =	vadd.f32 v0, v1  }
0x2d5: {  	s11 =	sand.u32 $0x7F, s19  }
0x2d6: {  	s1 =	sor.u32 s11, s12;
	[tilespmem:s0+$0x8080] =	vst v0;
	v0 =	vld [tilespmem:s0+$0xE490]  }
0x2d7: {  	v1 =	vld [tilespmem:s1+$0x0];
	_ =	sdelay $0x4  }
0x2d8: {  	s13 =	sld [smem:$0x7DD];
	v0 =	vadd.f32 v0, v1;
	_ =	sdelay $0x1  }
0x2d9: {  	[tilespmem:s0+$0x8090] =	vst v0;
	v0 =	vld [tilespmem:s0+$0xE500]  }
0x2da: {  	v1 =	vld [tilespmem:s13+$0x0];
	_ =	sdelay $0x2  }
0x2db: {  	s15 =	sld [smem:$0x7DE]  }
0x2dc: {  	s18 =	sld [smem:$0x7DF]  }
0x2dd: {  	v0 =	vadd.f32 v0, v1  }
0x2de: {  	s1 =	sand.u32 $0x7F, s15  }
0x2df: {  	s1 =	sor.u32 s1, s18;
	[tilespmem:s0+$0x8100] =	vst v0;
	v0 =	vld [tilespmem:s0+$0xE510]  }
0x2e0: {  	v1 =	vld [tilespmem:s1+$0x0];
	_ =	sdelay $0x3  }
0x2e1: {  	s20 =	sld [smem:$0x7E0]  }
0x2e2: {  	v0 =	vadd.f32 v0, v1  }
0x2e3: {  	s19 =	sand.u32 $0x7F, s9  }
0x2e4: {  	s1 =	sor.u32 s19, s20;
	[tilespmem:s0+$0x8110] =	vst v0;
	v0 =	vld [tilespmem:s0+$0xE580]  }
0x2e5: {  	v1 =	vld [tilespmem:s1+$0x0];
	_ =	sdelay $0x4  }
0x2e6: {  	s21 =	rddreg [dreg:$0x1b];
	v0 =	vadd.f32 v0, v1  }
0x2e7: {  	s22 =	rddreg [dreg:$0x1e];
	s1 =	sand.u32 $0x7F, s21  }
0x2e8: {  	s1 =	sor.u32 s1, s22;
	[tilespmem:s0+$0x8180] =	vst v0;
	v0 =	vld [tilespmem:s0+$0xE590]  }
0x2e9: {  	v1 =	vld [tilespmem:s1+$0x0];
	_ =	sdelay $0x4  }
0x2ea: {  	v0 =	vadd.f32 v0, v1  }
0x2eb: {  	s24 =	sand.u32 $0x7F, s14;
	s25 =	rddreg [dreg:$0x14]  }
0x2ec: {  	s1 =	sor.u32 s24, s25;
	[tilespmem:s0+$0x8190] =	vst v0;
	v0 =	vld [tilespmem:s0+$0xE600]  }
0x2ed: {  	v1 =	vld [tilespmem:s1+$0x0];
	_ =	sdelay $0x4  }
0x2ee: {  	v0 =	vadd.f32 v0, v1  }
0x2ef: {  	s26 =	sand.u32 $0x7F, s17;
	s28 =	rddreg [dreg:$0xf]  }
0x2f0: {  	s1 =	sor.u32 s26, s28;
	[tilespmem:s0+$0x8200] =	vst v0;
	v0 =	vld [tilespmem:s0+$0xE610]  }
0x2f1: {  	v1 =	vld [tilespmem:s1+$0x0];
	_ =	sdelay $0x3  }
0x2f2: {  	s8 =	spop (v2sf)  }
0x2f3: {  	s23 =	sand.u32 $0xFFFFFF80, s8;
	s2 =	sadd.s32 $0x1E80, s0;
	v0 =	vadd.f32 v0, v1  }
0x2f4: {  	s23 =	sadd.s32 s23, s2;
	s30 =	sand.u32 $0x7F, s8  }
0x2f5: {  	s1 =	sor.u32 s30, s23;
	[tilespmem:s0+$0x8210] =	vst v0;
	v0 =	vld [tilespmem:s0+$0xE680]  }
0x2f6: {  	v1 =	vld [tilespmem:s1+$0x0];
	_ =	sdelay $0x3  }
0x2f7: {  	s16 =	sadd.s32 $0x10, s8  }
0x2f8: {  	s29 =	sand.u32 $0xFFFFFF80, s16;
	v0 =	vadd.f32 v0, v1  }
0x2f9: {  	s29 =	sadd.s32 s29, s2;
	s31 =	sand.u32 $0x7F, s16  }
0x2fa: {  	s1 =	sor.u32 s31, s29;
	[tilespmem:s0+$0x8280] =	vst v0;
	v0 =	vld [tilespmem:s0+$0xE690]  }
0x2fb: {  	v1 =	vld [tilespmem:s1+$0x0]  }
.Ltmp1:
0x2fc: {  	_ = 	snop;
	(pc) =	sbr.rel @p0 .LBB2_5-.Ltmp1, $2  }
0x2fd: {  	_ =	sdelay $0x2  }
0x2fe: {  	s2 =	rddreg [dreg:$0x5];
	v0 =	vadd.f32 v0, v1  }
0x2ff: {  	_ = 	snop  }
0x300: {  	s1 =	simm.s32 $0x3;
	[tilespmem:s0+$0x8290] =	vst v0  }
0x301: {  	_ =	swait.ge [sflag:s1], $0x1400  }
0x302: {  	s5 =	simm.s32 $0x0;
	[sflag:s1] =	ssyncset.done $0x0  }
0x303: {  	s0 =	smin.u32 s5, $0x18;
	[sflag:s1] =	ssyncadd.s32 $0xFFFFEC00  }
0x304: {  	v0 =	vld [tilespmem:s0+$0x250];
	_ =	sdelay $0x4  }
0x305: {  	(v2sf) =	vpush v0, $0x0;
	_ =	sdelay $0xe  }
0x306: {  	s0 =	sshll.u32 s0, $0x7;
	s6 =	spop (v2sf)  }
0x307: {  	s3 =	sadd.s32 $0x2B00, s0;
	(v2sf) =	vpush v0, $0x1;
	s2 =	sand.u32 $0xFFFFFF80, s6  }
0x308: {  	s4 =	sand.u32 $0x7F, s6;
	s2 =	sadd.s32 s2, s3  }
0x309: {  	v1 =	vld [tilespmem:s0+$0xF300];
	s2 =	sor.u32 s4, s2  }
0x30a: {  	v2 =	vld [tilespmem:s2+$0x0];
	_ =	sdelay $0x3  }
0x30b: {  	s1 =	sadd.s32 $0x10, s6  }
0x30c: {  	s7 =	sand.u32 $0xFFFFFF80, s1;
	v1 =	vadd.f32 v1, v2  }
0x30d: {  	s1 =	sand.u32 $0x7F, s1;
	s2 =	sadd.s32 s7, s3  }
0x30e: {  	s1 =	sor.u32 s1, s2;
	[tilespmem:s0+$0x8F00] =	vst v1;
	v1 =	vld [tilespmem:s0+$0xF310]  }
0x30f: {  	v2 =	vld [tilespmem:s1+$0x0];
	_ =	sdelay $0x3  }
0x310: {  	s8 =	spop (v2sf)  }
0x311: {  	s10 =	sadd.s32 $0x2B80, s0;
	(v2sf) =	vpush v0, $0x2;
	s9 =	sand.u32 $0xFFFFFF80, s8;
	v1 =	vadd.f32 v1, v2  }
0x312: {  	s11 =	sand.u32 $0x7F, s8;
	s2 =	sadd.s32 s9, s10  }
0x313: {  	s2 =	sor.u32 s11, s2;
	[tilespmem:s0+$0x8F10] =	vst v1;
	v1 =	vld [tilespmem:s0+$0xF380]  }
0x314: {  	v2 =	vld [tilespmem:s2+$0x0];
	_ =	sdelay $0x3  }
0x315: {  	s1 =	sadd.s32 $0x10, s8  }
0x316: {  	s12 =	sand.u32 $0xFFFFFF80, s1;
	v1 =	vadd.f32 v1, v2  }
0x317: {  	s1 =	sand.u32 $0x7F, s1;
	s2 =	sadd.s32 s12, s10  }
0x318: {  	s1 =	sor.u32 s1, s2;
	[tilespmem:s0+$0x8F80] =	vst v1;
	v1 =	vld [tilespmem:s0+$0xF390]  }
0x319: {  	v2 =	vld [tilespmem:s1+$0x0];
	_ =	sdelay $0x3  }
0x31a: {  	s13 =	spop (v2sf)  }
0x31b: {  	s15 =	sadd.s32 $0x2C00, s0;
	(v2sf) =	vpush v0, $0x3;
	s14 =	sand.u32 $0xFFFFFF80, s13;
	v1 =	vadd.f32 v1, v2  }
0x31c: {  	s16 =	sand.u32 $0x7F, s13;
	s2 =	sadd.s32 s14, s15  }
0x31d: {  	s2 =	sor.u32 s16, s2;
	[tilespmem:s0+$0x8F90] =	vst v1;
	v1 =	vld [tilespmem:s0+$0xF400]  }
0x31e: {  	v2 =	vld [tilespmem:s2+$0x0];
	_ =	sdelay $0x3  }
0x31f: {  	s1 =	sadd.s32 $0x10, s13  }
0x320: {  	s17 =	sand.u32 $0xFFFFFF80, s1;
	v1 =	vadd.f32 v1, v2  }
0x321: {  	s1 =	sand.u32 $0x7F, s1;
	s2 =	sadd.s32 s17, s15  }
0x322: {  	s1 =	sor.u32 s1, s2;
	[tilespmem:s0+$0x9000] =	vst v1;
	v1 =	vld [tilespmem:s0+$0xF410]  }
0x323: {  	v2 =	vld [tilespmem:s1+$0x0];
	_ =	sdelay $0x3  }
0x324: {  	s18 =	spop (v2sf)  }
0x325: {  	s19 =	sadd.s32 $0x2C80, s0;
	(v2sf) =	vpush v0, $0x4;
	s20 =	sand.u32 $0xFFFFFF80, s18;
	v1 =	vadd.f32 v1, v2  }
0x326: {  	s21 =	sand.u32 $0x7F, s18;
	s3 =	sadd.s32 s20, s19  }
0x327: {  	s3 =	sor.u32 s21, s3;
	[tilespmem:s0+$0x9010] =	vst v1;
	v1 =	vld [tilespmem:s0+$0xF480]  }
0x328: {  	v2 =	vld [tilespmem:s3+$0x0];
	_ =	sdelay $0x3  }
0x329: {  	s1 =	sadd.s32 $0x10, s18  }
0x32a: {  	s22 =	sand.u32 $0xFFFFFF80, s1;
	v1 =	vadd.f32 v1, v2  }
0x32b: {  	s1 =	sand.u32 $0x7F, s1;
	s2 =	sadd.s32 s22, s19  }
0x32c: {  	s1 =	sor.u32 s1, s2;
	[tilespmem:s0+$0x9080] =	vst v1;
	v1 =	vld [tilespmem:s0+$0xF490]  }
0x32d: {  	v2 =	vld [tilespmem:s1+$0x0];
	_ =	sdelay $0x3  }
0x32e: {  	s23 =	spop (v2sf)  }
0x32f: {  	s24 =	sadd.s32 $0x2D00, s0;
	(v2sf) =	vpush v0, $0x5;
	s25 =	sand.u32 $0xFFFFFF80, s23;
	v1 =	vadd.f32 v1, v2  }
0x330: {  	s26 =	sand.u32 $0x7F, s23;
	s3 =	sadd.s32 s25, s24  }
0x331: {  	s3 =	sor.u32 s26, s3;
	[tilespmem:s0+$0x9090] =	vst v1;
	v1 =	vld [tilespmem:s0+$0xF500]  }
0x332: {  	v2 =	vld [tilespmem:s3+$0x0];
	_ =	sdelay $0x3  }
0x333: {  	s1 =	sadd.s32 $0x10, s23  }
0x334: {  	s28 =	sand.u32 $0xFFFFFF80, s1;
	v1 =	vadd.f32 v1, v2  }
0x335: {  	s1 =	sand.u32 $0x7F, s1;
	s2 =	sadd.s32 s28, s24  }
0x336: {  	s1 =	sor.u32 s1, s2;
	[tilespmem:s0+$0x9100] =	vst v1;
	v1 =	vld [tilespmem:s0+$0xF510]  }
0x337: {  	v2 =	vld [tilespmem:s1+$0x0];
	_ =	sdelay $0x3  }
0x338: {  	s29 =	spop (v2sf)  }
0x339: {  	s31 =	sadd.s32 $0x2D80, s0;
	(v2sf) =	vpush v0, $0x6;
	s30 =	sand.u32 $0xFFFFFF80, s29;
	v1 =	vadd.f32 v1, v2  }
0x33a: {  	s5 =	sand.u32 $0x7F, s29;
	s2 =	sadd.s32 s30, s31  }
0x33b: {  	s2 =	sor.u32 s5, s2;
	[tilespmem:s0+$0x9110] =	vst v1;
	v1 =	vld [tilespmem:s0+$0xF580]  }
0x33c: {  	v2 =	vld [tilespmem:s2+$0x0];
	_ =	sdelay $0x3  }
0x33d: {  	s1 =	sadd.s32 $0x10, s29  }
0x33e: {  	s6 =	sand.u32 $0xFFFFFF80, s1;
	v1 =	vadd.f32 v1, v2  }
0x33f: {  	s1 =	sand.u32 $0x7F, s1;
	s2 =	sadd.s32 s6, s31  }
0x340: {  	s1 =	sor.u32 s1, s2;
	[tilespmem:s0+$0x9180] =	vst v1;
	v1 =	vld [tilespmem:s0+$0xF590]  }
0x341: {  	v2 =	vld [tilespmem:s1+$0x0];
	_ =	sdelay $0x3  }
0x342: {  	s7 =	spop (v2sf)  }
0x343: {  	s8 =	sadd.s32 $0x2E00, s0;
	(v2sf) =	vpush v0, $0x7;
	s9 =	sand.u32 $0xFFFFFF80, s7;
	v1 =	vadd.f32 v1, v2  }
0x344: {  	s10 =	sand.u32 $0x7F, s7;
	s3 =	sadd.s32 s9, s8  }
0x345: {  	s3 =	sor.u32 s10, s3;
	[tilespmem:s0+$0x9190] =	vst v1;
	v1 =	vld [tilespmem:s0+$0xF600]  }
0x346: {  	v2 =	vld [tilespmem:s3+$0x0];
	_ =	sdelay $0x3  }
0x347: {  	s1 =	sadd.s32 $0x10, s7  }
0x348: {  	s11 =	sand.u32 $0xFFFFFF80, s1;
	v1 =	vadd.f32 v1, v2  }
0x349: {  	s1 =	sand.u32 $0x7F, s1;
	s2 =	sadd.s32 s11, s8  }
0x34a: {  	s1 =	sor.u32 s1, s2;
	[tilespmem:s0+$0x9200] =	vst v1;
	v1 =	vld [tilespmem:s0+$0xF610]  }
0x34b: {  	v2 =	vld [tilespmem:s1+$0x0];
	_ =	sdelay $0x3  }
0x34c: {  	s12 =	spop (v2sf)  }
0x34d: {  	s13 =	sadd.s32 $0x2E80, s0;
	(v2sf) =	vpush v0, $0x8;
	s14 =	sand.u32 $0xFFFFFF80, s12;
	v1 =	vadd.f32 v1, v2  }
0x34e: {  	s15 =	sand.u32 $0x7F, s12;
	s3 =	sadd.s32 s14, s13  }
0x34f: {  	s3 =	sor.u32 s15, s3;
	[tilespmem:s0+$0x9210] =	vst v1;
	v1 =	vld [tilespmem:s0+$0xF680]  }
0x350: {  	v2 =	vld [tilespmem:s3+$0x0];
	_ =	sdelay $0x3  }
0x351: {  	s1 =	sadd.s32 $0x10, s12  }
0x352: {  	s16 =	sand.u32 $0xFFFFFF80, s1;
	v1 =	vadd.f32 v1, v2  }
0x353: {  	s1 =	sand.u32 $0x7F, s1;
	s2 =	sadd.s32 s16, s13  }
0x354: {  	s1 =	sor.u32 s1, s2;
	[tilespmem:s0+$0x9280] =	vst v1;
	v1 =	vld [tilespmem:s0+$0xF690]  }
0x355: {  	v2 =	vld [tilespmem:s1+$0x0];
	_ =	sdelay $0x3  }
0x356: {  	s17 =	spop (v2sf)  }
0x357: {  	s18 =	sadd.s32 $0x2F00, s0;
	(v2sf) =	vpush v0, $0x9;
	s19 =	sand.u32 $0xFFFFFF80, s17;
	v1 =	vadd.f32 v1, v2  }
0x358: {  	s20 =	sand.u32 $0x7F, s17;
	s3 =	sadd.s32 s19, s18  }
0x359: {  	s3 =	sor.u32 s20, s3;
	[tilespmem:s0+$0x9290] =	vst v1;
	v1 =	vld [tilespmem:s0+$0xF700]  }
0x35a: {  	v2 =	vld [tilespmem:s3+$0x0];
	_ =	sdelay $0x3  }
0x35b: {  	s1 =	sadd.s32 $0x10, s17  }
0x35c: {  	s21 =	sand.u32 $0xFFFFFF80, s1;
	v1 =	vadd.f32 v1, v2  }
0x35d: {  	s1 =	sand.u32 $0x7F, s1;
	s2 =	sadd.s32 s21, s18  }
0x35e: {  	s1 =	sor.u32 s1, s2;
	[tilespmem:s0+$0x9300] =	vst v1;
	v1 =	vld [tilespmem:s0+$0xF710]  }
0x35f: {  	v2 =	vld [tilespmem:s1+$0x0];
	_ =	sdelay $0x3  }
0x360: {  	s22 =	spop (v2sf)  }
0x361: {  	s24 =	sadd.s32 $0x2F80, s0;
	(v2sf) =	vpush v0, $0xA;
	s23 =	sand.u32 $0xFFFFFF80, s22;
	v1 =	vadd.f32 v1, v2  }
0x362: {  	s25 =	sand.u32 $0x7F, s22;
	s2 =	sadd.s32 s23, s24  }
0x363: {  	s2 =	sor.u32 s25, s2;
	[tilespmem:s0+$0x9310] =	vst v1;
	v1 =	vld [tilespmem:s0+$0xF780]  }
0x364: {  	v2 =	vld [tilespmem:s2+$0x0];
	_ =	sdelay $0x3  }
0x365: {  	s1 =	sadd.s32 $0x10, s22  }
0x366: {  	s26 =	sand.u32 $0xFFFFFF80, s1;
	v1 =	vadd.f32 v1, v2  }
0x367: {  	s1 =	sand.u32 $0x7F, s1;
	s2 =	sadd.s32 s26, s24  }
0x368: {  	s1 =	sor.u32 s1, s2;
	[tilespmem:s0+$0x9380] =	vst v1;
	v1 =	vld [tilespmem:s0+$0xF790]  }
0x369: {  	v2 =	vld [tilespmem:s1+$0x0];
	_ =	sdelay $0x3  }
0x36a: {  	s28 =	spop (v2sf)  }
0x36b: {  	s30 =	sor.u32 $0x3000, s0;
	(v2sf) =	vpush v0, $0xB;
	s29 =	sand.u32 $0xFFFFFF80, s28;
	v1 =	vadd.f32 v1, v2  }
0x36c: {  	s31 =	sand.u32 $0x7F, s28;
	s2 =	sadd.s32 s29, s30  }
0x36d: {  	s2 =	sor.u32 s31, s2;
	[tilespmem:s0+$0x9390] =	vst v1;
	v1 =	vld [tilespmem:s0+$0xF800]  }
0x36e: {  	v2 =	vld [tilespmem:s2+$0x0];
	_ =	sdelay $0x3  }
0x36f: {  	s1 =	sadd.s32 $0x10, s28  }
0x370: {  	s5 =	sand.u32 $0xFFFFFF80, s1;
	v1 =	vadd.f32 v1, v2  }
0x371: {  	s1 =	sand.u32 $0x7F, s1;
	s2 =	sadd.s32 s5, s30  }
0x372: {  	s1 =	sor.u32 s1, s2;
	[tilespmem:s0+$0x9400] =	vst v1;
	v1 =	vld [tilespmem:s0+$0xF810]  }
0x373: {  	v2 =	vld [tilespmem:s1+$0x0];
	_ =	sdelay $0x3  }
0x374: {  	s6 =	spop (v2sf)  }
0x375: {  	s7 =	sadd.s32 $0x3080, s0;
	(v2sf) =	vpush v0, $0xC;
	s8 =	sand.u32 $0xFFFFFF80, s6;
	v1 =	vadd.f32 v1, v2  }
0x376: {  	s9 =	sand.u32 $0x7F, s6;
	s3 =	sadd.s32 s8, s7  }
0x377: {  	s3 =	sor.u32 s9, s3;
	[tilespmem:s0+$0x9410] =	vst v1;
	v1 =	vld [tilespmem:s0+$0xF880]  }
0x378: {  	v2 =	vld [tilespmem:s3+$0x0];
	_ =	sdelay $0x3  }
0x379: {  	s1 =	sadd.s32 $0x10, s6  }
0x37a: {  	s10 =	sand.u32 $0xFFFFFF80, s1;
	v1 =	vadd.f32 v1, v2  }
0x37b: {  	s1 =	sand.u32 $0x7F, s1;
	s2 =	sadd.s32 s10, s7  }
0x37c: {  	s1 =	sor.u32 s1, s2;
	[tilespmem:s0+$0x9480] =	vst v1;
	v1 =	vld [tilespmem:s0+$0xF890]  }
0x37d: {  	v2 =	vld [tilespmem:s1+$0x0];
	_ =	sdelay $0x3  }
0x37e: {  	s11 =	spop (v2sf)  }
0x37f: {  	s12 =	sadd.s32 $0x3100, s0;
	(v2sf) =	vpush v0, $0xD;
	s13 =	sand.u32 $0xFFFFFF80, s11;
	v1 =	vadd.f32 v1, v2  }
0x380: {  	s14 =	sand.u32 $0x7F, s11;
	s3 =	sadd.s32 s13, s12  }
0x381: {  	s3 =	sor.u32 s14, s3;
	[tilespmem:s0+$0x9490] =	vst v1;
	v1 =	vld [tilespmem:s0+$0xF900]  }
0x382: {  	v2 =	vld [tilespmem:s3+$0x0];
	_ =	sdelay $0x3  }
0x383: {  	s1 =	sadd.s32 $0x10, s11  }
0x384: {  	s15 =	sand.u32 $0xFFFFFF80, s1;
	v1 =	vadd.f32 v1, v2  }
0x385: {  	s1 =	sand.u32 $0x7F, s1;
	s2 =	sadd.s32 s15, s12  }
0x386: {  	s1 =	sor.u32 s1, s2;
	[tilespmem:s0+$0x9500] =	vst v1;
	v1 =	vld [tilespmem:s0+$0xF910]  }
0x387: {  	v2 =	vld [tilespmem:s1+$0x0];
	_ =	sdelay $0x3  }
0x388: {  	s16 =	spop (v2sf)  }
0x389: {  	s18 =	sadd.s32 $0x3180, s0;
	(v2sf) =	vpush v0, $0xE;
	s17 =	sand.u32 $0xFFFFFF80, s16;
	v1 =	vadd.f32 v1, v2  }
0x38a: {  	s19 =	sand.u32 $0x7F, s16;
	s2 =	sadd.s32 s17, s18  }
0x38b: {  	s2 =	sor.u32 s19, s2;
	[tilespmem:s0+$0x9510] =	vst v1;
	v1 =	vld [tilespmem:s0+$0xF980]  }
0x38c: {  	v2 =	vld [tilespmem:s2+$0x0];
	_ =	sdelay $0x3  }
0x38d: {  	s1 =	sadd.s32 $0x10, s16  }
0x38e: {  	s20 =	sand.u32 $0xFFFFFF80, s1;
	v1 =	vadd.f32 v1, v2  }
0x38f: {  	s1 =	sand.u32 $0x7F, s1;
	s2 =	sadd.s32 s20, s18  }
0x390: {  	s1 =	sor.u32 s1, s2;
	[tilespmem:s0+$0x9580] =	vst v1;
	v1 =	vld [tilespmem:s0+$0xF990]  }
0x391: {  	v2 =	vld [tilespmem:s1+$0x0];
	_ =	sdelay $0x3  }
0x392: {  	s21 =	spop (v2sf)  }
0x393: {  	s22 =	sadd.s32 $0x3200, s0;
	(v2sf) =	vpush v0, $0xF;
	s23 =	sand.u32 $0xFFFFFF80, s21;
	v1 =	vadd.f32 v1, v2  }
0x394: {  	s24 =	sand.u32 $0x7F, s21;
	s3 =	sadd.s32 s23, s22  }
0x395: {  	v0 =	vld [tilespmem:s0+$0xFA00];
	s3 =	sor.u32 s24, s3;
	[tilespmem:s0+$0x9590] =	vst v1  }
0x396: {  	v1 =	vld [tilespmem:s3+$0x0];
	_ =	sdelay $0x3  }
0x397: {  	s1 =	sadd.s32 $0x10, s21  }
0x398: {  	s25 =	sand.u32 $0xFFFFFF80, s1;
	v0 =	vadd.f32 v0, v1  }
0x399: {  	s1 =	sand.u32 $0x7F, s1;
	s2 =	sadd.s32 s25, s22  }
0x39a: {  	s1 =	sor.u32 s1, s2;
	[tilespmem:s0+$0x9600] =	vst v0;
	v0 =	vld [tilespmem:s0+$0xFA10]  }
0x39b: {  	v1 =	vld [tilespmem:s1+$0x0];
	_ =	sdelay $0x3  }
0x39c: {  	s26 =	spop (v2sf)  }
0x39d: {  	s28 =	sadd.s32 $0x3280, s0;
	s29 =	sand.u32 $0xFFFFFF80, s26;
	v0 =	vadd.f32 v0, v1  }
0x39e: {  	s30 =	sand.u32 $0x7F, s26;
	s3 =	sadd.s32 s29, s28  }
0x39f: {  	s3 =	sor.u32 s30, s3;
	[tilespmem:s0+$0x9610] =	vst v0;
	v0 =	vld [tilespmem:s0+$0xFA80]  }
0x3a0: {  	v1 =	vld [tilespmem:s3+$0x0];
	_ =	sdelay $0x3  }
0x3a1: {  	s1 =	sadd.s32 $0x10, s26  }
0x3a2: {  	s31 =	sand.u32 $0xFFFFFF80, s1;
	v0 =	vadd.f32 v0, v1  }
0x3a3: {  	s1 =	sand.u32 $0x7F, s1;
	s2 =	sadd.s32 s31, s28  }
0x3a4: {  	s1 =	sor.u32 s1, s2;
	[tilespmem:s0+$0x9680] =	vst v0;
	v0 =	vld [tilespmem:s0+$0xFA90]  }
0x3a5: {  	v1 =	vld [tilespmem:s1+$0x0];
	_ =	sdelay $0x4  }
0x3a6: {  	s2 =	simm.s32 $0x10;
	v0 =	vadd.f32 v0, v1  }
.LBB2_7:
0x3a7: {  	s1 =	smov.u32 s2  }
0x3a8: {  	s1 =	smin.u32 s1, $0x18;
	[tilespmem:s0+$0x9690] =	vst v0  }
0x3a9: {  	v0 =	vld [tilespmem:s1+$0x250];
	_ =	sdelay $0x4  }
0x3aa: {  	(v2sf) =	vpush v0, $0x0  }
0x3ab: {  	(v2sf) =	vpush v0, $0x1;
	_ =	sdelay $0x1  }
0x3ac: {  	(v2sf) =	vpush v0, $0x2;
	_ =	sdelay $0x1  }
0x3ad: {  	(v2sf) =	vpush v0, $0x3;
	_ =	sdelay $0x2  }
0x3ae: {  	(v2sf) =	vpush v0, $0x4;
	_ =	sdelay $0x1  }
0x3af: {  	(v2sf) =	vpush v0, $0x5;
	_ =	sdelay $0x1  }
0x3b0: {  	p0 =	sne.s32 s2, $0x20;
	s0 =	sshll.u32 s1, $0x7;
	(v2sf) =	vpush v0, $0x6  }
0x3b1: {  	s23 =	sadd.s32 $0x10, s2;
	s5 =	sadd.s32 $0x2B00, s0;
	s9 =	sadd.s32 $0x3080, s0  }
0x3b2: {  	s6 =	sadd.s32 $0x2C80, s0;
	s19 =	sadd.s32 $0x2F00, s0;
	s17 =	sadd.s32 $0x2C00, s0  }
0x3b3: {  	s8 =	sadd.s32 $0x2D00, s0;
	s21 =	sadd.s32 $0x2E00, s0;
	s24 =	spop (v2sf)  }
0x3b4: {  	s16 =	sadd.s32 $0x2D80, s0;
	s3 =	sand.u32 $0xFFFFFF80, s24;
	s1 =	spop (v2sf)  }
0x3b5: {  	s4 =	sand.u32 $0x7F, s24;
	s2 =	sadd.s32 $0x10, s24;
	s3 =	sadd.s32 s3, s5  }
0x3b6: {  	(v2sf) =	vpush v0, $0x7;
	s7 =	sand.u32 $0xFFFFFF80, s1;
	s14 =	spop (v2sf);
	s12 =	sadd.s32 $0x10, s1  }
0x3b7: {  	(v2sf) =	vpush v0, $0x8;
	s28 =	sand.u32 $0x7F, s2;
	s15 =	sand.u32 $0xFFFFFF80, s2;
	s25 =	sand.u32 $0xFFFFFF80, s14  }
0x3b8: {  	v1 =	vld [tilespmem:s0+$0xF300];
	s3 =	sor.u32 s4, s3;
	s4 =	sadd.s32 s25, s17;
	s25 =	spop (v2sf)  }
0x3b9: {  	s1 =	sand.u32 $0x7F, s1;
	s20 =	sadd.s32 $0x10, s14;
	v2 =	vld [tilespmem:s3+$0x0];
	s26 =	sand.u32 $0xFFFFFF80, s25  }
0x3ba: {  	s5 =	sadd.s32 s15, s5;
	s31 =	sadd.s32 $0x10, s25;
	s3 =	sadd.s32 s26, s6  }
0x3bb: {  	s26 =	spop (v2sf);
	(v2sf) =	vpush v0, $0x9;
	s11 =	sand.u32 $0xFFFFFF80, s31;
	[smem:$0x7B7] =	sst s3  }
0x3bc: {  	s13 =	sand.u32 $0xFFFFFF80, s26;
	s30 =	sadd.s32 s11, s6;
	s3 =	sor.u32 s28, s5  }
0x3bd: {  	s18 =	spop (v2sf);
	s5 =	sadd.s32 $0x2B80, s0;
	[smem:$0x7B8] =	sst s30  }
0x3be: {  	(v2sf) =	vpush v0, $0xA;
	s6 =	sadd.s32 s13, s8;
	s10 =	sand.u32 $0xFFFFFF80, s18;
	s15 =	sadd.s32 $0x10, s18;
	v1 =	vadd.f32 v1, v2  }
0x3bf: {  	s13 =	spop (v2sf);
	s7 =	sadd.s32 s7, s5;
	[smem:$0x7B9] =	sst s6  }
0x3c0: {  	s22 =	sand.u32 $0xFFFFFF80, s15;
	s24 =	sand.u32 $0xFFFFFF80, s13;
	s28 =	sadd.s32 s10, s16;
	[tilespmem:s0+$0x8F00] =	vst v1;
	v1 =	vld [tilespmem:s0+$0xF310]  }
0x3c1: {  	(v2sf) =	vpush v0, $0xB;
	s6 =	sadd.s32 $0x10, s13;
	s10 =	sor.u32 s1, s7;
	[smem:$0x7BA] =	sst s28;
	v2 =	vld [tilespmem:s3+$0x0]  }
0x3c2: {  	s30 =	sadd.s32 s22, s16;
	s22 =	sadd.s32 $0x2E80, s0;
	s28 =	sand.u32 $0xFFFFFF80, s12  }
0x3c3: {  	[smem:$0x7BB] =	sst s30;
	s30 =	sand.u32 $0xFFFFFF80, s6;
	s3 =	sadd.s32 s24, s21  }
0x3c4: {  	s16 =	sadd.s32 s28, s5;
	s28 =	sadd.s32 s30, s21;
	[smem:$0x7BC] =	sst s3  }
0x3c5: {  	s12 =	sand.u32 $0x7F, s12;
	[smem:$0x7BD] =	sst s28;
	s3 =	spop (v2sf);
	(v2sf) =	vpush v0, $0xC  }
0x3c6: {  	v1 =	vadd.f32 v1, v2;
	s30 =	sand.u32 $0xFFFFFF80, s3;
	s7 =	sadd.s32 $0x10, s3;
	s5 =	spop (v2sf)  }
0x3c7: {  	s1 =	sadd.s32 s30, s22;
	s2 =	sand.u32 $0xFFFFFF80, s7;
	s30 =	sadd.s32 $0x10, s5  }
0x3c8: {  	[tilespmem:s0+$0x8F10] =	vst v1;
	v1 =	vld [tilespmem:s0+$0xF380];
	[smem:$0x7BE] =	sst s1;
	s21 =	sadd.s32 s2, s22;
	s24 =	sand.u32 $0xFFFFFF80, s30  }
0x3c9: {  	s16 =	sor.u32 s12, s16;
	(v2sf) =	vpush v0, $0xD;
	v2 =	vld [tilespmem:s10+$0x0];
	[smem:$0x7BF] =	sst s21;
	s28 =	sadd.s32 s24, s19  }
0x3ca: {  	s10 =	sand.u32 $0xFFFFFF80, s5;
	[smem:$0x7C1] =	sst s28;
	s28 =	spop (v2sf)  }
0x3cb: {  	s21 =	sadd.s32 $0x2F80, s0;
	s22 =	sadd.s32 s10, s19;
	s2 =	sand.u32 $0xFFFFFF80, s28  }
0x3cc: {  	[smem:$0x7C0] =	sst s22;
	s24 =	sadd.s32 $0x10, s28;
	s22 =	sadd.s32 s2, s21  }
0x3cd: {  	(v2sf) =	vpush v0, $0xE;
	s2 =	sand.u32 $0xFFFFFF80, s24;
	[smem:$0x7C2] =	sst s22;
	s22 =	spop (v2sf)  }
0x3ce: {  	s1 =	sor.u32 $0x3000, s0;
	(v2sf) =	vpush v0, $0xF;
	s21 =	sadd.s32 s2, s21;
	v0 =	vadd.f32 v1, v2;
	s2 =	sand.u32 $0xFFFFFF80, s22  }
0x3cf: {  	[smem:$0x7C3] =	sst s21;
	s12 =	sadd.s32 $0x10, s22;
	s21 =	sadd.s32 s2, s1  }
0x3d0: {  	s2 =	sand.u32 $0xFFFFFF80, s12;
	[tilespmem:s0+$0x8F80] =	vst v0;
	v0 =	vld [tilespmem:s0+$0xF390];
	[smem:$0x7C4] =	sst s21;
	s21 =	spop (v2sf)  }
0x3d1: {  	s1 =	sadd.s32 s2, s1;
	v1 =	vld [tilespmem:s16+$0x0];
	s16 =	sand.u32 $0xFFFFFF80, s21;
	s19 =	sadd.s32 $0x10, s21  }
0x3d2: {  	[smem:$0x7C5] =	sst s1;
	s1 =	sadd.s32 s16, s9;
	s2 =	sand.u32 $0xFFFFFF80, s19  }
0x3d3: {  	s10 =	sand.u32 $0xFFFFFF80, s20;
	[smem:$0x7C6] =	sst s1;
	s1 =	sadd.s32 s2, s9  }
0x3d4: {  	s10 =	sadd.s32 s10, s17;
	[smem:$0x7C7] =	sst s1;
	s16 =	spop (v2sf)  }
0x3d5: {  	s1 =	sadd.s32 $0x3100, s0;
	s2 =	sand.u32 $0xFFFFFF80, s16;
	s9 =	sadd.s32 $0x10, s16  }
0x3d6: {  	s17 =	sand.u32 $0x7F, s16;
	s16 =	sadd.s32 s2, s1;
	s2 =	sand.u32 $0xFFFFFF80, s9;
	v0 =	vadd.f32 v0, v1  }
0x3d7: {  	s14 =	sand.u32 $0x7F, s14;
	[smem:$0x7C9] =	sst s9;
	s1 =	sadd.s32 s2, s1  }
0x3d8: {  	s9 =	spop (v2sf);
	[smem:$0x7CA] =	sst s1;
	s1 =	sor.u32 s14, s4;
	[tilespmem:s0+$0x8F90] =	vst v0;
	v0 =	vld [tilespmem:s0+$0xF400]  }
0x3d9: {  	s16 =	sor.u32 s17, s16;
	s2 =	sand.u32 $0xFFFFFF80, s9;
	v1 =	vld [tilespmem:s1+$0x0]  }
0x3da: {  	[smem:$0x7C8] =	sst s16;
	s4 =	sadd.s32 $0x10, s9;
	s16 =	sadd.s32 $0x3180, s0  }
0x3db: {  	s29 =	sadd.s32 $0x3200, s0;
	s17 =	sand.u32 $0xFFFFFF80, s4;
	s2 =	sadd.s32 s2, s16  }
0x3dc: {  	s14 =	spop (v2sf);
	[smem:$0x7CB] =	sst s2;
	s17 =	sadd.s32 s17, s16  }
0x3dd: {  	s2 =	sand.u32 $0xFFFFFF80, s14;
	[dreg:$0x1f] =	wrdreg s17;
	s17 =	sadd.s32 $0x10, s14  }
0x3de: {  	s1 =	sadd.s32 s2, s29;
	s16 =	sand.u32 $0xFFFFFF80, s17;
	v0 =	vadd.f32 v0, v1  }
0x3df: {  	s20 =	sand.u32 $0x7F, s20;
	[dreg:$0x15] =	wrdreg s1;
	s1 =	sadd.s32 s16, s29  }
0x3e0: {  	[dreg:$0x10] =	wrdreg s1;
	s1 =	sor.u32 s20, s10;
	[tilespmem:s0+$0x9000] =	vst v0;
	v0 =	vld [tilespmem:s0+$0xF410]  }
0x3e1: {  	v1 =	vld [tilespmem:s1+$0x0];
	_ =	sdelay $0x3  }
0x3e2: {  	s20 =	sand.u32 $0x7F, s25;
	s25 =	sld [smem:$0x7B7]  }
0x3e3: {  	v0 =	vadd.f32 v0, v1;
	_ =	sdelay $0x1  }
0x3e4: {  	s1 =	sor.u32 s20, s25;
	[tilespmem:s0+$0x9010] =	vst v0;
	v0 =	vld [tilespmem:s0+$0xF480]  }
0x3e5: {  	v1 =	vld [tilespmem:s1+$0x0];
	_ =	sdelay $0x3  }
0x3e6: {  	s20 =	sld [smem:$0x7B8]  }
0x3e7: {  	v0 =	vadd.f32 v0, v1  }
0x3e8: {  	s10 =	sand.u32 $0x7F, s31  }
0x3e9: {  	s1 =	sor.u32 s10, s20;
	[tilespmem:s0+$0x9080] =	vst v0;
	v0 =	vld [tilespmem:s0+$0xF490]  }
0x3ea: {  	v1 =	vld [tilespmem:s1+$0x0];
	_ =	sdelay $0x3  }
0x3eb: {  	s11 =	sadd.s32 $0x10, s26;
	s25 =	sand.u32 $0x7F, s26;
	s26 =	sld [smem:$0x7B9]  }
0x3ec: {  	v0 =	vadd.f32 v0, v1;
	_ =	sdelay $0x1  }
0x3ed: {  	s1 =	sor.u32 s25, s26;
	[tilespmem:s0+$0x9090] =	vst v0;
	v0 =	vld [tilespmem:s0+$0xF500]  }
0x3ee: {  	v1 =	vld [tilespmem:s1+$0x0];
	_ =	sdelay $0x4  }
0x3ef: {  	[dreg:$0x6] =	wrdreg s23;
	s23 =	sand.u32 $0xFFFFFF80, s11;
	v0 =	vadd.f32 v0, v1  }
0x3f0: {  	[dreg:$0x1c] =	wrdreg s4;
	s4 =	sadd.s32 s23, s8;
	s31 =	sand.u32 $0x7F, s11  }
0x3f1: {  	s1 =	sor.u32 s31, s4;
	[tilespmem:s0+$0x9100] =	vst v0;
	v0 =	vld [tilespmem:s0+$0xF510]  }
0x3f2: {  	v1 =	vld [tilespmem:s1+$0x0];
	_ =	sdelay $0x3  }
0x3f3: {  	s11 =	sld [smem:$0x7BA]  }
0x3f4: {  	v0 =	vadd.f32 v0, v1  }
0x3f5: {  	s10 =	sand.u32 $0x7F, s18  }
0x3f6: {  	s1 =	sor.u32 s10, s11;
	[tilespmem:s0+$0x9110] =	vst v0;
	v0 =	vld [tilespmem:s0+$0xF580]  }
0x3f7: {  	v1 =	vld [tilespmem:s1+$0x0];
	_ =	sdelay $0x3  }
0x3f8: {  	s18 =	sld [smem:$0x7BB]  }
0x3f9: {  	v0 =	vadd.f32 v0, v1  }
0x3fa: {  	s15 =	sand.u32 $0x7F, s15  }
0x3fb: {  	s1 =	sor.u32 s15, s18;
	[tilespmem:s0+$0x9180] =	vst v0;
	v0 =	vld [tilespmem:s0+$0xF590]  }
0x3fc: {  	v1 =	vld [tilespmem:s1+$0x0];
	_ =	sdelay $0x3  }
0x3fd: {  	s25 =	sld [smem:$0x7BC]  }
0x3fe: {  	v0 =	vadd.f32 v0, v1  }
0x3ff: {  	s20 =	sand.u32 $0x7F, s13  }
0x400: {  	s1 =	sor.u32 s20, s25;
	[tilespmem:s0+$0x9190] =	vst v0;
	v0 =	vld [tilespmem:s0+$0xF600]  }
0x401: {  	v1 =	vld [tilespmem:s1+$0x0];
	_ =	sdelay $0x3  }
0x402: {  	s31 =	sld [smem:$0x7BD]  }
0x403: {  	v0 =	vadd.f32 v0, v1  }
0x404: {  	s26 =	sand.u32 $0x7F, s6  }
0x405: {  	s1 =	sor.u32 s26, s31;
	[tilespmem:s0+$0x9200] =	vst v0;
	v0 =	vld [tilespmem:s0+$0xF610]  }
0x406: {  	v1 =	vld [tilespmem:s1+$0x0];
	_ =	sdelay $0x3  }
0x407: {  	s10 =	sld [smem:$0x7BE]  }
0x408: {  	v0 =	vadd.f32 v0, v1  }
0x409: {  	s6 =	sand.u32 $0x7F, s3  }
0x40a: {  	s1 =	sor.u32 s6, s10;
	[tilespmem:s0+$0x9210] =	vst v0;
	v0 =	vld [tilespmem:s0+$0xF680]  }
0x40b: {  	v1 =	vld [tilespmem:s1+$0x0];
	_ =	sdelay $0x3  }
0x40c: {  	s13 =	sld [smem:$0x7BF]  }
0x40d: {  	v0 =	vadd.f32 v0, v1  }
0x40e: {  	s11 =	sand.u32 $0x7F, s7  }
0x40f: {  	s1 =	sor.u32 s11, s13;
	[tilespmem:s0+$0x9280] =	vst v0;
	v0 =	vld [tilespmem:s0+$0xF690]  }
0x410: {  	v1 =	vld [tilespmem:s1+$0x0];
	_ =	sdelay $0x3  }
0x411: {  	s18 =	sld [smem:$0x7C0]  }
0x412: {  	v0 =	vadd.f32 v0, v1  }
0x413: {  	s15 =	sand.u32 $0x7F, s5  }
0x414: {  	s1 =	sor.u32 s15, s18;
	[tilespmem:s0+$0x9290] =	vst v0;
	v0 =	vld [tilespmem:s0+$0xF700]  }
0x415: {  	v1 =	vld [tilespmem:s1+$0x0];
	_ =	sdelay $0x3  }
0x416: {  	s25 =	sld [smem:$0x7C1]  }
0x417: {  	v0 =	vadd.f32 v0, v1  }
0x418: {  	s20 =	sand.u32 $0x7F, s30  }
0x419: {  	s1 =	sor.u32 s20, s25;
	[tilespmem:s0+$0x9300] =	vst v0;
	v0 =	vld [tilespmem:s0+$0xF710]  }
0x41a: {  	v1 =	vld [tilespmem:s1+$0x0];
	_ =	sdelay $0x3  }
0x41b: {  	s26 =	sand.u32 $0x7F, s28;
	s28 =	sld [smem:$0x7C2]  }
0x41c: {  	v0 =	vadd.f32 v0, v1;
	_ =	sdelay $0x1  }
0x41d: {  	s1 =	sor.u32 s26, s28;
	[tilespmem:s0+$0x9310] =	vst v0;
	v0 =	vld [tilespmem:s0+$0xF780]  }
0x41e: {  	v1 =	vld [tilespmem:s1+$0x0];
	_ =	sdelay $0x3  }
0x41f: {  	s31 =	sld [smem:$0x7C3]  }
0x420: {  	v0 =	vadd.f32 v0, v1  }
0x421: {  	s30 =	sand.u32 $0x7F, s24  }
0x422: {  	s1 =	sor.u32 s30, s31;
	[tilespmem:s0+$0x9380] =	vst v0;
	v0 =	vld [tilespmem:s0+$0xF790]  }
0x423: {  	v1 =	vld [tilespmem:s1+$0x0];
	_ =	sdelay $0x3  }
0x424: {  	s4 =	sld [smem:$0x7C4]  }
0x425: {  	v0 =	vadd.f32 v0, v1  }
0x426: {  	s3 =	sand.u32 $0x7F, s22  }
0x427: {  	s1 =	sor.u32 s3, s4;
	[tilespmem:s0+$0x9390] =	vst v0;
	v0 =	vld [tilespmem:s0+$0xF800]  }
0x428: {  	v1 =	vld [tilespmem:s1+$0x0];
	_ =	sdelay $0x3  }
0x429: {  	s6 =	sld [smem:$0x7C5]  }
0x42a: {  	v0 =	vadd.f32 v0, v1  }
0x42b: {  	s5 =	sand.u32 $0x7F, s12  }
0x42c: {  	s1 =	sor.u32 s5, s6;
	[tilespmem:s0+$0x9400] =	vst v0;
	v0 =	vld [tilespmem:s0+$0xF810]  }
0x42d: {  	v1 =	vld [tilespmem:s1+$0x0];
	_ =	sdelay $0x3  }
0x42e: {  	s10 =	sld [smem:$0x7C6]  }
0x42f: {  	v0 =	vadd.f32 v0, v1  }
0x430: {  	s7 =	sand.u32 $0x7F, s21  }
0x431: {  	s1 =	sor.u32 s7, s10;
	[tilespmem:s0+$0x9410] =	vst v0;
	v0 =	vld [tilespmem:s0+$0xF880]  }
0x432: {  	v1 =	vld [tilespmem:s1+$0x0];
	_ =	sdelay $0x3  }
0x433: {  	s12 =	sld [smem:$0x7C7]  }
0x434: {  	v0 =	vadd.f32 v0, v1  }
0x435: {  	s11 =	sand.u32 $0x7F, s19  }
0x436: {  	s1 =	sor.u32 s11, s12;
	[tilespmem:s0+$0x9480] =	vst v0;
	v0 =	vld [tilespmem:s0+$0xF890]  }
0x437: {  	v1 =	vld [tilespmem:s1+$0x0];
	_ =	sdelay $0x4  }
0x438: {  	s13 =	sld [smem:$0x7C8];
	v0 =	vadd.f32 v0, v1;
	_ =	sdelay $0x1  }
0x439: {  	[tilespmem:s0+$0x9490] =	vst v0;
	v0 =	vld [tilespmem:s0+$0xF900]  }
0x43a: {  	v1 =	vld [tilespmem:s13+$0x0];
	_ =	sdelay $0x2  }
0x43b: {  	s15 =	sld [smem:$0x7C9]  }
0x43c: {  	s18 =	sld [smem:$0x7CA]  }
0x43d: {  	v0 =	vadd.f32 v0, v1  }
0x43e: {  	s1 =	sand.u32 $0x7F, s15  }
0x43f: {  	s1 =	sor.u32 s1, s18;
	[tilespmem:s0+$0x9500] =	vst v0;
	v0 =	vld [tilespmem:s0+$0xF910]  }
0x440: {  	v1 =	vld [tilespmem:s1+$0x0];
	_ =	sdelay $0x3  }
0x441: {  	s20 =	sld [smem:$0x7CB]  }
0x442: {  	v0 =	vadd.f32 v0, v1  }
0x443: {  	s19 =	sand.u32 $0x7F, s9  }
0x444: {  	s1 =	sor.u32 s19, s20;
	[tilespmem:s0+$0x9510] =	vst v0;
	v0 =	vld [tilespmem:s0+$0xF980]  }
0x445: {  	v1 =	vld [tilespmem:s1+$0x0];
	_ =	sdelay $0x4  }
0x446: {  	s21 =	rddreg [dreg:$0x1c];
	v0 =	vadd.f32 v0, v1  }
0x447: {  	s22 =	rddreg [dreg:$0x1f];
	s1 =	sand.u32 $0x7F, s21  }
0x448: {  	s1 =	sor.u32 s1, s22;
	[tilespmem:s0+$0x9580] =	vst v0;
	v0 =	vld [tilespmem:s0+$0xF990]  }
0x449: {  	v1 =	vld [tilespmem:s1+$0x0];
	_ =	sdelay $0x4  }
0x44a: {  	v0 =	vadd.f32 v0, v1  }
0x44b: {  	s24 =	sand.u32 $0x7F, s14;
	s25 =	rddreg [dreg:$0x15]  }
0x44c: {  	s1 =	sor.u32 s24, s25;
	[tilespmem:s0+$0x9590] =	vst v0;
	v0 =	vld [tilespmem:s0+$0xFA00]  }
0x44d: {  	v1 =	vld [tilespmem:s1+$0x0];
	_ =	sdelay $0x4  }
0x44e: {  	v0 =	vadd.f32 v0, v1  }
0x44f: {  	s26 =	sand.u32 $0x7F, s17;
	s28 =	rddreg [dreg:$0x10]  }
0x450: {  	s1 =	sor.u32 s26, s28;
	[tilespmem:s0+$0x9600] =	vst v0;
	v0 =	vld [tilespmem:s0+$0xFA10]  }
0x451: {  	v1 =	vld [tilespmem:s1+$0x0];
	_ =	sdelay $0x3  }
0x452: {  	s8 =	spop (v2sf)  }
0x453: {  	s23 =	sand.u32 $0xFFFFFF80, s8;
	s2 =	sadd.s32 $0x3280, s0;
	v0 =	vadd.f32 v0, v1  }
0x454: {  	s23 =	sadd.s32 s23, s2;
	s30 =	sand.u32 $0x7F, s8  }
0x455: {  	s1 =	sor.u32 s30, s23;
	[tilespmem:s0+$0x9610] =	vst v0;
	v0 =	vld [tilespmem:s0+$0xFA80]  }
0x456: {  	v1 =	vld [tilespmem:s1+$0x0];
	_ =	sdelay $0x3  }
0x457: {  	s16 =	sadd.s32 $0x10, s8  }
0x458: {  	s29 =	sand.u32 $0xFFFFFF80, s16;
	v0 =	vadd.f32 v0, v1  }
0x459: {  	s29 =	sadd.s32 s29, s2;
	s31 =	sand.u32 $0x7F, s16  }
0x45a: {  	s1 =	sor.u32 s31, s29;
	[tilespmem:s0+$0x9680] =	vst v0;
	v0 =	vld [tilespmem:s0+$0xFA90]  }
0x45b: {  	v1 =	vld [tilespmem:s1+$0x0]  }
.Ltmp2:
0x45c: {  	_ = 	snop;
	(pc) =	sbr.rel @p0 .LBB2_7-.Ltmp2, $2  }
0x45d: {  	_ =	sdelay $0x2  }
0x45e: {  	s2 =	rddreg [dreg:$0x6];
	v0 =	vadd.f32 v0, v1  }
0x45f: {  	_ = 	snop  }
0x460: {  	s1 =	simm.s32 $0x4;
	[tilespmem:s0+$0x9690] =	vst v0  }
0x461: {  	_ =	swait.ge [sflag:s1], $0x1400  }
0x462: {  	s7 =	simm.s32 $0x0;
	[sflag:s1] =	ssyncset.done $0x0  }
0x463: {  	s0 =	smin.u32 s7, $0x18;
	[sflag:s1] =	ssyncadd.s32 $0xFFFFEC00  }
0x464: {  	v0 =	vld [tilespmem:s0+$0x278];
	_ =	sdelay $0x4  }
0x465: {  	(v2sf) =	vpush v0, $0x0;
	_ =	sdelay $0xd  }
0x466: {  	(v2sf) =	vpush v0, $0x2  }
0x467: {  	s0 =	sshll.u32 s0, $0x7;
	(v2sf) =	vpush v0, $0xE;
	s8 =	spop (v2sf)  }
0x468: {  	s2 =	sadd.s32 $0x3F00, s0;
	(v2sf) =	vpush v0, $0x3;
	s3 =	sand.u32 $0xFFFFFF80, s8  }
0x469: {  	s4 =	sadd.s32 $0x3C00, s0;
	(v2sf) =	vpush v0, $0x1;
	s5 =	sand.u32 $0x7F, s8;
	s3 =	sadd.s32 s3, s2  }
0x46a: {  	v1 =	vld [tilespmem:s4+$0xCB00];
	s3 =	sor.u32 s5, s3  }
0x46b: {  	v2 =	vld [tilespmem:s3+$0x0];
	_ =	sdelay $0x3  }
0x46c: {  	s1 =	sadd.s32 $0x10, s8  }
0x46d: {  	s9 =	sand.u32 $0xFFFFFF80, s1;
	v1 =	vadd.f32 v1, v2  }
0x46e: {  	s1 =	sand.u32 $0x7F, s1;
	s2 =	sadd.s32 s9, s2  }
0x46f: {  	s1 =	sor.u32 s1, s2;
	[tilespmem:s0+$0xA300] =	vst v1  }
0x470: {  	v1 =	vld [tilespmem:s1+$0x0]  }
0x471: {  	v2 =	vld [tilespmem:s4+$0xCB10]  }
0x472: {  	s10 =	spop (v2sf)  }
0x473: {  	s1 =	spop (v2sf)  }
0x474: {  	s11 =	spop (v2sf)  }
0x475: {  	s12 =	spop (v2sf)  }
0x476: {  	s2 =	sadd.s32 $0x3F80, s0;
	s6 =	sand.u32 $0xFFFFFF80, s12;
	v1 =	vadd.f32 v2, v1  }
0x477: {  	s7 =	sand.u32 $0x7F, s12;
	s6 =	sadd.s32 s6, s2  }
0x478: {  	v2 =	vld [tilespmem:s0+$0x10780];
	[tilespmem:s0+$0xA310] =	vst v1;
	s6 =	sor.u32 s7, s6  }
0x479: {  	v1 =	vld [tilespmem:s6+$0x0];
	_ =	sdelay $0x3  }
0x47a: {  	s5 =	sadd.s32 $0x10, s12  }
0x47b: {  	s13 =	sand.u32 $0xFFFFFF80, s5;
	v1 =	vadd.f32 v2, v1  }
0x47c: {  	s5 =	sand.u32 $0x7F, s5;
	s6 =	sadd.s32 s13, s2  }
0x47d: {  	s5 =	sor.u32 s5, s6;
	v2 =	vld [tilespmem:s0+$0x10790];
	[tilespmem:s0+$0xA380] =	vst v1  }
0x47e: {  	v1 =	vld [tilespmem:s5+$0x0];
	_ =	sdelay $0x4  }
0x47f: {  	s14 =	sor.u32 $0x4000, s0;
	s15 =	sand.u32 $0xFFFFFF80, s10;
	v1 =	vadd.f32 v2, v1  }
0x480: {  	s16 =	sand.u32 $0x7F, s10;
	s6 =	sadd.s32 s15, s14  }
0x481: {  	s6 =	sor.u32 s16, s6;
	v2 =	vld [tilespmem:s0+$0x10800];
	[tilespmem:s0+$0xA390] =	vst v1  }
0x482: {  	v1 =	vld [tilespmem:s6+$0x0];
	_ =	sdelay $0x3  }
0x483: {  	s3 =	sadd.s32 $0x10, s10  }
0x484: {  	s17 =	sand.u32 $0xFFFFFF80, s3;
	v1 =	vadd.f32 v2, v1  }
0x485: {  	s3 =	sand.u32 $0x7F, s3;
	s5 =	sadd.s32 s17, s14  }
0x486: {  	s3 =	sor.u32 s3, s5;
	v2 =	vld [tilespmem:s0+$0x10810];
	[tilespmem:s0+$0xA400] =	vst v1  }
0x487: {  	v1 =	vld [tilespmem:s3+$0x0];
	_ =	sdelay $0x4  }
0x488: {  	s18 =	sadd.s32 $0x4080, s0;
	(v2sf) =	vpush v0, $0x4;
	s19 =	sand.u32 $0xFFFFFF80, s11;
	v1 =	vadd.f32 v2, v1  }
0x489: {  	s20 =	sand.u32 $0x7F, s11;
	s5 =	sadd.s32 s19, s18  }
0x48a: {  	s5 =	sor.u32 s20, s5;
	v2 =	vld [tilespmem:s0+$0x10880];
	[tilespmem:s0+$0xA410] =	vst v1  }
0x48b: {  	v1 =	vld [tilespmem:s5+$0x0];
	_ =	sdelay $0x3  }
0x48c: {  	s4 =	sadd.s32 $0x10, s11  }
0x48d: {  	s21 =	sand.u32 $0xFFFFFF80, s4;
	v1 =	vadd.f32 v2, v1  }
0x48e: {  	s4 =	sand.u32 $0x7F, s4;
	s3 =	sadd.s32 s21, s18  }
0x48f: {  	s3 =	sor.u32 s4, s3;
	v2 =	vld [tilespmem:s0+$0x10890];
	[tilespmem:s0+$0xA480] =	vst v1  }
0x490: {  	v1 =	vld [tilespmem:s3+$0x0];
	_ =	sdelay $0x3  }
0x491: {  	s22 =	spop (v2sf)  }
0x492: {  	s23 =	sadd.s32 $0x4100, s0;
	(v2sf) =	vpush v0, $0x5;
	s24 =	sand.u32 $0xFFFFFF80, s22;
	v1 =	vadd.f32 v2, v1  }
0x493: {  	s25 =	sand.u32 $0x7F, s22;
	s5 =	sadd.s32 s24, s23  }
0x494: {  	s5 =	sor.u32 s25, s5;
	v2 =	vld [tilespmem:s0+$0x10900];
	[tilespmem:s0+$0xA490] =	vst v1  }
0x495: {  	v1 =	vld [tilespmem:s5+$0x0];
	_ =	sdelay $0x3  }
0x496: {  	s3 =	sadd.s32 $0x10, s22  }
0x497: {  	s26 =	sand.u32 $0xFFFFFF80, s3;
	v1 =	vadd.f32 v2, v1  }
0x498: {  	s3 =	sand.u32 $0x7F, s3;
	s4 =	sadd.s32 s26, s23  }
0x499: {  	s3 =	sor.u32 s3, s4;
	v2 =	vld [tilespmem:s0+$0x10910];
	[tilespmem:s0+$0xA500] =	vst v1  }
0x49a: {  	v1 =	vld [tilespmem:s3+$0x0];
	_ =	sdelay $0x3  }
0x49b: {  	s28 =	spop (v2sf)  }
0x49c: {  	s29 =	sadd.s32 $0x4180, s0;
	(v2sf) =	vpush v0, $0x6;
	s30 =	sand.u32 $0xFFFFFF80, s28;
	v1 =	vadd.f32 v2, v1  }
0x49d: {  	s31 =	sand.u32 $0x7F, s28;
	s5 =	sadd.s32 s30, s29  }
0x49e: {  	s5 =	sor.u32 s31, s5;
	v2 =	vld [tilespmem:s0+$0x10980];
	[tilespmem:s0+$0xA510] =	vst v1  }
0x49f: {  	v1 =	vld [tilespmem:s5+$0x0];
	_ =	sdelay $0x3  }
0x4a0: {  	s3 =	sadd.s32 $0x10, s28  }
0x4a1: {  	s6 =	sand.u32 $0xFFFFFF80, s3;
	v1 =	vadd.f32 v2, v1  }
0x4a2: {  	s3 =	sand.u32 $0x7F, s3;
	s4 =	sadd.s32 s6, s29  }
0x4a3: {  	s3 =	sor.u32 s3, s4;
	v2 =	vld [tilespmem:s0+$0x10990];
	[tilespmem:s0+$0xA580] =	vst v1  }
0x4a4: {  	v1 =	vld [tilespmem:s3+$0x0];
	_ =	sdelay $0x3  }
0x4a5: {  	s7 =	spop (v2sf)  }
0x4a6: {  	s8 =	sadd.s32 $0x4200, s0;
	(v2sf) =	vpush v0, $0x7;
	s9 =	sand.u32 $0xFFFFFF80, s7;
	v1 =	vadd.f32 v2, v1  }
0x4a7: {  	s10 =	sand.u32 $0x7F, s7;
	s5 =	sadd.s32 s9, s8  }
0x4a8: {  	s5 =	sor.u32 s10, s5;
	v2 =	vld [tilespmem:s0+$0x10A00];
	[tilespmem:s0+$0xA590] =	vst v1  }
0x4a9: {  	v1 =	vld [tilespmem:s5+$0x0];
	_ =	sdelay $0x3  }
0x4aa: {  	s3 =	sadd.s32 $0x10, s7  }
0x4ab: {  	s11 =	sand.u32 $0xFFFFFF80, s3;
	v1 =	vadd.f32 v2, v1  }
0x4ac: {  	s3 =	sand.u32 $0x7F, s3;
	s4 =	sadd.s32 s11, s8  }
0x4ad: {  	s3 =	sor.u32 s3, s4;
	v2 =	vld [tilespmem:s0+$0x10A10];
	[tilespmem:s0+$0xA600] =	vst v1  }
0x4ae: {  	v1 =	vld [tilespmem:s3+$0x0];
	_ =	sdelay $0x3  }
0x4af: {  	s12 =	spop (v2sf)  }
0x4b0: {  	s13 =	sadd.s32 $0x4280, s0;
	s14 =	sand.u32 $0xFFFFFF80, s12;
	v1 =	vadd.f32 v2, v1  }
0x4b1: {  	(v2sf) =	vpush v0, $0x8;
	s15 =	sand.u32 $0x7F, s12;
	s5 =	sadd.s32 s14, s13  }
0x4b2: {  	s5 =	sor.u32 s15, s5;
	[tilespmem:s0+$0xA610] =	vst v1  }
0x4b3: {  	v1 =	vld [tilespmem:s5+$0x0]  }
0x4b4: {  	v2 =	vld [tilespmem:s2+$0xCB00];
	_ =	sdelay $0x3  }
0x4b5: {  	s16 =	sadd.s32 $0x10, s12  }
0x4b6: {  	s3 =	sand.u32 $0xFFFFFF80, s16;
	v1 =	vadd.f32 v2, v1  }
0x4b7: {  	s3 =	sadd.s32 s3, s13;
	s2 =	sand.u32 $0x7F, s16  }
0x4b8: {  	s2 =	sor.u32 s2, s3;
	v2 =	vld [tilespmem:s0+$0x10A90];
	[tilespmem:s0+$0xA680] =	vst v1  }
0x4b9: {  	v1 =	vld [tilespmem:s2+$0x0];
	_ =	sdelay $0x3  }
0x4ba: {  	s17 =	spop (v2sf)  }
0x4bb: {  	s18 =	sadd.s32 $0x4300, s0;
	(v2sf) =	vpush v0, $0x9;
	s19 =	sand.u32 $0xFFFFFF80, s17;
	v1 =	vadd.f32 v2, v1  }
0x4bc: {  	s20 =	sand.u32 $0x7F, s17;
	s4 =	sadd.s32 s19, s18  }
0x4bd: {  	s4 =	sor.u32 s20, s4;
	v2 =	vld [tilespmem:s0+$0x10B00];
	[tilespmem:s0+$0xA690] =	vst v1  }
0x4be: {  	v1 =	vld [tilespmem:s4+$0x0];
	_ =	sdelay $0x3  }
0x4bf: {  	s2 =	sadd.s32 $0x10, s17  }
0x4c0: {  	s21 =	sand.u32 $0xFFFFFF80, s2;
	v1 =	vadd.f32 v2, v1  }
0x4c1: {  	s2 =	sand.u32 $0x7F, s2;
	s3 =	sadd.s32 s21, s18  }
0x4c2: {  	s2 =	sor.u32 s2, s3;
	v2 =	vld [tilespmem:s0+$0x10B10];
	[tilespmem:s0+$0xA700] =	vst v1  }
0x4c3: {  	v1 =	vld [tilespmem:s2+$0x0];
	_ =	sdelay $0x3  }
0x4c4: {  	s22 =	spop (v2sf)  }
0x4c5: {  	s23 =	sadd.s32 $0x4380, s0;
	(v2sf) =	vpush v0, $0xA;
	s24 =	sand.u32 $0xFFFFFF80, s22;
	v1 =	vadd.f32 v2, v1  }
0x4c6: {  	s25 =	sand.u32 $0x7F, s22;
	s4 =	sadd.s32 s24, s23  }
0x4c7: {  	s4 =	sor.u32 s25, s4;
	v2 =	vld [tilespmem:s0+$0x10B80];
	[tilespmem:s0+$0xA710] =	vst v1  }
0x4c8: {  	v1 =	vld [tilespmem:s4+$0x0];
	_ =	sdelay $0x3  }
0x4c9: {  	s2 =	sadd.s32 $0x10, s22  }
0x4ca: {  	s26 =	sand.u32 $0xFFFFFF80, s2;
	v1 =	vadd.f32 v2, v1  }
0x4cb: {  	s2 =	sand.u32 $0x7F, s2;
	s3 =	sadd.s32 s26, s23  }
0x4cc: {  	s2 =	sor.u32 s2, s3;
	v2 =	vld [tilespmem:s0+$0x10B90];
	[tilespmem:s0+$0xA780] =	vst v1  }
0x4cd: {  	v1 =	vld [tilespmem:s2+$0x0];
	_ =	sdelay $0x3  }
0x4ce: {  	s28 =	spop (v2sf)  }
0x4cf: {  	s29 =	sadd.s32 $0x4400, s0;
	(v2sf) =	vpush v0, $0xB;
	s30 =	sand.u32 $0xFFFFFF80, s28;
	v1 =	vadd.f32 v2, v1  }
0x4d0: {  	s31 =	sand.u32 $0x7F, s28;
	s4 =	sadd.s32 s30, s29  }
0x4d1: {  	s4 =	sor.u32 s31, s4;
	v2 =	vld [tilespmem:s0+$0x10C00];
	[tilespmem:s0+$0xA790] =	vst v1  }
0x4d2: {  	v1 =	vld [tilespmem:s4+$0x0];
	_ =	sdelay $0x3  }
0x4d3: {  	s2 =	sadd.s32 $0x10, s28  }
0x4d4: {  	s6 =	sand.u32 $0xFFFFFF80, s2;
	v1 =	vadd.f32 v2, v1  }
0x4d5: {  	s2 =	sand.u32 $0x7F, s2;
	s3 =	sadd.s32 s6, s29  }
0x4d6: {  	s2 =	sor.u32 s2, s3;
	v2 =	vld [tilespmem:s0+$0x10C10];
	[tilespmem:s0+$0xA800] =	vst v1  }
0x4d7: {  	v1 =	vld [tilespmem:s2+$0x0];
	_ =	sdelay $0x3  }
0x4d8: {  	s7 =	spop (v2sf)  }
0x4d9: {  	s8 =	sadd.s32 $0x4480, s0;
	(v2sf) =	vpush v0, $0xC;
	s9 =	sand.u32 $0xFFFFFF80, s7;
	v1 =	vadd.f32 v2, v1  }
0x4da: {  	s10 =	sand.u32 $0x7F, s7;
	s4 =	sadd.s32 s9, s8  }
0x4db: {  	s4 =	sor.u32 s10, s4;
	v2 =	vld [tilespmem:s0+$0x10C80];
	[tilespmem:s0+$0xA810] =	vst v1  }
0x4dc: {  	v1 =	vld [tilespmem:s4+$0x0];
	_ =	sdelay $0x3  }
0x4dd: {  	s2 =	sadd.s32 $0x10, s7  }
0x4de: {  	s11 =	sand.u32 $0xFFFFFF80, s2;
	v1 =	vadd.f32 v2, v1  }
0x4df: {  	s2 =	sand.u32 $0x7F, s2;
	s3 =	sadd.s32 s11, s8  }
0x4e0: {  	s2 =	sor.u32 s2, s3;
	v2 =	vld [tilespmem:s0+$0x10C90];
	[tilespmem:s0+$0xA880] =	vst v1  }
0x4e1: {  	v1 =	vld [tilespmem:s2+$0x0];
	_ =	sdelay $0x3  }
0x4e2: {  	s12 =	spop (v2sf)  }
0x4e3: {  	s13 =	sadd.s32 $0x4500, s0;
	(v2sf) =	vpush v0, $0xD;
	s14 =	sand.u32 $0xFFFFFF80, s12;
	v1 =	vadd.f32 v2, v1  }
0x4e4: {  	s15 =	sand.u32 $0x7F, s12;
	s4 =	sadd.s32 s14, s13  }
0x4e5: {  	s4 =	sor.u32 s15, s4;
	v2 =	vld [tilespmem:s0+$0x10D00];
	[tilespmem:s0+$0xA890] =	vst v1  }
0x4e6: {  	v1 =	vld [tilespmem:s4+$0x0];
	_ =	sdelay $0x3  }
0x4e7: {  	s2 =	sadd.s32 $0x10, s12  }
0x4e8: {  	s16 =	sand.u32 $0xFFFFFF80, s2;
	v1 =	vadd.f32 v2, v1  }
0x4e9: {  	s2 =	sand.u32 $0x7F, s2;
	s3 =	sadd.s32 s16, s13  }
0x4ea: {  	s2 =	sor.u32 s2, s3;
	v2 =	vld [tilespmem:s0+$0x10D10];
	[tilespmem:s0+$0xA900] =	vst v1  }
0x4eb: {  	v1 =	vld [tilespmem:s2+$0x0];
	_ =	sdelay $0x3  }
0x4ec: {  	s17 =	spop (v2sf)  }
0x4ed: {  	s18 =	sadd.s32 $0x4580, s0;
	s19 =	sand.u32 $0xFFFFFF80, s17;
	v1 =	vadd.f32 v2, v1  }
0x4ee: {  	s20 =	sand.u32 $0x7F, s17;
	s4 =	sadd.s32 s19, s18  }
0x4ef: {  	s4 =	sor.u32 s20, s4;
	v2 =	vld [tilespmem:s0+$0x10D80];
	[tilespmem:s0+$0xA910] =	vst v1  }
0x4f0: {  	v1 =	vld [tilespmem:s4+$0x0];
	_ =	sdelay $0x3  }
0x4f1: {  	s2 =	sadd.s32 $0x10, s17  }
0x4f2: {  	s21 =	sand.u32 $0xFFFFFF80, s2;
	v1 =	vadd.f32 v2, v1  }
0x4f3: {  	s2 =	sand.u32 $0x7F, s2;
	s3 =	sadd.s32 s21, s18  }
0x4f4: {  	s2 =	sor.u32 s2, s3;
	v2 =	vld [tilespmem:s0+$0x10D90];
	[tilespmem:s0+$0xA980] =	vst v1  }
0x4f5: {  	v1 =	vld [tilespmem:s2+$0x0];
	_ =	sdelay $0x4  }
0x4f6: {  	s22 =	sadd.s32 $0x4600, s0;
	s23 =	sand.u32 $0xFFFFFF80, s1;
	(v2sf) =	vpush v0, $0xF;
	v0 =	vadd.f32 v2, v1  }
0x4f7: {  	s24 =	sand.u32 $0x7F, s1;
	s3 =	sadd.s32 s23, s22  }
0x4f8: {  	s3 =	sor.u32 s24, s3;
	v1 =	vld [tilespmem:s0+$0x10E00];
	[tilespmem:s0+$0xA990] =	vst v0  }
0x4f9: {  	v0 =	vld [tilespmem:s3+$0x0];
	_ =	sdelay $0x3  }
0x4fa: {  	s1 =	sadd.s32 $0x10, s1  }
0x4fb: {  	s25 =	sand.u32 $0xFFFFFF80, s1;
	v0 =	vadd.f32 v1, v0  }
0x4fc: {  	s1 =	sand.u32 $0x7F, s1;
	s2 =	sadd.s32 s25, s22  }
0x4fd: {  	s1 =	sor.u32 s1, s2;
	v1 =	vld [tilespmem:s0+$0x10E10];
	[tilespmem:s0+$0xAA00] =	vst v0  }
0x4fe: {  	v0 =	vld [tilespmem:s1+$0x0];
	_ =	sdelay $0x3  }
0x4ff: {  	s26 =	spop (v2sf)  }
0x500: {  	s28 =	sadd.s32 $0x4680, s0;
	s29 =	sand.u32 $0xFFFFFF80, s26;
	v0 =	vadd.f32 v1, v0  }
0x501: {  	s30 =	sand.u32 $0x7F, s26;
	s3 =	sadd.s32 s29, s28  }
0x502: {  	s3 =	sor.u32 s30, s3;
	v1 =	vld [tilespmem:s0+$0x10E80];
	[tilespmem:s0+$0xAA10] =	vst v0  }
0x503: {  	v0 =	vld [tilespmem:s3+$0x0];
	_ =	sdelay $0x2  }
0x504: {  	s1 =	sadd.s32 $0x10, s26  }
0x505: {  	s31 =	sand.u32 $0xFFFFFF80, s1  }
0x506: {  	s2 =	simm.s32 $0x10;
	s12 =	sand.u32 $0x7F, s1;
	s22 =	sadd.s32 s31, s28;
	v0 =	vadd.f32 v1, v0  }
.LBB2_9:
0x507: {  	_ = 	snop  }
0x508: {  	s23 =	sor.u32 s12, s22;
	[tilespmem:s0+$0xAA80] =	vst v0;
	v0 =	vld [tilespmem:s0+$0x10E90]  }
0x509: {  	v1 =	vld [tilespmem:s23+$0x0];
	_ =	sdelay $0x4  }
0x50a: {  	v0 =	vadd.f32 v0, v1  }
0x50b: {  	s1 =	smov.u32 s2  }
0x50c: {  	s1 =	smin.u32 s1, $0x18;
	[tilespmem:s0+$0xAA90] =	vst v0  }
0x50d: {  	v0 =	vld [tilespmem:s1+$0x278];
	_ =	sdelay $0x4  }
0x50e: {  	(v2sf) =	vpush v0, $0x0  }
0x50f: {  	(v2sf) =	vpush v0, $0x2;
	_ =	sdelay $0x1  }
0x510: {  	(v2sf) =	vpush v0, $0xE;
	_ =	sdelay $0x1  }
0x511: {  	(v2sf) =	vpush v0, $0x3  }
0x512: {  	(v2sf) =	vpush v0, $0x1;
	_ =	sdelay $0x1  }
0x513: {  	(v2sf) =	vpush v0, $0x4;
	_ =	sdelay $0x1  }
0x514: {  	p0 =	sne.s32 s2, $0x20;
	s21 =	sadd.s32 $0x10, s2;
	s0 =	sshll.u32 s1, $0x7  }
0x515: {  	[dreg:$0x3] =	wrdreg s21;
	s9 =	sadd.s32 $0x4380, s0;
	s12 =	sadd.s32 $0x4400, s0;
	(v2sf) =	vpush v0, $0x5  }
0x516: {  	s24 =	sadd.s32 $0x3F00, s0;
	s19 =	sadd.s32 $0x4180, s0;
	s14 =	sadd.s32 $0x4200, s0  }
0x517: {  	s13 =	sor.u32 $0x4000, s0;
	s29 =	sadd.s32 $0x4300, s0;
	s3 =	sadd.s32 $0x4480, s0;
	(v2sf) =	vpush v0, $0x6  }
0x518: {  	s8 =	sadd.s32 $0x3C00, s0;
	s16 =	sadd.s32 $0x3F80, s0;
	s4 =	sadd.s32 $0x4500, s0  }
0x519: {  	s10 =	sadd.s32 $0x4580, s0;
	[smem:$0x7A5] =	sst s16;
	s5 =	spop (v2sf)  }
0x51a: {  	(v2sf) =	vpush v0, $0x7;
	s6 =	sand.u32 $0xFFFFFF80, s5;
	s15 =	sadd.s32 $0x10, s5;
	s22 =	spop (v2sf)  }
0x51b: {  	s5 =	sand.u32 $0x7F, s5;
	s6 =	sadd.s32 s6, s24;
	s25 =	sand.u32 $0xFFFFFF80, s15  }
0x51c: {  	s26 =	spop (v2sf);
	s28 =	sand.u32 $0xFFFFFF80, s22;
	s15 =	sand.u32 $0x7F, s15  }
0x51d: {  	s5 =	sor.u32 s5, s6;
	[smem:$0x79B] =	sst s26;
	s18 =	sadd.s32 s25, s24  }
0x51e: {  	s25 =	sadd.s32 $0x4080, s0;
	s11 =	spop (v2sf);
	s30 =	sadd.s32 s28, s13  }
0x51f: {  	v1 =	vld [tilespmem:s8+$0xCB00];
	s26 =	sadd.s32 $0x4100, s0;
	s21 =	spop (v2sf);
	[smem:$0x79C] =	sst s30  }
0x520: {  	(v2sf) =	vpush v0, $0x8;
	v2 =	vld [tilespmem:s5+$0x0];
	s17 =	sand.u32 $0xFFFFFF80, s11;
	s18 =	sor.u32 s15, s18;
	s7 =	sand.u32 $0xFFFFFF80, s21  }
0x521: {  	(v2sf) =	vpush v0, $0x9;
	s2 =	sadd.s32 $0x10, s21;
	s28 =	spop (v2sf);
	s6 =	sadd.s32 s17, s25  }
0x522: {  	s17 =	sadd.s32 $0x10, s11;
	s21 =	sand.u32 $0x7F, s21;
	s24 =	sadd.s32 s7, s16  }
0x523: {  	s1 =	sand.u32 $0xFFFFFF80, s2;
	s7 =	sadd.s32 $0x10, s22;
	[smem:$0x79D] =	sst s6  }
0x524: {  	s23 =	spop (v2sf);
	s20 =	sand.u32 $0xFFFFFF80, s28;
	s2 =	sand.u32 $0x7F, s2  }
0x525: {  	(v2sf) =	vpush v0, $0xA;
	s5 =	sadd.s32 s1, s16;
	s30 =	sand.u32 $0xFFFFFF80, s7;
	s16 =	sand.u32 $0xFFFFFF80, s17;
	v1 =	vadd.f32 v1, v2  }
0x526: {  	s15 =	spop (v2sf);
	s21 =	sor.u32 s21, s24;
	s13 =	sadd.s32 s30, s13  }
0x527: {  	s30 =	sadd.s32 $0x10, s28;
	s1 =	sand.u32 $0xFFFFFF80, s15;
	s2 =	sor.u32 s2, s5;
	[tilespmem:s0+$0xA300] =	vst v1  }
0x528: {  	s5 =	sld [smem:$0x79B];
	s6 =	sand.u32 $0xFFFFFF80, s30;
	v1 =	vld [tilespmem:s18+$0x0];
	s18 =	sadd.s32 s16, s25  }
0x529: {  	(v2sf) =	vpush v0, $0xB;
	v2 =	vld [tilespmem:s8+$0xCB10];
	s25 =	sadd.s32 s20, s26;
	s8 =	spop (v2sf);
	s20 =	sand.u32 $0xFFFFFF80, s23  }
0x52a: {  	(v2sf) =	vpush v0, $0xC;
	s16 =	sadd.s32 s6, s26;
	[smem:$0x79E] =	sst s25;
	s26 =	sadd.s32 s20, s19  }
0x52b: {  	s6 =	sadd.s32 s1, s14;
	[smem:$0x7A0] =	sst s26;
	s26 =	sadd.s32 $0x10, s23  }
0x52c: {  	[smem:$0x79F] =	sst s16;
	s16 =	sadd.s32 $0x4280, s0;
	s20 =	sand.u32 $0xFFFFFF80, s26  }
0x52d: {  	[smem:$0x7A2] =	sst s6;
	s1 =	sand.u32 $0xFFFFFF80, s8;
	s25 =	sadd.s32 s20, s19  }
0x52e: {  	(v2sf) =	vpush v0, $0xD;
	s19 =	sadd.s32 $0x10, s15;
	s20 =	sadd.s32 s1, s16;
	[smem:$0x7A1] =	sst s25  }
0x52f: {  	s6 =	spop (v2sf);
	v1 =	vadd.f32 v2, v1;
	s25 =	sand.u32 $0xFFFFFF80, s19;
	[smem:$0x7A4] =	sst s20  }
0x530: {  	s20 =	spop (v2sf);
	s25 =	sadd.s32 s25, s14;
	s14 =	sadd.s32 $0x10, s8  }
0x531: {  	[smem:$0x7A3] =	sst s25;
	[tilespmem:s0+$0xA310] =	vst v1;
	s1 =	sand.u32 $0xFFFFFF80, s14;
	s25 =	sadd.s32 $0x10, s6  }
0x532: {  	(v2sf) =	vpush v0, $0xF;
	v0 =	vld [tilespmem:s21+$0x0];
	s16 =	sadd.s32 s1, s16;
	s21 =	sand.u32 $0xFFFFFF80, s6;
	[smem:$0x7A8] =	sst s25  }
0x533: {  	s1 =	sand.u32 $0xFFFFFF80, s25;
	[smem:$0x7A6] =	sst s16;
	s16 =	sadd.s32 s21, s29  }
0x534: {  	s24 =	spop (v2sf);
	s1 =	sadd.s32 s1, s29;
	[smem:$0x7A7] =	sst s16  }
0x535: {  	s25 =	sand.u32 $0xFFFFFF80, s20;
	s29 =	sadd.s32 $0x10, s20;
	[smem:$0x7A9] =	sst s1  }
0x536: {  	v3 =	vld [tilespmem:s0+$0x10780];
	[smem:$0x7AB] =	sst s29;
	s16 =	sadd.s32 s25, s9;
	s25 =	sand.u32 $0xFFFFFF80, s29  }
0x537: {  	s29 =	sand.u32 $0xFFFFFF80, s24;
	[smem:$0x7AA] =	sst s16;
	s1 =	sadd.s32 s25, s9  }
0x538: {  	s21 =	spop (v2sf);
	s25 =	sadd.s32 s29, s12;
	[smem:$0x7AC] =	sst s1  }
0x539: {  	s9 =	spop (v2sf);
	s29 =	sadd.s32 $0x10, s24;
	[smem:$0x7AD] =	sst s25  }
0x53a: {  	[smem:$0x7AE] =	sst s29;
	s1 =	sadd.s32 $0x10, s21;
	s25 =	sand.u32 $0xFFFFFF80, s29  }
0x53b: {  	s16 =	sand.u32 $0xFFFFFF80, s21;
	v0 =	vadd.f32 v3, v0;
	[smem:$0x7B1] =	sst s1;
	s12 =	sadd.s32 s25, s12  }
0x53c: {  	s25 =	sadd.s32 s16, s3;
	[smem:$0x7AF] =	sst s12;
	s12 =	sand.u32 $0xFFFFFF80, s9  }
0x53d: {  	s29 =	spop (v2sf);
	[smem:$0x7B0] =	sst s25;
	[tilespmem:s0+$0xA380] =	vst v0;
	s16 =	sadd.s32 s12, s4  }
0x53e: {  	s25 =	sadd.s32 $0x10, s9;
	v0 =	vld [tilespmem:s2+$0x0];
	s2 =	sand.u32 $0xFFFFFF80, s1;
	[smem:$0x7B3] =	sst s16  }
0x53f: {  	s16 =	sadd.s32 $0x10, s29;
	s1 =	sadd.s32 s2, s3;
	s2 =	sand.u32 $0xFFFFFF80, s25  }
0x540: {  	v1 =	vld [tilespmem:s0+$0x10790];
	s3 =	sand.u32 $0xFFFFFF80, s29;
	[smem:$0x7B2] =	sst s1;
	s1 =	sadd.s32 s2, s4  }
0x541: {  	s4 =	sand.u32 $0xFFFFFF80, s16;
	[smem:$0x7B4] =	sst s1;
	s1 =	sadd.s32 s3, s10  }
0x542: {  	[smem:$0x7B5] =	sst s1;
	s1 =	sadd.s32 s4, s10;
	s10 =	sadd.s32 $0x10, s5  }
0x543: {  	s31 =	sadd.s32 $0x4600, s0;
	s12 =	sand.u32 $0xFFFFFF80, s5;
	s4 =	sand.u32 $0xFFFFFF80, s10  }
0x544: {  	s3 =	sadd.s32 s12, s31;
	s2 =	sadd.s32 s4, s31;
	s31 =	sld [smem:$0x79C]  }
0x545: {  	v0 =	vadd.f32 v1, v0  }
0x546: {  	s12 =	sand.u32 $0x7F, s22  }
0x547: {  	v2 =	vld [tilespmem:s0+$0x10800];
	[tilespmem:s0+$0xA390] =	vst v0;
	s4 =	sor.u32 s12, s31  }
0x548: {  	v0 =	vld [tilespmem:s4+$0x0];
	_ =	sdelay $0x4  }
0x549: {  	v0 =	vadd.f32 v2, v0  }
0x54a: {  	s7 =	sand.u32 $0x7F, s7  }
0x54b: {  	v1 =	vld [tilespmem:s0+$0x10810];
	[dreg:$0x11] =	wrdreg s2;
	s2 =	sor.u32 s7, s13;
	[tilespmem:s0+$0xA400] =	vst v0  }
0x54c: {  	v0 =	vld [tilespmem:s2+$0x0];
	_ =	sdelay $0x3  }
0x54d: {  	s13 =	sld [smem:$0x79D]  }
0x54e: {  	v0 =	vadd.f32 v1, v0  }
0x54f: {  	s11 =	sand.u32 $0x7F, s11  }
0x550: {  	v2 =	vld [tilespmem:s0+$0x10880];
	s2 =	sor.u32 s11, s13;
	[tilespmem:s0+$0xA410] =	vst v0  }
0x551: {  	v0 =	vld [tilespmem:s2+$0x0];
	_ =	sdelay $0x1  }
0x552: {  	[smem:$0x7B6] =	sst s3  }
0x553: {  	[dreg:$0x16] =	wrdreg s1;
	s1 =	spop (v2sf)  }
0x554: {  	s3 =	sadd.s32 $0x4680, s0;
	s22 =	sand.u32 $0xFFFFFF80, s1;
	s12 =	sadd.s32 $0x10, s1  }
0x555: {  	s31 =	sadd.s32 s22, s3;
	s22 =	sand.u32 $0xFFFFFF80, s12;
	v0 =	vadd.f32 v2, v0  }
0x556: {  	s22 =	sadd.s32 s22, s3;
	s3 =	sand.u32 $0x7F, s17  }
0x557: {  	v1 =	vld [tilespmem:s0+$0x10890];
	s2 =	sor.u32 s3, s18;
	[tilespmem:s0+$0xA480] =	vst v0  }
0x558: {  	v0 =	vld [tilespmem:s2+$0x0];
	_ =	sdelay $0x3  }
0x559: {  	s7 =	sld [smem:$0x79E]  }
0x55a: {  	v0 =	vadd.f32 v1, v0  }
0x55b: {  	s4 =	sand.u32 $0x7F, s28  }
0x55c: {  	v2 =	vld [tilespmem:s0+$0x10900];
	s2 =	sor.u32 s4, s7;
	[tilespmem:s0+$0xA490] =	vst v0  }
0x55d: {  	v0 =	vld [tilespmem:s2+$0x0];
	_ =	sdelay $0x3  }
0x55e: {  	s13 =	sld [smem:$0x79F]  }
0x55f: {  	v0 =	vadd.f32 v2, v0  }
0x560: {  	s11 =	sand.u32 $0x7F, s30  }
0x561: {  	v1 =	vld [tilespmem:s0+$0x10910];
	s2 =	sor.u32 s11, s13;
	[tilespmem:s0+$0xA500] =	vst v0  }
0x562: {  	v0 =	vld [tilespmem:s2+$0x0];
	_ =	sdelay $0x3  }
0x563: {  	s18 =	sld [smem:$0x7A0]  }
0x564: {  	v0 =	vadd.f32 v1, v0  }
0x565: {  	s17 =	sand.u32 $0x7F, s23  }
0x566: {  	v2 =	vld [tilespmem:s0+$0x10980];
	s2 =	sor.u32 s17, s18;
	[tilespmem:s0+$0xA510] =	vst v0  }
0x567: {  	v0 =	vld [tilespmem:s2+$0x0];
	_ =	sdelay $0x3  }
0x568: {  	s23 =	sand.u32 $0x7F, s26;
	s26 =	sld [smem:$0x7A1]  }
0x569: {  	v0 =	vadd.f32 v2, v0;
	_ =	sdelay $0x1  }
0x56a: {  	v1 =	vld [tilespmem:s0+$0x10990];
	s2 =	sor.u32 s23, s26;
	[tilespmem:s0+$0xA580] =	vst v0  }
0x56b: {  	v0 =	vld [tilespmem:s2+$0x0];
	_ =	sdelay $0x3  }
0x56c: {  	s30 =	sld [smem:$0x7A2]  }
0x56d: {  	v0 =	vadd.f32 v1, v0  }
0x56e: {  	s28 =	sand.u32 $0x7F, s15  }
0x56f: {  	v2 =	vld [tilespmem:s0+$0x10A00];
	s2 =	sor.u32 s28, s30;
	[tilespmem:s0+$0xA590] =	vst v0  }
0x570: {  	v0 =	vld [tilespmem:s2+$0x0];
	_ =	sdelay $0x3  }
0x571: {  	s4 =	sld [smem:$0x7A3]  }
0x572: {  	v0 =	vadd.f32 v2, v0  }
0x573: {  	s3 =	sand.u32 $0x7F, s19  }
0x574: {  	v1 =	vld [tilespmem:s0+$0x10A10];
	s2 =	sor.u32 s3, s4;
	[tilespmem:s0+$0xA600] =	vst v0  }
0x575: {  	v0 =	vld [tilespmem:s2+$0x0];
	_ =	sdelay $0x3  }
0x576: {  	s7 =	sand.u32 $0x7F, s8;
	s8 =	sld [smem:$0x7A4]  }
0x577: {  	v0 =	vadd.f32 v1, v0  }
0x578: {  	s11 =	sld [smem:$0x7A5]  }
0x579: {  	s2 =	sor.u32 s7, s8;
	[tilespmem:s0+$0xA610] =	vst v0  }
0x57a: {  	v0 =	vld [tilespmem:s2+$0x0]  }
0x57b: {  	v1 =	vld [tilespmem:s11+$0xCB00];
	_ =	sdelay $0x3  }
0x57c: {  	s13 =	sand.u32 $0x7F, s14;
	s14 =	sld [smem:$0x7A6]  }
0x57d: {  	v0 =	vadd.f32 v1, v0;
	_ =	sdelay $0x1  }
0x57e: {  	v2 =	vld [tilespmem:s0+$0x10A90];
	s2 =	sor.u32 s13, s14;
	[tilespmem:s0+$0xA680] =	vst v0  }
0x57f: {  	v0 =	vld [tilespmem:s2+$0x0];
	_ =	sdelay $0x3  }
0x580: {  	s17 =	sld [smem:$0x7A7]  }
0x581: {  	v0 =	vadd.f32 v2, v0  }
0x582: {  	s15 =	sand.u32 $0x7F, s6  }
0x583: {  	v1 =	vld [tilespmem:s0+$0x10B00];
	s2 =	sor.u32 s15, s17;
	[tilespmem:s0+$0xA690] =	vst v0  }
0x584: {  	v0 =	vld [tilespmem:s2+$0x0];
	_ =	sdelay $0x2  }
0x585: {  	s18 =	sld [smem:$0x7A8]  }
0x586: {  	s19 =	sld [smem:$0x7A9]  }
0x587: {  	v0 =	vadd.f32 v1, v0  }
0x588: {  	s2 =	sand.u32 $0x7F, s18  }
0x589: {  	v2 =	vld [tilespmem:s0+$0x10B10];
	s2 =	sor.u32 s2, s19;
	[tilespmem:s0+$0xA700] =	vst v0  }
0x58a: {  	v0 =	vld [tilespmem:s2+$0x0];
	_ =	sdelay $0x3  }
0x58b: {  	s26 =	sld [smem:$0x7AA]  }
0x58c: {  	v0 =	vadd.f32 v2, v0  }
0x58d: {  	s23 =	sand.u32 $0x7F, s20  }
0x58e: {  	v1 =	vld [tilespmem:s0+$0x10B80];
	s2 =	sor.u32 s23, s26;
	[tilespmem:s0+$0xA710] =	vst v0  }
0x58f: {  	v0 =	vld [tilespmem:s2+$0x0];
	_ =	sdelay $0x2  }
0x590: {  	s28 =	sld [smem:$0x7AB]  }
0x591: {  	s30 =	sld [smem:$0x7AC]  }
0x592: {  	v0 =	vadd.f32 v1, v0  }
0x593: {  	s2 =	sand.u32 $0x7F, s28  }
0x594: {  	v2 =	vld [tilespmem:s0+$0x10B90];
	s2 =	sor.u32 s2, s30;
	[tilespmem:s0+$0xA780] =	vst v0  }
0x595: {  	v0 =	vld [tilespmem:s2+$0x0];
	_ =	sdelay $0x3  }
0x596: {  	s6 =	sld [smem:$0x7AD]  }
0x597: {  	v0 =	vadd.f32 v2, v0  }
0x598: {  	s4 =	sand.u32 $0x7F, s24  }
0x599: {  	v1 =	vld [tilespmem:s0+$0x10C00];
	s2 =	sor.u32 s4, s6;
	[tilespmem:s0+$0xA790] =	vst v0  }
0x59a: {  	v0 =	vld [tilespmem:s2+$0x0];
	_ =	sdelay $0x2  }
0x59b: {  	s7 =	sld [smem:$0x7AE]  }
0x59c: {  	s8 =	sld [smem:$0x7AF]  }
0x59d: {  	v0 =	vadd.f32 v1, v0  }
0x59e: {  	s2 =	sand.u32 $0x7F, s7  }
0x59f: {  	v2 =	vld [tilespmem:s0+$0x10C10];
	s2 =	sor.u32 s2, s8;
	[tilespmem:s0+$0xA800] =	vst v0  }
0x5a0: {  	v0 =	vld [tilespmem:s2+$0x0];
	_ =	sdelay $0x3  }
0x5a1: {  	s13 =	sld [smem:$0x7B0]  }
0x5a2: {  	v0 =	vadd.f32 v2, v0  }
0x5a3: {  	s11 =	sand.u32 $0x7F, s21  }
0x5a4: {  	v1 =	vld [tilespmem:s0+$0x10C80];
	s2 =	sor.u32 s11, s13;
	[tilespmem:s0+$0xA810] =	vst v0  }
0x5a5: {  	v0 =	vld [tilespmem:s2+$0x0];
	_ =	sdelay $0x2  }
0x5a6: {  	s14 =	sld [smem:$0x7B1]  }
0x5a7: {  	s15 =	sld [smem:$0x7B2]  }
0x5a8: {  	v0 =	vadd.f32 v1, v0  }
0x5a9: {  	s2 =	sand.u32 $0x7F, s14  }
0x5aa: {  	v2 =	vld [tilespmem:s0+$0x10C90];
	s2 =	sor.u32 s2, s15;
	[tilespmem:s0+$0xA880] =	vst v0  }
0x5ab: {  	v0 =	vld [tilespmem:s2+$0x0];
	_ =	sdelay $0x3  }
0x5ac: {  	s18 =	sld [smem:$0x7B3]  }
0x5ad: {  	v0 =	vadd.f32 v2, v0  }
0x5ae: {  	s17 =	sand.u32 $0x7F, s9  }
0x5af: {  	v1 =	vld [tilespmem:s0+$0x10D00];
	s2 =	sor.u32 s17, s18;
	[tilespmem:s0+$0xA890] =	vst v0  }
0x5b0: {  	v0 =	vld [tilespmem:s2+$0x0];
	_ =	sdelay $0x3  }
0x5b1: {  	s20 =	sld [smem:$0x7B4]  }
0x5b2: {  	v0 =	vadd.f32 v1, v0  }
0x5b3: {  	s19 =	sand.u32 $0x7F, s25  }
0x5b4: {  	v2 =	vld [tilespmem:s0+$0x10D10];
	s2 =	sor.u32 s19, s20;
	[tilespmem:s0+$0xA900] =	vst v0  }
0x5b5: {  	v0 =	vld [tilespmem:s2+$0x0];
	_ =	sdelay $0x3  }
0x5b6: {  	s23 =	sld [smem:$0x7B5]  }
0x5b7: {  	v0 =	vadd.f32 v2, v0  }
0x5b8: {  	s21 =	sand.u32 $0x7F, s29  }
0x5b9: {  	v1 =	vld [tilespmem:s0+$0x10D80];
	s2 =	sor.u32 s21, s23;
	[tilespmem:s0+$0xA910] =	vst v0  }
0x5ba: {  	v0 =	vld [tilespmem:s2+$0x0];
	_ =	sdelay $0x4  }
0x5bb: {  	v0 =	vadd.f32 v1, v0  }
0x5bc: {  	s24 =	sand.u32 $0x7F, s16;
	s25 =	rddreg [dreg:$0x16]  }
0x5bd: {  	v2 =	vld [tilespmem:s0+$0x10D90];
	s2 =	sor.u32 s24, s25;
	[tilespmem:s0+$0xA980] =	vst v0  }
0x5be: {  	v0 =	vld [tilespmem:s2+$0x0];
	_ =	sdelay $0x3  }
0x5bf: {  	s28 =	sld [smem:$0x7B6]  }
0x5c0: {  	v0 =	vadd.f32 v2, v0  }
0x5c1: {  	s26 =	sand.u32 $0x7F, s5  }
0x5c2: {  	v1 =	vld [tilespmem:s0+$0x10E00];
	s2 =	sor.u32 s26, s28;
	[tilespmem:s0+$0xA990] =	vst v0  }
0x5c3: {  	v0 =	vld [tilespmem:s2+$0x0];
	_ =	sdelay $0x4  }
0x5c4: {  	v0 =	vadd.f32 v1, v0  }
0x5c5: {  	s29 =	sand.u32 $0x7F, s10;
	s30 =	rddreg [dreg:$0x11]  }
0x5c6: {  	s2 =	sor.u32 s29, s30;
	v1 =	vld [tilespmem:s0+$0x10E10];
	[tilespmem:s0+$0xAA00] =	vst v0  }
0x5c7: {  	v0 =	vld [tilespmem:s2+$0x0];
	_ =	sdelay $0x4  }
0x5c8: {  	v0 =	vadd.f32 v1, v0  }
0x5c9: {  	s1 =	sand.u32 $0x7F, s1  }
0x5ca: {  	s1 =	sor.u32 s1, s31;
	v1 =	vld [tilespmem:s0+$0x10E80];
	[tilespmem:s0+$0xAA10] =	vst v0  }
0x5cb: {  	v0 =	vld [tilespmem:s1+$0x0]  }
.Ltmp3:
0x5cc: {  	_ = 	snop;
	(pc) =	sbr.rel @p0 .LBB2_9-.Ltmp3, $2  }
0x5cd: {  	_ =	sdelay $0x2  }
0x5ce: {  	s12 =	sand.u32 $0x7F, s12;
	s2 =	rddreg [dreg:$0x3];
	v0 =	vadd.f32 v1, v0  }
0x5cf: {  	_ = 	snop  }
0x5d0: {  	s1 =	sor.u32 s12, s22;
	[tilespmem:s0+$0xAA80] =	vst v0;
	v0 =	vld [tilespmem:s0+$0x10E90]  }
0x5d1: {  	v1 =	vld [tilespmem:s1+$0x0];
	_ =	sdelay $0x4  }
0x5d2: {  	v0 =	vadd.f32 v0, v1;
	_ =	sdelay $0x1  }
0x5d3: {  	s7 =	simm.s32 $0x5;
	[tilespmem:s0+$0xAA90] =	vst v0  }
0x5d4: {  	_ =	swait.ge [sflag:s7], $0x1400  }
0x5d5: {  	s8 =	simm.s32 $0x0;
	[sflag:s7] =	ssyncset.done $0x0  }
0x5d6: {  	s0 =	smin.u32 s8, $0x18;
	[sflag:s7] =	ssyncadd.s32 $0xFFFFEC00  }
0x5d7: {  	v0 =	vld [tilespmem:s0+$0x2A0];
	_ =	sdelay $0x4  }
0x5d8: {  	(v2sf) =	vpush v0, $0x0;
	_ =	sdelay $0xe  }
0x5d9: {  	s0 =	sshll.u32 s0, $0x7;
	s9 =	spop (v2sf)  }
0x5da: {  	s2 =	sadd.s32 $0x5300, s0;
	(v2sf) =	vpush v0, $0x1;
	s3 =	sand.u32 $0xFFFFFF80, s9  }
0x5db: {  	s4 =	sand.u32 $0x7F, s9;
	s3 =	sadd.s32 s3, s2  }
0x5dc: {  	v1 =	vld [tilespmem:s0+$0x11B00];
	s3 =	sor.u32 s4, s3  }
0x5dd: {  	v2 =	vld [tilespmem:s3+$0x0];
	_ =	sdelay $0x3  }
0x5de: {  	s1 =	sadd.s32 $0x10, s9  }
0x5df: {  	s10 =	sand.u32 $0xFFFFFF80, s1;
	v1 =	vadd.f32 v1, v2  }
0x5e0: {  	s1 =	sand.u32 $0x7F, s1;
	s2 =	sadd.s32 s10, s2  }
0x5e1: {  	s1 =	sor.u32 s1, s2;
	[tilespmem:s0+$0xB700] =	vst v1;
	v1 =	vld [tilespmem:s0+$0x11B10]  }
0x5e2: {  	v2 =	vld [tilespmem:s1+$0x0];
	_ =	sdelay $0x3  }
0x5e3: {  	s11 =	spop (v2sf)  }
0x5e4: {  	s12 =	sadd.s32 $0x5380, s0;
	(v2sf) =	vpush v0, $0x2;
	s13 =	sand.u32 $0xFFFFFF80, s11;
	v1 =	vadd.f32 v1, v2  }
0x5e5: {  	s14 =	sand.u32 $0x7F, s11;
	s3 =	sadd.s32 s13, s12  }
0x5e6: {  	s3 =	sor.u32 s14, s3;
	[tilespmem:s0+$0xB710] =	vst v1;
	v1 =	vld [tilespmem:s0+$0x11B80]  }
0x5e7: {  	v2 =	vld [tilespmem:s3+$0x0];
	_ =	sdelay $0x3  }
0x5e8: {  	s1 =	sadd.s32 $0x10, s11  }
0x5e9: {  	s15 =	sand.u32 $0xFFFFFF80, s1;
	v1 =	vadd.f32 v1, v2  }
0x5ea: {  	s1 =	sand.u32 $0x7F, s1;
	s2 =	sadd.s32 s15, s12  }
0x5eb: {  	s1 =	sor.u32 s1, s2;
	[tilespmem:s0+$0xB780] =	vst v1;
	v1 =	vld [tilespmem:s0+$0x11B90]  }
0x5ec: {  	v2 =	vld [tilespmem:s1+$0x0];
	_ =	sdelay $0x3  }
0x5ed: {  	s16 =	spop (v2sf)  }
0x5ee: {  	s17 =	sadd.s32 $0x5400, s0;
	(v2sf) =	vpush v0, $0x3;
	s18 =	sand.u32 $0xFFFFFF80, s16;
	v1 =	vadd.f32 v1, v2  }
0x5ef: {  	s19 =	sand.u32 $0x7F, s16;
	s3 =	sadd.s32 s18, s17  }
0x5f0: {  	s3 =	sor.u32 s19, s3;
	[tilespmem:s0+$0xB790] =	vst v1;
	v1 =	vld [tilespmem:s0+$0x11C00]  }
0x5f1: {  	v2 =	vld [tilespmem:s3+$0x0];
	_ =	sdelay $0x3  }
0x5f2: {  	s2 =	sadd.s32 $0x10, s16  }
0x5f3: {  	s20 =	sand.u32 $0xFFFFFF80, s2;
	v1 =	vadd.f32 v1, v2  }
0x5f4: {  	s2 =	sand.u32 $0x7F, s2;
	s3 =	sadd.s32 s20, s17  }
0x5f5: {  	s2 =	sor.u32 s2, s3;
	[tilespmem:s0+$0xB800] =	vst v1;
	v1 =	vld [tilespmem:s0+$0x11C10]  }
0x5f6: {  	v2 =	vld [tilespmem:s2+$0x0];
	_ =	sdelay $0x3  }
0x5f7: {  	s21 =	spop (v2sf)  }
0x5f8: {  	s6 =	sadd.s32 $0x5480, s0;
	(v2sf) =	vpush v0, $0x4;
	s22 =	sand.u32 $0xFFFFFF80, s21;
	v1 =	vadd.f32 v1, v2  }
0x5f9: {  	s23 =	sand.u32 $0x7F, s21;
	s3 =	sadd.s32 s22, s6  }
0x5fa: {  	s3 =	sor.u32 s23, s3;
	[tilespmem:s0+$0xB810] =	vst v1;
	v1 =	vld [tilespmem:s0+$0x11C80]  }
0x5fb: {  	v2 =	vld [tilespmem:s3+$0x0];
	_ =	sdelay $0x3  }
0x5fc: {  	s2 =	sadd.s32 $0x10, s21  }
0x5fd: {  	s24 =	sand.u32 $0xFFFFFF80, s2;
	v1 =	vadd.f32 v1, v2  }
0x5fe: {  	s2 =	sand.u32 $0x7F, s2;
	s3 =	sadd.s32 s24, s6  }
0x5ff: {  	s2 =	sor.u32 s2, s3;
	[tilespmem:s0+$0xB880] =	vst v1;
	v1 =	vld [tilespmem:s0+$0x11C90]  }
0x600: {  	v2 =	vld [tilespmem:s2+$0x0];
	_ =	sdelay $0x3  }
0x601: {  	s25 =	spop (v2sf)  }
0x602: {  	s2 =	sadd.s32 $0x5500, s0;
	(v2sf) =	vpush v0, $0x5;
	s26 =	sand.u32 $0xFFFFFF80, s25;
	v1 =	vadd.f32 v1, v2  }
0x603: {  	s5 =	sand.u32 $0x7F, s25;
	s4 =	sadd.s32 s26, s2  }
0x604: {  	s4 =	sor.u32 s5, s4;
	[tilespmem:s0+$0xB890] =	vst v1;
	v1 =	vld [tilespmem:s0+$0x11D00]  }
0x605: {  	v2 =	vld [tilespmem:s4+$0x0];
	_ =	sdelay $0x3  }
0x606: {  	s3 =	sadd.s32 $0x10, s25  }
0x607: {  	s28 =	sand.u32 $0xFFFFFF80, s3;
	v1 =	vadd.f32 v1, v2  }
0x608: {  	s3 =	sand.u32 $0x7F, s3;
	s4 =	sadd.s32 s28, s2  }
0x609: {  	s3 =	sor.u32 s3, s4;
	[tilespmem:s0+$0xB900] =	vst v1;
	v1 =	vld [tilespmem:s0+$0x11D10]  }
0x60a: {  	v2 =	vld [tilespmem:s3+$0x0];
	_ =	sdelay $0x3  }
0x60b: {  	s29 =	spop (v2sf)  }
0x60c: {  	s7 =	sadd.s32 $0x5580, s0;
	(v2sf) =	vpush v0, $0x6;
	s30 =	sand.u32 $0xFFFFFF80, s29;
	v1 =	vadd.f32 v1, v2  }
0x60d: {  	s31 =	sand.u32 $0x7F, s29;
	s4 =	sadd.s32 s30, s7  }
0x60e: {  	s4 =	sor.u32 s31, s4;
	[tilespmem:s0+$0xB910] =	vst v1;
	v1 =	vld [tilespmem:s0+$0x11D80]  }
0x60f: {  	v2 =	vld [tilespmem:s4+$0x0];
	_ =	sdelay $0x3  }
0x610: {  	s3 =	sadd.s32 $0x10, s29  }
0x611: {  	s8 =	sand.u32 $0xFFFFFF80, s3;
	v1 =	vadd.f32 v1, v2  }
0x612: {  	s3 =	sand.u32 $0x7F, s3;
	s4 =	sadd.s32 s8, s7  }
0x613: {  	s3 =	sor.u32 s3, s4;
	[tilespmem:s0+$0xB980] =	vst v1;
	v1 =	vld [tilespmem:s0+$0x11D90]  }
0x614: {  	v2 =	vld [tilespmem:s3+$0x0];
	_ =	sdelay $0x3  }
0x615: {  	s9 =	spop (v2sf)  }
0x616: {  	s4 =	sadd.s32 $0x5600, s0;
	(v2sf) =	vpush v0, $0x7;
	s10 =	sand.u32 $0xFFFFFF80, s9;
	v1 =	vadd.f32 v1, v2  }
0x617: {  	s8 =	sand.u32 $0x7F, s9;
	s5 =	sadd.s32 s10, s4  }
0x618: {  	s5 =	sor.u32 s8, s5;
	[tilespmem:s0+$0xB990] =	vst v1;
	v1 =	vld [tilespmem:s0+$0x11E00]  }
0x619: {  	v2 =	vld [tilespmem:s5+$0x0];
	_ =	sdelay $0x3  }
0x61a: {  	s3 =	sadd.s32 $0x10, s9  }
0x61b: {  	s11 =	sand.u32 $0xFFFFFF80, s3;
	v1 =	vadd.f32 v1, v2  }
0x61c: {  	s3 =	sand.u32 $0x7F, s3;
	s5 =	sadd.s32 s11, s4  }
0x61d: {  	s3 =	sor.u32 s3, s5;
	[tilespmem:s0+$0xBA00] =	vst v1;
	v1 =	vld [tilespmem:s0+$0x11E10]  }
0x61e: {  	v2 =	vld [tilespmem:s3+$0x0];
	_ =	sdelay $0x3  }
0x61f: {  	s12 =	spop (v2sf)  }
0x620: {  	(v2sf) =	vpush v0, $0x8;
	s13 =	sand.u32 $0xFFFFFF80, s12;
	s3 =	sadd.s32 $0x5680, s0;
	v1 =	vadd.f32 v1, v2  }
0x621: {  	s9 =	sand.u32 $0x7F, s12;
	s8 =	sadd.s32 s13, s3  }
0x622: {  	s8 =	sor.u32 s9, s8;
	[tilespmem:s0+$0xBA10] =	vst v1;
	v1 =	vld [tilespmem:s0+$0x11E80]  }
0x623: {  	v2 =	vld [tilespmem:s8+$0x0];
	_ =	sdelay $0x3  }
0x624: {  	s5 =	sadd.s32 $0x10, s12  }
0x625: {  	s14 =	sand.u32 $0xFFFFFF80, s5;
	v1 =	vadd.f32 v1, v2  }
0x626: {  	s5 =	sand.u32 $0x7F, s5;
	s8 =	sadd.s32 s14, s3  }
0x627: {  	s5 =	sor.u32 s5, s8;
	[tilespmem:s0+$0xBA80] =	vst v1;
	v1 =	vld [tilespmem:s0+$0x11E90]  }
0x628: {  	v2 =	vld [tilespmem:s5+$0x0];
	_ =	sdelay $0x3  }
0x629: {  	s15 =	spop (v2sf)  }
0x62a: {  	s16 =	sand.u32 $0xFFFFFF80, s15;
	s5 =	sadd.s32 $0x5700, s0;
	v1 =	vadd.f32 v1, v2  }
0x62b: {  	(v2sf) =	vpush v0, $0x9;
	s10 =	sand.u32 $0x7F, s15;
	s9 =	sadd.s32 s16, s5  }
0x62c: {  	s9 =	sor.u32 s10, s9;
	[tilespmem:s0+$0xBA90] =	vst v1  }
0x62d: {  	v1 =	vld [tilespmem:s9+$0x0]  }
0x62e: {  	v2 =	vld [tilespmem:s17+$0xCB00];
	_ =	sdelay $0x3  }
0x62f: {  	s17 =	sadd.s32 $0x10, s15  }
0x630: {  	s8 =	sand.u32 $0xFFFFFF80, s17;
	v1 =	vadd.f32 v2, v1  }
0x631: {  	s1 =	sand.u32 $0x7F, s17;
	s8 =	sadd.s32 s8, s5  }
0x632: {  	s1 =	sor.u32 s1, s8;
	[tilespmem:s0+$0xBB00] =	vst v1;
	v1 =	vld [tilespmem:s0+$0x11F10]  }
0x633: {  	v2 =	vld [tilespmem:s1+$0x0];
	_ =	sdelay $0x3  }
0x634: {  	s18 =	spop (v2sf)  }
0x635: {  	s19 =	sand.u32 $0xFFFFFF80, s18;
	s1 =	sadd.s32 $0x5780, s0;
	v1 =	vadd.f32 v1, v2  }
0x636: {  	(v2sf) =	vpush v0, $0xA;
	s20 =	sand.u32 $0x7F, s18;
	s9 =	sadd.s32 s19, s1  }
0x637: {  	s9 =	sor.u32 s20, s9;
	[tilespmem:s0+$0xBB10] =	vst v1  }
0x638: {  	v1 =	vld [tilespmem:s9+$0x0]  }
0x639: {  	v2 =	vld [tilespmem:s6+$0xCB00];
	_ =	sdelay $0x3  }
0x63a: {  	s21 =	sadd.s32 $0x10, s18  }
0x63b: {  	s8 =	sand.u32 $0xFFFFFF80, s21;
	v1 =	vadd.f32 v2, v1  }
0x63c: {  	s8 =	sadd.s32 s8, s1;
	s6 =	sand.u32 $0x7F, s21  }
0x63d: {  	s6 =	sor.u32 s6, s8;
	[tilespmem:s0+$0xBB80] =	vst v1;
	v1 =	vld [tilespmem:s0+$0x11F90]  }
0x63e: {  	v2 =	vld [tilespmem:s6+$0x0];
	_ =	sdelay $0x3  }
0x63f: {  	s22 =	spop (v2sf)  }
0x640: {  	s23 =	sadd.s32 $0x5800, s0;
	s24 =	sand.u32 $0xFFFFFF80, s22;
	v1 =	vadd.f32 v1, v2  }
0x641: {  	(v2sf) =	vpush v0, $0xB;
	s25 =	sand.u32 $0x7F, s22;
	s9 =	sadd.s32 s24, s23  }
0x642: {  	s9 =	sor.u32 s25, s9;
	[tilespmem:s0+$0xBB90] =	vst v1  }
0x643: {  	v1 =	vld [tilespmem:s9+$0x0]  }
0x644: {  	v2 =	vld [tilespmem:s2+$0xCB00];
	_ =	sdelay $0x3  }
0x645: {  	s26 =	sadd.s32 $0x10, s22  }
0x646: {  	s6 =	sand.u32 $0xFFFFFF80, s26;
	v1 =	vadd.f32 v2, v1  }
0x647: {  	s6 =	sadd.s32 s6, s23;
	s2 =	sand.u32 $0x7F, s26  }
0x648: {  	s2 =	sor.u32 s2, s6;
	[tilespmem:s0+$0xBC00] =	vst v1;
	v1 =	vld [tilespmem:s0+$0x12010]  }
0x649: {  	v2 =	vld [tilespmem:s2+$0x0];
	_ =	sdelay $0x3  }
0x64a: {  	s28 =	spop (v2sf)  }
0x64b: {  	s29 =	sadd.s32 $0x5880, s0;
	s30 =	sand.u32 $0xFFFFFF80, s28;
	v1 =	vadd.f32 v1, v2  }
0x64c: {  	(v2sf) =	vpush v0, $0xC;
	s31 =	sand.u32 $0x7F, s28;
	s8 =	sadd.s32 s30, s29  }
0x64d: {  	s8 =	sor.u32 s31, s8;
	[tilespmem:s0+$0xBC10] =	vst v1  }
0x64e: {  	v1 =	vld [tilespmem:s8+$0x0]  }
0x64f: {  	v2 =	vld [tilespmem:s7+$0xCB00];
	_ =	sdelay $0x3  }
0x650: {  	s2 =	sadd.s32 $0x10, s28  }
0x651: {  	s10 =	sand.u32 $0xFFFFFF80, s2;
	v1 =	vadd.f32 v2, v1  }
0x652: {  	s2 =	sand.u32 $0x7F, s2;
	s6 =	sadd.s32 s10, s29  }
0x653: {  	s2 =	sor.u32 s2, s6;
	[tilespmem:s0+$0xBC80] =	vst v1;
	v1 =	vld [tilespmem:s0+$0x12090]  }
0x654: {  	v2 =	vld [tilespmem:s2+$0x0];
	_ =	sdelay $0x3  }
0x655: {  	s11 =	spop (v2sf)  }
0x656: {  	s13 =	sadd.s32 $0x5900, s0;
	s12 =	sand.u32 $0xFFFFFF80, s11;
	v1 =	vadd.f32 v1, v2  }
0x657: {  	(v2sf) =	vpush v0, $0xD;
	s14 =	sand.u32 $0x7F, s11;
	s6 =	sadd.s32 s12, s13  }
0x658: {  	s6 =	sor.u32 s14, s6;
	[tilespmem:s0+$0xBC90] =	vst v1  }
0x659: {  	v1 =	vld [tilespmem:s6+$0x0]  }
0x65a: {  	v2 =	vld [tilespmem:s4+$0xCB00];
	_ =	sdelay $0x3  }
0x65b: {  	s2 =	sadd.s32 $0x10, s11  }
0x65c: {  	s15 =	sand.u32 $0xFFFFFF80, s2;
	v1 =	vadd.f32 v2, v1  }
0x65d: {  	s2 =	sand.u32 $0x7F, s2;
	s4 =	sadd.s32 s15, s13  }
0x65e: {  	s2 =	sor.u32 s2, s4;
	[tilespmem:s0+$0xBD00] =	vst v1;
	v1 =	vld [tilespmem:s0+$0x12110]  }
0x65f: {  	v2 =	vld [tilespmem:s2+$0x0];
	_ =	sdelay $0x3  }
0x660: {  	s16 =	spop (v2sf)  }
0x661: {  	s17 =	sadd.s32 $0x5980, s0;
	s18 =	sand.u32 $0xFFFFFF80, s16;
	v1 =	vadd.f32 v1, v2  }
0x662: {  	(v2sf) =	vpush v0, $0xE;
	s19 =	sand.u32 $0x7F, s16;
	s6 =	sadd.s32 s18, s17  }
0x663: {  	s6 =	sor.u32 s19, s6;
	[tilespmem:s0+$0xBD10] =	vst v1  }
0x664: {  	v1 =	vld [tilespmem:s6+$0x0]  }
0x665: {  	v2 =	vld [tilespmem:s3+$0xCB00];
	_ =	sdelay $0x3  }
0x666: {  	s2 =	sadd.s32 $0x10, s16  }
0x667: {  	s20 =	sand.u32 $0xFFFFFF80, s2;
	v1 =	vadd.f32 v2, v1  }
0x668: {  	s2 =	sand.u32 $0x7F, s2;
	s3 =	sadd.s32 s20, s17  }
0x669: {  	s2 =	sor.u32 s2, s3;
	[tilespmem:s0+$0xBD80] =	vst v1;
	v1 =	vld [tilespmem:s0+$0x12190]  }
0x66a: {  	v2 =	vld [tilespmem:s2+$0x0];
	_ =	sdelay $0x3  }
0x66b: {  	s21 =	spop (v2sf)  }
0x66c: {  	s22 =	sadd.s32 $0x5A00, s0;
	s23 =	sand.u32 $0xFFFFFF80, s21;
	v1 =	vadd.f32 v1, v2  }
0x66d: {  	(v2sf) =	vpush v0, $0xF;
	s24 =	sand.u32 $0x7F, s21;
	s4 =	sadd.s32 s23, s22  }
0x66e: {  	s4 =	sor.u32 s24, s4;
	[tilespmem:s0+$0xBD90] =	vst v1  }
0x66f: {  	v0 =	vld [tilespmem:s4+$0x0]  }
0x670: {  	v1 =	vld [tilespmem:s5+$0xCB00];
	_ =	sdelay $0x3  }
0x671: {  	s2 =	sadd.s32 $0x10, s21  }
0x672: {  	s25 =	sand.u32 $0xFFFFFF80, s2;
	v0 =	vadd.f32 v1, v0  }
0x673: {  	s2 =	sand.u32 $0x7F, s2;
	s3 =	sadd.s32 s25, s22  }
0x674: {  	s2 =	sor.u32 s2, s3;
	[tilespmem:s0+$0xBE00] =	vst v0;
	v0 =	vld [tilespmem:s0+$0x12210]  }
0x675: {  	v1 =	vld [tilespmem:s2+$0x0];
	_ =	sdelay $0x3  }
0x676: {  	s26 =	spop (v2sf)  }
0x677: {  	s29 =	sadd.s32 $0x5A80, s0;
	s28 =	sand.u32 $0xFFFFFF80, s26;
	v0 =	vadd.f32 v0, v1  }
0x678: {  	s30 =	sand.u32 $0x7F, s26;
	s3 =	sadd.s32 s28, s29  }
0x679: {  	s3 =	sor.u32 s30, s3;
	s2 =	sadd.s32 $0x10, s26;
	[tilespmem:s0+$0xBE10] =	vst v0  }
0x67a: {  	s31 =	sand.u32 $0xFFFFFF80, s2;
	v0 =	vld [tilespmem:s3+$0x0]  }
0x67b: {  	s26 =	simm.s32 $0x10;
	s7 =	sand.u32 $0x7F, s2;
	s19 =	sadd.s32 s31, s29;
	v1 =	vld [tilespmem:s1+$0xCB00]  }
.LBB2_11:
0x67c: {  	_ =	sdelay $0x3  }
0x67d: {  	v0 =	vadd.f32 v1, v0;
	_ =	sdelay $0x1  }
0x67e: {  	s2 =	sor.u32 s7, s19;
	[tilespmem:s0+$0xBE80] =	vst v0;
	v0 =	vld [tilespmem:s0+$0x12290]  }
0x67f: {  	v1 =	vld [tilespmem:s2+$0x0];
	_ =	sdelay $0x4  }
0x680: {  	v0 =	vadd.f32 v0, v1  }
0x681: {  	s1 =	smov.u32 s26  }
0x682: {  	s1 =	smin.u32 s1, $0x18;
	[tilespmem:s0+$0xBE90] =	vst v0  }
0x683: {  	v0 =	vld [tilespmem:s1+$0x2A0];
	_ =	sdelay $0x4  }
0x684: {  	(v2sf) =	vpush v0, $0x0;
	_ =	sdelay $0x2  }
0x685: {  	(v2sf) =	vpush v0, $0x1  }
0x686: {  	(v2sf) =	vpush v0, $0x2;
	_ =	sdelay $0x2  }
0x687: {  	(v2sf) =	vpush v0, $0x3;
	_ =	sdelay $0x2  }
0x688: {  	(v2sf) =	vpush v0, $0x4  }
0x689: {  	s0 =	sshll.u32 s1, $0x7  }
0x68a: {  	s7 =	sadd.s32 $0x5A00, s0;
	s9 =	sadd.s32 $0x5400, s0;
	(v2sf) =	vpush v0, $0x5  }
0x68b: {  	s1 =	sadd.s32 $0x5300, s0;
	s22 =	sadd.s32 $0x5480, s0;
	[smem:$0x78D] =	sst s9  }
0x68c: {  	s5 =	sadd.s32 $0x5380, s0;
	s13 =	sadd.s32 $0x5500, s0;
	[smem:$0x790] =	sst s22  }
0x68d: {  	s28 =	sadd.s32 $0x5580, s0;
	[dreg:$0x12] =	wrdreg s13;
	s16 =	spop (v2sf)  }
0x68e: {  	s3 =	sand.u32 $0xFFFFFF80, s16;
	s4 =	sadd.s32 $0x10, s16;
	s2 =	sand.u32 $0x7F, s16  }
0x68f: {  	s3 =	sadd.s32 s3, s1;
	s6 =	sand.u32 $0xFFFFFF80, s4;
	s4 =	sand.u32 $0x7F, s4  }
0x690: {  	(v2sf) =	vpush v0, $0x6;
	s2 =	sor.u32 s2, s3;
	s12 =	sadd.s32 s6, s1;
	s1 =	spop (v2sf)  }
0x691: {  	s17 =	sand.u32 $0xFFFFFF80, s1;
	s6 =	sadd.s32 $0x10, s1;
	s15 =	spop (v2sf)  }
0x692: {  	s4 =	sor.u32 s4, s12;
	s1 =	sand.u32 $0x7F, s1;
	s3 =	sadd.s32 s17, s5  }
0x693: {  	(v2sf) =	vpush v0, $0x7;
	s18 =	sand.u32 $0xFFFFFF80, s6;
	s8 =	sand.u32 $0xFFFFFF80, s15;
	s30 =	sadd.s32 $0x10, s15  }
0x694: {  	v1 =	vld [tilespmem:s0+$0x11B00];
	s11 =	spop (v2sf);
	s6 =	sand.u32 $0x7F, s6;
	s15 =	sand.u32 $0x7F, s15  }
0x695: {  	v2 =	vld [tilespmem:s2+$0x0];
	(v2sf) =	vpush v0, $0x8;
	s10 =	sadd.s32 s18, s5;
	s20 =	sadd.s32 s8, s9;
	s19 =	sand.u32 $0xFFFFFF80, s30  }
0x696: {  	s21 =	sand.u32 $0xFFFFFF80, s11;
	s31 =	sadd.s32 $0x10, s11;
	s5 =	sadd.s32 s19, s9  }
0x697: {  	s8 =	sadd.s32 s21, s22;
	s9 =	spop (v2sf);
	s19 =	sadd.s32 $0x5600, s0  }
0x698: {  	(v2sf) =	vpush v0, $0x9;
	[smem:$0x783] =	sst s8;
	s16 =	sand.u32 $0xFFFFFF80, s9;
	s8 =	sadd.s32 $0x5680, s0  }
0x699: {  	s21 =	spop (v2sf);
	[dreg:$0xa] =	wrdreg s19;
	s23 =	sadd.s32 s16, s13  }
0x69a: {  	v1 =	vadd.f32 v1, v2;
	s25 =	sand.u32 $0xFFFFFF80, s21;
	[smem:$0x784] =	sst s23;
	s23 =	sadd.s32 $0x10, s9  }
0x69b: {  	[dreg:$0x9] =	wrdreg s8;
	s17 =	sadd.s32 s25, s28;
	s24 =	sand.u32 $0xFFFFFF80, s23  }
0x69c: {  	s14 =	sand.u32 $0xFFFFFF80, s31;
	[tilespmem:s0+$0xB700] =	vst v1;
	[smem:$0x786] =	sst s17;
	s29 =	sadd.s32 s24, s13  }
0x69d: {  	(v2sf) =	vpush v0, $0xA;
	s17 =	sadd.s32 $0x10, s21;
	v2 =	vld [tilespmem:s4+$0x0];
	s4 =	smov.u32 s28;
	[smem:$0x785] =	sst s29  }
0x69e: {  	s14 =	sadd.s32 s14, s22;
	(v2sf) =	vpush v0, $0xB;
	v1 =	vld [tilespmem:s0+$0x11B10];
	s18 =	sand.u32 $0xFFFFFF80, s17;
	[dreg:$0xb] =	wrdreg s4  }
0x69f: {  	s22 =	sadd.s32 s18, s4;
	s18 =	sadd.s32 $0x5700, s0;
	s16 =	spop (v2sf)  }
0x6a0: {  	[smem:$0x787] =	sst s22;
	s24 =	sand.u32 $0xFFFFFF80, s16;
	s22 =	sadd.s32 $0x10, s16  }
0x6a1: {  	[dreg:$0x8] =	wrdreg s18;
	s25 =	sadd.s32 s24, s19;
	s28 =	sand.u32 $0xFFFFFF80, s22  }
0x6a2: {  	s24 =	spop (v2sf);
	[smem:$0x788] =	sst s25;
	s29 =	sadd.s32 s28, s19  }
0x6a3: {  	s1 =	sor.u32 s1, s3;
	v1 =	vadd.f32 v1, v2;
	s2 =	sand.u32 $0xFFFFFF80, s24;
	[smem:$0x789] =	sst s29  }
0x6a4: {  	(v2sf) =	vpush v0, $0xC;
	s4 =	sadd.s32 s2, s8;
	s2 =	sadd.s32 $0x10, s24;
	s28 =	spop (v2sf)  }
0x6a5: {  	[tilespmem:s0+$0xB710] =	vst v1;
	v1 =	vld [tilespmem:s0+$0x11B80];
	s29 =	sadd.s32 $0x5780, s0;
	[smem:$0x78A] =	sst s4;
	s12 =	sand.u32 $0xFFFFFF80, s2  }
0x6a6: {  	v2 =	vld [tilespmem:s1+$0x0];
	s13 =	sand.u32 $0xFFFFFF80, s28;
	[dreg:$0x7] =	wrdreg s29;
	s1 =	sadd.s32 s12, s8  }
0x6a7: {  	(v2sf) =	vpush v0, $0xD;
	s8 =	sadd.s32 $0x10, s28;
	s12 =	spop (v2sf);
	[smem:$0x78B] =	sst s1  }
0x6a8: {  	s1 =	sadd.s32 s13, s18;
	s19 =	sand.u32 $0xFFFFFF80, s8;
	s25 =	sand.u32 $0xFFFFFF80, s12  }
0x6a9: {  	(v2sf) =	vpush v0, $0xE;
	s4 =	sadd.s32 $0x10, s12;
	[smem:$0x78C] =	sst s1;
	s1 =	sadd.s32 s19, s18  }
0x6aa: {  	s13 =	sadd.s32 s25, s29;
	s25 =	sand.u32 $0xFFFFFF80, s4;
	[smem:$0x78E] =	sst s1  }
0x6ab: {  	s6 =	sor.u32 s6, s10;
	(v2sf) =	vpush v0, $0xF;
	[smem:$0x78F] =	sst s13;
	s18 =	sadd.s32 s25, s29;
	v0 =	vadd.f32 v1, v2  }
0x6ac: {  	s13 =	sadd.s32 $0x5800, s0;
	s1 =	spop (v2sf);
	[smem:$0x791] =	sst s18  }
0x6ad: {  	s18 =	sand.u32 $0xFFFFFF80, s1;
	s25 =	sadd.s32 $0x10, s1;
	s10 =	spop (v2sf);
	[tilespmem:s0+$0xB780] =	vst v0;
	v0 =	vld [tilespmem:s0+$0x11B90]  }
0x6ae: {  	s19 =	sadd.s32 s18, s13;
	[smem:$0x793] =	sst s25;
	s29 =	sand.u32 $0xFFFFFF80, s25;
	v1 =	vld [tilespmem:s6+$0x0]  }
0x6af: {  	s25 =	sadd.s32 $0x5880, s0;
	[smem:$0x792] =	sst s19;
	s19 =	sadd.s32 $0x10, s10  }
0x6b0: {  	s18 =	sand.u32 $0xFFFFFF80, s10;
	s6 =	sadd.s32 s29, s13;
	[smem:$0x796] =	sst s19  }
0x6b1: {  	s3 =	sadd.s32 $0x5980, s0;
	[smem:$0x794] =	sst s6;
	s6 =	sadd.s32 s18, s25  }
0x6b2: {  	s15 =	sor.u32 s15, s20;
	s29 =	sand.u32 $0xFFFFFF80, s19;
	[smem:$0x795] =	sst s6  }
0x6b3: {  	s13 =	spop (v2sf);
	s6 =	sadd.s32 s29, s25;
	s25 =	sadd.s32 $0x5900, s0;
	v0 =	vadd.f32 v0, v1  }
0x6b4: {  	[smem:$0x797] =	sst s6;
	s18 =	sand.u32 $0xFFFFFF80, s13;
	s19 =	sadd.s32 $0x10, s13  }
0x6b5: {  	s6 =	sadd.s32 s18, s25;
	[smem:$0x799] =	sst s19;
	s29 =	sand.u32 $0xFFFFFF80, s19;
	[tilespmem:s0+$0xB790] =	vst v0;
	v0 =	vld [tilespmem:s0+$0x11C00]  }
0x6b6: {  	[smem:$0x798] =	sst s6;
	s6 =	spop (v2sf);
	s25 =	sadd.s32 s29, s25;
	v1 =	vld [tilespmem:s15+$0x0]  }
0x6b7: {  	s19 =	sand.u32 $0xFFFFFF80, s6;
	s18 =	sadd.s32 $0x10, s6;
	[smem:$0x79A] =	sst s25  }
0x6b8: {  	s20 =	spop (v2sf);
	s19 =	sadd.s32 s19, s3;
	s29 =	sand.u32 $0xFFFFFF80, s18  }
0x6b9: {  	[dreg:$0x19] =	wrdreg s19;
	s3 =	sadd.s32 s29, s3;
	s29 =	sadd.s32 $0x10, s20  }
0x6ba: {  	s15 =	spop (v2sf);
	[dreg:$0x18] =	wrdreg s3;
	s19 =	sand.u32 $0xFFFFFF80, s29  }
0x6bb: {  	s25 =	sand.u32 $0xFFFFFF80, s15;
	s3 =	sadd.s32 s19, s7;
	s19 =	sadd.s32 $0x5A80, s0;
	v0 =	vadd.f32 v0, v1  }
0x6bc: {  	s30 =	sand.u32 $0x7F, s30;
	[dreg:$0xd] =	wrdreg s3;
	s3 =	sadd.s32 s25, s19  }
0x6bd: {  	[dreg:$0xc] =	wrdreg s3;
	s3 =	sor.u32 s30, s5;
	[tilespmem:s0+$0xB800] =	vst v0;
	v0 =	vld [tilespmem:s0+$0x11C10]  }
0x6be: {  	v1 =	vld [tilespmem:s3+$0x0];
	_ =	sdelay $0x2  }
0x6bf: {  	[dreg:$0x17] =	wrdreg s18;
	s18 =	sand.u32 $0xFFFFFF80, s20  }
0x6c0: {  	s18 =	sadd.s32 s18, s7;
	s7 =	sadd.s32 $0x10, s15;
	s30 =	sld [smem:$0x783]  }
0x6c1: {  	s25 =	sand.u32 $0xFFFFFF80, s7;
	v0 =	vadd.f32 v0, v1  }
0x6c2: {  	s19 =	sadd.s32 s25, s19;
	s25 =	sand.u32 $0x7F, s11  }
0x6c3: {  	s3 =	sor.u32 s25, s30;
	[tilespmem:s0+$0xB810] =	vst v0;
	v0 =	vld [tilespmem:s0+$0x11C80]  }
0x6c4: {  	v1 =	vld [tilespmem:s3+$0x0];
	_ =	sdelay $0x4  }
0x6c5: {  	v0 =	vadd.f32 v0, v1  }
0x6c6: {  	s11 =	sand.u32 $0x7F, s31  }
0x6c7: {  	s3 =	sor.u32 s11, s14;
	[tilespmem:s0+$0xB880] =	vst v0;
	v0 =	vld [tilespmem:s0+$0x11C90]  }
0x6c8: {  	v1 =	vld [tilespmem:s3+$0x0];
	_ =	sdelay $0x3  }
0x6c9: {  	s25 =	sld [smem:$0x784]  }
0x6ca: {  	v0 =	vadd.f32 v0, v1  }
0x6cb: {  	s14 =	sand.u32 $0x7F, s9  }
0x6cc: {  	s3 =	sor.u32 s14, s25;
	[tilespmem:s0+$0xB890] =	vst v0;
	v0 =	vld [tilespmem:s0+$0x11D00]  }
0x6cd: {  	v1 =	vld [tilespmem:s3+$0x0];
	_ =	sdelay $0x3  }
0x6ce: {  	s31 =	sld [smem:$0x785]  }
0x6cf: {  	v0 =	vadd.f32 v0, v1  }
0x6d0: {  	s30 =	sand.u32 $0x7F, s23  }
0x6d1: {  	s3 =	sor.u32 s30, s31;
	[tilespmem:s0+$0xB900] =	vst v0;
	v0 =	vld [tilespmem:s0+$0x11D10]  }
0x6d2: {  	v1 =	vld [tilespmem:s3+$0x0];
	_ =	sdelay $0x3  }
0x6d3: {  	s9 =	sld [smem:$0x786]  }
0x6d4: {  	v0 =	vadd.f32 v0, v1  }
0x6d5: {  	s5 =	sand.u32 $0x7F, s21  }
0x6d6: {  	s3 =	sor.u32 s5, s9;
	[tilespmem:s0+$0xB910] =	vst v0;
	v0 =	vld [tilespmem:s0+$0x11D80]  }
0x6d7: {  	v1 =	vld [tilespmem:s3+$0x0];
	_ =	sdelay $0x3  }
0x6d8: {  	s14 =	sld [smem:$0x787]  }
0x6d9: {  	v0 =	vadd.f32 v0, v1  }
0x6da: {  	s11 =	sand.u32 $0x7F, s17  }
0x6db: {  	s3 =	sor.u32 s11, s14;
	[tilespmem:s0+$0xB980] =	vst v0;
	v0 =	vld [tilespmem:s0+$0x11D90]  }
0x6dc: {  	v1 =	vld [tilespmem:s3+$0x0];
	_ =	sdelay $0x3  }
0x6dd: {  	s21 =	sld [smem:$0x788]  }
0x6de: {  	v0 =	vadd.f32 v0, v1  }
0x6df: {  	s17 =	sand.u32 $0x7F, s16  }
0x6e0: {  	s3 =	sor.u32 s17, s21;
	[tilespmem:s0+$0xB990] =	vst v0;
	v0 =	vld [tilespmem:s0+$0x11E00]  }
0x6e1: {  	v1 =	vld [tilespmem:s3+$0x0];
	_ =	sdelay $0x3  }
0x6e2: {  	s23 =	sld [smem:$0x789]  }
0x6e3: {  	v0 =	vadd.f32 v0, v1  }
0x6e4: {  	s22 =	sand.u32 $0x7F, s22  }
0x6e5: {  	s3 =	sor.u32 s22, s23;
	[tilespmem:s0+$0xBA00] =	vst v0;
	v0 =	vld [tilespmem:s0+$0x11E10]  }
0x6e6: {  	v1 =	vld [tilespmem:s3+$0x0];
	_ =	sdelay $0x3  }
0x6e7: {  	s25 =	sld [smem:$0x78A]  }
0x6e8: {  	v0 =	vadd.f32 v0, v1  }
0x6e9: {  	s24 =	sand.u32 $0x7F, s24  }
0x6ea: {  	s3 =	sor.u32 s24, s25;
	[tilespmem:s0+$0xBA10] =	vst v0;
	v0 =	vld [tilespmem:s0+$0x11E80]  }
0x6eb: {  	v1 =	vld [tilespmem:s3+$0x0];
	_ =	sdelay $0x3  }
0x6ec: {  	s31 =	sld [smem:$0x78B]  }
0x6ed: {  	v0 =	vadd.f32 v0, v1  }
0x6ee: {  	s30 =	sand.u32 $0x7F, s2  }
0x6ef: {  	s3 =	sor.u32 s30, s31;
	[tilespmem:s0+$0xBA80] =	vst v0;
	v0 =	vld [tilespmem:s0+$0x11E90]  }
0x6f0: {  	v1 =	vld [tilespmem:s3+$0x0];
	_ =	sdelay $0x3  }
0x6f1: {  	s9 =	sld [smem:$0x78C]  }
0x6f2: {  	v0 =	vadd.f32 v0, v1  }
0x6f3: {  	s5 =	sand.u32 $0x7F, s28;
	s11 =	sld [smem:$0x78D]  }
0x6f4: {  	s3 =	sor.u32 s5, s9;
	[tilespmem:s0+$0xBA90] =	vst v0  }
0x6f5: {  	v0 =	vld [tilespmem:s3+$0x0]  }
0x6f6: {  	v1 =	vld [tilespmem:s11+$0xCB00];
	_ =	sdelay $0x3  }
0x6f7: {  	s16 =	sld [smem:$0x78E]  }
0x6f8: {  	v0 =	vadd.f32 v1, v0  }
0x6f9: {  	s14 =	sand.u32 $0x7F, s8  }
0x6fa: {  	s3 =	sor.u32 s14, s16;
	[tilespmem:s0+$0xBB00] =	vst v0;
	v0 =	vld [tilespmem:s0+$0x11F10]  }
0x6fb: {  	v1 =	vld [tilespmem:s3+$0x0];
	_ =	sdelay $0x3  }
0x6fc: {  	s21 =	sld [smem:$0x78F]  }
0x6fd: {  	v0 =	vadd.f32 v0, v1  }
0x6fe: {  	s17 =	sand.u32 $0x7F, s12;
	s22 =	sld [smem:$0x790]  }
0x6ff: {  	s3 =	sor.u32 s17, s21;
	[tilespmem:s0+$0xBB10] =	vst v0  }
0x700: {  	v0 =	vld [tilespmem:s3+$0x0]  }
0x701: {  	v1 =	vld [tilespmem:s22+$0xCB00];
	_ =	sdelay $0x3  }
0x702: {  	s24 =	sld [smem:$0x791]  }
0x703: {  	v0 =	vadd.f32 v1, v0  }
0x704: {  	s23 =	sand.u32 $0x7F, s4  }
0x705: {  	s2 =	sor.u32 s23, s24;
	[tilespmem:s0+$0xBB80] =	vst v0;
	v0 =	vld [tilespmem:s0+$0x11F90]  }
0x706: {  	v1 =	vld [tilespmem:s2+$0x0];
	_ =	sdelay $0x3  }
0x707: {  	s25 =	sld [smem:$0x792]  }
0x708: {  	v0 =	vadd.f32 v0, v1  }
0x709: {  	s1 =	sand.u32 $0x7F, s1  }
0x70a: {  	s1 =	sor.u32 s1, s25;
	[tilespmem:s0+$0xBB90] =	vst v0  }
0x70b: {  	s28 =	rddreg [dreg:$0x12];
	v0 =	vld [tilespmem:s1+$0x0]  }
0x70c: {  	v1 =	vld [tilespmem:s28+$0xCB00];
	_ =	sdelay $0x2  }
0x70d: {  	s30 =	sld [smem:$0x793]  }
0x70e: {  	s31 =	sld [smem:$0x794]  }
0x70f: {  	v0 =	vadd.f32 v1, v0  }
0x710: {  	s1 =	sand.u32 $0x7F, s30  }
0x711: {  	s1 =	sor.u32 s1, s31;
	[tilespmem:s0+$0xBC00] =	vst v0;
	v0 =	vld [tilespmem:s0+$0x12010]  }
0x712: {  	v1 =	vld [tilespmem:s1+$0x0];
	_ =	sdelay $0x3  }
0x713: {  	s3 =	sld [smem:$0x795]  }
0x714: {  	v0 =	vadd.f32 v0, v1  }
0x715: {  	s2 =	sand.u32 $0x7F, s10  }
0x716: {  	s1 =	sor.u32 s2, s3;
	[tilespmem:s0+$0xBC10] =	vst v0  }
0x717: {  	s4 =	rddreg [dreg:$0xb];
	v0 =	vld [tilespmem:s1+$0x0]  }
0x718: {  	v1 =	vld [tilespmem:s4+$0xCB00];
	_ =	sdelay $0x2  }
0x719: {  	s5 =	sld [smem:$0x796]  }
0x71a: {  	s8 =	sld [smem:$0x797]  }
0x71b: {  	v0 =	vadd.f32 v1, v0  }
0x71c: {  	s1 =	sand.u32 $0x7F, s5  }
0x71d: {  	s1 =	sor.u32 s1, s8;
	[tilespmem:s0+$0xBC80] =	vst v0;
	v0 =	vld [tilespmem:s0+$0x12090]  }
0x71e: {  	v1 =	vld [tilespmem:s1+$0x0];
	_ =	sdelay $0x3  }
0x71f: {  	s10 =	sld [smem:$0x798]  }
0x720: {  	v0 =	vadd.f32 v0, v1  }
0x721: {  	s9 =	sand.u32 $0x7F, s13  }
0x722: {  	s1 =	sor.u32 s9, s10;
	[tilespmem:s0+$0xBC90] =	vst v0  }
0x723: {  	s11 =	rddreg [dreg:$0xa];
	v0 =	vld [tilespmem:s1+$0x0]  }
0x724: {  	v1 =	vld [tilespmem:s11+$0xCB00];
	_ =	sdelay $0x2  }
0x725: {  	s12 =	sld [smem:$0x799]  }
0x726: {  	s13 =	sld [smem:$0x79A]  }
0x727: {  	v0 =	vadd.f32 v1, v0  }
0x728: {  	s1 =	sand.u32 $0x7F, s12  }
0x729: {  	s1 =	sor.u32 s1, s13;
	[tilespmem:s0+$0xBD00] =	vst v0;
	v0 =	vld [tilespmem:s0+$0x12110]  }
0x72a: {  	v1 =	vld [tilespmem:s1+$0x0];
	_ =	sdelay $0x4  }
0x72b: {  	v0 =	vadd.f32 v0, v1  }
0x72c: {  	s14 =	sand.u32 $0x7F, s6;
	s16 =	rddreg [dreg:$0x19]  }
0x72d: {  	s1 =	sor.u32 s14, s16;
	[tilespmem:s0+$0xBD10] =	vst v0  }
0x72e: {  	s17 =	rddreg [dreg:$0x9];
	v0 =	vld [tilespmem:s1+$0x0]  }
0x72f: {  	v1 =	vld [tilespmem:s17+$0xCB00];
	_ =	sdelay $0x4  }
0x730: {  	s21 =	rddreg [dreg:$0x17];
	v0 =	vadd.f32 v1, v0  }
0x731: {  	s22 =	rddreg [dreg:$0x18];
	s1 =	sand.u32 $0x7F, s21  }
0x732: {  	s1 =	sor.u32 s1, s22;
	[tilespmem:s0+$0xBD80] =	vst v0;
	v0 =	vld [tilespmem:s0+$0x12190]  }
0x733: {  	v1 =	vld [tilespmem:s1+$0x0];
	_ =	sdelay $0x4  }
0x734: {  	v0 =	vadd.f32 v0, v1  }
0x735: {  	s23 =	sand.u32 $0x7F, s20  }
0x736: {  	s1 =	sor.u32 s23, s18;
	[tilespmem:s0+$0xBD90] =	vst v0  }
0x737: {  	s24 =	rddreg [dreg:$0x8];
	v0 =	vld [tilespmem:s1+$0x0]  }
0x738: {  	v1 =	vld [tilespmem:s24+$0xCB00];
	_ =	sdelay $0x4  }
0x739: {  	v0 =	vadd.f32 v1, v0  }
0x73a: {  	s25 =	sand.u32 $0x7F, s29;
	s28 =	rddreg [dreg:$0xd]  }
0x73b: {  	s1 =	sor.u32 s25, s28;
	[tilespmem:s0+$0xBE00] =	vst v0;
	v0 =	vld [tilespmem:s0+$0x12210]  }
0x73c: {  	v1 =	vld [tilespmem:s1+$0x0];
	_ =	sdelay $0x3  }
0x73d: {  	p0 =	sne.s32 s26, $0x20  }
.Ltmp4:
0x73e: {  	v0 =	vadd.f32 v0, v1;
	(pc) =	sbr.rel @p0 .LBB2_11-.Ltmp4, $4  }
0x73f: {  	s29 =	sand.u32 $0x7F, s15;
	s30 =	rddreg [dreg:$0xc]  }
0x740: {  	s1 =	sor.u32 s29, s30;
	[tilespmem:s0+$0xBE10] =	vst v0  }
0x741: {  	s31 =	rddreg [dreg:$0x7];
	v0 =	vld [tilespmem:s1+$0x0]  }
0x742: {  	s26 =	sadd.s32 $0x10, s26;
	s7 =	sand.u32 $0x7F, s7;
	v1 =	vld [tilespmem:s31+$0xCB00]  }
0x743: {  	_ =	sdelay $0x3  }
0x744: {  	v0 =	vadd.f32 v1, v0;
	_ =	sdelay $0x1  }
0x745: {  	s1 =	sor.u32 s7, s19;
	v62 =	vld [tilespmem:s0+$0x12290];
	[tilespmem:s0+$0xBE80] =	vst v0  }
0x746: {  	v63 =	vld [tilespmem:s1+$0x0];
	_ =	sdelay $0x1  }
0x747: {  	s28 =	sld [smem:$0x7F7];
	_ =	sdelay $0x1  }
0x748: {  	s29 =	sld [smem:$0x7FB]  }
0x749: {  	s1 =	smul.u32 $0xC80, s28;
	v0 =	vadd.f32 v62, v63  }
0x74a: {  	s30 =	simm.s32 $0x0  }
0x74b: {  	s2 =	simm.s32 $0x6700;
	s3 =	simm.s32 $0x6;
	[tilespmem:s0+$0xBE90] =	vst v0;
	s0 =	sadd.s32 s29, s1  }
0x74c: {  	[hbm4b:s0+s30] =	stream.linear.scatter [tilespmem:s2], [sflag:$0x6], $0x6400, $0x38;
	[tilespmem:$0x12F00] =	vst v63  }
0x74d: {  	_ =	swait.ge [sflag:s3], $0x6400  }
0x74e: {  	s31 =	sld [smem:$0x7F6];
	_ =	sdelay $0x2  }
0x74f: {  	s1 =	sadd.s32 $0x1, s31  }
0x750: {  	p0 =	sne.s32 s1, $0x80  }
.Ltmp5:
0x751: {  	_ = 	snop;
	(pc) =	sbr.rel @p0 .LBB2_2-.Ltmp5, $3  }
0x752: {  	_ =	sdelay $0x1  }
0x753: {  	[sflag:s3] =	ssyncset.done $0x0  }
0x754: {  	[sflag:s3] =	ssyncadd.s32 $0xFFFF9C00  }
0x755: {  	s1 =	sld [smem:$0x7F8]  }
0x756: {  	s0 =	sld [smem:$0x7FD];
	_ =	sdelay $0x1  }
0x757: {  	s1 =	sadd.s32 $0x1, s1  }
0x758: {  	p0 =	sne.s32 s1, s0  }
.Ltmp6:
0x759: {  	_ = 	snop;
	(pc) =	sbr.rel @p0 .LBB2_1-.Ltmp6, $1  }
0x75a: {  	_ =	sdelay $0x3  }
0x75b: {  	_ =	sfence.sel $0x180000  }
0x75c: {  	[bflag:$0x0] =	sbarrier.arrive $0xFFFF  }
0x75d: {  	_ =	strace $0x90000047  }
0x75e: {  	s0 =	stileid.u32;
	[bflag:$0x2] =	sbarrier.arrive $0xFFFF  }
0x75f: {  	p0 =	sne.s32 s0, $0x0;
	s0 =	rddreg [dreg:$0x2]  }
0x760: {  	s0 =	sadd.s32 @!p0 $0x100000, s0  }
0x761: {  	[sflag:s0] =	ssyncadd.tile.s32 @!p0 $0x1;
	_ =	shalt  }
.Lfunc_end2:
_tile_overlayer_lowered:
.L_overlay_start_2:
0x762: {  	(tag) =	ssettag $0x2  }
0x763: {  	s0 =	rddreg [dreg:$0x0];
	s2 =	stileid.u32  }
0x764: {  	s1 =	rddreg [dreg:$0x1];
	p0 =	sne.s32 s2, $0x0  }
0x765: {  	s3 =	rddreg [dreg:$0x2];
	[bflag:$0x3] =	sbarrier.arrive $0xFFFF;
	s2 =	simm.s32 @!p0 $0x1C06  }
0x766: {  	[timem:s3], [sflag:s2] =	dma.local @!p0 [hbm:s0], s1  }
0x767: {  	s0 =	simm.s32 @!p0 $0x6  }
0x768: {  	_ =	swait.ge @!p0 [sflag:s0], s1  }
0x769: {  	s1 =	ssub.s32 @!p0 $0x0, s1;
	[sflag:s0] =	ssyncset.done @!p0 $0x0  }
0x76a: {  	[sflag:s0] =	ssyncadd.s32 @!p0 s1  }
0x76b: {  	[bflag:$0x3] =	sbarrier.arrive $0xFFFF  }
0x76c: {  	_ =	shalt  }

// kernel: sparse-core-data-format-call.cloned.1.call-start
scs
called_computation_lowered:
.L_overlay_start_0:
0x0: {  	s2 =	sld [smem:$0x3FD9]  }
0x1: {  	s3 =	sld [smem:$0x3FFE];
	_ =	sdelay $0x1  }
0x2: {  	s1 =	srdreg.scid  }
0x3: {  	s0 =	sand.u32 $0x1, s1  }
0x4: {  	s18 =	sshll.u32 s0, $0xA;
	s2 =	sadd.s32 s3, s2  }
0x5: {  	s2 =	sadd.s32 s2, s18  }
0x6: {  	[smem:$0x3FC6] =	sst s2  }
0x7: {  	_ = 	snop  }
0x8: {  	s2 =	sld [smem:$0x3FD0];
	(tm) =	ssettm $0x1  }
0x9: {  	s19 =	sld [smem:$0x3FFB];
	_ =	sdelay $0x3  }
0xa: {  	_ =	strace s19  }
0xb: {  	s3 =	sld [smem:$0x3FFC];
	_ =	sdelay $0x3  }
0xc: {  	_ =	strace s3  }
0xd: {  	s3 =	sld [smem:$0x3FFD];
	_ =	sdelay $0x3  }
0xe: {  	_ =	strace s3  }
0xf: {  	_ =	strace $0x8FFFFFFF  }
0x10: {  	s20 =	sld [smem:$0x3FDB];
	_ =	sdelay $0x1  }
0x11: {  	s4 =	simm.s32 $_scs_section_size  }
0x12: {  	s5 =	simm.s32 $_size__tile_overlayer_lowered;
	s6 =	simm.s32 $_tile_overlayer_lowered  }
0x13: {  	s23 =	simm.s32 $0x1BFF;
	s22 =	sshll.u32 s6, $0x1;
	s3 =	sadd.s32 s4, s20  }
0x14: {  	s7 =	simm.s32 $0x0;
	s21 =	sshll.u32 s5, $0x1;
	s5 =	sadd.s32 s22, s3  }
0x15: {  	[timem:s7], [sflag:s23] =	dma.local [hbm:s5], s21  }
0x16: {  	_ =	swait.ge [sflag:s23], s21  }
0x17: {  	s4 =	ssub.s32 $0x0, s21;
	[sflag:s23] =	ssyncset.done $0x0  }
0x18: {  	[sflag:s23] =	ssyncadd.s32 s4;
	_ =	sdelay $0x1  }
0x19: {  	s24 =	simm.s32 $0x1B8B  }
0x1a: {  	_ =	swait.ge [sflag:s24], $0x1  }
0x1b: {  	[sflag:s24] =	ssyncset.done $0x0  }
0x1c: {  	s26 =	simm.s32 $0x1B8E;
	s25 =	sld [smem:$0x3FFE];
	[sflag:s24] =	ssyncadd.s32 $0xFFFFFFFF  }
0x1d: {  	s27 =	simm.s32 $execute0_lowered;
	[smem:$0x3FD2] =	sst s26  }
0x1e: {  	s5 =	sshll.u32 s27, $0x1;
	_ =	strace $0x80000049;
	[dreg:$0x1] =	wrdreg $0xFFFFFFFF  }
0x1f: {  	s28 =	simm.s32 $_size_execute0_lowered;
	s3 =	sadd.s32 s3, s5;
	[dreg:$0x0] =	wrdreg $0x0  }
0x20: {  	s5 =	sshll.u32 s28, $0x1;
	[dreg:$0x2] =	wrdreg s3  }
0x21: {  	[dreg:$0x3] =	wrdreg s5  }
0x22: {  	[dreg:$0x4] =	wrdreg $0xC0  }
0x23: {  	_ =	task [dreg:s7], $0x5FFFF  }
0x24: {  	[dreg:$0x1] =	wrdreg $0xFFFFFFFF  }
0x25: {  	[dreg:$0x0] =	wrdreg $0x60  }
0x26: {  	[dreg:$0x2] =	wrdreg s25  }
0x27: {  	[dreg:$0x3] =	wrdreg s2  }
0x28: {  	[dreg:$0x4] =	wrdreg $0x9  }
0x29: {  	_ =	task.clear_ibuf [dreg:s7], $0x5FFFF;
	_ =	strace $0x90000049  }
0x2a: {  	s29 =	simm.s32 $0x9;
	_ =	strace $0x8000004B  }
0x2b: {  	_ =	swait.ge [sflag:s29], $0x1  }
0x2c: {  	[sflag:s29] =	ssyncadd.s32 $0xFFFFFFFF  }
0x2d: {  	_ =	strace $0x9000004B  }
0x2e: {  	_ =	sfence  }
0x2f: {  	s30 =	sld [smem:$0x0];
	_ =	sdelay $0x2  }
0x30: {  	s31 =	sshll.u32 s1, $0xD;
	s1 =	sshrl.u32 s1, $0x2  }
0x31: {  	s3 =	sand.u32 $0x4000, s31;
	s1 =	sadd.s32 s1, s30  }
0x32: {  	s0 =	sor.u32 s3, s0;
	s1 =	sshll.u32 s1, $0x11  }
0x33: {  	s0 =	sor.u32 s1, s0  }
0x34: {  	s0 =	sadd.s32 $0x8F2B, s0  }
0x35: {  	[sflag:s0] =	ssyncadd.remote.s32 $0x1  }
0x36: {  	_ =	sfence.sel $0xFFFF  }
0x37: {  	[dreg:$0x0] =	wrdreg $0xFFFFFFFF;
	(pc) =	sbr.abs _section_cstart, $3  }
0x38: {  	[dreg:$0x1] =	wrdreg $0xFFFFFFFF  }
0x39: {  	_ =	task.clear_ibuf [dreg:s7], $0x2FFFF;
	_ =	strace $0x9FFFFFFF  }
0x3a: {  	(tm) =	ssettm $0x7FFFFFFF  }
0x3b: {  	_ =	shalt  }
tec
execute0_lowered:
.L_overlay_start_1:
0x0: {  	(tag) =	ssettag $0x1  }
0x1: {  	s0 =	srdreg.scid  }
0x2: {  	s1 =	sshll.u32 s0, $0x4  }
0x3: {  	s0 =	stileid.u32;
	s1 =	sand.u32 $0x10, s1  }
0x4: {  	s1 =	sor.u32 s0, s1  }
0x5: {  	s6 =	rddreg [dreg:$0x0];
	s4 =	simm.s32 $0x1;
	s2 =	sshll.u32 s1, $0x7  }
0x6: {  	s7 =	simm.s32 $0x2;
	s12 =	simm.s32 $0x0;
	s1 =	ssub.s32 $0x1000, s2  }
0x7: {  	s8 =	simm.s32 $0x8000;
	s13 =	simm.s32 $0x0;
	s3 =	sand.u32 $0xF80, s1  }
0x8: {  	s9 =	simm.s32 $0x0;
	s5 =	sshrl.u32 s1, $0xC;
	p0 =	sne.s32 s3, $0x0  }
.Ltmp0:
0x9: {  	s1 =	rddreg [dreg:$0x2];
	s4 =	simm.s32 @!p0 $0x0;
	(pc) =	sbr.rel .LBB1_1-.Ltmp0, $4  }
0xa: {  	s11 =	simm.s32 $0x0;
	s3 =	rddreg [dreg:$0x1];
	s5 =	sadd.s32 s4, s5  }
0xb: {  	_ =	strace $0x8000004A;
	s4 =	simm.s32 $0x1;
	s5 =	smul.u32 $0xC8, s5  }
0xc: {  	s6 =	sadd.s32 $0x1A00, s6;
	s10 =	smov.u32 s2;
	[sflag:s4] =	ssyncpa.u1 $0x0  }
0xd: {  	p0 =	por $0x0, $0x0;
	[sflag:s7] =	ssyncpa.u1 $0x0;
	s7 =	sor.u32 $0x1, s5  }
.LBB1_4:
0xe: {  	s16 =	sshll.u32 s13, $0x3;
	s17 =	sand.u32 $0x78, s13  }
0xf: {  	s30 =	sand.u32 $0x3E00, s13;
	s12 =	sshll.u32 s12, $0xE;
	s16 =	sand.u32 $0xC00, s16  }
0x10: {  	s31 =	sand.u32 $0x7, s13;
	s16 =	sor.u32 s17, s16;
	s17 =	sadd.s32 s3, s30  }
0x11: {  	s13 =	sshll.u32 s31, $0x12;
	s16 =	sshrl.u32 s16, $0x3;
	s12 =	sadd.s32 s12, s17  }
0x12: {  	[tilespmem:s15+$0x0 ss:$0x81] =	vst.msk $0xffff, v0;
	s13 =	sor.u32 $0x400, s13;
	s12 =	sadd.s32 s16, s12  }
0x13: {  	[hbm4b:s12+s13] =	stream.strided.scatter [tilespmem:s14], [sflag:$0x2], $0x1000, s8, s13, $0x20;
	[tilespmem:$0x4040] =	vst v63  }
.LBB1_5:
0x14: {  	s14 =	sadd.s32 $0x1, s9  }
0x15: {  	s12 =	sadd.s32 $0x1000, s10;
	s16 =	smov.u32 s10;
	p2 =	sgt.s32 s14, $0xC7  }
0x16: {  	s16 =	smov.u32 @p2 s12  }
0x17: {  	s14 =	simm.s32 @p2 $0x0;
	p2 =	sgt.s32 s16, $0xFFF  }
0x18: {  	s16 =	smov.u32 @p2 s2;
	p2 =	sne.s32 s11, s7  }
.Ltmp1:
0x19: {  	p1 =	slt.u32 s11, $0x2;
	(pc) =	sbr.rel @!p2 .LBB1_6-.Ltmp1, $4  }
0x1a: {  	s15 =	simm.s32 @!p1 $0x2  }
0x1b: {  	s13 =	smov.u32 s10;
	p0 =	por !p0, !p0;
	_ =	swait.ge @!p1 [sflag:s15], $0x1000  }
0x1c: {  	s12 =	smov.u32 s9;
	[sflag:s15] =	ssyncset.done @!p1 $0x0;
	s9 =	smov.u32 s14  }
0x1d: {  	s11 =	sadd.s32 $0x1, s11;
	[sflag:s15] =	ssyncadd.s32 @!p1 $0xFFFFF000;
	s10 =	smov.u32 s16  }
.LBB1_1:
0x1e: {  	p1 =	sge.u32 s11, s5  }
0x1f: {  	s14 =	sand.u32 @!p1 $0x1FFFFFF, s9  }
0x20: {  	s15 =	smulhi.u32 @!p1 $0x147AE15, s14;
	_ =	sdelay $0x1  }
0x21: {  	s15 =	smul.u32 @!p1 $0xC8, s15  }
0x22: {  	s16 =	sxor.u32 @!p1 $0xFFFFFFFF, s11;
	s17 =	smul.u32 @!p1 $0xC80, s10  }
0x23: {  	s31 =	sadd.s32 $0xFFFFFFFF, s11;
	s16 =	sshll.u32 @!p1 s16, $0xC;
	s14 =	ssub.s32 @!p1 s14, s15  }
0x24: {  	s15 =	sand.u32 @!p1 $0x1000, s16;
	s16 =	sadd.s32 @!p1 s6, s17;
	s14 =	sshll.u32 @!p1 s14, $0x4  }
0x25: {  	s17 =	simm.s32 @!p1 $0x6400;
	s14 =	sadd.s32 @!p1 s14, s16;
	s16 =	simm.s32 @!p1 $0x20  }
0x26: {  	[tilespmem:s15], [sflag:$0x1] =	stream.strided.gather @!p1 [hbm4b:s14+s16], $0x1000, s17, s16, $0x38;
	[tilespmem:$0x4040] =	vst v63  }
0x27: {  	p1 =	sge.u32 s31, s5  }
.Ltmp2:
0x28: {  	_ = 	snop;
	(pc) =	sbr.rel @p1 .LBB1_5-.Ltmp2, $1  }
0x29: {  	_ =	sdelay $0x3  }
0x2a: {  	s14 =	simm.s32 $0x1  }
0x2b: {  	_ =	swait.ge [sflag:s4], $0x1000;
	s14 =	simm.s32 @!p0 $0x0  }
0x2c: {  	[sflag:s4] =	ssyncset.done $0x0;
	s15 =	sshll.u32 s14, $0xC  }
0x2d: {  	[sflag:s4] =	ssyncadd.s32 $0xFFFFF000;
	s18 =	sor.u32 $0x10, s15  }
0x2e: {  	s14 =	smul.u32 $0x4080, s14;
	v1 =	vld [tilespmem:s18+$0x0]  }
0x2f: {  	s30 =	sand.u32 $0x1, s11;
	v0 =	vld [tilespmem:s18+$0xFFFFFFF0]  }
0x30: {  	s15 =	smul.u32 $0x4080, s30;
	s14 =	sshrl.u32 s14, $0x2  }
0x31: {  	s16 =	sor.u32 $0x2000, s14  }
0x32: {  	s31 =	sshrl.u32 s15, $0x2;
	s15 =	sadd.s32 $0x0, s16  }
0x33: {  	s17 =	simm.s32 $0x4;
	s18 =	sadd.s32 $0x20, s18;
	s14 =	sor.u32 $0x2000, s31;
	[tilespmem:s15+$0x810 ss:$0x81] =	vst.msk $0xffff, v1  }
.LBB1_3:
0x34: {  	v1 =	vld [tilespmem:s18+$0x0];
	p1 =	sne.s32 s17, $0x1FC;
	[tilespmem:s15+$0x0 ss:$0x81] =	vst.msk $0xffff, v0;
	s15 =	smov.u32 s17;
	s17 =	sadd.s32 $0x4, s17  }
.Ltmp3:
0x35: {  	v0 =	vld [tilespmem:s18+$0xFFFFFFF0];
	(pc) =	sbr.rel @p1 .LBB1_3-.Ltmp3, $4  }
0x36: {  	_ = 	snop  }
0x37: {  	s15 =	sshra.s32 s15, $0x2  }
0x38: {  	s15 =	sadd.s32 s15, s16  }
0x39: {  	s18 =	sadd.s32 $0x20, s18;
	[tilespmem:s15+$0x810 ss:$0x81] =	vst.msk $0xffff, v1  }
.Ltmp4:
0x3a: {  	_ = 	snop;
	(pc) =	sbr.rel .LBB1_4-.Ltmp4, $1  }
0x3b: {  	_ =	sdelay $0x3  }
.LBB1_6:
0x3c: {  	_ =	sfence.sel $0x180000  }
0x3d: {  	s2 =	simm.s32 $0x1;
	[bflag:$0x0] =	sbarrier.arrive $0xFFFF  }
0x3e: {  	s31 =	simm.s32 $0x2;
	[sflag:s2] =	ssyncpa.u1 $0x1  }
0x3f: {  	[sflag:s31] =	ssyncpa.u1 $0x1  }
0x40: {  	p0 =	sne.s32 s0, $0x0;
	_ =	strace $0x9000004A  }
0x41: {  	s0 =	sadd.s32 @!p0 $0x100000, s1;
	[bflag:$0x2] =	sbarrier.arrive $0xFFFF  }
0x42: {  	[sflag:s0] =	ssyncadd.tile.s32 @!p0 $0x1;
	_ =	shalt  }
.Lfunc_end1:
_tile_overlayer_lowered:
.L_overlay_start_2:
0x43: {  	(tag) =	ssettag $0x2  }
0x44: {  	s0 =	rddreg [dreg:$0x0];
	s2 =	stileid.u32  }
0x45: {  	s1 =	rddreg [dreg:$0x1];
	p0 =	sne.s32 s2, $0x0  }
0x46: {  	s3 =	rddreg [dreg:$0x2];
	[bflag:$0x3] =	sbarrier.arrive $0xFFFF;
	s2 =	simm.s32 @!p0 $0x1C01  }
0x47: {  	[timem:s3], [sflag:s2] =	dma.local @!p0 [hbm:s0], s1  }
0x48: {  	s0 =	simm.s32 @!p0 $0x1  }
0x49: {  	_ =	swait.ge @!p0 [sflag:s0], s1  }
0x4a: {  	s1 =	ssub.s32 @!p0 $0x0, s1;
	[sflag:s0] =	ssyncset.done @!p0 $0x0  }
0x4b: {  	[sflag:s0] =	ssyncadd.s32 @!p0 s1  }
0x4c: {  	[bflag:$0x3] =	sbarrier.arrive $0xFFFF  }
0x4d: {  	_ =	shalt  }

</sc_bundles>
